<compile_context>
chip_gen: v7x
topology: tpu7x:2x2x1
jax: 0.10.2.dev20260603
libtpu: 0.0.44.dev20260713+nightly
codegen_flags: <defaults>
</compile_context>

<pallas_src>
import jax
import jax.numpy as jnp
from jax import lax
from jax.experimental import pallas as pl
from jax.experimental.pallas import tpu as pltpu
from jax.experimental.pallas import tpu_sc as plsc

NN = 10000
NNP = 10240
NE = 320000
D = 128
NC = 2
NS = 16
EPT = NE // (NC * NS)
EC = 80
NCHUNK = EPT // EC
RPT = NNP // NS
CW = 128
VL = 16

_mesh = plsc.VectorSubcoreMesh(
    core_axis_name="c", subcore_axis_name="s", num_cores=NC, num_subcores=NS
)


def _zero_rows(buf, nrows, ncols):
    z = jnp.zeros((VL,), jnp.float32)
    nvec = ncols // VL

    def body(i, _):
        buf[i // nvec, pl.ds((i % nvec) * VL, VL)] = z
        return 0

    lax.fori_loop(0, nrows * nvec, body, 0)


def _zero_acc(acc, sub, zbuf):
    for k in range(RPT // 128):
        pltpu.sync_copy(zbuf, acc.at[pl.ds(sub * RPT + k * 128, 128)])


def _copy_acc_out(acc, out, core, sub, zbuf):
    for k in range(RPT // 128):
        r0 = sub * RPT + k * 128
        pltpu.sync_copy(acc.at[pl.ds(r0, 128)], zbuf)
        pltpu.sync_copy(zbuf, out.at[pl.ds(core * NNP + r0, 128)])


def _sc_count(dstf, cnts, ones, idxr, zcnt, cac):
    core = lax.axis_index("c")
    sub = lax.axis_index("s")
    tile_off = (core * NS + sub) * EPT

    _zero_rows(zcnt, 128, CW)
    for k in range(RPT // 128):
        pltpu.sync_copy(zcnt, cac.at[pl.ds(sub * RPT + k * 128, 128)])
    one = jnp.ones((VL,), jnp.float32)

    nv = CW // VL

    def ones_body(i, _):
        ones[i // nv, pl.ds((i % nv) * VL, VL)] = one
        return 0

    lax.fori_loop(0, EC * nv, ones_body, 0)
    plsc.subcore_barrier()

    def chunk(c, _):
        base = tile_off + c * EC
        pltpu.sync_copy(dstf.at[pl.ds(base, EC)], idxr)
        pltpu.sync_copy(ones, cac.at[idxr], add=True)
        return 0

    lax.fori_loop(0, NCHUNK, chunk, 0)
    plsc.subcore_barrier()
    for k in range(RPT // 128):
        r0 = sub * RPT + k * 128
        pltpu.sync_copy(cac.at[pl.ds(r0, 128)], zcnt)
        pltpu.sync_copy(zcnt, cnts.at[pl.ds(core * NNP + r0, 128)])


def _sc_init(ef, dstf, sums, rows, idxr, zbuf, acc, sem):
    core = lax.axis_index("c")
    sub = lax.axis_index("s")
    tile_off = (core * NS + sub) * EPT

    _zero_rows(zbuf, 128, D)
    _zero_acc(acc, sub, zbuf)
    plsc.subcore_barrier()

    def chunk(c, _):
        base = tile_off + c * EC
        pltpu.sync_copy(dstf.at[pl.ds(base, EC)], idxr)
        pltpu.async_copy(ef.at[pl.ds(base, EC)], rows, sem).wait()
        pltpu.sync_copy(rows, acc.at[idxr], add=True)
        return 0

    lax.fori_loop(0, NCHUNK, chunk, 0)
    plsc.subcore_barrier()
    _copy_acc_out(acc, sums, core, sub, zbuf)


def _sc_conv(A, B, dstf, srcf, sums, a_v, b_v, idxr, idxs, zbuf, acc,
             sem, sem2):
    core = lax.axis_index("c")
    sub = lax.axis_index("s")
    tile_off = (core * NS + sub) * EPT

    _zero_rows(zbuf, 128, D)
    _zero_acc(acc, sub, zbuf)
    plsc.subcore_barrier()

    def chunk(c, _):
        base = tile_off + c * EC
        pltpu.sync_copy(dstf.at[pl.ds(base, EC)], idxr)
        pltpu.sync_copy(srcf.at[pl.ds(base, EC)], idxs)
        g1 = pltpu.async_copy(A.at[idxr], a_v, sem)
        g2 = pltpu.async_copy(B.at[idxs], b_v, sem2)
        g1.wait()
        g2.wait()

        def edge(r, _):
            for j in range(D // VL):
                ds = pl.ds(j * VL, VL)
                z = a_v[r, ds] + b_v[r, ds]
                a_v[r, ds] = jnp.maximum(z, z * jnp.float32(0.01))
            return 0

        lax.fori_loop(0, EC, edge, 0)
        pltpu.sync_copy(a_v, acc.at[idxr], add=True)
        return 0

    lax.fori_loop(0, NCHUNK, chunk, 0)
    plsc.subcore_barrier()
    _copy_acc_out(acc, sums, core, sub, zbuf)


def _sc_final(S, Dd, dstf, srcf, eout, sq,
              s1, s2, d1, d2, idxr, idxs, sqb,
              sem, sem2, sem3, sem4):
    core = lax.axis_index("c")
    sub = lax.axis_index("s")
    tile_off = (core * NS + sub) * EPT

    def chunk(c, acc):
        base = tile_off + c * EC
        pltpu.sync_copy(dstf.at[pl.ds(base, EC)], idxr)
        pltpu.sync_copy(srcf.at[pl.ds(base, EC)], idxs)
        g1 = pltpu.async_copy(S.at[idxs], s1, sem)
        g2 = pltpu.async_copy(S.at[idxr], s2, sem2)
        g3 = pltpu.async_copy(Dd.at[idxs], d1, sem3)
        g4 = pltpu.async_copy(Dd.at[idxr], d2, sem4)
        g1.wait()
        g2.wait()
        g3.wait()
        g4.wait()

        def edge(r, a):
            for j in range(D // VL):
                ds = pl.ds(j * VL, VL)
                s1[r, ds] = s1[r, ds] + s2[r, ds]
                dv = d1[r, ds] - d2[r, ds]
                a = a + dv * dv
            return a

        acc = lax.fori_loop(0, EC, edge, acc)
        pltpu.sync_copy(s1, eout.at[pl.ds(base, EC)])
        return acc

    acc = lax.fori_loop(0, NCHUNK, chunk, jnp.zeros((VL,), jnp.float32))
    sqb[...] = acc
    wid = core * NS + sub
    pltpu.sync_copy(sqb, sq.at[pl.ds(wid * VL, VL)])


_count_kernel = pl.kernel(
    _sc_count,
    out_type=jax.ShapeDtypeStruct((NC * NNP, CW), jnp.float32),
    mesh=_mesh,
    scratch_types=[
        pltpu.VMEM((EC, CW), jnp.float32),
        pltpu.VMEM((EC,), jnp.int32),
        pltpu.VMEM((128, CW), jnp.float32),
        pltpu.VMEM_SHARED((NNP, CW), jnp.float32),
    ],
)

_init_kernel = pl.kernel(
    _sc_init,
    out_type=jax.ShapeDtypeStruct((NC * NNP, D), jnp.float32),
    mesh=_mesh,
    scratch_types=[
        pltpu.VMEM((EC, D), jnp.float32),
        pltpu.VMEM((EC,), jnp.int32),
        pltpu.VMEM((128, D), jnp.float32),
        pltpu.VMEM_SHARED((NNP, D), jnp.float32),
        pltpu.SemaphoreType.DMA,
    ],
)

_conv_kernel = pl.kernel(
    _sc_conv,
    out_type=jax.ShapeDtypeStruct((NC * NNP, D), jnp.float32),
    mesh=_mesh,
    scratch_types=[
        pltpu.VMEM((EC, D), jnp.float32),
        pltpu.VMEM((EC, D), jnp.float32),
        pltpu.VMEM((EC,), jnp.int32),
        pltpu.VMEM((EC,), jnp.int32),
        pltpu.VMEM((128, D), jnp.float32),
        pltpu.VMEM_SHARED((NNP, D), jnp.float32),
        pltpu.SemaphoreType.DMA,
        pltpu.SemaphoreType.DMA,
    ],
)

_final_kernel = pl.kernel(
    _sc_final,
    out_type=(
        jax.ShapeDtypeStruct((NE, D), jnp.float32),
        jax.ShapeDtypeStruct((NC * NS * VL,), jnp.float32),
    ),
    mesh=_mesh,
    scratch_types=[
        pltpu.VMEM((EC, D), jnp.float32),
        pltpu.VMEM((EC, D), jnp.float32),
        pltpu.VMEM((EC, D), jnp.float32),
        pltpu.VMEM((EC, D), jnp.float32),
        pltpu.VMEM((EC,), jnp.int32),
        pltpu.VMEM((EC,), jnp.int32),
        pltpu.VMEM((VL,), jnp.float32),
        pltpu.SemaphoreType.DMA,
        pltpu.SemaphoreType.DMA,
        pltpu.SemaphoreType.DMA,
        pltpu.SemaphoreType.DMA,
    ],
)


_BR = 1024
_GRID = NNP // _BR


def _tc_update_body(xp, sa, sb, ca, cb, wl, wr, bl, xn, p1, p2):
    c = ca[:, 0:1] + cb[:, 0:1]
    iv = 1.0 / jnp.maximum(c, 1.0)
    x = xp[...] + (sa[...] + sb[...]) * iv
    xn[...] = x
    p1[...] = jnp.dot(x, wl[...], preferred_element_type=jnp.float32) + bl[...]
    p2[...] = jnp.dot(x, wr[...], preferred_element_type=jnp.float32)


def _row_spec(w):
    return pl.BlockSpec((_BR, w), lambda i: (i, 0))


def _plane1_spec(w):
    return pl.BlockSpec((_BR, w), lambda i: (i + _GRID, 0))


def _full_spec(h, w):
    return pl.BlockSpec((h, w), lambda i: (0, 0))


_tc_update = pl.pallas_call(
    _tc_update_body,
    grid=(_GRID,),
    in_specs=[
        _row_spec(D), _row_spec(D), _plane1_spec(D),
        _row_spec(CW), _plane1_spec(CW),
        _full_spec(D, D), _full_spec(D, D), _full_spec(1, D),
    ],
    out_specs=[_row_spec(D), _row_spec(D), _row_spec(D)],
    out_shape=[
        jax.ShapeDtypeStruct((NNP, D), jnp.float32),
        jax.ShapeDtypeStruct((NNP, D), jnp.float32),
        jax.ShapeDtypeStruct((NNP, D), jnp.float32),
    ],
)


def kernel(edge_features, edge_index, W0, b0, W1, b1, W2, b2, We, be):
    src = edge_index[0]
    dst = edge_index[1]

    cnts = _count_kernel(dst)
    sums = _init_kernel(edge_features, dst)

    x = jnp.zeros((NNP, D), jnp.float32)
    for W, b in ((W0, b0), (W1, b1), (W2, b2)):
        x, a_t, b_t = _tc_update(x, sums, sums, cnts, cnts, W[:D], W[D:],
                                 b.reshape(1, D))
        sums = _conv_kernel(a_t, b_t, dst, src)

    w_sum = 0.5 * (We[:D] + We[D:])
    w_diff = We[:D] - We[D:]
    _, s_t, d_t = _tc_update(x, sums, sums, cnts, cnts, w_sum, w_diff,
                             (0.5 * be).reshape(1, D))
    edge_out, sq = _final_kernel(s_t, d_t, dst, src)
    side_loss = jnp.sum(sq) / jnp.float32(NE * D)
    return edge_out, side_loss

# --- scband reference (transcript-rebuilt; emitter-appended) ---
"""Pipeline reference for scband-global-edge-gnn-13477607374970 (READ-ONLY COPY).

The authoritative reference and input builder live on the scoring server;
editing this copy changes nothing except your own understanding.
"""

import jax, jax.numpy as jnp
import numpy as np

N_NODES = 10000
N_EDGES = 320000
D_IN = 128
D_OUT = 128
N_CONV = 3


def _scatter_mean(vals, idx, n):
    s = jax.ops.segment_sum(vals, idx, num_segments=n)
    c = jax.ops.segment_sum(jnp.ones((vals.shape[0], 1), vals.dtype), idx, num_segments=n)
    return s / jnp.maximum(c, 1.0)


def setup_inputs(seed: int = 0) -> dict:
    key = jax.random.key(seed)
    ks = jax.random.split(key, 12)
    edge_features = jax.random.normal(ks[0], (N_EDGES, D_IN), dtype=jnp.float32)
    edge_index = jax.random.randint(ks[1], (2, N_EDGES), 0, N_NODES, dtype=jnp.int32)
    inp = {"edge_features": edge_features, "edge_index": edge_index}
    # NodeConv params: n_hidden_layer=0 -> single Linear(2*d_in, d_in) per conv
    for i in range(N_CONV):
        sc = 1.0 / np.sqrt(2 * D_IN)
        inp[f"W{i}"] = jax.random.uniform(ks[2 + 2 * i], (2 * D_IN, D_IN), jnp.float32, -sc, sc)
        inp[f"b{i}"] = jax.random.uniform(ks[3 + 2 * i], (D_IN,), jnp.float32, -sc, sc)
    # EdgeConv params: Linear(2*d_in, d_out), use_init_edge_feats=False
    sce = 1.0 / np.sqrt(2 * D_IN)
    inp["We"] = jax.random.uniform(ks[10], (2 * D_IN, D_OUT), jnp.float32, -sce, sce)
    inp["be"] = jax.random.uniform(ks[11], (D_OUT,), jnp.float32, -sce, sce)
    return inp


def reference(edge_features, edge_index, W0, b0, W1, b1, W2, b2, We, be):
    src = edge_index[0]
    dst = edge_index[1]
    # EdgeConvNoNodes: init node features = mean of incoming edge features
    x = _scatter_mean(edge_features, dst, N_NODES)
    # NodeConv residual stack: message = LeakyReLU(Linear([x_dst, x_src])), mean-aggregated at dst
    for W, b in ((W0, b0), (W1, b1), (W2, b2)):
        m = jnp.concatenate([x[dst], x[src]], axis=1)
        m = jax.nn.leaky_relu(m @ W + b, negative_slope=0.01)
        x = x + _scatter_mean(m, dst, N_NODES)
    # EdgeConv: symmetric per-edge features from both directions + symmetry side loss
    e1 = jnp.concatenate([x[src], x[dst]], axis=1) @ We + be
    e2 = jnp.concatenate([x[dst], x[src]], axis=1) @ We + be
    edge_out = 0.5 * (e1 + e2)
    side_loss = jnp.mean((e1 - e2) ** 2)
    return edge_out, side_loss

if __name__ == "__main__":
    import jax
    _d = setup_inputs()
    print(jax.jit(kernel)(*tuple(_d.values())))

</pallas_src>

<mosaic_0001>
#map = affine_map<(d0, d1) -> (0, 0)>
#map1 = affine_map<(d0, d1) -> (0)>
module attributes {stable_mosaic.version = 14 : i64} {
  func.func @_sc_conv(%arg0: i32, %arg1: i32, %arg2: memref<10240x128xf32, #tpu.memory_space<hbm>>, %arg3: memref<10240x128xf32, #tpu.memory_space<hbm>>, %arg4: memref<320000xi32, #tpu.memory_space<hbm>>, %arg5: memref<320000xi32, #tpu.memory_space<hbm>>, %arg6: memref<20480x128xf32, #tpu.memory_space<hbm>>, %arg7: memref<80x128xf32, #tpu.memory_space<vmem>>, %arg8: memref<80x128xf32, #tpu.memory_space<vmem>>, %arg9: memref<80xi32, #tpu.memory_space<vmem>>, %arg10: memref<80xi32, #tpu.memory_space<vmem>>, %arg11: memref<128x128xf32, #tpu.memory_space<vmem>>, %arg12: memref<10240x128xf32, #tpu.memory_space<vmem_shared>>, %arg13: memref<!tpu.dma_semaphore, #tpu.memory_space<semaphore_mem>>, %arg14: memref<!tpu.dma_semaphore, #tpu.memory_space<semaphore_mem>>) attributes {dimension_semantics = [#tpu.dimension_semantics<core_parallel>, #tpu.dimension_semantics<subcore_parallel>], iteration_bounds = array<i64: 2, 16>, scalar_prefetch = 0 : i64, scratch_operands = 8 : i64, tpu.core_type = #tpu.core_type<sc_vector_subcore>, window_params = [{transform_indices = #map}, {transform_indices = #map}, {transform_indices = #map1}, {transform_indices = #map1}, {transform_indices = #map}]} {
    %mul3A = arith.constant 16 : i32
    %mul3A_0 = arith.muli %arg0, %mul3A : i32
    %add3A = arith.addi %mul3A_0, %arg1 : i32
    %mul3A_1 = arith.constant 10000 : i32
    %mul3A_2 = arith.muli %add3A, %mul3A_1 : i32
    %broadcast_in_dim3A = arith.constant 0.000000e+00 : f32
    %broadcast_in_dim3A_3 = vector.broadcast %broadcast_in_dim3A : f32 to vector<16xf32>
    %scan3A = arith.constant 0 : i32
    %scan3A_4 = arith.constant 0 : i32
    %scan3A_5 = arith.constant 1024 : i32
    %scan3A_6 = arith.addi %scan3A_4, %scan3A_5 : i32
    %scan3A_7 = arith.constant 1 : i32
    %scan3A_8 = scf.for %scan3A_73 = %scan3A_4 to %scan3A_6 step %scan3A_7 iter_args(%scan3A_74 = %scan3A) -> (i32)  : i32 {
      %jit3A = arith.constant 8 : i32
      %div3A = arith.divsi %scan3A_73, %jit3A : i32
      %sign3A = arith.constant 0 : i32
      %sign3A_75 = arith.cmpi sgt, %scan3A_73, %sign3A : i32
      %sign3A_76 = arith.extui %sign3A_75 : i1 to i32
      %sign3A_77 = arith.constant 0 : i32
      %sign3A_78 = arith.cmpi slt, %scan3A_73, %sign3A_77 : i32
      %sign3A_79 = arith.extui %sign3A_78 : i1 to i32
      %sign3A_80 = arith.subi %sign3A_76, %sign3A_79 : i32
      %sign3A_81 = arith.constant 0 : i32
      %sign3A_82 = arith.cmpi sgt, %jit3A, %sign3A_81 : i32
      %sign3A_83 = arith.extui %sign3A_82 : i1 to i32
      %sign3A_84 = arith.constant 0 : i32
      %sign3A_85 = arith.cmpi slt, %jit3A, %sign3A_84 : i32
      %sign3A_86 = arith.extui %sign3A_85 : i1 to i32
      %sign3A_87 = arith.subi %sign3A_83, %sign3A_86 : i32
      %ne3A = arith.cmpi ne, %sign3A_80, %sign3A_87 : i32
      %rem3A = arith.remsi %scan3A_73, %jit3A : i32
      %ne3A_88 = arith.constant 0 : i32
      %ne3A_89 = arith.cmpi ne, %rem3A, %ne3A_88 : i32
      %and3A = arith.andi %ne3A, %ne3A_89 : i1
      %sub3A = arith.constant 1 : i32
      %sub3A_90 = arith.subi %div3A, %sub3A : i32
      %select_n3A = arith.select %and3A, %sub3A_90, %div3A : i32
      %jit3A_91 = arith.constant 8 : i32
      %eq3A = arith.constant 0 : i32
      %eq3A_92 = arith.cmpi eq, %jit3A_91, %eq3A : i32
      %jit3A_93 = arith.constant 1 : i32
      %select_n3A_94 = arith.select %eq3A_92, %jit3A_93, %jit3A_91 : i32
      %rem3A_95 = arith.remsi %scan3A_73, %select_n3A_94 : i32
      %ne3A_96 = arith.constant 0 : i32
      %ne3A_97 = arith.cmpi ne, %rem3A_95, %ne3A_96 : i32
      %lt3A = arith.constant 0 : i32
      %lt3A_98 = arith.cmpi slt, %rem3A_95, %lt3A : i32
      %lt3A_99 = arith.constant 0 : i32
      %lt3A_100 = arith.cmpi slt, %select_n3A_94, %lt3A_99 : i32
      %ne3A_101 = arith.xori %lt3A_98, %lt3A_100 : i1
      %and3A_102 = arith.andi %ne3A_101, %ne3A_97 : i1
      %add3A_103 = arith.addi %rem3A_95, %select_n3A_94 : i32
      %select_n3A_104 = arith.select %and3A_102, %add3A_103, %rem3A_95 : i32
      %mul3A_105 = arith.constant 16 : i32
      %mul3A_106 = arith.muli %select_n3A_104, %mul3A_105 : i32
      %swap3A = arith.index_cast %select_n3A : i32 to index
      %swap3A_107 = arith.index_cast %mul3A_106 : i32 to index
      %swap3A_108 = tpu.vector_load %arg11[%swap3A, %swap3A_107] {strides = array<i32>} : memref<128x128xf32, #tpu.memory_space<vmem>>, vector<1x16xf32>,
      %swap3A_109 = vector.shape_cast %swap3A_108 : vector<1x16xf32> to vector<16xf32>
      %swap3A_110 = vector.shape_cast %broadcast_in_dim3A_3 : vector<16xf32> to vector<1x16xf32>
      tpu.vector_store %arg11[%swap3A, %swap3A_107], %swap3A_110 {strides = array<i32>} : memref<128x128xf32, #tpu.memory_space<vmem>>, vector<1x16xf32>,
      %scan3A_111 = arith.constant 0 : i32
      scf.yield %scan3A_111 : i32
    }
    %scan3A_9 = arith.constant 1024 : i32
    %mul3A_10 = arith.constant 640 : i32
    %mul3A_11 = arith.muli %arg1, %mul3A_10 : i32
    %add3A_12 = arith.constant 0 : i32
    %add3A_13 = arith.addi %mul3A_11, %add3A_12 : i32
    "tpu.region"() ({
      %run_scoped3A = tpu.sem_alloc : memref<!tpu.dma_semaphore, #tpu.memory_space<semaphore_mem>>
      %dma_start3A = arith.constant 0 : i32
      %dma_start3A_73 = tpu.memref_slice %arg12[%add3A_13, %dma_start3A] : memref<10240x128xf32, #tpu.memory_space<vmem_shared>> -> memref<128x128xf32, #tpu.memory_space<vmem_shared>>
      %dma_start3A_74 = arith.constant 0 : i32
      %dma_start3A_75 = tpu.memref_slice %arg12[%add3A_13, %dma_start3A_74] : memref<10240x128xf32, #tpu.memory_space<vmem_shared>> -> memref<128x128xf32, #tpu.memory_space<vmem_shared>>
      tpu.enqueue_dma source(%arg11 : memref<128x128xf32, #tpu.memory_space<vmem>>) target(%dma_start3A_75 : memref<128x128xf32, #tpu.memory_space<vmem_shared>>) target_semaphore(%run_scoped3A : memref<!tpu.dma_semaphore, #tpu.memory_space<semaphore_mem>>)
      %dma_wait3A = arith.constant 0 : i32
      %dma_wait3A_76 = tpu.memref_slice %arg12[%add3A_13, %dma_wait3A] : memref<10240x128xf32, #tpu.memory_space<vmem_shared>> -> memref<128x128xf32, #tpu.memory_space<vmem_shared>>
      %dma_wait3A_77 = arith.constant 0 : i32
      %dma_wait3A_78 = tpu.memref_slice %arg12[%add3A_13, %dma_wait3A_77] : memref<10240x128xf32, #tpu.memory_space<vmem_shared>> -> memref<128x128xf32, #tpu.memory_space<vmem_shared>>
      tpu.wait_dma2 semaphore(%run_scoped3A : memref<!tpu.dma_semaphore, #tpu.memory_space<semaphore_mem>>) src(%arg11 : memref<128x128xf32, #tpu.memory_space<vmem>>) dst(%dma_wait3A_78 : memref<128x128xf32, #tpu.memory_space<vmem_shared>>)
      tpu.yield
    }) : () -> ()
    %mul3A_14 = arith.constant 640 : i32
    %mul3A_15 = arith.muli %arg1, %mul3A_14 : i32
    %add3A_16 = arith.constant 128 : i32
    %add3A_17 = arith.addi %mul3A_15, %add3A_16 : i32
    "tpu.region"() ({
      %run_scoped3A = tpu.sem_alloc : memref<!tpu.dma_semaphore, #tpu.memory_space<semaphore_mem>>
      %dma_start3A = arith.constant 0 : i32
      %dma_start3A_73 = tpu.memref_slice %arg12[%add3A_17, %dma_start3A] : memref<10240x128xf32, #tpu.memory_space<vmem_shared>> -> memref<128x128xf32, #tpu.memory_space<vmem_shared>>
      %dma_start3A_74 = arith.constant 0 : i32
      %dma_start3A_75 = tpu.memref_slice %arg12[%add3A_17, %dma_start3A_74] : memref<10240x128xf32, #tpu.memory_space<vmem_shared>> -> memref<128x128xf32, #tpu.memory_space<vmem_shared>>
      tpu.enqueue_dma source(%arg11 : memref<128x128xf32, #tpu.memory_space<vmem>>) target(%dma_start3A_75 : memref<128x128xf32, #tpu.memory_space<vmem_shared>>) target_semaphore(%run_scoped3A : memref<!tpu.dma_semaphore, #tpu.memory_space<semaphore_mem>>)
      %dma_wait3A = arith.constant 0 : i32
      %dma_wait3A_76 = tpu.memref_slice %arg12[%add3A_17, %dma_wait3A] : memref<10240x128xf32, #tpu.memory_space<vmem_shared>> -> memref<128x128xf32, #tpu.memory_space<vmem_shared>>
      %dma_wait3A_77 = arith.constant 0 : i32
      %dma_wait3A_78 = tpu.memref_slice %arg12[%add3A_17, %dma_wait3A_77] : memref<10240x128xf32, #tpu.memory_space<vmem_shared>> -> memref<128x128xf32, #tpu.memory_space<vmem_shared>>
      tpu.wait_dma2 semaphore(%run_scoped3A : memref<!tpu.dma_semaphore, #tpu.memory_space<semaphore_mem>>) src(%arg11 : memref<128x128xf32, #tpu.memory_space<vmem>>) dst(%dma_wait3A_78 : memref<128x128xf32, #tpu.memory_space<vmem_shared>>)
      tpu.yield
    }) : () -> ()
    %mul3A_18 = arith.constant 640 : i32
    %mul3A_19 = arith.muli %arg1, %mul3A_18 : i32
    %add3A_20 = arith.constant 256 : i32
    %add3A_21 = arith.addi %mul3A_19, %add3A_20 : i32
    "tpu.region"() ({
      %run_scoped3A = tpu.sem_alloc : memref<!tpu.dma_semaphore, #tpu.memory_space<semaphore_mem>>
      %dma_start3A = arith.constant 0 : i32
      %dma_start3A_73 = tpu.memref_slice %arg12[%add3A_21, %dma_start3A] : memref<10240x128xf32, #tpu.memory_space<vmem_shared>> -> memref<128x128xf32, #tpu.memory_space<vmem_shared>>
      %dma_start3A_74 = arith.constant 0 : i32
      %dma_start3A_75 = tpu.memref_slice %arg12[%add3A_21, %dma_start3A_74] : memref<10240x128xf32, #tpu.memory_space<vmem_shared>> -> memref<128x128xf32, #tpu.memory_space<vmem_shared>>
      tpu.enqueue_dma source(%arg11 : memref<128x128xf32, #tpu.memory_space<vmem>>) target(%dma_start3A_75 : memref<128x128xf32, #tpu.memory_space<vmem_shared>>) target_semaphore(%run_scoped3A : memref<!tpu.dma_semaphore, #tpu.memory_space<semaphore_mem>>)
      %dma_wait3A = arith.constant 0 : i32
      %dma_wait3A_76 = tpu.memref_slice %arg12[%add3A_21, %dma_wait3A] : memref<10240x128xf32, #tpu.memory_space<vmem_shared>> -> memref<128x128xf32, #tpu.memory_space<vmem_shared>>
      %dma_wait3A_77 = arith.constant 0 : i32
      %dma_wait3A_78 = tpu.memref_slice %arg12[%add3A_21, %dma_wait3A_77] : memref<10240x128xf32, #tpu.memory_space<vmem_shared>> -> memref<128x128xf32, #tpu.memory_space<vmem_shared>>
      tpu.wait_dma2 semaphore(%run_scoped3A : memref<!tpu.dma_semaphore, #tpu.memory_space<semaphore_mem>>) src(%arg11 : memref<128x128xf32, #tpu.memory_space<vmem>>) dst(%dma_wait3A_78 : memref<128x128xf32, #tpu.memory_space<vmem_shared>>)
      tpu.yield
    }) : () -> ()
    %mul3A_22 = arith.constant 640 : i32
    %mul3A_23 = arith.muli %arg1, %mul3A_22 : i32
    %add3A_24 = arith.constant 384 : i32
    %add3A_25 = arith.addi %mul3A_23, %add3A_24 : i32
    "tpu.region"() ({
      %run_scoped3A = tpu.sem_alloc : memref<!tpu.dma_semaphore, #tpu.memory_space<semaphore_mem>>
      %dma_start3A = arith.constant 0 : i32
      %dma_start3A_73 = tpu.memref_slice %arg12[%add3A_25, %dma_start3A] : memref<10240x128xf32, #tpu.memory_space<vmem_shared>> -> memref<128x128xf32, #tpu.memory_space<vmem_shared>>
      %dma_start3A_74 = arith.constant 0 : i32
      %dma_start3A_75 = tpu.memref_slice %arg12[%add3A_25, %dma_start3A_74] : memref<10240x128xf32, #tpu.memory_space<vmem_shared>> -> memref<128x128xf32, #tpu.memory_space<vmem_shared>>
      tpu.enqueue_dma source(%arg11 : memref<128x128xf32, #tpu.memory_space<vmem>>) target(%dma_start3A_75 : memref<128x128xf32, #tpu.memory_space<vmem_shared>>) target_semaphore(%run_scoped3A : memref<!tpu.dma_semaphore, #tpu.memory_space<semaphore_mem>>)
      %dma_wait3A = arith.constant 0 : i32
      %dma_wait3A_76 = tpu.memref_slice %arg12[%add3A_25, %dma_wait3A] : memref<10240x128xf32, #tpu.memory_space<vmem_shared>> -> memref<128x128xf32, #tpu.memory_space<vmem_shared>>
      %dma_wait3A_77 = arith.constant 0 : i32
      %dma_wait3A_78 = tpu.memref_slice %arg12[%add3A_25, %dma_wait3A_77] : memref<10240x128xf32, #tpu.memory_space<vmem_shared>> -> memref<128x128xf32, #tpu.memory_space<vmem_shared>>
      tpu.wait_dma2 semaphore(%run_scoped3A : memref<!tpu.dma_semaphore, #tpu.memory_space<semaphore_mem>>) src(%arg11 : memref<128x128xf32, #tpu.memory_space<vmem>>) dst(%dma_wait3A_78 : memref<128x128xf32, #tpu.memory_space<vmem_shared>>)
      tpu.yield
    }) : () -> ()
    %mul3A_26 = arith.constant 640 : i32
    %mul3A_27 = arith.muli %arg1, %mul3A_26 : i32
    %add3A_28 = arith.constant 512 : i32
    %add3A_29 = arith.addi %mul3A_27, %add3A_28 : i32
    "tpu.region"() ({
      %run_scoped3A = tpu.sem_alloc : memref<!tpu.dma_semaphore, #tpu.memory_space<semaphore_mem>>
      %dma_start3A = arith.constant 0 : i32
      %dma_start3A_73 = tpu.memref_slice %arg12[%add3A_29, %dma_start3A] : memref<10240x128xf32, #tpu.memory_space<vmem_shared>> -> memref<128x128xf32, #tpu.memory_space<vmem_shared>>
      %dma_start3A_74 = arith.constant 0 : i32
      %dma_start3A_75 = tpu.memref_slice %arg12[%add3A_29, %dma_start3A_74] : memref<10240x128xf32, #tpu.memory_space<vmem_shared>> -> memref<128x128xf32, #tpu.memory_space<vmem_shared>>
      tpu.enqueue_dma source(%arg11 : memref<128x128xf32, #tpu.memory_space<vmem>>) target(%dma_start3A_75 : memref<128x128xf32, #tpu.memory_space<vmem_shared>>) target_semaphore(%run_scoped3A : memref<!tpu.dma_semaphore, #tpu.memory_space<semaphore_mem>>)
      %dma_wait3A = arith.constant 0 : i32
      %dma_wait3A_76 = tpu.memref_slice %arg12[%add3A_29, %dma_wait3A] : memref<10240x128xf32, #tpu.memory_space<vmem_shared>> -> memref<128x128xf32, #tpu.memory_space<vmem_shared>>
      %dma_wait3A_77 = arith.constant 0 : i32
      %dma_wait3A_78 = tpu.memref_slice %arg12[%add3A_29, %dma_wait3A_77] : memref<10240x128xf32, #tpu.memory_space<vmem_shared>> -> memref<128x128xf32, #tpu.memory_space<vmem_shared>>
      tpu.wait_dma2 semaphore(%run_scoped3A : memref<!tpu.dma_semaphore, #tpu.memory_space<semaphore_mem>>) src(%arg11 : memref<128x128xf32, #tpu.memory_space<vmem>>) dst(%dma_wait3A_78 : memref<128x128xf32, #tpu.memory_space<vmem_shared>>)
      tpu.yield
    }) : () -> ()
    %barrier3A = arith.constant 0 : index
    tpu.barrier barrier_id(%barrier3A)
    %scan3A_30 = arith.constant 0 : i32
    %scan3A_31 = arith.constant 0 : i32
    %scan3A_32 = arith.constant 125 : i32
    %scan3A_33 = arith.addi %scan3A_31, %scan3A_32 : i32
    %scan3A_34 = arith.constant 1 : i32
    %scan3A_35 = scf.for %scan3A_73 = %scan3A_31 to %scan3A_33 step %scan3A_34 iter_args(%scan3A_74 = %scan3A_30) -> (i32)  : i32 {
      %mul3A_75 = arith.constant 80 : i32
      %mul3A_76 = arith.muli %scan3A_73, %mul3A_75 : i32
      %add3A_77 = arith.addi %mul3A_2, %mul3A_76 : i32
      "tpu.region"() ({
        %run_scoped3A = tpu.sem_alloc : memref<!tpu.dma_semaphore, #tpu.memory_space<semaphore_mem>>
        %dma_start3A_96 = tpu.memref_slice %arg4[%add3A_77] : memref<320000xi32, #tpu.memory_space<hbm>> -> memref<80xi32, #tpu.memory_space<hbm>>
        %dma_start3A_97 = tpu.memref_slice %arg4[%add3A_77] : memref<320000xi32, #tpu.memory_space<hbm>> -> memref<80xi32, #tpu.memory_space<hbm>>
        tpu.enqueue_dma source(%dma_start3A_97 : memref<80xi32, #tpu.memory_space<hbm>>) target(%arg9 : memref<80xi32, #tpu.memory_space<vmem>>) target_semaphore(%run_scoped3A : memref<!tpu.dma_semaphore, #tpu.memory_space<semaphore_mem>>)
        %dma_wait3A_98 = tpu.memref_slice %arg4[%add3A_77] : memref<320000xi32, #tpu.memory_space<hbm>> -> memref<80xi32, #tpu.memory_space<hbm>>
        %dma_wait3A_99 = tpu.memref_slice %arg4[%add3A_77] : memref<320000xi32, #tpu.memory_space<hbm>> -> memref<80xi32, #tpu.memory_space<hbm>>
        tpu.wait_dma2 semaphore(%run_scoped3A : memref<!tpu.dma_semaphore, #tpu.memory_space<semaphore_mem>>) src(%dma_wait3A_99 : memref<80xi32, #tpu.memory_space<hbm>>) dst(%arg9 : memref<80xi32, #tpu.memory_space<vmem>>)
        tpu.yield
      }) : () -> ()
      "tpu.region"() ({
        %run_scoped3A = tpu.sem_alloc : memref<!tpu.dma_semaphore, #tpu.memory_space<semaphore_mem>>
        %dma_start3A_96 = tpu.memref_slice %arg5[%add3A_77] : memref<320000xi32, #tpu.memory_space<hbm>> -> memref<80xi32, #tpu.memory_space<hbm>>
        %dma_start3A_97 = tpu.memref_slice %arg5[%add3A_77] : memref<320000xi32, #tpu.memory_space<hbm>> -> memref<80xi32, #tpu.memory_space<hbm>>
        tpu.enqueue_dma source(%dma_start3A_97 : memref<80xi32, #tpu.memory_space<hbm>>) target(%arg10 : memref<80xi32, #tpu.memory_space<vmem>>) target_semaphore(%run_scoped3A : memref<!tpu.dma_semaphore, #tpu.memory_space<semaphore_mem>>)
        %dma_wait3A_98 = tpu.memref_slice %arg5[%add3A_77] : memref<320000xi32, #tpu.memory_space<hbm>> -> memref<80xi32, #tpu.memory_space<hbm>>
        %dma_wait3A_99 = tpu.memref_slice %arg5[%add3A_77] : memref<320000xi32, #tpu.memory_space<hbm>> -> memref<80xi32, #tpu.memory_space<hbm>>
        tpu.wait_dma2 semaphore(%run_scoped3A : memref<!tpu.dma_semaphore, #tpu.memory_space<semaphore_mem>>) src(%dma_wait3A_99 : memref<80xi32, #tpu.memory_space<hbm>>) dst(%arg10 : memref<80xi32, #tpu.memory_space<vmem>>)
        tpu.yield
      }) : () -> ()
      %dma_start3A = arith.constant 0 : i32
      %dma_start3A_78 = arith.constant 0 : i32
      %dma_start3A_79 = tpu.memref_slice %arg2[%dma_start3A, %dma_start3A_78] : memref<10240x128xf32, #tpu.memory_space<hbm>> -> memref<10240x128xf32, #tpu.memory_space<hbm>>
      tpu.enqueue_indirect_dma source(%dma_start3A_79 : memref<10240x128xf32, #tpu.memory_space<hbm>>) target(%arg7 : memref<80x128xf32, #tpu.memory_space<vmem>>) offsets(%arg9 : memref<80xi32, #tpu.memory_space<vmem>>) semaphore(%arg13 : memref<!tpu.dma_semaphore, #tpu.memory_space<semaphore_mem>>)
      %dma_start3A_80 = arith.constant 0 : i32
      %dma_start3A_81 = arith.constant 0 : i32
      %dma_start3A_82 = tpu.memref_slice %arg3[%dma_start3A_80, %dma_start3A_81] : memref<10240x128xf32, #tpu.memory_space<hbm>> -> memref<10240x128xf32, #tpu.memory_space<hbm>>
      tpu.enqueue_indirect_dma source(%dma_start3A_82 : memref<10240x128xf32, #tpu.memory_space<hbm>>) target(%arg8 : memref<80x128xf32, #tpu.memory_space<vmem>>) offsets(%arg10 : memref<80xi32, #tpu.memory_space<vmem>>) semaphore(%arg14 : memref<!tpu.dma_semaphore, #tpu.memory_space<semaphore_mem>>)
      %dma_wait3A = arith.constant 0 : i32
      %dma_wait3A_83 = arith.constant 0 : i32
      %dma_wait3A_84 = tpu.memref_slice %arg2[%dma_wait3A, %dma_wait3A_83] : memref<10240x128xf32, #tpu.memory_space<hbm>> -> memref<10240x128xf32, #tpu.memory_space<hbm>>
      tpu.wait_indirect_dma semaphore(%arg13 : memref<!tpu.dma_semaphore, #tpu.memory_space<semaphore_mem>>) src(%dma_wait3A_84 : memref<10240x128xf32, #tpu.memory_space<hbm>>) dst(%arg7 : memref<80x128xf32, #tpu.memory_space<vmem>>)
      %dma_wait3A_85 = arith.constant 0 : i32
      %dma_wait3A_86 = arith.constant 0 : i32
      %dma_wait3A_87 = tpu.memref_slice %arg3[%dma_wait3A_85, %dma_wait3A_86] : memref<10240x128xf32, #tpu.memory_space<hbm>> -> memref<10240x128xf32, #tpu.memory_space<hbm>>
      tpu.wait_indirect_dma semaphore(%arg14 : memref<!tpu.dma_semaphore, #tpu.memory_space<semaphore_mem>>) src(%dma_wait3A_87 : memref<10240x128xf32, #tpu.memory_space<hbm>>) dst(%arg8 : memref<80x128xf32, #tpu.memory_space<vmem>>)
      %scan3A_88 = arith.constant 0 : i32
      %scan3A_89 = arith.constant 0 : i32
      %scan3A_90 = arith.constant 80 : i32
      %scan3A_91 = arith.addi %scan3A_89, %scan3A_90 : i32
      %scan3A_92 = arith.constant 1 : i32
      %scan3A_93 = scf.for %scan3A_96 = %scan3A_89 to %scan3A_91 step %scan3A_92 iter_args(%scan3A_97 = %scan3A_88) -> (i32)  : i32 {
        %get3A = arith.index_cast %scan3A_96 : i32 to index
        %get3A_98 = arith.constant 0 : index
        %get3A_99 = tpu.vector_load %arg7[%get3A, %get3A_98] {strides = array<i32>} : memref<80x128xf32, #tpu.memory_space<vmem>>, vector<1x16xf32>,
        %get3A_100 = vector.shape_cast %get3A_99 : vector<1x16xf32> to vector<16xf32>
        %get3A_101 = arith.index_cast %scan3A_96 : i32 to index
        %get3A_102 = arith.constant 0 : index
        %get3A_103 = tpu.vector_load %arg8[%get3A_101, %get3A_102] {strides = array<i32>} : memref<80x128xf32, #tpu.memory_space<vmem>>, vector<1x16xf32>,
        %get3A_104 = vector.shape_cast %get3A_103 : vector<1x16xf32> to vector<16xf32>
        %add3A_105 = arith.addf %get3A_100, %get3A_104 : vector<16xf32>
        %mul3A_106 = arith.constant 0.00999999977 : f32
        %mul3A_107 = vector.broadcast %mul3A_106 : f32 to vector<16xf32>
        %mul3A_108 = arith.mulf %add3A_105, %mul3A_107 : vector<16xf32>
        %max3A = arith.maximumf %add3A_105, %mul3A_108 : vector<16xf32>
        %swap3A = arith.index_cast %scan3A_96 : i32 to index
        %swap3A_109 = arith.constant 0 : index
        %swap3A_110 = tpu.vector_load %arg7[%swap3A, %swap3A_109] {strides = array<i32>} : memref<80x128xf32, #tpu.memory_space<vmem>>, vector<1x16xf32>,
        %swap3A_111 = vector.shape_cast %swap3A_110 : vector<1x16xf32> to vector<16xf32>
        %swap3A_112 = vector.shape_cast %max3A : vector<16xf32> to vector<1x16xf32>
        tpu.vector_store %arg7[%swap3A, %swap3A_109], %swap3A_112 {strides = array<i32>} : memref<80x128xf32, #tpu.memory_space<vmem>>, vector<1x16xf32>,
        %get3A_113 = arith.index_cast %scan3A_96 : i32 to index
        %get3A_114 = arith.constant 16 : index
        %get3A_115 = tpu.vector_load %arg7[%get3A_113, %get3A_114] {strides = array<i32>} : memref<80x128xf32, #tpu.memory_space<vmem>>, vector<1x16xf32>,
        %get3A_116 = vector.shape_cast %get3A_115 : vector<1x16xf32> to vector<16xf32>
        %get3A_117 = arith.index_cast %scan3A_96 : i32 to index
        %get3A_118 = arith.constant 16 : index
        %get3A_119 = tpu.vector_load %arg8[%get3A_117, %get3A_118] {strides = array<i32>} : memref<80x128xf32, #tpu.memory_space<vmem>>, vector<1x16xf32>,
        %get3A_120 = vector.shape_cast %get3A_119 : vector<1x16xf32> to vector<16xf32>
        %add3A_121 = arith.addf %get3A_116, %get3A_120 : vector<16xf32>
        %mul3A_122 = arith.constant 0.00999999977 : f32
        %mul3A_123 = vector.broadcast %mul3A_122 : f32 to vector<16xf32>
        %mul3A_124 = arith.mulf %add3A_121, %mul3A_123 : vector<16xf32>
        %max3A_125 = arith.maximumf %add3A_121, %mul3A_124 : vector<16xf32>
        %swap3A_126 = arith.index_cast %scan3A_96 : i32 to index
        %swap3A_127 = arith.constant 16 : index
        %swap3A_128 = tpu.vector_load %arg7[%swap3A_126, %swap3A_127] {strides = array<i32>} : memref<80x128xf32, #tpu.memory_space<vmem>>, vector<1x16xf32>,
        %swap3A_129 = vector.shape_cast %swap3A_128 : vector<1x16xf32> to vector<16xf32>
        %swap3A_130 = vector.shape_cast %max3A_125 : vector<16xf32> to vector<1x16xf32>
        tpu.vector_store %arg7[%swap3A_126, %swap3A_127], %swap3A_130 {strides = array<i32>} : memref<80x128xf32, #tpu.memory_space<vmem>>, vector<1x16xf32>,
        %get3A_131 = arith.index_cast %scan3A_96 : i32 to index
        %get3A_132 = arith.constant 32 : index
        %get3A_133 = tpu.vector_load %arg7[%get3A_131, %get3A_132] {strides = array<i32>} : memref<80x128xf32, #tpu.memory_space<vmem>>, vector<1x16xf32>,
        %get3A_134 = vector.shape_cast %get3A_133 : vector<1x16xf32> to vector<16xf32>
        %get3A_135 = arith.index_cast %scan3A_96 : i32 to index
        %get3A_136 = arith.constant 32 : index
        %get3A_137 = tpu.vector_load %arg8[%get3A_135, %get3A_136] {strides = array<i32>} : memref<80x128xf32, #tpu.memory_space<vmem>>, vector<1x16xf32>,
        %get3A_138 = vector.shape_cast %get3A_137 : vector<1x16xf32> to vector<16xf32>
        %add3A_139 = arith.addf %get3A_134, %get3A_138 : vector<16xf32>
        %mul3A_140 = arith.constant 0.00999999977 : f32
        %mul3A_141 = vector.broadcast %mul3A_140 : f32 to vector<16xf32>
        %mul3A_142 = arith.mulf %add3A_139, %mul3A_141 : vector<16xf32>
        %max3A_143 = arith.maximumf %add3A_139, %mul3A_142 : vector<16xf32>
        %swap3A_144 = arith.index_cast %scan3A_96 : i32 to index
        %swap3A_145 = arith.constant 32 : index
        %swap3A_146 = tpu.vector_load %arg7[%swap3A_144, %swap3A_145] {strides = array<i32>} : memref<80x128xf32, #tpu.memory_space<vmem>>, vector<1x16xf32>,
        %swap3A_147 = vector.shape_cast %swap3A_146 : vector<1x16xf32> to vector<16xf32>
        %swap3A_148 = vector.shape_cast %max3A_143 : vector<16xf32> to vector<1x16xf32>
        tpu.vector_store %arg7[%swap3A_144, %swap3A_145], %swap3A_148 {strides = array<i32>} : memref<80x128xf32, #tpu.memory_space<vmem>>, vector<1x16xf32>,
        %get3A_149 = arith.index_cast %scan3A_96 : i32 to index
        %get3A_150 = arith.constant 48 : index
        %get3A_151 = tpu.vector_load %arg7[%get3A_149, %get3A_150] {strides = array<i32>} : memref<80x128xf32, #tpu.memory_space<vmem>>, vector<1x16xf32>,
        %get3A_152 = vector.shape_cast %get3A_151 : vector<1x16xf32> to vector<16xf32>
        %get3A_153 = arith.index_cast %scan3A_96 : i32 to index
        %get3A_154 = arith.constant 48 : index
        %get3A_155 = tpu.vector_load %arg8[%get3A_153, %get3A_154] {strides = array<i32>} : memref<80x128xf32, #tpu.memory_space<vmem>>, vector<1x16xf32>,
        %get3A_156 = vector.shape_cast %get3A_155 : vector<1x16xf32> to vector<16xf32>
        %add3A_157 = arith.addf %get3A_152, %get3A_156 : vector<16xf32>
        %mul3A_158 = arith.constant 0.00999999977 : f32
        %mul3A_159 = vector.broadcast %mul3A_158 : f32 to vector<16xf32>
        %mul3A_160 = arith.mulf %add3A_157, %mul3A_159 : vector<16xf32>
        %max3A_161 = arith.maximumf %add3A_157, %mul3A_160 : vector<16xf32>
        %swap3A_162 = arith.index_cast %scan3A_96 : i32 to index
        %swap3A_163 = arith.constant 48 : index
        %swap3A_164 = tpu.vector_load %arg7[%swap3A_162, %swap3A_163] {strides = array<i32>} : memref<80x128xf32, #tpu.memory_space<vmem>>, vector<1x16xf32>,
        %swap3A_165 = vector.shape_cast %swap3A_164 : vector<1x16xf32> to vector<16xf32>
        %swap3A_166 = vector.shape_cast %max3A_161 : vector<16xf32> to vector<1x16xf32>
        tpu.vector_store %arg7[%swap3A_162, %swap3A_163], %swap3A_166 {strides = array<i32>} : memref<80x128xf32, #tpu.memory_space<vmem>>, vector<1x16xf32>,
        %get3A_167 = arith.index_cast %scan3A_96 : i32 to index
        %get3A_168 = arith.constant 64 : index
        %get3A_169 = tpu.vector_load %arg7[%get3A_167, %get3A_168] {strides = array<i32>} : memref<80x128xf32, #tpu.memory_space<vmem>>, vector<1x16xf32>,
        %get3A_170 = vector.shape_cast %get3A_169 : vector<1x16xf32> to vector<16xf32>
        %get3A_171 = arith.index_cast %scan3A_96 : i32 to index
        %get3A_172 = arith.constant 64 : index
        %get3A_173 = tpu.vector_load %arg8[%get3A_171, %get3A_172] {strides = array<i32>} : memref<80x128xf32, #tpu.memory_space<vmem>>, vector<1x16xf32>,
        %get3A_174 = vector.shape_cast %get3A_173 : vector<1x16xf32> to vector<16xf32>
        %add3A_175 = arith.addf %get3A_170, %get3A_174 : vector<16xf32>
        %mul3A_176 = arith.constant 0.00999999977 : f32
        %mul3A_177 = vector.broadcast %mul3A_176 : f32 to vector<16xf32>
        %mul3A_178 = arith.mulf %add3A_175, %mul3A_177 : vector<16xf32>
        %max3A_179 = arith.maximumf %add3A_175, %mul3A_178 : vector<16xf32>
        %swap3A_180 = arith.index_cast %scan3A_96 : i32 to index
        %swap3A_181 = arith.constant 64 : index
        %swap3A_182 = tpu.vector_load %arg7[%swap3A_180, %swap3A_181] {strides = array<i32>} : memref<80x128xf32, #tpu.memory_space<vmem>>, vector<1x16xf32>,
        %swap3A_183 = vector.shape_cast %swap3A_182 : vector<1x16xf32> to vector<16xf32>
        %swap3A_184 = vector.shape_cast %max3A_179 : vector<16xf32> to vector<1x16xf32>
        tpu.vector_store %arg7[%swap3A_180, %swap3A_181], %swap3A_184 {strides = array<i32>} : memref<80x128xf32, #tpu.memory_space<vmem>>, vector<1x16xf32>,
        %get3A_185 = arith.index_cast %scan3A_96 : i32 to index
        %get3A_186 = arith.constant 80 : index
        %get3A_187 = tpu.vector_load %arg7[%get3A_185, %get3A_186] {strides = array<i32>} : memref<80x128xf32, #tpu.memory_space<vmem>>, vector<1x16xf32>,
        %get3A_188 = vector.shape_cast %get3A_187 : vector<1x16xf32> to vector<16xf32>
        %get3A_189 = arith.index_cast %scan3A_96 : i32 to index
        %get3A_190 = arith.constant 80 : index
        %get3A_191 = tpu.vector_load %arg8[%get3A_189, %get3A_190] {strides = array<i32>} : memref<80x128xf32, #tpu.memory_space<vmem>>, vector<1x16xf32>,
        %get3A_192 = vector.shape_cast %get3A_191 : vector<1x16xf32> to vector<16xf32>
        %add3A_193 = arith.addf %get3A_188, %get3A_192 : vector<16xf32>
        %mul3A_194 = arith.constant 0.00999999977 : f32
        %mul3A_195 = vector.broadcast %mul3A_194 : f32 to vector<16xf32>
        %mul3A_196 = arith.mulf %add3A_193, %mul3A_195 : vector<16xf32>
        %max3A_197 = arith.maximumf %add3A_193, %mul3A_196 : vector<16xf32>
        %swap3A_198 = arith.index_cast %scan3A_96 : i32 to index
        %swap3A_199 = arith.constant 80 : index
        %swap3A_200 = tpu.vector_load %arg7[%swap3A_198, %swap3A_199] {strides = array<i32>} : memref<80x128xf32, #tpu.memory_space<vmem>>, vector<1x16xf32>,
        %swap3A_201 = vector.shape_cast %swap3A_200 : vector<1x16xf32> to vector<16xf32>
        %swap3A_202 = vector.shape_cast %max3A_197 : vector<16xf32> to vector<1x16xf32>
        tpu.vector_store %arg7[%swap3A_198, %swap3A_199], %swap3A_202 {strides = array<i32>} : memref<80x128xf32, #tpu.memory_space<vmem>>, vector<1x16xf32>,
        %get3A_203 = arith.index_cast %scan3A_96 : i32 to index
        %get3A_204 = arith.constant 96 : index
        %get3A_205 = tpu.vector_load %arg7[%get3A_203, %get3A_204] {strides = array<i32>} : memref<80x128xf32, #tpu.memory_space<vmem>>, vector<1x16xf32>,
        %get3A_206 = vector.shape_cast %get3A_205 : vector<1x16xf32> to vector<16xf32>
        %get3A_207 = arith.index_cast %scan3A_96 : i32 to index
        %get3A_208 = arith.constant 96 : index
        %get3A_209 = tpu.vector_load %arg8[%get3A_207, %get3A_208] {strides = array<i32>} : memref<80x128xf32, #tpu.memory_space<vmem>>, vector<1x16xf32>,
        %get3A_210 = vector.shape_cast %get3A_209 : vector<1x16xf32> to vector<16xf32>
        %add3A_211 = arith.addf %get3A_206, %get3A_210 : vector<16xf32>
        %mul3A_212 = arith.constant 0.00999999977 : f32
        %mul3A_213 = vector.broadcast %mul3A_212 : f32 to vector<16xf32>
        %mul3A_214 = arith.mulf %add3A_211, %mul3A_213 : vector<16xf32>
        %max3A_215 = arith.maximumf %add3A_211, %mul3A_214 : vector<16xf32>
        %swap3A_216 = arith.index_cast %scan3A_96 : i32 to index
        %swap3A_217 = arith.constant 96 : index
        %swap3A_218 = tpu.vector_load %arg7[%swap3A_216, %swap3A_217] {strides = array<i32>} : memref<80x128xf32, #tpu.memory_space<vmem>>, vector<1x16xf32>,
        %swap3A_219 = vector.shape_cast %swap3A_218 : vector<1x16xf32> to vector<16xf32>
        %swap3A_220 = vector.shape_cast %max3A_215 : vector<16xf32> to vector<1x16xf32>
        tpu.vector_store %arg7[%swap3A_216, %swap3A_217], %swap3A_220 {strides = array<i32>} : memref<80x128xf32, #tpu.memory_space<vmem>>, vector<1x16xf32>,
        %get3A_221 = arith.index_cast %scan3A_96 : i32 to index
        %get3A_222 = arith.constant 112 : index
        %get3A_223 = tpu.vector_load %arg7[%get3A_221, %get3A_222] {strides = array<i32>} : memref<80x128xf32, #tpu.memory_space<vmem>>, vector<1x16xf32>,
        %get3A_224 = vector.shape_cast %get3A_223 : vector<1x16xf32> to vector<16xf32>
        %get3A_225 = arith.index_cast %scan3A_96 : i32 to index
        %get3A_226 = arith.constant 112 : index
        %get3A_227 = tpu.vector_load %arg8[%get3A_225, %get3A_226] {strides = array<i32>} : memref<80x128xf32, #tpu.memory_space<vmem>>, vector<1x16xf32>,
        %get3A_228 = vector.shape_cast %get3A_227 : vector<1x16xf32> to vector<16xf32>
        %add3A_229 = arith.addf %get3A_224, %get3A_228 : vector<16xf32>
        %mul3A_230 = arith.constant 0.00999999977 : f32
        %mul3A_231 = vector.broadcast %mul3A_230 : f32 to vector<16xf32>
        %mul3A_232 = arith.mulf %add3A_229, %mul3A_231 : vector<16xf32>
        %max3A_233 = arith.maximumf %add3A_229, %mul3A_232 : vector<16xf32>
        %swap3A_234 = arith.index_cast %scan3A_96 : i32 to index
        %swap3A_235 = arith.constant 112 : index
        %swap3A_236 = tpu.vector_load %arg7[%swap3A_234, %swap3A_235] {strides = array<i32>} : memref<80x128xf32, #tpu.memory_space<vmem>>, vector<1x16xf32>,
        %swap3A_237 = vector.shape_cast %swap3A_236 : vector<1x16xf32> to vector<16xf32>
        %swap3A_238 = vector.shape_cast %max3A_233 : vector<16xf32> to vector<1x16xf32>
        tpu.vector_store %arg7[%swap3A_234, %swap3A_235], %swap3A_238 {strides = array<i32>} : memref<80x128xf32, #tpu.memory_space<vmem>>, vector<1x16xf32>,
        %scan3A_239 = arith.constant 0 : i32
        scf.yield %scan3A_239 : i32
      }
      %scan3A_94 = arith.constant 80 : i32
      "tpu.region"() ({
        %run_scoped3A = tpu.sem_alloc : memref<!tpu.dma_semaphore, #tpu.memory_space<semaphore_mem>>
        %dma_start3A_96 = arith.constant 0 : i32
        %dma_start3A_97 = arith.constant 0 : i32
        %dma_start3A_98 = tpu.memref_slice %arg12[%dma_start3A_96, %dma_start3A_97] : memref<10240x128xf32, #tpu.memory_space<vmem_shared>> -> memref<10240x128xf32, #tpu.memory_space<vmem_shared>>
        tpu.enqueue_indirect_dma source(%arg7 : memref<80x128xf32, #tpu.memory_space<vmem>>) target(%dma_start3A_98 : memref<10240x128xf32, #tpu.memory_space<vmem_shared>>) offsets(%arg9 : memref<80xi32, #tpu.memory_space<vmem>>) semaphore(%run_scoped3A : memref<!tpu.dma_semaphore, #tpu.memory_space<semaphore_mem>>) {add = true}
        %dma_wait3A_99 = arith.constant 0 : i32
        %dma_wait3A_100 = arith.constant 0 : i32
        %dma_wait3A_101 = tpu.memref_slice %arg12[%dma_wait3A_99, %dma_wait3A_100] : memref<10240x128xf32, #tpu.memory_space<vmem_shared>> -> memref<10240x128xf32, #tpu.memory_space<vmem_shared>>
        tpu.wait_indirect_dma semaphore(%run_scoped3A : memref<!tpu.dma_semaphore, #tpu.memory_space<semaphore_mem>>) src(%arg7 : memref<80x128xf32, #tpu.memory_space<vmem>>) dst(%dma_wait3A_101 : memref<10240x128xf32, #tpu.memory_space<vmem_shared>>)
        tpu.yield
      }) : () -> ()
      %scan3A_95 = arith.constant 0 : i32
      scf.yield %scan3A_95 : i32
    }
    %scan3A_36 = arith.constant 125 : i32
    %barrier3A_37 = arith.constant 0 : index
    tpu.barrier barrier_id(%barrier3A_37)
    %mul3A_38 = arith.constant 640 : i32
    %mul3A_39 = arith.muli %arg1, %mul3A_38 : i32
    %add3A_40 = arith.constant 0 : i32
    %add3A_41 = arith.addi %mul3A_39, %add3A_40 : i32
    "tpu.region"() ({
      %run_scoped3A = tpu.sem_alloc : memref<!tpu.dma_semaphore, #tpu.memory_space<semaphore_mem>>
      %dma_start3A = arith.constant 0 : i32
      %dma_start3A_73 = tpu.memref_slice %arg12[%add3A_41, %dma_start3A] : memref<10240x128xf32, #tpu.memory_space<vmem_shared>> -> memref<128x128xf32, #tpu.memory_space<vmem_shared>>
      %dma_start3A_74 = arith.constant 0 : i32
      %dma_start3A_75 = tpu.memref_slice %arg12[%add3A_41, %dma_start3A_74] : memref<10240x128xf32, #tpu.memory_space<vmem_shared>> -> memref<128x128xf32, #tpu.memory_space<vmem_shared>>
      tpu.enqueue_dma source(%dma_start3A_75 : memref<128x128xf32, #tpu.memory_space<vmem_shared>>) target(%arg11 : memref<128x128xf32, #tpu.memory_space<vmem>>) target_semaphore(%run_scoped3A : memref<!tpu.dma_semaphore, #tpu.memory_space<semaphore_mem>>)
      %dma_wait3A = arith.constant 0 : i32
      %dma_wait3A_76 = tpu.memref_slice %arg12[%add3A_41, %dma_wait3A] : memref<10240x128xf32, #tpu.memory_space<vmem_shared>> -> memref<128x128xf32, #tpu.memory_space<vmem_shared>>
      %dma_wait3A_77 = arith.constant 0 : i32
      %dma_wait3A_78 = tpu.memref_slice %arg12[%add3A_41, %dma_wait3A_77] : memref<10240x128xf32, #tpu.memory_space<vmem_shared>> -> memref<128x128xf32, #tpu.memory_space<vmem_shared>>
      tpu.wait_dma2 semaphore(%run_scoped3A : memref<!tpu.dma_semaphore, #tpu.memory_space<semaphore_mem>>) src(%dma_wait3A_78 : memref<128x128xf32, #tpu.memory_space<vmem_shared>>) dst(%arg11 : memref<128x128xf32, #tpu.memory_space<vmem>>)
      tpu.yield
    }) : () -> ()
    %mul3A_42 = arith.constant 10240 : i32
    %mul3A_43 = arith.muli %arg0, %mul3A_42 : i32
    %add3A_44 = arith.addi %mul3A_43, %add3A_41 : i32
    "tpu.region"() ({
      %run_scoped3A = tpu.sem_alloc : memref<!tpu.dma_semaphore, #tpu.memory_space<semaphore_mem>>
      %dma_start3A = arith.constant 0 : i32
      %dma_start3A_73 = tpu.memref_slice %arg6[%add3A_44, %dma_start3A] : memref<20480x128xf32, #tpu.memory_space<hbm>> -> memref<128x128xf32, #tpu.memory_space<hbm>>
      %dma_start3A_74 = arith.constant 0 : i32
      %dma_start3A_75 = tpu.memref_slice %arg6[%add3A_44, %dma_start3A_74] : memref<20480x128xf32, #tpu.memory_space<hbm>> -> memref<128x128xf32, #tpu.memory_space<hbm>>
      tpu.enqueue_dma source(%arg11 : memref<128x128xf32, #tpu.memory_space<vmem>>) target(%dma_start3A_75 : memref<128x128xf32, #tpu.memory_space<hbm>>) target_semaphore(%run_scoped3A : memref<!tpu.dma_semaphore, #tpu.memory_space<semaphore_mem>>)
      %dma_wait3A = arith.constant 0 : i32
      %dma_wait3A_76 = tpu.memref_slice %arg6[%add3A_44, %dma_wait3A] : memref<20480x128xf32, #tpu.memory_space<hbm>> -> memref<128x128xf32, #tpu.memory_space<hbm>>
      %dma_wait3A_77 = arith.constant 0 : i32
      %dma_wait3A_78 = tpu.memref_slice %arg6[%add3A_44, %dma_wait3A_77] : memref<20480x128xf32, #tpu.memory_space<hbm>> -> memref<128x128xf32, #tpu.memory_space<hbm>>
      tpu.wait_dma2 semaphore(%run_scoped3A : memref<!tpu.dma_semaphore, #tpu.memory_space<semaphore_mem>>) src(%arg11 : memref<128x128xf32, #tpu.memory_space<vmem>>) dst(%dma_wait3A_78 : memref<128x128xf32, #tpu.memory_space<hbm>>)
      tpu.yield
    }) : () -> ()
    %mul3A_45 = arith.constant 640 : i32
    %mul3A_46 = arith.muli %arg1, %mul3A_45 : i32
    %add3A_47 = arith.constant 128 : i32
    %add3A_48 = arith.addi %mul3A_46, %add3A_47 : i32
    "tpu.region"() ({
      %run_scoped3A = tpu.sem_alloc : memref<!tpu.dma_semaphore, #tpu.memory_space<semaphore_mem>>
      %dma_start3A = arith.constant 0 : i32
      %dma_start3A_73 = tpu.memref_slice %arg12[%add3A_48, %dma_start3A] : memref<10240x128xf32, #tpu.memory_space<vmem_shared>> -> memref<128x128xf32, #tpu.memory_space<vmem_shared>>
      %dma_start3A_74 = arith.constant 0 : i32
      %dma_start3A_75 = tpu.memref_slice %arg12[%add3A_48, %dma_start3A_74] : memref<10240x128xf32, #tpu.memory_space<vmem_shared>> -> memref<128x128xf32, #tpu.memory_space<vmem_shared>>
      tpu.enqueue_dma source(%dma_start3A_75 : memref<128x128xf32, #tpu.memory_space<vmem_shared>>) target(%arg11 : memref<128x128xf32, #tpu.memory_space<vmem>>) target_semaphore(%run_scoped3A : memref<!tpu.dma_semaphore, #tpu.memory_space<semaphore_mem>>)
      %dma_wait3A = arith.constant 0 : i32
      %dma_wait3A_76 = tpu.memref_slice %arg12[%add3A_48, %dma_wait3A] : memref<10240x128xf32, #tpu.memory_space<vmem_shared>> -> memref<128x128xf32, #tpu.memory_space<vmem_shared>>
      %dma_wait3A_77 = arith.constant 0 : i32
      %dma_wait3A_78 = tpu.memref_slice %arg12[%add3A_48, %dma_wait3A_77] : memref<10240x128xf32, #tpu.memory_space<vmem_shared>> -> memref<128x128xf32, #tpu.memory_space<vmem_shared>>
      tpu.wait_dma2 semaphore(%run_scoped3A : memref<!tpu.dma_semaphore, #tpu.memory_space<semaphore_mem>>) src(%dma_wait3A_78 : memref<128x128xf32, #tpu.memory_space<vmem_shared>>) dst(%arg11 : memref<128x128xf32, #tpu.memory_space<vmem>>)
      tpu.yield
    }) : () -> ()
    %mul3A_49 = arith.constant 10240 : i32
    %mul3A_50 = arith.muli %arg0, %mul3A_49 : i32
    %add3A_51 = arith.addi %mul3A_50, %add3A_48 : i32
    "tpu.region"() ({
      %run_scoped3A = tpu.sem_alloc : memref<!tpu.dma_semaphore, #tpu.memory_space<semaphore_mem>>
      %dma_start3A = arith.constant 0 : i32
      %dma_start3A_73 = tpu.memref_slice %arg6[%add3A_51, %dma_start3A] : memref<20480x128xf32, #tpu.memory_space<hbm>> -> memref<128x128xf32, #tpu.memory_space<hbm>>
      %dma_start3A_74 = arith.constant 0 : i32
      %dma_start3A_75 = tpu.memref_slice %arg6[%add3A_51, %dma_start3A_74] : memref<20480x128xf32, #tpu.memory_space<hbm>> -> memref<128x128xf32, #tpu.memory_space<hbm>>
      tpu.enqueue_dma source(%arg11 : memref<128x128xf32, #tpu.memory_space<vmem>>) target(%dma_start3A_75 : memref<128x128xf32, #tpu.memory_space<hbm>>) target_semaphore(%run_scoped3A : memref<!tpu.dma_semaphore, #tpu.memory_space<semaphore_mem>>)
      %dma_wait3A = arith.constant 0 : i32
      %dma_wait3A_76 = tpu.memref_slice %arg6[%add3A_51, %dma_wait3A] : memref<20480x128xf32, #tpu.memory_space<hbm>> -> memref<128x128xf32, #tpu.memory_space<hbm>>
      %dma_wait3A_77 = arith.constant 0 : i32
      %dma_wait3A_78 = tpu.memref_slice %arg6[%add3A_51, %dma_wait3A_77] : memref<20480x128xf32, #tpu.memory_space<hbm>> -> memref<128x128xf32, #tpu.memory_space<hbm>>
      tpu.wait_dma2 semaphore(%run_scoped3A : memref<!tpu.dma_semaphore, #tpu.memory_space<semaphore_mem>>) src(%arg11 : memref<128x128xf32, #tpu.memory_space<vmem>>) dst(%dma_wait3A_78 : memref<128x128xf32, #tpu.memory_space<hbm>>)
      tpu.yield
    }) : () -> ()
    %mul3A_52 = arith.constant 640 : i32
    %mul3A_53 = arith.muli %arg1, %mul3A_52 : i32
    %add3A_54 = arith.constant 256 : i32
    %add3A_55 = arith.addi %mul3A_53, %add3A_54 : i32
    "tpu.region"() ({
      %run_scoped3A = tpu.sem_alloc : memref<!tpu.dma_semaphore, #tpu.memory_space<semaphore_mem>>
      %dma_start3A = arith.constant 0 : i32
      %dma_start3A_73 = tpu.memref_slice %arg12[%add3A_55, %dma_start3A] : memref<10240x128xf32, #tpu.memory_space<vmem_shared>> -> memref<128x128xf32, #tpu.memory_space<vmem_shared>>
      %dma_start3A_74 = arith.constant 0 : i32
      %dma_start3A_75 = tpu.memref_slice %arg12[%add3A_55, %dma_start3A_74] : memref<10240x128xf32, #tpu.memory_space<vmem_shared>> -> memref<128x128xf32, #tpu.memory_space<vmem_shared>>
      tpu.enqueue_dma source(%dma_start3A_75 : memref<128x128xf32, #tpu.memory_space<vmem_shared>>) target(%arg11 : memref<128x128xf32, #tpu.memory_space<vmem>>) target_semaphore(%run_scoped3A : memref<!tpu.dma_semaphore, #tpu.memory_space<semaphore_mem>>)
      %dma_wait3A = arith.constant 0 : i32
      %dma_wait3A_76 = tpu.memref_slice %arg12[%add3A_55, %dma_wait3A] : memref<10240x128xf32, #tpu.memory_space<vmem_shared>> -> memref<128x128xf32, #tpu.memory_space<vmem_shared>>
      %dma_wait3A_77 = arith.constant 0 : i32
      %dma_wait3A_78 = tpu.memref_slice %arg12[%add3A_55, %dma_wait3A_77] : memref<10240x128xf32, #tpu.memory_space<vmem_shared>> -> memref<128x128xf32, #tpu.memory_space<vmem_shared>>
      tpu.wait_dma2 semaphore(%run_scoped3A : memref<!tpu.dma_semaphore, #tpu.memory_space<semaphore_mem>>) src(%dma_wait3A_78 : memref<128x128xf32, #tpu.memory_space<vmem_shared>>) dst(%arg11 : memref<128x128xf32, #tpu.memory_space<vmem>>)
      tpu.yield
    }) : () -> ()
    %mul3A_56 = arith.constant 10240 : i32
    %mul3A_57 = arith.muli %arg0, %mul3A_56 : i32
    %add3A_58 = arith.addi %mul3A_57, %add3A_55 : i32
    "tpu.region"() ({
      %run_scoped3A = tpu.sem_alloc : memref<!tpu.dma_semaphore, #tpu.memory_space<semaphore_mem>>
      %dma_start3A = arith.constant 0 : i32
      %dma_start3A_73 = tpu.memref_slice %arg6[%add3A_58, %dma_start3A] : memref<20480x128xf32, #tpu.memory_space<hbm>> -> memref<128x128xf32, #tpu.memory_space<hbm>>
      %dma_start3A_74 = arith.constant 0 : i32
      %dma_start3A_75 = tpu.memref_slice %arg6[%add3A_58, %dma_start3A_74] : memref<20480x128xf32, #tpu.memory_space<hbm>> -> memref<128x128xf32, #tpu.memory_space<hbm>>
      tpu.enqueue_dma source(%arg11 : memref<128x128xf32, #tpu.memory_space<vmem>>) target(%dma_start3A_75 : memref<128x128xf32, #tpu.memory_space<hbm>>) target_semaphore(%run_scoped3A : memref<!tpu.dma_semaphore, #tpu.memory_space<semaphore_mem>>)
      %dma_wait3A = arith.constant 0 : i32
      %dma_wait3A_76 = tpu.memref_slice %arg6[%add3A_58, %dma_wait3A] : memref<20480x128xf32, #tpu.memory_space<hbm>> -> memref<128x128xf32, #tpu.memory_space<hbm>>
      %dma_wait3A_77 = arith.constant 0 : i32
      %dma_wait3A_78 = tpu.memref_slice %arg6[%add3A_58, %dma_wait3A_77] : memref<20480x128xf32, #tpu.memory_space<hbm>> -> memref<128x128xf32, #tpu.memory_space<hbm>>
      tpu.wait_dma2 semaphore(%run_scoped3A : memref<!tpu.dma_semaphore, #tpu.memory_space<semaphore_mem>>) src(%arg11 : memref<128x128xf32, #tpu.memory_space<vmem>>) dst(%dma_wait3A_78 : memref<128x128xf32, #tpu.memory_space<hbm>>)
      tpu.yield
    }) : () -> ()
    %mul3A_59 = arith.constant 640 : i32
    %mul3A_60 = arith.muli %arg1, %mul3A_59 : i32
    %add3A_61 = arith.constant 384 : i32
    %add3A_62 = arith.addi %mul3A_60, %add3A_61 : i32
    "tpu.region"() ({
      %run_scoped3A = tpu.sem_alloc : memref<!tpu.dma_semaphore, #tpu.memory_space<semaphore_mem>>
      %dma_start3A = arith.constant 0 : i32
      %dma_start3A_73 = tpu.memref_slice %arg12[%add3A_62, %dma_start3A] : memref<10240x128xf32, #tpu.memory_space<vmem_shared>> -> memref<128x128xf32, #tpu.memory_space<vmem_shared>>
      %dma_start3A_74 = arith.constant 0 : i32
      %dma_start3A_75 = tpu.memref_slice %arg12[%add3A_62, %dma_start3A_74] : memref<10240x128xf32, #tpu.memory_space<vmem_shared>> -> memref<128x128xf32, #tpu.memory_space<vmem_shared>>
      tpu.enqueue_dma source(%dma_start3A_75 : memref<128x128xf32, #tpu.memory_space<vmem_shared>>) target(%arg11 : memref<128x128xf32, #tpu.memory_space<vmem>>) target_semaphore(%run_scoped3A : memref<!tpu.dma_semaphore, #tpu.memory_space<semaphore_mem>>)
      %dma_wait3A = arith.constant 0 : i32
      %dma_wait3A_76 = tpu.memref_slice %arg12[%add3A_62, %dma_wait3A] : memref<10240x128xf32, #tpu.memory_space<vmem_shared>> -> memref<128x128xf32, #tpu.memory_space<vmem_shared>>
      %dma_wait3A_77 = arith.constant 0 : i32
      %dma_wait3A_78 = tpu.memref_slice %arg12[%add3A_62, %dma_wait3A_77] : memref<10240x128xf32, #tpu.memory_space<vmem_shared>> -> memref<128x128xf32, #tpu.memory_space<vmem_shared>>
      tpu.wait_dma2 semaphore(%run_scoped3A : memref<!tpu.dma_semaphore, #tpu.memory_space<semaphore_mem>>) src(%dma_wait3A_78 : memref<128x128xf32, #tpu.memory_space<vmem_shared>>) dst(%arg11 : memref<128x128xf32, #tpu.memory_space<vmem>>)
      tpu.yield
    }) : () -> ()
    %mul3A_63 = arith.constant 10240 : i32
    %mul3A_64 = arith.muli %arg0, %mul3A_63 : i32
    %add3A_65 = arith.addi %mul3A_64, %add3A_62 : i32
    "tpu.region"() ({
      %run_scoped3A = tpu.sem_alloc : memref<!tpu.dma_semaphore, #tpu.memory_space<semaphore_mem>>
      %dma_start3A = arith.constant 0 : i32
      %dma_start3A_73 = tpu.memref_slice %arg6[%add3A_65, %dma_start3A] : memref<20480x128xf32, #tpu.memory_space<hbm>> -> memref<128x128xf32, #tpu.memory_space<hbm>>
      %dma_start3A_74 = arith.constant 0 : i32
      %dma_start3A_75 = tpu.memref_slice %arg6[%add3A_65, %dma_start3A_74] : memref<20480x128xf32, #tpu.memory_space<hbm>> -> memref<128x128xf32, #tpu.memory_space<hbm>>
      tpu.enqueue_dma source(%arg11 : memref<128x128xf32, #tpu.memory_space<vmem>>) target(%dma_start3A_75 : memref<128x128xf32, #tpu.memory_space<hbm>>) target_semaphore(%run_scoped3A : memref<!tpu.dma_semaphore, #tpu.memory_space<semaphore_mem>>)
      %dma_wait3A = arith.constant 0 : i32
      %dma_wait3A_76 = tpu.memref_slice %arg6[%add3A_65, %dma_wait3A] : memref<20480x128xf32, #tpu.memory_space<hbm>> -> memref<128x128xf32, #tpu.memory_space<hbm>>
      %dma_wait3A_77 = arith.constant 0 : i32
      %dma_wait3A_78 = tpu.memref_slice %arg6[%add3A_65, %dma_wait3A_77] : memref<20480x128xf32, #tpu.memory_space<hbm>> -> memref<128x128xf32, #tpu.memory_space<hbm>>
      tpu.wait_dma2 semaphore(%run_scoped3A : memref<!tpu.dma_semaphore, #tpu.memory_space<semaphore_mem>>) src(%arg11 : memref<128x128xf32, #tpu.memory_space<vmem>>) dst(%dma_wait3A_78 : memref<128x128xf32, #tpu.memory_space<hbm>>)
      tpu.yield
    }) : () -> ()
    %mul3A_66 = arith.constant 640 : i32
    %mul3A_67 = arith.muli %arg1, %mul3A_66 : i32
    %add3A_68 = arith.constant 512 : i32
    %add3A_69 = arith.addi %mul3A_67, %add3A_68 : i32
    "tpu.region"() ({
      %run_scoped3A = tpu.sem_alloc : memref<!tpu.dma_semaphore, #tpu.memory_space<semaphore_mem>>
      %dma_start3A = arith.constant 0 : i32
      %dma_start3A_73 = tpu.memref_slice %arg12[%add3A_69, %dma_start3A] : memref<10240x128xf32, #tpu.memory_space<vmem_shared>> -> memref<128x128xf32, #tpu.memory_space<vmem_shared>>
      %dma_start3A_74 = arith.constant 0 : i32
      %dma_start3A_75 = tpu.memref_slice %arg12[%add3A_69, %dma_start3A_74] : memref<10240x128xf32, #tpu.memory_space<vmem_shared>> -> memref<128x128xf32, #tpu.memory_space<vmem_shared>>
      tpu.enqueue_dma source(%dma_start3A_75 : memref<128x128xf32, #tpu.memory_space<vmem_shared>>) target(%arg11 : memref<128x128xf32, #tpu.memory_space<vmem>>) target_semaphore(%run_scoped3A : memref<!tpu.dma_semaphore, #tpu.memory_space<semaphore_mem>>)
      %dma_wait3A = arith.constant 0 : i32
      %dma_wait3A_76 = tpu.memref_slice %arg12[%add3A_69, %dma_wait3A] : memref<10240x128xf32, #tpu.memory_space<vmem_shared>> -> memref<128x128xf32, #tpu.memory_space<vmem_shared>>
      %dma_wait3A_77 = arith.constant 0 : i32
      %dma_wait3A_78 = tpu.memref_slice %arg12[%add3A_69, %dma_wait3A_77] : memref<10240x128xf32, #tpu.memory_space<vmem_shared>> -> memref<128x128xf32, #tpu.memory_space<vmem_shared>>
      tpu.wait_dma2 semaphore(%run_scoped3A : memref<!tpu.dma_semaphore, #tpu.memory_space<semaphore_mem>>) src(%dma_wait3A_78 : memref<128x128xf32, #tpu.memory_space<vmem_shared>>) dst(%arg11 : memref<128x128xf32, #tpu.memory_space<vmem>>)
      tpu.yield
    }) : () -> ()
    %mul3A_70 = arith.constant 10240 : i32
    %mul3A_71 = arith.muli %arg0, %mul3A_70 : i32
    %add3A_72 = arith.addi %mul3A_71, %add3A_69 : i32
    "tpu.region"() ({
      %run_scoped3A = tpu.sem_alloc : memref<!tpu.dma_semaphore, #tpu.memory_space<semaphore_mem>>
      %dma_start3A = arith.constant 0 : i32
      %dma_start3A_73 = tpu.memref_slice %arg6[%add3A_72, %dma_start3A] : memref<20480x128xf32, #tpu.memory_space<hbm>> -> memref<128x128xf32, #tpu.memory_space<hbm>>
      %dma_start3A_74 = arith.constant 0 : i32
      %dma_start3A_75 = tpu.memref_slice %arg6[%add3A_72, %dma_start3A_74] : memref<20480x128xf32, #tpu.memory_space<hbm>> -> memref<128x128xf32, #tpu.memory_space<hbm>>
      tpu.enqueue_dma source(%arg11 : memref<128x128xf32, #tpu.memory_space<vmem>>) target(%dma_start3A_75 : memref<128x128xf32, #tpu.memory_space<hbm>>) target_semaphore(%run_scoped3A : memref<!tpu.dma_semaphore, #tpu.memory_space<semaphore_mem>>)
      %dma_wait3A = arith.constant 0 : i32
      %dma_wait3A_76 = tpu.memref_slice %arg6[%add3A_72, %dma_wait3A] : memref<20480x128xf32, #tpu.memory_space<hbm>> -> memref<128x128xf32, #tpu.memory_space<hbm>>
      %dma_wait3A_77 = arith.constant 0 : i32
      %dma_wait3A_78 = tpu.memref_slice %arg6[%add3A_72, %dma_wait3A_77] : memref<20480x128xf32, #tpu.memory_space<hbm>> -> memref<128x128xf32, #tpu.memory_space<hbm>>
      tpu.wait_dma2 semaphore(%run_scoped3A : memref<!tpu.dma_semaphore, #tpu.memory_space<semaphore_mem>>) src(%arg11 : memref<128x128xf32, #tpu.memory_space<vmem>>) dst(%dma_wait3A_78 : memref<128x128xf32, #tpu.memory_space<hbm>>)
      tpu.yield
    }) : () -> ()
    return
  }
}

#map = affine_map<(d0, d1) -> (0, 0)>
#map1 = affine_map<(d0, d1) -> (0)>
module attributes {stable_mosaic.version = 14 : i64} {
  func.func @_sc_conv(%arg0: i32, %arg1: i32, %arg2: memref<10240x128xf32, #tpu.memory_space<hbm>>, %arg3: memref<10240x128xf32, #tpu.memory_space<hbm>>, %arg4: memref<320000xi32, #tpu.memory_space<hbm>>, %arg5: memref<320000xi32, #tpu.memory_space<hbm>>, %arg6: memref<20480x128xf32, #tpu.memory_space<hbm>>, %arg7: memref<80x128xf32, #tpu.memory_space<vmem>>, %arg8: memref<80x128xf32, #tpu.memory_space<vmem>>, %arg9: memref<80xi32, #tpu.memory_space<vmem>>, %arg10: memref<80xi32, #tpu.memory_space<vmem>>, %arg11: memref<128x128xf32, #tpu.memory_space<vmem>>, %arg12: memref<10240x128xf32, #tpu.memory_space<vmem_shared>>, %arg13: memref<!tpu.dma_semaphore, #tpu.memory_space<semaphore_mem>>, %arg14: memref<!tpu.dma_semaphore, #tpu.memory_space<semaphore_mem>>) attributes {dimension_semantics = [#tpu.dimension_semantics<core_parallel>, #tpu.dimension_semantics<subcore_parallel>], iteration_bounds = array<i64: 2, 16>, scalar_prefetch = 0 : i64, scratch_operands = 8 : i64, tpu.core_type = #tpu.core_type<sc_vector_subcore>, window_params = [{transform_indices = #map}, {transform_indices = #map}, {transform_indices = #map1}, {transform_indices = #map1}, {transform_indices = #map}]} {
    %mul3A = arith.constant 16 : i32
    %mul3A_0 = arith.muli %arg0, %mul3A : i32
    %add3A = arith.addi %mul3A_0, %arg1 : i32
    %mul3A_1 = arith.constant 10000 : i32
    %mul3A_2 = arith.muli %add3A, %mul3A_1 : i32
    %broadcast_in_dim3A = arith.constant 0.000000e+00 : f32
    %broadcast_in_dim3A_3 = vector.broadcast %broadcast_in_dim3A : f32 to vector<16xf32>
    %scan3A = arith.constant 0 : i32
    %scan3A_4 = arith.constant 0 : i32
    %scan3A_5 = arith.constant 1024 : i32
    %scan3A_6 = arith.addi %scan3A_4, %scan3A_5 : i32
    %scan3A_7 = arith.constant 1 : i32
    %scan3A_8 = scf.for %scan3A_73 = %scan3A_4 to %scan3A_6 step %scan3A_7 iter_args(%scan3A_74 = %scan3A) -> (i32)  : i32 {
      %jit3A = arith.constant 8 : i32
      %div3A = arith.divsi %scan3A_73, %jit3A : i32
      %sign3A = arith.constant 0 : i32
      %sign3A_75 = arith.cmpi sgt, %scan3A_73, %sign3A : i32
      %sign3A_76 = arith.extui %sign3A_75 : i1 to i32
      %sign3A_77 = arith.constant 0 : i32
      %sign3A_78 = arith.cmpi slt, %scan3A_73, %sign3A_77 : i32
      %sign3A_79 = arith.extui %sign3A_78 : i1 to i32
      %sign3A_80 = arith.subi %sign3A_76, %sign3A_79 : i32
      %sign3A_81 = arith.constant 0 : i32
      %sign3A_82 = arith.cmpi sgt, %jit3A, %sign3A_81 : i32
      %sign3A_83 = arith.extui %sign3A_82 : i1 to i32
      %sign3A_84 = arith.constant 0 : i32
      %sign3A_85 = arith.cmpi slt, %jit3A, %sign3A_84 : i32
      %sign3A_86 = arith.extui %sign3A_85 : i1 to i32
      %sign3A_87 = arith.subi %sign3A_83, %sign3A_86 : i32
      %ne3A = arith.cmpi ne, %sign3A_80, %sign3A_87 : i32
      %rem3A = arith.remsi %scan3A_73, %jit3A : i32
      %ne3A_88 = arith.constant 0 : i32
      %ne3A_89 = arith.cmpi ne, %rem3A, %ne3A_88 : i32
      %and3A = arith.andi %ne3A, %ne3A_89 : i1
      %sub3A = arith.constant 1 : i32
      %sub3A_90 = arith.subi %div3A, %sub3A : i32
      %select_n3A = arith.select %and3A, %sub3A_90, %div3A : i32
      %jit3A_91 = arith.constant 8 : i32
      %eq3A = arith.constant 0 : i32
      %eq3A_92 = arith.cmpi eq, %jit3A_91, %eq3A : i32
      %jit3A_93 = arith.constant 1 : i32
      %select_n3A_94 = arith.select %eq3A_92, %jit3A_93, %jit3A_91 : i32
      %rem3A_95 = arith.remsi %scan3A_73, %select_n3A_94 : i32
      %ne3A_96 = arith.constant 0 : i32
      %ne3A_97 = arith.cmpi ne, %rem3A_95, %ne3A_96 : i32
      %lt3A = arith.constant 0 : i32
      %lt3A_98 = arith.cmpi slt, %rem3A_95, %lt3A : i32
      %lt3A_99 = arith.constant 0 : i32
      %lt3A_100 = arith.cmpi slt, %select_n3A_94, %lt3A_99 : i32
      %ne3A_101 = arith.xori %lt3A_98, %lt3A_100 : i1
      %and3A_102 = arith.andi %ne3A_101, %ne3A_97 : i1
      %add3A_103 = arith.addi %rem3A_95, %select_n3A_94 : i32
      %select_n3A_104 = arith.select %and3A_102, %add3A_103, %rem3A_95 : i32
      %mul3A_105 = arith.constant 16 : i32
      %mul3A_106 = arith.muli %select_n3A_104, %mul3A_105 : i32
      %swap3A = arith.index_cast %select_n3A : i32 to index
      %swap3A_107 = arith.index_cast %mul3A_106 : i32 to index
      %swap3A_108 = tpu.vector_load %arg11[%swap3A, %swap3A_107] {strides = array<i32>} : memref<128x128xf32, #tpu.memory_space<vmem>>, vector<1x16xf32>,
      %swap3A_109 = vector.shape_cast %swap3A_108 : vector<1x16xf32> to vector<16xf32>
      %swap3A_110 = vector.shape_cast %broadcast_in_dim3A_3 : vector<16xf32> to vector<1x16xf32>
      tpu.vector_store %arg11[%swap3A, %swap3A_107], %swap3A_110 {strides = array<i32>} : memref<128x128xf32, #tpu.memory_space<vmem>>, vector<1x16xf32>,
      %scan3A_111 = arith.constant 0 : i32
      scf.yield %scan3A_111 : i32
    }
    %scan3A_9 = arith.constant 1024 : i32
    %mul3A_10 = arith.constant 640 : i32
    %mul3A_11 = arith.muli %arg1, %mul3A_10 : i32
    %add3A_12 = arith.constant 0 : i32
    %add3A_13 = arith.addi %mul3A_11, %add3A_12 : i32
    "tpu.region"() ({
      %run_scoped3A = tpu.sem_alloc : memref<!tpu.dma_semaphore, #tpu.memory_space<semaphore_mem>>
      %dma_start3A = arith.constant 0 : i32
      %dma_start3A_73 = tpu.memref_slice %arg12[%add3A_13, %dma_start3A] : memref<10240x128xf32, #tpu.memory_space<vmem_shared>> -> memref<128x128xf32, #tpu.memory_space<vmem_shared>>
      %dma_start3A_74 = arith.constant 0 : i32
      %dma_start3A_75 = tpu.memref_slice %arg12[%add3A_13, %dma_start3A_74] : memref<10240x128xf32, #tpu.memory_space<vmem_shared>> -> memref<128x128xf32, #tpu.memory_space<vmem_shared>>
      tpu.enqueue_dma source(%arg11 : memref<128x128xf32, #tpu.memory_space<vmem>>) target(%dma_start3A_75 : memref<128x128xf32, #tpu.memory_space<vmem_shared>>) target_semaphore(%run_scoped3A : memref<!tpu.dma_semaphore, #tpu.memory_space<semaphore_mem>>)
      %dma_wait3A = arith.constant 0 : i32
      %dma_wait3A_76 = tpu.memref_slice %arg12[%add3A_13, %dma_wait3A] : memref<10240x128xf32, #tpu.memory_space<vmem_shared>> -> memref<128x128xf32, #tpu.memory_space<vmem_shared>>
      %dma_wait3A_77 = arith.constant 0 : i32
      %dma_wait3A_78 = tpu.memref_slice %arg12[%add3A_13, %dma_wait3A_77] : memref<10240x128xf32, #tpu.memory_space<vmem_shared>> -> memref<128x128xf32, #tpu.memory_space<vmem_shared>>
      tpu.wait_dma2 semaphore(%run_scoped3A : memref<!tpu.dma_semaphore, #tpu.memory_space<semaphore_mem>>) src(%arg11 : memref<128x128xf32, #tpu.memory_space<vmem>>) dst(%dma_wait3A_78 : memref<128x128xf32, #tpu.memory_space<vmem_shared>>)
      tpu.yield
    }) : () -> ()
    %mul3A_14 = arith.constant 640 : i32
    %mul3A_15 = arith.muli %arg1, %mul3A_14 : i32
    %add3A_16 = arith.constant 128 : i32
    %add3A_17 = arith.addi %mul3A_15, %add3A_16 : i32
    "tpu.region"() ({
      %run_scoped3A = tpu.sem_alloc : memref<!tpu.dma_semaphore, #tpu.memory_space<semaphore_mem>>
      %dma_start3A = arith.constant 0 : i32
      %dma_start3A_73 = tpu.memref_slice %arg12[%add3A_17, %dma_start3A] : memref<10240x128xf32, #tpu.memory_space<vmem_shared>> -> memref<128x128xf32, #tpu.memory_space<vmem_shared>>
      %dma_start3A_74 = arith.constant 0 : i32
      %dma_start3A_75 = tpu.memref_slice %arg12[%add3A_17, %dma_start3A_74] : memref<10240x128xf32, #tpu.memory_space<vmem_shared>> -> memref<128x128xf32, #tpu.memory_space<vmem_shared>>
      tpu.enqueue_dma source(%arg11 : memref<128x128xf32, #tpu.memory_space<vmem>>) target(%dma_start3A_75 : memref<128x128xf32, #tpu.memory_space<vmem_shared>>) target_semaphore(%run_scoped3A : memref<!tpu.dma_semaphore, #tpu.memory_space<semaphore_mem>>)
      %dma_wait3A = arith.constant 0 : i32
      %dma_wait3A_76 = tpu.memref_slice %arg12[%add3A_17, %dma_wait3A] : memref<10240x128xf32, #tpu.memory_space<vmem_shared>> -> memref<128x128xf32, #tpu.memory_space<vmem_shared>>
      %dma_wait3A_77 = arith.constant 0 : i32
      %dma_wait3A_78 = tpu.memref_slice %arg12[%add3A_17, %dma_wait3A_77] : memref<10240x128xf32, #tpu.memory_space<vmem_shared>> -> memref<128x128xf32, #tpu.memory_space<vmem_shared>>
      tpu.wait_dma2 semaphore(%run_scoped3A : memref<!tpu.dma_semaphore, #tpu.memory_space<semaphore_mem>>) src(%arg11 : memref<128x128xf32, #tpu.memory_space<vmem>>) dst(%dma_wait3A_78 : memref<128x128xf32, #tpu.memory_space<vmem_shared>>)
      tpu.yield
    }) : () -> ()
    %mul3A_18 = arith.constant 640 : i32
    %mul3A_19 = arith.muli %arg1, %mul3A_18 : i32
    %add3A_20 = arith.constant 256 : i32
    %add3A_21 = arith.addi %mul3A_19, %add3A_20 : i32
    "tpu.region"() ({
      %run_scoped3A = tpu.sem_alloc : memref<!tpu.dma_semaphore, #tpu.memory_space<semaphore_mem>>
      %dma_start3A = arith.constant 0 : i32
      %dma_start3A_73 = tpu.memref_slice %arg12[%add3A_21, %dma_start3A] : memref<10240x128xf32, #tpu.memory_space<vmem_shared>> -> memref<128x128xf32, #tpu.memory_space<vmem_shared>>
      %dma_start3A_74 = arith.constant 0 : i32
      %dma_start3A_75 = tpu.memref_slice %arg12[%add3A_21, %dma_start3A_74] : memref<10240x128xf32, #tpu.memory_space<vmem_shared>> -> memref<128x128xf32, #tpu.memory_space<vmem_shared>>
      tpu.enqueue_dma source(%arg11 : memref<128x128xf32, #tpu.memory_space<vmem>>) target(%dma_start3A_75 : memref<128x128xf32, #tpu.memory_space<vmem_shared>>) target_semaphore(%run_scoped3A : memref<!tpu.dma_semaphore, #tpu.memory_space<semaphore_mem>>)
      %dma_wait3A = arith.constant 0 : i32
      %dma_wait3A_76 = tpu.memref_slice %arg12[%add3A_21, %dma_wait3A] : memref<10240x128xf32, #tpu.memory_space<vmem_shared>> -> memref<128x128xf32, #tpu.memory_space<vmem_shared>>
      %dma_wait3A_77 = arith.constant 0 : i32
      %dma_wait3A_78 = tpu.memref_slice %arg12[%add3A_21, %dma_wait3A_77] : memref<10240x128xf32, #tpu.memory_space<vmem_shared>> -> memref<128x128xf32, #tpu.memory_space<vmem_shared>>
      tpu.wait_dma2 semaphore(%run_scoped3A : memref<!tpu.dma_semaphore, #tpu.memory_space<semaphore_mem>>) src(%arg11 : memref<128x128xf32, #tpu.memory_space<vmem>>) dst(%dma_wait3A_78 : memref<128x128xf32, #tpu.memory_space<vmem_shared>>)
      tpu.yield
    }) : () -> ()
    %mul3A_22 = arith.constant 640 : i32
    %mul3A_23 = arith.muli %arg1, %mul3A_22 : i32
    %add3A_24 = arith.constant 384 : i32
    %add3A_25 = arith.addi %mul3A_23, %add3A_24 : i32
    "tpu.region"() ({
      %run_scoped3A = tpu.sem_alloc : memref<!tpu.dma_semaphore, #tpu.memory_space<semaphore_mem>>
      %dma_start3A = arith.constant 0 : i32
      %dma_start3A_73 = tpu.memref_slice %arg12[%add3A_25, %dma_start3A] : memref<10240x128xf32, #tpu.memory_space<vmem_shared>> -> memref<128x128xf32, #tpu.memory_space<vmem_shared>>
      %dma_start3A_74 = arith.constant 0 : i32
      %dma_start3A_75 = tpu.memref_slice %arg12[%add3A_25, %dma_start3A_74] : memref<10240x128xf32, #tpu.memory_space<vmem_shared>> -> memref<128x128xf32, #tpu.memory_space<vmem_shared>>
      tpu.enqueue_dma source(%arg11 : memref<128x128xf32, #tpu.memory_space<vmem>>) target(%dma_start3A_75 : memref<128x128xf32, #tpu.memory_space<vmem_shared>>) target_semaphore(%run_scoped3A : memref<!tpu.dma_semaphore, #tpu.memory_space<semaphore_mem>>)
      %dma_wait3A = arith.constant 0 : i32
      %dma_wait3A_76 = tpu.memref_slice %arg12[%add3A_25, %dma_wait3A] : memref<10240x128xf32, #tpu.memory_space<vmem_shared>> -> memref<128x128xf32, #tpu.memory_space<vmem_shared>>
      %dma_wait3A_77 = arith.constant 0 : i32
      %dma_wait3A_78 = tpu.memref_slice %arg12[%add3A_25, %dma_wait3A_77] : memref<10240x128xf32, #tpu.memory_space<vmem_shared>> -> memref<128x128xf32, #tpu.memory_space<vmem_shared>>
      tpu.wait_dma2 semaphore(%run_scoped3A : memref<!tpu.dma_semaphore, #tpu.memory_space<semaphore_mem>>) src(%arg11 : memref<128x128xf32, #tpu.memory_space<vmem>>) dst(%dma_wait3A_78 : memref<128x128xf32, #tpu.memory_space<vmem_shared>>)
      tpu.yield
    }) : () -> ()
    %mul3A_26 = arith.constant 640 : i32
    %mul3A_27 = arith.muli %arg1, %mul3A_26 : i32
    %add3A_28 = arith.constant 512 : i32
    %add3A_29 = arith.addi %mul3A_27, %add3A_28 : i32
    "tpu.region"() ({
      %run_scoped3A = tpu.sem_alloc : memref<!tpu.dma_semaphore, #tpu.memory_space<semaphore_mem>>
      %dma_start3A = arith.constant 0 : i32
      %dma_start3A_73 = tpu.memref_slice %arg12[%add3A_29, %dma_start3A] : memref<10240x128xf32, #tpu.memory_space<vmem_shared>> -> memref<128x128xf32, #tpu.memory_space<vmem_shared>>
      %dma_start3A_74 = arith.constant 0 : i32
      %dma_start3A_75 = tpu.memref_slice %arg12[%add3A_29, %dma_start3A_74] : memref<10240x128xf32, #tpu.memory_space<vmem_shared>> -> memref<128x128xf32, #tpu.memory_space<vmem_shared>>
      tpu.enqueue_dma source(%arg11 : memref<128x128xf32, #tpu.memory_space<vmem>>) target(%dma_start3A_75 : memref<128x128xf32, #tpu.memory_space<vmem_shared>>) target_semaphore(%run_scoped3A : memref<!tpu.dma_semaphore, #tpu.memory_space<semaphore_mem>>)
      %dma_wait3A = arith.constant 0 : i32
      %dma_wait3A_76 = tpu.memref_slice %arg12[%add3A_29, %dma_wait3A] : memref<10240x128xf32, #tpu.memory_space<vmem_shared>> -> memref<128x128xf32, #tpu.memory_space<vmem_shared>>
      %dma_wait3A_77 = arith.constant 0 : i32
      %dma_wait3A_78 = tpu.memref_slice %arg12[%add3A_29, %dma_wait3A_77] : memref<10240x128xf32, #tpu.memory_space<vmem_shared>> -> memref<128x128xf32, #tpu.memory_space<vmem_shared>>
      tpu.wait_dma2 semaphore(%run_scoped3A : memref<!tpu.dma_semaphore, #tpu.memory_space<semaphore_mem>>) src(%arg11 : memref<128x128xf32, #tpu.memory_space<vmem>>) dst(%dma_wait3A_78 : memref<128x128xf32, #tpu.memory_space<vmem_shared>>)
      tpu.yield
    }) : () -> ()
    %barrier3A = arith.constant 0 : index
    tpu.barrier barrier_id(%barrier3A)
    %scan3A_30 = arith.constant 0 : i32
    %scan3A_31 = arith.constant 0 : i32
    %scan3A_32 = arith.constant 125 : i32
    %scan3A_33 = arith.addi %scan3A_31, %scan3A_32 : i32
    %scan3A_34 = arith.constant 1 : i32
    %scan3A_35 = scf.for %scan3A_73 = %scan3A_31 to %scan3A_33 step %scan3A_34 iter_args(%scan3A_74 = %scan3A_30) -> (i32)  : i32 {
      %mul3A_75 = arith.constant 80 : i32
      %mul3A_76 = arith.muli %scan3A_73, %mul3A_75 : i32
      %add3A_77 = arith.addi %mul3A_2, %mul3A_76 : i32
      "tpu.region"() ({
        %run_scoped3A = tpu.sem_alloc : memref<!tpu.dma_semaphore, #tpu.memory_space<semaphore_mem>>
        %dma_start3A_96 = tpu.memref_slice %arg4[%add3A_77] : memref<320000xi32, #tpu.memory_space<hbm>> -> memref<80xi32, #tpu.memory_space<hbm>>
        %dma_start3A_97 = tpu.memref_slice %arg4[%add3A_77] : memref<320000xi32, #tpu.memory_space<hbm>> -> memref<80xi32, #tpu.memory_space<hbm>>
        tpu.enqueue_dma source(%dma_start3A_97 : memref<80xi32, #tpu.memory_space<hbm>>) target(%arg9 : memref<80xi32, #tpu.memory_space<vmem>>) target_semaphore(%run_scoped3A : memref<!tpu.dma_semaphore, #tpu.memory_space<semaphore_mem>>)
        %dma_wait3A_98 = tpu.memref_slice %arg4[%add3A_77] : memref<320000xi32, #tpu.memory_space<hbm>> -> memref<80xi32, #tpu.memory_space<hbm>>
        %dma_wait3A_99 = tpu.memref_slice %arg4[%add3A_77] : memref<320000xi32, #tpu.memory_space<hbm>> -> memref<80xi32, #tpu.memory_space<hbm>>
        tpu.wait_dma2 semaphore(%run_scoped3A : memref<!tpu.dma_semaphore, #tpu.memory_space<semaphore_mem>>) src(%dma_wait3A_99 : memref<80xi32, #tpu.memory_space<hbm>>) dst(%arg9 : memref<80xi32, #tpu.memory_space<vmem>>)
        tpu.yield
      }) : () -> ()
      "tpu.region"() ({
        %run_scoped3A = tpu.sem_alloc : memref<!tpu.dma_semaphore, #tpu.memory_space<semaphore_mem>>
        %dma_start3A_96 = tpu.memref_slice %arg5[%add3A_77] : memref<320000xi32, #tpu.memory_space<hbm>> -> memref<80xi32, #tpu.memory_space<hbm>>
        %dma_start3A_97 = tpu.memref_slice %arg5[%add3A_77] : memref<320000xi32, #tpu.memory_space<hbm>> -> memref<80xi32, #tpu.memory_space<hbm>>
        tpu.enqueue_dma source(%dma_start3A_97 : memref<80xi32, #tpu.memory_space<hbm>>) target(%arg10 : memref<80xi32, #tpu.memory_space<vmem>>) target_semaphore(%run_scoped3A : memref<!tpu.dma_semaphore, #tpu.memory_space<semaphore_mem>>)
        %dma_wait3A_98 = tpu.memref_slice %arg5[%add3A_77] : memref<320000xi32, #tpu.memory_space<hbm>> -> memref<80xi32, #tpu.memory_space<hbm>>
        %dma_wait3A_99 = tpu.memref_slice %arg5[%add3A_77] : memref<320000xi32, #tpu.memory_space<hbm>> -> memref<80xi32, #tpu.memory_space<hbm>>
        tpu.wait_dma2 semaphore(%run_scoped3A : memref<!tpu.dma_semaphore, #tpu.memory_space<semaphore_mem>>) src(%dma_wait3A_99 : memref<80xi32, #tpu.memory_space<hbm>>) dst(%arg10 : memref<80xi32, #tpu.memory_space<vmem>>)
        tpu.yield
      }) : () -> ()
      %dma_start3A = arith.constant 0 : i32
      %dma_start3A_78 = arith.constant 0 : i32
      %dma_start3A_79 = tpu.memref_slice %arg2[%dma_start3A, %dma_start3A_78] : memref<10240x128xf32, #tpu.memory_space<hbm>> -> memref<10240x128xf32, #tpu.memory_space<hbm>>
      tpu.enqueue_indirect_dma source(%dma_start3A_79 : memref<10240x128xf32, #tpu.memory_space<hbm>>) target(%arg7 : memref<80x128xf32, #tpu.memory_space<vmem>>) offsets(%arg9 : memref<80xi32, #tpu.memory_space<vmem>>) semaphore(%arg13 : memref<!tpu.dma_semaphore, #tpu.memory_space<semaphore_mem>>)
      %dma_start3A_80 = arith.constant 0 : i32
      %dma_start3A_81 = arith.constant 0 : i32
      %dma_start3A_82 = tpu.memref_slice %arg3[%dma_start3A_80, %dma_start3A_81] : memref<10240x128xf32, #tpu.memory_space<hbm>> -> memref<10240x128xf32, #tpu.memory_space<hbm>>
      tpu.enqueue_indirect_dma source(%dma_start3A_82 : memref<10240x128xf32, #tpu.memory_space<hbm>>) target(%arg8 : memref<80x128xf32, #tpu.memory_space<vmem>>) offsets(%arg10 : memref<80xi32, #tpu.memory_space<vmem>>) semaphore(%arg14 : memref<!tpu.dma_semaphore, #tpu.memory_space<semaphore_mem>>)
      %dma_wait3A = arith.constant 0 : i32
      %dma_wait3A_83 = arith.constant 0 : i32
      %dma_wait3A_84 = tpu.memref_slice %arg2[%dma_wait3A, %dma_wait3A_83] : memref<10240x128xf32, #tpu.memory_space<hbm>> -> memref<10240x128xf32, #tpu.memory_space<hbm>>
      tpu.wait_indirect_dma semaphore(%arg13 : memref<!tpu.dma_semaphore, #tpu.memory_space<semaphore_mem>>) src(%dma_wait3A_84 : memref<10240x128xf32, #tpu.memory_space<hbm>>) dst(%arg7 : memref<80x128xf32, #tpu.memory_space<vmem>>)
      %dma_wait3A_85 = arith.constant 0 : i32
      %dma_wait3A_86 = arith.constant 0 : i32
      %dma_wait3A_87 = tpu.memref_slice %arg3[%dma_wait3A_85, %dma_wait3A_86] : memref<10240x128xf32, #tpu.memory_space<hbm>> -> memref<10240x128xf32, #tpu.memory_space<hbm>>
      tpu.wait_indirect_dma semaphore(%arg14 : memref<!tpu.dma_semaphore, #tpu.memory_space<semaphore_mem>>) src(%dma_wait3A_87 : memref<10240x128xf32, #tpu.memory_space<hbm>>) dst(%arg8 : memref<80x128xf32, #tpu.memory_space<vmem>>)
      %scan3A_88 = arith.constant 0 : i32
      %scan3A_89 = arith.constant 0 : i32
      %scan3A_90 = arith.constant 80 : i32
      %scan3A_91 = arith.addi %scan3A_89, %scan3A_90 : i32
      %scan3A_92 = arith.constant 1 : i32
      %scan3A_93 = scf.for %scan3A_96 = %scan3A_89 to %scan3A_91 step %scan3A_92 iter_args(%scan3A_97 = %scan3A_88) -> (i32)  : i32 {
        %get3A = arith.index_cast %scan3A_96 : i32 to index
        %get3A_98 = arith.constant 0 : index
        %get3A_99 = tpu.vector_load %arg7[%get3A, %get3A_98] {strides = array<i32>} : memref<80x128xf32, #tpu.memory_space<vmem>>, vector<1x16xf32>,
        %get3A_100 = vector.shape_cast %get3A_99 : vector<1x16xf32> to vector<16xf32>
        %get3A_101 = arith.index_cast %scan3A_96 : i32 to index
        %get3A_102 = arith.constant 0 : index
        %get3A_103 = tpu.vector_load %arg8[%get3A_101, %get3A_102] {strides = array<i32>} : memref<80x128xf32, #tpu.memory_space<vmem>>, vector<1x16xf32>,
        %get3A_104 = vector.shape_cast %get3A_103 : vector<1x16xf32> to vector<16xf32>
        %add3A_105 = arith.addf %get3A_100, %get3A_104 : vector<16xf32>
        %mul3A_106 = arith.constant 0.00999999977 : f32
        %mul3A_107 = vector.broadcast %mul3A_106 : f32 to vector<16xf32>
        %mul3A_108 = arith.mulf %add3A_105, %mul3A_107 : vector<16xf32>
        %max3A = arith.maximumf %add3A_105, %mul3A_108 : vector<16xf32>
        %swap3A = arith.index_cast %scan3A_96 : i32 to index
        %swap3A_109 = arith.constant 0 : index
        %swap3A_110 = tpu.vector_load %arg7[%swap3A, %swap3A_109] {strides = array<i32>} : memref<80x128xf32, #tpu.memory_space<vmem>>, vector<1x16xf32>,
        %swap3A_111 = vector.shape_cast %swap3A_110 : vector<1x16xf32> to vector<16xf32>
        %swap3A_112 = vector.shape_cast %max3A : vector<16xf32> to vector<1x16xf32>
        tpu.vector_store %arg7[%swap3A, %swap3A_109], %swap3A_112 {strides = array<i32>} : memref<80x128xf32, #tpu.memory_space<vmem>>, vector<1x16xf32>,
        %get3A_113 = arith.index_cast %scan3A_96 : i32 to index
        %get3A_114 = arith.constant 16 : index
        %get3A_115 = tpu.vector_load %arg7[%get3A_113, %get3A_114] {strides = array<i32>} : memref<80x128xf32, #tpu.memory_space<vmem>>, vector<1x16xf32>,
        %get3A_116 = vector.shape_cast %get3A_115 : vector<1x16xf32> to vector<16xf32>
        %get3A_117 = arith.index_cast %scan3A_96 : i32 to index
        %get3A_118 = arith.constant 16 : index
        %get3A_119 = tpu.vector_load %arg8[%get3A_117, %get3A_118] {strides = array<i32>} : memref<80x128xf32, #tpu.memory_space<vmem>>, vector<1x16xf32>,
        %get3A_120 = vector.shape_cast %get3A_119 : vector<1x16xf32> to vector<16xf32>
        %add3A_121 = arith.addf %get3A_116, %get3A_120 : vector<16xf32>
        %mul3A_122 = arith.constant 0.00999999977 : f32
        %mul3A_123 = vector.broadcast %mul3A_122 : f32 to vector<16xf32>
        %mul3A_124 = arith.mulf %add3A_121, %mul3A_123 : vector<16xf32>
        %max3A_125 = arith.maximumf %add3A_121, %mul3A_124 : vector<16xf32>
        %swap3A_126 = arith.index_cast %scan3A_96 : i32 to index
        %swap3A_127 = arith.constant 16 : index
        %swap3A_128 = tpu.vector_load %arg7[%swap3A_126, %swap3A_127] {strides = array<i32>} : memref<80x128xf32, #tpu.memory_space<vmem>>, vector<1x16xf32>,
        %swap3A_129 = vector.shape_cast %swap3A_128 : vector<1x16xf32> to vector<16xf32>
        %swap3A_130 = vector.shape_cast %max3A_125 : vector<16xf32> to vector<1x16xf32>
        tpu.vector_store %arg7[%swap3A_126, %swap3A_127], %swap3A_130 {strides = array<i32>} : memref<80x128xf32, #tpu.memory_space<vmem>>, vector<1x16xf32>,
        %get3A_131 = arith.index_cast %scan3A_96 : i32 to index
        %get3A_132 = arith.constant 32 : index
        %get3A_133 = tpu.vector_load %arg7[%get3A_131, %get3A_132] {strides = array<i32>} : memref<80x128xf32, #tpu.memory_space<vmem>>, vector<1x16xf32>,
        %get3A_134 = vector.shape_cast %get3A_133 : vector<1x16xf32> to vector<16xf32>
        %get3A_135 = arith.index_cast %scan3A_96 : i32 to index
        %get3A_136 = arith.constant 32 : index
        %get3A_137 = tpu.vector_load %arg8[%get3A_135, %get3A_136] {strides = array<i32>} : memref<80x128xf32, #tpu.memory_space<vmem>>, vector<1x16xf32>,
        %get3A_138 = vector.shape_cast %get3A_137 : vector<1x16xf32> to vector<16xf32>
        %add3A_139 = arith.addf %get3A_134, %get3A_138 : vector<16xf32>
        %mul3A_140 = arith.constant 0.00999999977 : f32
        %mul3A_141 = vector.broadcast %mul3A_140 : f32 to vector<16xf32>
        %mul3A_142 = arith.mulf %add3A_139, %mul3A_141 : vector<16xf32>
        %max3A_143 = arith.maximumf %add3A_139, %mul3A_142 : vector<16xf32>
        %swap3A_144 = arith.index_cast %scan3A_96 : i32 to index
        %swap3A_145 = arith.constant 32 : index
        %swap3A_146 = tpu.vector_load %arg7[%swap3A_144, %swap3A_145] {strides = array<i32>} : memref<80x128xf32, #tpu.memory_space<vmem>>, vector<1x16xf32>,
        %swap3A_147 = vector.shape_cast %swap3A_146 : vector<1x16xf32> to vector<16xf32>
        %swap3A_148 = vector.shape_cast %max3A_143 : vector<16xf32> to vector<1x16xf32>
        tpu.vector_store %arg7[%swap3A_144, %swap3A_145], %swap3A_148 {strides = array<i32>} : memref<80x128xf32, #tpu.memory_space<vmem>>, vector<1x16xf32>,
        %get3A_149 = arith.index_cast %scan3A_96 : i32 to index
        %get3A_150 = arith.constant 48 : index
        %get3A_151 = tpu.vector_load %arg7[%get3A_149, %get3A_150] {strides = array<i32>} : memref<80x128xf32, #tpu.memory_space<vmem>>, vector<1x16xf32>,
        %get3A_152 = vector.shape_cast %get3A_151 : vector<1x16xf32> to vector<16xf32>
        %get3A_153 = arith.index_cast %scan3A_96 : i32 to index
        %get3A_154 = arith.constant 48 : index
        %get3A_155 = tpu.vector_load %arg8[%get3A_153, %get3A_154] {strides = array<i32>} : memref<80x128xf32, #tpu.memory_space<vmem>>, vector<1x16xf32>,
        %get3A_156 = vector.shape_cast %get3A_155 : vector<1x16xf32> to vector<16xf32>
        %add3A_157 = arith.addf %get3A_152, %get3A_156 : vector<16xf32>
        %mul3A_158 = arith.constant 0.00999999977 : f32
        %mul3A_159 = vector.broadcast %mul3A_158 : f32 to vector<16xf32>
        %mul3A_160 = arith.mulf %add3A_157, %mul3A_159 : vector<16xf32>
        %max3A_161 = arith.maximumf %add3A_157, %mul3A_160 : vector<16xf32>
        %swap3A_162 = arith.index_cast %scan3A_96 : i32 to index
        %swap3A_163 = arith.constant 48 : index
        %swap3A_164 = tpu.vector_load %arg7[%swap3A_162, %swap3A_163] {strides = array<i32>} : memref<80x128xf32, #tpu.memory_space<vmem>>, vector<1x16xf32>,
        %swap3A_165 = vector.shape_cast %swap3A_164 : vector<1x16xf32> to vector<16xf32>
        %swap3A_166 = vector.shape_cast %max3A_161 : vector<16xf32> to vector<1x16xf32>
        tpu.vector_store %arg7[%swap3A_162, %swap3A_163], %swap3A_166 {strides = array<i32>} : memref<80x128xf32, #tpu.memory_space<vmem>>, vector<1x16xf32>,
        %get3A_167 = arith.index_cast %scan3A_96 : i32 to index
        %get3A_168 = arith.constant 64 : index
        %get3A_169 = tpu.vector_load %arg7[%get3A_167, %get3A_168] {strides = array<i32>} : memref<80x128xf32, #tpu.memory_space<vmem>>, vector<1x16xf32>,
        %get3A_170 = vector.shape_cast %get3A_169 : vector<1x16xf32> to vector<16xf32>
        %get3A_171 = arith.index_cast %scan3A_96 : i32 to index
        %get3A_172 = arith.constant 64 : index
        %get3A_173 = tpu.vector_load %arg8[%get3A_171, %get3A_172] {strides = array<i32>} : memref<80x128xf32, #tpu.memory_space<vmem>>, vector<1x16xf32>,
        %get3A_174 = vector.shape_cast %get3A_173 : vector<1x16xf32> to vector<16xf32>
        %add3A_175 = arith.addf %get3A_170, %get3A_174 : vector<16xf32>
        %mul3A_176 = arith.constant 0.00999999977 : f32
        %mul3A_177 = vector.broadcast %mul3A_176 : f32 to vector<16xf32>
        %mul3A_178 = arith.mulf %add3A_175, %mul3A_177 : vector<16xf32>
        %max3A_179 = arith.maximumf %add3A_175, %mul3A_178 : vector<16xf32>
        %swap3A_180 = arith.index_cast %scan3A_96 : i32 to index
        %swap3A_181 = arith.constant 64 : index
        %swap3A_182 = tpu.vector_load %arg7[%swap3A_180, %swap3A_181] {strides = array<i32>} : memref<80x128xf32, #tpu.memory_space<vmem>>, vector<1x16xf32>,
        %swap3A_183 = vector.shape_cast %swap3A_182 : vector<1x16xf32> to vector<16xf32>
        %swap3A_184 = vector.shape_cast %max3A_179 : vector<16xf32> to vector<1x16xf32>
        tpu.vector_store %arg7[%swap3A_180, %swap3A_181], %swap3A_184 {strides = array<i32>} : memref<80x128xf32, #tpu.memory_space<vmem>>, vector<1x16xf32>,
        %get3A_185 = arith.index_cast %scan3A_96 : i32 to index
        %get3A_186 = arith.constant 80 : index
        %get3A_187 = tpu.vector_load %arg7[%get3A_185, %get3A_186] {strides = array<i32>} : memref<80x128xf32, #tpu.memory_space<vmem>>, vector<1x16xf32>,
        %get3A_188 = vector.shape_cast %get3A_187 : vector<1x16xf32> to vector<16xf32>
        %get3A_189 = arith.index_cast %scan3A_96 : i32 to index
        %get3A_190 = arith.constant 80 : index
        %get3A_191 = tpu.vector_load %arg8[%get3A_189, %get3A_190] {strides = array<i32>} : memref<80x128xf32, #tpu.memory_space<vmem>>, vector<1x16xf32>,
        %get3A_192 = vector.shape_cast %get3A_191 : vector<1x16xf32> to vector<16xf32>
        %add3A_193 = arith.addf %get3A_188, %get3A_192 : vector<16xf32>
        %mul3A_194 = arith.constant 0.00999999977 : f32
        %mul3A_195 = vector.broadcast %mul3A_194 : f32 to vector<16xf32>
        %mul3A_196 = arith.mulf %add3A_193, %mul3A_195 : vector<16xf32>
        %max3A_197 = arith.maximumf %add3A_193, %mul3A_196 : vector<16xf32>
        %swap3A_198 = arith.index_cast %scan3A_96 : i32 to index
        %swap3A_199 = arith.constant 80 : index
        %swap3A_200 = tpu.vector_load %arg7[%swap3A_198, %swap3A_199] {strides = array<i32>} : memref<80x128xf32, #tpu.memory_space<vmem>>, vector<1x16xf32>,
        %swap3A_201 = vector.shape_cast %swap3A_200 : vector<1x16xf32> to vector<16xf32>
        %swap3A_202 = vector.shape_cast %max3A_197 : vector<16xf32> to vector<1x16xf32>
        tpu.vector_store %arg7[%swap3A_198, %swap3A_199], %swap3A_202 {strides = array<i32>} : memref<80x128xf32, #tpu.memory_space<vmem>>, vector<1x16xf32>,
        %get3A_203 = arith.index_cast %scan3A_96 : i32 to index
        %get3A_204 = arith.constant 96 : index
        %get3A_205 = tpu.vector_load %arg7[%get3A_203, %get3A_204] {strides = array<i32>} : memref<80x128xf32, #tpu.memory_space<vmem>>, vector<1x16xf32>,
        %get3A_206 = vector.shape_cast %get3A_205 : vector<1x16xf32> to vector<16xf32>
        %get3A_207 = arith.index_cast %scan3A_96 : i32 to index
        %get3A_208 = arith.constant 96 : index
        %get3A_209 = tpu.vector_load %arg8[%get3A_207, %get3A_208] {strides = array<i32>} : memref<80x128xf32, #tpu.memory_space<vmem>>, vector<1x16xf32>,
        %get3A_210 = vector.shape_cast %get3A_209 : vector<1x16xf32> to vector<16xf32>
        %add3A_211 = arith.addf %get3A_206, %get3A_210 : vector<16xf32>
        %mul3A_212 = arith.constant 0.00999999977 : f32
        %mul3A_213 = vector.broadcast %mul3A_212 : f32 to vector<16xf32>
        %mul3A_214 = arith.mulf %add3A_211, %mul3A_213 : vector<16xf32>
        %max3A_215 = arith.maximumf %add3A_211, %mul3A_214 : vector<16xf32>
        %swap3A_216 = arith.index_cast %scan3A_96 : i32 to index
        %swap3A_217 = arith.constant 96 : index
        %swap3A_218 = tpu.vector_load %arg7[%swap3A_216, %swap3A_217] {strides = array<i32>} : memref<80x128xf32, #tpu.memory_space<vmem>>, vector<1x16xf32>,
        %swap3A_219 = vector.shape_cast %swap3A_218 : vector<1x16xf32> to vector<16xf32>
        %swap3A_220 = vector.shape_cast %max3A_215 : vector<16xf32> to vector<1x16xf32>
        tpu.vector_store %arg7[%swap3A_216, %swap3A_217], %swap3A_220 {strides = array<i32>} : memref<80x128xf32, #tpu.memory_space<vmem>>, vector<1x16xf32>,
        %get3A_221 = arith.index_cast %scan3A_96 : i32 to index
        %get3A_222 = arith.constant 112 : index
        %get3A_223 = tpu.vector_load %arg7[%get3A_221, %get3A_222] {strides = array<i32>} : memref<80x128xf32, #tpu.memory_space<vmem>>, vector<1x16xf32>,
        %get3A_224 = vector.shape_cast %get3A_223 : vector<1x16xf32> to vector<16xf32>
        %get3A_225 = arith.index_cast %scan3A_96 : i32 to index
        %get3A_226 = arith.constant 112 : index
        %get3A_227 = tpu.vector_load %arg8[%get3A_225, %get3A_226] {strides = array<i32>} : memref<80x128xf32, #tpu.memory_space<vmem>>, vector<1x16xf32>,
        %get3A_228 = vector.shape_cast %get3A_227 : vector<1x16xf32> to vector<16xf32>
        %add3A_229 = arith.addf %get3A_224, %get3A_228 : vector<16xf32>
        %mul3A_230 = arith.constant 0.00999999977 : f32
        %mul3A_231 = vector.broadcast %mul3A_230 : f32 to vector<16xf32>
        %mul3A_232 = arith.mulf %add3A_229, %mul3A_231 : vector<16xf32>
        %max3A_233 = arith.maximumf %add3A_229, %mul3A_232 : vector<16xf32>
        %swap3A_234 = arith.index_cast %scan3A_96 : i32 to index
        %swap3A_235 = arith.constant 112 : index
        %swap3A_236 = tpu.vector_load %arg7[%swap3A_234, %swap3A_235] {strides = array<i32>} : memref<80x128xf32, #tpu.memory_space<vmem>>, vector<1x16xf32>,
        %swap3A_237 = vector.shape_cast %swap3A_236 : vector<1x16xf32> to vector<16xf32>
        %swap3A_238 = vector.shape_cast %max3A_233 : vector<16xf32> to vector<1x16xf32>
        tpu.vector_store %arg7[%swap3A_234, %swap3A_235], %swap3A_238 {strides = array<i32>} : memref<80x128xf32, #tpu.memory_space<vmem>>, vector<1x16xf32>,
        %scan3A_239 = arith.constant 0 : i32
        scf.yield %scan3A_239 : i32
      }
      %scan3A_94 = arith.constant 80 : i32
      "tpu.region"() ({
        %run_scoped3A = tpu.sem_alloc : memref<!tpu.dma_semaphore, #tpu.memory_space<semaphore_mem>>
        %dma_start3A_96 = arith.constant 0 : i32
        %dma_start3A_97 = arith.constant 0 : i32
        %dma_start3A_98 = tpu.memref_slice %arg12[%dma_start3A_96, %dma_start3A_97] : memref<10240x128xf32, #tpu.memory_space<vmem_shared>> -> memref<10240x128xf32, #tpu.memory_space<vmem_shared>>
        tpu.enqueue_indirect_dma source(%arg7 : memref<80x128xf32, #tpu.memory_space<vmem>>) target(%dma_start3A_98 : memref<10240x128xf32, #tpu.memory_space<vmem_shared>>) offsets(%arg9 : memref<80xi32, #tpu.memory_space<vmem>>) semaphore(%run_scoped3A : memref<!tpu.dma_semaphore, #tpu.memory_space<semaphore_mem>>) {add = true}
        %dma_wait3A_99 = arith.constant 0 : i32
        %dma_wait3A_100 = arith.constant 0 : i32
        %dma_wait3A_101 = tpu.memref_slice %arg12[%dma_wait3A_99, %dma_wait3A_100] : memref<10240x128xf32, #tpu.memory_space<vmem_shared>> -> memref<10240x128xf32, #tpu.memory_space<vmem_shared>>
        tpu.wait_indirect_dma semaphore(%run_scoped3A : memref<!tpu.dma_semaphore, #tpu.memory_space<semaphore_mem>>) src(%arg7 : memref<80x128xf32, #tpu.memory_space<vmem>>) dst(%dma_wait3A_101 : memref<10240x128xf32, #tpu.memory_space<vmem_shared>>)
        tpu.yield
      }) : () -> ()
      %scan3A_95 = arith.constant 0 : i32
      scf.yield %scan3A_95 : i32
    }
    %scan3A_36 = arith.constant 125 : i32
    %barrier3A_37 = arith.constant 0 : index
    tpu.barrier barrier_id(%barrier3A_37)
    %mul3A_38 = arith.constant 640 : i32
    %mul3A_39 = arith.muli %arg1, %mul3A_38 : i32
    %add3A_40 = arith.constant 0 : i32
    %add3A_41 = arith.addi %mul3A_39, %add3A_40 : i32
    "tpu.region"() ({
      %run_scoped3A = tpu.sem_alloc : memref<!tpu.dma_semaphore, #tpu.memory_space<semaphore_mem>>
      %dma_start3A = arith.constant 0 : i32
      %dma_start3A_73 = tpu.memref_slice %arg12[%add3A_41, %dma_start3A] : memref<10240x128xf32, #tpu.memory_space<vmem_shared>> -> memref<128x128xf32, #tpu.memory_space<vmem_shared>>
      %dma_start3A_74 = arith.constant 0 : i32
      %dma_start3A_75 = tpu.memref_slice %arg12[%add3A_41, %dma_start3A_74] : memref<10240x128xf32, #tpu.memory_space<vmem_shared>> -> memref<128x128xf32, #tpu.memory_space<vmem_shared>>
      tpu.enqueue_dma source(%dma_start3A_75 : memref<128x128xf32, #tpu.memory_space<vmem_shared>>) target(%arg11 : memref<128x128xf32, #tpu.memory_space<vmem>>) target_semaphore(%run_scoped3A : memref<!tpu.dma_semaphore, #tpu.memory_space<semaphore_mem>>)
      %dma_wait3A = arith.constant 0 : i32
      %dma_wait3A_76 = tpu.memref_slice %arg12[%add3A_41, %dma_wait3A] : memref<10240x128xf32, #tpu.memory_space<vmem_shared>> -> memref<128x128xf32, #tpu.memory_space<vmem_shared>>
      %dma_wait3A_77 = arith.constant 0 : i32
      %dma_wait3A_78 = tpu.memref_slice %arg12[%add3A_41, %dma_wait3A_77] : memref<10240x128xf32, #tpu.memory_space<vmem_shared>> -> memref<128x128xf32, #tpu.memory_space<vmem_shared>>
      tpu.wait_dma2 semaphore(%run_scoped3A : memref<!tpu.dma_semaphore, #tpu.memory_space<semaphore_mem>>) src(%dma_wait3A_78 : memref<128x128xf32, #tpu.memory_space<vmem_shared>>) dst(%arg11 : memref<128x128xf32, #tpu.memory_space<vmem>>)
      tpu.yield
    }) : () -> ()
    %mul3A_42 = arith.constant 10240 : i32
    %mul3A_43 = arith.muli %arg0, %mul3A_42 : i32
    %add3A_44 = arith.addi %mul3A_43, %add3A_41 : i32
    "tpu.region"() ({
      %run_scoped3A = tpu.sem_alloc : memref<!tpu.dma_semaphore, #tpu.memory_space<semaphore_mem>>
      %dma_start3A = arith.constant 0 : i32
      %dma_start3A_73 = tpu.memref_slice %arg6[%add3A_44, %dma_start3A] : memref<20480x128xf32, #tpu.memory_space<hbm>> -> memref<128x128xf32, #tpu.memory_space<hbm>>
      %dma_start3A_74 = arith.constant 0 : i32
      %dma_start3A_75 = tpu.memref_slice %arg6[%add3A_44, %dma_start3A_74] : memref<20480x128xf32, #tpu.memory_space<hbm>> -> memref<128x128xf32, #tpu.memory_space<hbm>>
      tpu.enqueue_dma source(%arg11 : memref<128x128xf32, #tpu.memory_space<vmem>>) target(%dma_start3A_75 : memref<128x128xf32, #tpu.memory_space<hbm>>) target_semaphore(%run_scoped3A : memref<!tpu.dma_semaphore, #tpu.memory_space<semaphore_mem>>)
      %dma_wait3A = arith.constant 0 : i32
      %dma_wait3A_76 = tpu.memref_slice %arg6[%add3A_44, %dma_wait3A] : memref<20480x128xf32, #tpu.memory_space<hbm>> -> memref<128x128xf32, #tpu.memory_space<hbm>>
      %dma_wait3A_77 = arith.constant 0 : i32
      %dma_wait3A_78 = tpu.memref_slice %arg6[%add3A_44, %dma_wait3A_77] : memref<20480x128xf32, #tpu.memory_space<hbm>> -> memref<128x128xf32, #tpu.memory_space<hbm>>
      tpu.wait_dma2 semaphore(%run_scoped3A : memref<!tpu.dma_semaphore, #tpu.memory_space<semaphore_mem>>) src(%arg11 : memref<128x128xf32, #tpu.memory_space<vmem>>) dst(%dma_wait3A_78 : memref<128x128xf32, #tpu.memory_space<hbm>>)
      tpu.yield
    }) : () -> ()
    %mul3A_45 = arith.constant 640 : i32
    %mul3A_46 = arith.muli %arg1, %mul3A_45 : i32
    %add3A_47 = arith.constant 128 : i32
    %add3A_48 = arith.addi %mul3A_46, %add3A_47 : i32
    "tpu.region"() ({
      %run_scoped3A = tpu.sem_alloc : memref<!tpu.dma_semaphore, #tpu.memory_space<semaphore_mem>>
      %dma_start3A = arith.constant 0 : i32
      %dma_start3A_73 = tpu.memref_slice %arg12[%add3A_48, %dma_start3A] : memref<10240x128xf32, #tpu.memory_space<vmem_shared>> -> memref<128x128xf32, #tpu.memory_space<vmem_shared>>
      %dma_start3A_74 = arith.constant 0 : i32
      %dma_start3A_75 = tpu.memref_slice %arg12[%add3A_48, %dma_start3A_74] : memref<10240x128xf32, #tpu.memory_space<vmem_shared>> -> memref<128x128xf32, #tpu.memory_space<vmem_shared>>
      tpu.enqueue_dma source(%dma_start3A_75 : memref<128x128xf32, #tpu.memory_space<vmem_shared>>) target(%arg11 : memref<128x128xf32, #tpu.memory_space<vmem>>) target_semaphore(%run_scoped3A : memref<!tpu.dma_semaphore, #tpu.memory_space<semaphore_mem>>)
      %dma_wait3A = arith.constant 0 : i32
      %dma_wait3A_76 = tpu.memref_slice %arg12[%add3A_48, %dma_wait3A] : memref<10240x128xf32, #tpu.memory_space<vmem_shared>> -> memref<128x128xf32, #tpu.memory_space<vmem_shared>>
      %dma_wait3A_77 = arith.constant 0 : i32
      %dma_wait3A_78 = tpu.memref_slice %arg12[%add3A_48, %dma_wait3A_77] : memref<10240x128xf32, #tpu.memory_space<vmem_shared>> -> memref<128x128xf32, #tpu.memory_space<vmem_shared>>
      tpu.wait_dma2 semaphore(%run_scoped3A : memref<!tpu.dma_semaphore, #tpu.memory_space<semaphore_mem>>) src(%dma_wait3A_78 : memref<128x128xf32, #tpu.memory_space<vmem_shared>>) dst(%arg11 : memref<128x128xf32, #tpu.memory_space<vmem>>)
      tpu.yield
    }) : () -> ()
    %mul3A_49 = arith.constant 10240 : i32
    %mul3A_50 = arith.muli %arg0, %mul3A_49 : i32
    %add3A_51 = arith.addi %mul3A_50, %add3A_48 : i32
    "tpu.region"() ({
      %run_scoped3A = tpu.sem_alloc : memref<!tpu.dma_semaphore, #tpu.memory_space<semaphore_mem>>
      %dma_start3A = arith.constant 0 : i32
      %dma_start3A_73 = tpu.memref_slice %arg6[%add3A_51, %dma_start3A] : memref<20480x128xf32, #tpu.memory_space<hbm>> -> memref<128x128xf32, #tpu.memory_space<hbm>>
      %dma_start3A_74 = arith.constant 0 : i32
      %dma_start3A_75 = tpu.memref_slice %arg6[%add3A_51, %dma_start3A_74] : memref<20480x128xf32, #tpu.memory_space<hbm>> -> memref<128x128xf32, #tpu.memory_space<hbm>>
      tpu.enqueue_dma source(%arg11 : memref<128x128xf32, #tpu.memory_space<vmem>>) target(%dma_start3A_75 : memref<128x128xf32, #tpu.memory_space<hbm>>) target_semaphore(%run_scoped3A : memref<!tpu.dma_semaphore, #tpu.memory_space<semaphore_mem>>)
      %dma_wait3A = arith.constant 0 : i32
      %dma_wait3A_76 = tpu.memref_slice %arg6[%add3A_51, %dma_wait3A] : memref<20480x128xf32, #tpu.memory_space<hbm>> -> memref<128x128xf32, #tpu.memory_space<hbm>>
      %dma_wait3A_77 = arith.constant 0 : i32
      %dma_wait3A_78 = tpu.memref_slice %arg6[%add3A_51, %dma_wait3A_77] : memref<20480x128xf32, #tpu.memory_space<hbm>> -> memref<128x128xf32, #tpu.memory_space<hbm>>
      tpu.wait_dma2 semaphore(%run_scoped3A : memref<!tpu.dma_semaphore, #tpu.memory_space<semaphore_mem>>) src(%arg11 : memref<128x128xf32, #tpu.memory_space<vmem>>) dst(%dma_wait3A_78 : memref<128x128xf32, #tpu.memory_space<hbm>>)
      tpu.yield
    }) : () -> ()
    %mul3A_52 = arith.constant 640 : i32
    %mul3A_53 = arith.muli %arg1, %mul3A_52 : i32
    %add3A_54 = arith.constant 256 : i32
    %add3A_55 = arith.addi %mul3A_53, %add3A_54 : i32
    "tpu.region"() ({
      %run_scoped3A = tpu.sem_alloc : memref<!tpu.dma_semaphore, #tpu.memory_space<semaphore_mem>>
      %dma_start3A = arith.constant 0 : i32
      %dma_start3A_73 = tpu.memref_slice %arg12[%add3A_55, %dma_start3A] : memref<10240x128xf32, #tpu.memory_space<vmem_shared>> -> memref<128x128xf32, #tpu.memory_space<vmem_shared>>
      %dma_start3A_74 = arith.constant 0 : i32
      %dma_start3A_75 = tpu.memref_slice %arg12[%add3A_55, %dma_start3A_74] : memref<10240x128xf32, #tpu.memory_space<vmem_shared>> -> memref<128x128xf32, #tpu.memory_space<vmem_shared>>
      tpu.enqueue_dma source(%dma_start3A_75 : memref<128x128xf32, #tpu.memory_space<vmem_shared>>) target(%arg11 : memref<128x128xf32, #tpu.memory_space<vmem>>) target_semaphore(%run_scoped3A : memref<!tpu.dma_semaphore, #tpu.memory_space<semaphore_mem>>)
      %dma_wait3A = arith.constant 0 : i32
      %dma_wait3A_76 = tpu.memref_slice %arg12[%add3A_55, %dma_wait3A] : memref<10240x128xf32, #tpu.memory_space<vmem_shared>> -> memref<128x128xf32, #tpu.memory_space<vmem_shared>>
      %dma_wait3A_77 = arith.constant 0 : i32
      %dma_wait3A_78 = tpu.memref_slice %arg12[%add3A_55, %dma_wait3A_77] : memref<10240x128xf32, #tpu.memory_space<vmem_shared>> -> memref<128x128xf32, #tpu.memory_space<vmem_shared>>
      tpu.wait_dma2 semaphore(%run_scoped3A : memref<!tpu.dma_semaphore, #tpu.memory_space<semaphore_mem>>) src(%dma_wait3A_78 : memref<128x128xf32, #tpu.memory_space<vmem_shared>>) dst(%arg11 : memref<128x128xf32, #tpu.memory_space<vmem>>)
      tpu.yield
    }) : () -> ()
    %mul3A_56 = arith.constant 10240 : i32
    %mul3A_57 = arith.muli %arg0, %mul3A_56 : i32
    %add3A_58 = arith.addi %mul3A_57, %add3A_55 : i32
    "tpu.region"() ({
      %run_scoped3A = tpu.sem_alloc : memref<!tpu.dma_semaphore, #tpu.memory_space<semaphore_mem>>
      %dma_start3A = arith.constant 0 : i32
      %dma_start3A_73 = tpu.memref_slice %arg6[%add3A_58, %dma_start3A] : memref<20480x128xf32, #tpu.memory_space<hbm>> -> memref<128x128xf32, #tpu.memory_space<hbm>>
      %dma_start3A_74 = arith.constant 0 : i32
      %dma_start3A_75 = tpu.memref_slice %arg6[%add3A_58, %dma_start3A_74] : memref<20480x128xf32, #tpu.memory_space<hbm>> -> memref<128x128xf32, #tpu.memory_space<hbm>>
      tpu.enqueue_dma source(%arg11 : memref<128x128xf32, #tpu.memory_space<vmem>>) target(%dma_start3A_75 : memref<128x128xf32, #tpu.memory_space<hbm>>) target_semaphore(%run_scoped3A : memref<!tpu.dma_semaphore, #tpu.memory_space<semaphore_mem>>)
      %dma_wait3A = arith.constant 0 : i32
      %dma_wait3A_76 = tpu.memref_slice %arg6[%add3A_58, %dma_wait3A] : memref<20480x128xf32, #tpu.memory_space<hbm>> -> memref<128x128xf32, #tpu.memory_space<hbm>>
      %dma_wait3A_77 = arith.constant 0 : i32
      %dma_wait3A_78 = tpu.memref_slice %arg6[%add3A_58, %dma_wait3A_77] : memref<20480x128xf32, #tpu.memory_space<hbm>> -> memref<128x128xf32, #tpu.memory_space<hbm>>
      tpu.wait_dma2 semaphore(%run_scoped3A : memref<!tpu.dma_semaphore, #tpu.memory_space<semaphore_mem>>) src(%arg11 : memref<128x128xf32, #tpu.memory_space<vmem>>) dst(%dma_wait3A_78 : memref<128x128xf32, #tpu.memory_space<hbm>>)
      tpu.yield
    }) : () -> ()
    %mul3A_59 = arith.constant 640 : i32
    %mul3A_60 = arith.muli %arg1, %mul3A_59 : i32
    %add3A_61 = arith.constant 384 : i32
    %add3A_62 = arith.addi %mul3A_60, %add3A_61 : i32
    "tpu.region"() ({
      %run_scoped3A = tpu.sem_alloc : memref<!tpu.dma_semaphore, #tpu.memory_space<semaphore_mem>>
      %dma_start3A = arith.constant 0 : i32
      %dma_start3A_73 = tpu.memref_slice %arg12[%add3A_62, %dma_start3A] : memref<10240x128xf32, #tpu.memory_space<vmem_shared>> -> memref<128x128xf32, #tpu.memory_space<vmem_shared>>
      %dma_start3A_74 = arith.constant 0 : i32
      %dma_start3A_75 = tpu.memref_slice %arg12[%add3A_62, %dma_start3A_74] : memref<10240x128xf32, #tpu.memory_space<vmem_shared>> -> memref<128x128xf32, #tpu.memory_space<vmem_shared>>
      tpu.enqueue_dma source(%dma_start3A_75 : memref<128x128xf32, #tpu.memory_space<vmem_shared>>) target(%arg11 : memref<128x128xf32, #tpu.memory_space<vmem>>) target_semaphore(%run_scoped3A : memref<!tpu.dma_semaphore, #tpu.memory_space<semaphore_mem>>)
      %dma_wait3A = arith.constant 0 : i32
      %dma_wait3A_76 = tpu.memref_slice %arg12[%add3A_62, %dma_wait3A] : memref<10240x128xf32, #tpu.memory_space<vmem_shared>> -> memref<128x128xf32, #tpu.memory_space<vmem_shared>>
      %dma_wait3A_77 = arith.constant 0 : i32
      %dma_wait3A_78 = tpu.memref_slice %arg12[%add3A_62, %dma_wait3A_77] : memref<10240x128xf32, #tpu.memory_space<vmem_shared>> -> memref<128x128xf32, #tpu.memory_space<vmem_shared>>
      tpu.wait_dma2 semaphore(%run_scoped3A : memref<!tpu.dma_semaphore, #tpu.memory_space<semaphore_mem>>) src(%dma_wait3A_78 : memref<128x128xf32, #tpu.memory_space<vmem_shared>>) dst(%arg11 : memref<128x128xf32, #tpu.memory_space<vmem>>)
      tpu.yield
    }) : () -> ()
    %mul3A_63 = arith.constant 10240 : i32
    %mul3A_64 = arith.muli %arg0, %mul3A_63 : i32
    %add3A_65 = arith.addi %mul3A_64, %add3A_62 : i32
    "tpu.region"() ({
      %run_scoped3A = tpu.sem_alloc : memref<!tpu.dma_semaphore, #tpu.memory_space<semaphore_mem>>
      %dma_start3A = arith.constant 0 : i32
      %dma_start3A_73 = tpu.memref_slice %arg6[%add3A_65, %dma_start3A] : memref<20480x128xf32, #tpu.memory_space<hbm>> -> memref<128x128xf32, #tpu.memory_space<hbm>>
      %dma_start3A_74 = arith.constant 0 : i32
      %dma_start3A_75 = tpu.memref_slice %arg6[%add3A_65, %dma_start3A_74] : memref<20480x128xf32, #tpu.memory_space<hbm>> -> memref<128x128xf32, #tpu.memory_space<hbm>>
      tpu.enqueue_dma source(%arg11 : memref<128x128xf32, #tpu.memory_space<vmem>>) target(%dma_start3A_75 : memref<128x128xf32, #tpu.memory_space<hbm>>) target_semaphore(%run_scoped3A : memref<!tpu.dma_semaphore, #tpu.memory_space<semaphore_mem>>)
      %dma_wait3A = arith.constant 0 : i32
      %dma_wait3A_76 = tpu.memref_slice %arg6[%add3A_65, %dma_wait3A] : memref<20480x128xf32, #tpu.memory_space<hbm>> -> memref<128x128xf32, #tpu.memory_space<hbm>>
      %dma_wait3A_77 = arith.constant 0 : i32
      %dma_wait3A_78 = tpu.memref_slice %arg6[%add3A_65, %dma_wait3A_77] : memref<20480x128xf32, #tpu.memory_space<hbm>> -> memref<128x128xf32, #tpu.memory_space<hbm>>
      tpu.wait_dma2 semaphore(%run_scoped3A : memref<!tpu.dma_semaphore, #tpu.memory_space<semaphore_mem>>) src(%arg11 : memref<128x128xf32, #tpu.memory_space<vmem>>) dst(%dma_wait3A_78 : memref<128x128xf32, #tpu.memory_space<hbm>>)
      tpu.yield
    }) : () -> ()
    %mul3A_66 = arith.constant 640 : i32
    %mul3A_67 = arith.muli %arg1, %mul3A_66 : i32
    %add3A_68 = arith.constant 512 : i32
    %add3A_69 = arith.addi %mul3A_67, %add3A_68 : i32
    "tpu.region"() ({
      %run_scoped3A = tpu.sem_alloc : memref<!tpu.dma_semaphore, #tpu.memory_space<semaphore_mem>>
      %dma_start3A = arith.constant 0 : i32
      %dma_start3A_73 = tpu.memref_slice %arg12[%add3A_69, %dma_start3A] : memref<10240x128xf32, #tpu.memory_space<vmem_shared>> -> memref<128x128xf32, #tpu.memory_space<vmem_shared>>
      %dma_start3A_74 = arith.constant 0 : i32
      %dma_start3A_75 = tpu.memref_slice %arg12[%add3A_69, %dma_start3A_74] : memref<10240x128xf32, #tpu.memory_space<vmem_shared>> -> memref<128x128xf32, #tpu.memory_space<vmem_shared>>
      tpu.enqueue_dma source(%dma_start3A_75 : memref<128x128xf32, #tpu.memory_space<vmem_shared>>) target(%arg11 : memref<128x128xf32, #tpu.memory_space<vmem>>) target_semaphore(%run_scoped3A : memref<!tpu.dma_semaphore, #tpu.memory_space<semaphore_mem>>)
      %dma_wait3A = arith.constant 0 : i32
      %dma_wait3A_76 = tpu.memref_slice %arg12[%add3A_69, %dma_wait3A] : memref<10240x128xf32, #tpu.memory_space<vmem_shared>> -> memref<128x128xf32, #tpu.memory_space<vmem_shared>>
      %dma_wait3A_77 = arith.constant 0 : i32
      %dma_wait3A_78 = tpu.memref_slice %arg12[%add3A_69, %dma_wait3A_77] : memref<10240x128xf32, #tpu.memory_space<vmem_shared>> -> memref<128x128xf32, #tpu.memory_space<vmem_shared>>
      tpu.wait_dma2 semaphore(%run_scoped3A : memref<!tpu.dma_semaphore, #tpu.memory_space<semaphore_mem>>) src(%dma_wait3A_78 : memref<128x128xf32, #tpu.memory_space<vmem_shared>>) dst(%arg11 : memref<128x128xf32, #tpu.memory_space<vmem>>)
      tpu.yield
    }) : () -> ()
    %mul3A_70 = arith.constant 10240 : i32
    %mul3A_71 = arith.muli %arg0, %mul3A_70 : i32
    %add3A_72 = arith.addi %mul3A_71, %add3A_69 : i32
    "tpu.region"() ({
      %run_scoped3A = tpu.sem_alloc : memref<!tpu.dma_semaphore, #tpu.memory_space<semaphore_mem>>
      %dma_start3A = arith.constant 0 : i32
      %dma_start3A_73 = tpu.memref_slice %arg6[%add3A_72, %dma_start3A] : memref<20480x128xf32, #tpu.memory_space<hbm>> -> memref<128x128xf32, #tpu.memory_space<hbm>>
      %dma_start3A_74 = arith.constant 0 : i32
      %dma_start3A_75 = tpu.memref_slice %arg6[%add3A_72, %dma_start3A_74] : memref<20480x128xf32, #tpu.memory_space<hbm>> -> memref<128x128xf32, #tpu.memory_space<hbm>>
      tpu.enqueue_dma source(%arg11 : memref<128x128xf32, #tpu.memory_space<vmem>>) target(%dma_start3A_75 : memref<128x128xf32, #tpu.memory_space<hbm>>) target_semaphore(%run_scoped3A : memref<!tpu.dma_semaphore, #tpu.memory_space<semaphore_mem>>)
      %dma_wait3A = arith.constant 0 : i32
      %dma_wait3A_76 = tpu.memref_slice %arg6[%add3A_72, %dma_wait3A] : memref<20480x128xf32, #tpu.memory_space<hbm>> -> memref<128x128xf32, #tpu.memory_space<hbm>>
      %dma_wait3A_77 = arith.constant 0 : i32
      %dma_wait3A_78 = tpu.memref_slice %arg6[%add3A_72, %dma_wait3A_77] : memref<20480x128xf32, #tpu.memory_space<hbm>> -> memref<128x128xf32, #tpu.memory_space<hbm>>
      tpu.wait_dma2 semaphore(%run_scoped3A : memref<!tpu.dma_semaphore, #tpu.memory_space<semaphore_mem>>) src(%arg11 : memref<128x128xf32, #tpu.memory_space<vmem>>) dst(%dma_wait3A_78 : memref<128x128xf32, #tpu.memory_space<hbm>>)
      tpu.yield
    }) : () -> ()
    return
  }
}

#map = affine_map<(d0, d1) -> (0)>
#map1 = affine_map<(d0, d1) -> (0, 0)>
module attributes {stable_mosaic.version = 14 : i64} {
  func.func @_sc_count(%arg0: i32, %arg1: i32, %arg2: memref<320000xi32, #tpu.memory_space<hbm>>, %arg3: memref<20480x128xf32, #tpu.memory_space<hbm>>, %arg4: memref<80x128xf32, #tpu.memory_space<vmem>>, %arg5: memref<80xi32, #tpu.memory_space<vmem>>, %arg6: memref<128x128xf32, #tpu.memory_space<vmem>>, %arg7: memref<10240x128xf32, #tpu.memory_space<vmem_shared>>) attributes {dimension_semantics = [#tpu.dimension_semantics<core_parallel>, #tpu.dimension_semantics<subcore_parallel>], iteration_bounds = array<i64: 2, 16>, scalar_prefetch = 0 : i64, scratch_operands = 4 : i64, tpu.core_type = #tpu.core_type<sc_vector_subcore>, window_params = [{transform_indices = #map}, {transform_indices = #map1}]} {
    %mul3A = arith.constant 16 : i32
    %mul3A_0 = arith.muli %arg0, %mul3A : i32
    %add3A = arith.addi %mul3A_0, %arg1 : i32
    %mul3A_1 = arith.constant 10000 : i32
    %mul3A_2 = arith.muli %add3A, %mul3A_1 : i32
    %broadcast_in_dim3A = arith.constant 0.000000e+00 : f32
    %broadcast_in_dim3A_3 = vector.broadcast %broadcast_in_dim3A : f32 to vector<16xf32>
    %scan3A = arith.constant 0 : i32
    %scan3A_4 = arith.constant 0 : i32
    %scan3A_5 = arith.constant 1024 : i32
    %scan3A_6 = arith.addi %scan3A_4, %scan3A_5 : i32
    %scan3A_7 = arith.constant 1 : i32
    %scan3A_8 = scf.for %scan3A_82 = %scan3A_4 to %scan3A_6 step %scan3A_7 iter_args(%scan3A_83 = %scan3A) -> (i32)  : i32 {
      %jit3A = arith.constant 8 : i32
      %div3A = arith.divsi %scan3A_82, %jit3A : i32
      %sign3A = arith.constant 0 : i32
      %sign3A_84 = arith.cmpi sgt, %scan3A_82, %sign3A : i32
      %sign3A_85 = arith.extui %sign3A_84 : i1 to i32
      %sign3A_86 = arith.constant 0 : i32
      %sign3A_87 = arith.cmpi slt, %scan3A_82, %sign3A_86 : i32
      %sign3A_88 = arith.extui %sign3A_87 : i1 to i32
      %sign3A_89 = arith.subi %sign3A_85, %sign3A_88 : i32
      %sign3A_90 = arith.constant 0 : i32
      %sign3A_91 = arith.cmpi sgt, %jit3A, %sign3A_90 : i32
      %sign3A_92 = arith.extui %sign3A_91 : i1 to i32
      %sign3A_93 = arith.constant 0 : i32
      %sign3A_94 = arith.cmpi slt, %jit3A, %sign3A_93 : i32
      %sign3A_95 = arith.extui %sign3A_94 : i1 to i32
      %sign3A_96 = arith.subi %sign3A_92, %sign3A_95 : i32
      %ne3A = arith.cmpi ne, %sign3A_89, %sign3A_96 : i32
      %rem3A = arith.remsi %scan3A_82, %jit3A : i32
      %ne3A_97 = arith.constant 0 : i32
      %ne3A_98 = arith.cmpi ne, %rem3A, %ne3A_97 : i32
      %and3A = arith.andi %ne3A, %ne3A_98 : i1
      %sub3A = arith.constant 1 : i32
      %sub3A_99 = arith.subi %div3A, %sub3A : i32
      %select_n3A = arith.select %and3A, %sub3A_99, %div3A : i32
      %jit3A_100 = arith.constant 8 : i32
      %eq3A = arith.constant 0 : i32
      %eq3A_101 = arith.cmpi eq, %jit3A_100, %eq3A : i32
      %jit3A_102 = arith.constant 1 : i32
      %select_n3A_103 = arith.select %eq3A_101, %jit3A_102, %jit3A_100 : i32
      %rem3A_104 = arith.remsi %scan3A_82, %select_n3A_103 : i32
      %ne3A_105 = arith.constant 0 : i32
      %ne3A_106 = arith.cmpi ne, %rem3A_104, %ne3A_105 : i32
      %lt3A = arith.constant 0 : i32
      %lt3A_107 = arith.cmpi slt, %rem3A_104, %lt3A : i32
      %lt3A_108 = arith.constant 0 : i32
      %lt3A_109 = arith.cmpi slt, %select_n3A_103, %lt3A_108 : i32
      %ne3A_110 = arith.xori %lt3A_107, %lt3A_109 : i1
      %and3A_111 = arith.andi %ne3A_110, %ne3A_106 : i1
      %add3A_112 = arith.addi %rem3A_104, %select_n3A_103 : i32
      %select_n3A_113 = arith.select %and3A_111, %add3A_112, %rem3A_104 : i32
      %mul3A_114 = arith.constant 16 : i32
      %mul3A_115 = arith.muli %select_n3A_113, %mul3A_114 : i32
      %swap3A = arith.index_cast %select_n3A : i32 to index
      %swap3A_116 = arith.index_cast %mul3A_115 : i32 to index
      %swap3A_117 = tpu.vector_load %arg6[%swap3A, %swap3A_116] {strides = array<i32>} : memref<128x128xf32, #tpu.memory_space<vmem>>, vector<1x16xf32>,
      %swap3A_118 = vector.shape_cast %swap3A_117 : vector<1x16xf32> to vector<16xf32>
      %swap3A_119 = vector.shape_cast %broadcast_in_dim3A_3 : vector<16xf32> to vector<1x16xf32>
      tpu.vector_store %arg6[%swap3A, %swap3A_116], %swap3A_119 {strides = array<i32>} : memref<128x128xf32, #tpu.memory_space<vmem>>, vector<1x16xf32>,
      %scan3A_120 = arith.constant 0 : i32
      scf.yield %scan3A_120 : i32
    }
    %scan3A_9 = arith.constant 1024 : i32
    %mul3A_10 = arith.constant 640 : i32
    %mul3A_11 = arith.muli %arg1, %mul3A_10 : i32
    %add3A_12 = arith.constant 0 : i32
    %add3A_13 = arith.addi %mul3A_11, %add3A_12 : i32
    "tpu.region"() ({
      %run_scoped3A = tpu.sem_alloc : memref<!tpu.dma_semaphore, #tpu.memory_space<semaphore_mem>>
      %dma_start3A = arith.constant 0 : i32
      %dma_start3A_82 = tpu.memref_slice %arg7[%add3A_13, %dma_start3A] : memref<10240x128xf32, #tpu.memory_space<vmem_shared>> -> memref<128x128xf32, #tpu.memory_space<vmem_shared>>
      %dma_start3A_83 = arith.constant 0 : i32
      %dma_start3A_84 = tpu.memref_slice %arg7[%add3A_13, %dma_start3A_83] : memref<10240x128xf32, #tpu.memory_space<vmem_shared>> -> memref<128x128xf32, #tpu.memory_space<vmem_shared>>
      tpu.enqueue_dma source(%arg6 : memref<128x128xf32, #tpu.memory_space<vmem>>) target(%dma_start3A_84 : memref<128x128xf32, #tpu.memory_space<vmem_shared>>) target_semaphore(%run_scoped3A : memref<!tpu.dma_semaphore, #tpu.memory_space<semaphore_mem>>)
      %dma_wait3A = arith.constant 0 : i32
      %dma_wait3A_85 = tpu.memref_slice %arg7[%add3A_13, %dma_wait3A] : memref<10240x128xf32, #tpu.memory_space<vmem_shared>> -> memref<128x128xf32, #tpu.memory_space<vmem_shared>>
      %dma_wait3A_86 = arith.constant 0 : i32
      %dma_wait3A_87 = tpu.memref_slice %arg7[%add3A_13, %dma_wait3A_86] : memref<10240x128xf32, #tpu.memory_space<vmem_shared>> -> memref<128x128xf32, #tpu.memory_space<vmem_shared>>
      tpu.wait_dma2 semaphore(%run_scoped3A : memref<!tpu.dma_semaphore, #tpu.memory_space<semaphore_mem>>) src(%arg6 : memref<128x128xf32, #tpu.memory_space<vmem>>) dst(%dma_wait3A_87 : memref<128x128xf32, #tpu.memory_space<vmem_shared>>)
      tpu.yield
    }) : () -> ()
    %mul3A_14 = arith.constant 640 : i32
    %mul3A_15 = arith.muli %arg1, %mul3A_14 : i32
    %add3A_16 = arith.constant 128 : i32
    %add3A_17 = arith.addi %mul3A_15, %add3A_16 : i32
    "tpu.region"() ({
      %run_scoped3A = tpu.sem_alloc : memref<!tpu.dma_semaphore, #tpu.memory_space<semaphore_mem>>
      %dma_start3A = arith.constant 0 : i32
      %dma_start3A_82 = tpu.memref_slice %arg7[%add3A_17, %dma_start3A] : memref<10240x128xf32, #tpu.memory_space<vmem_shared>> -> memref<128x128xf32, #tpu.memory_space<vmem_shared>>
      %dma_start3A_83 = arith.constant 0 : i32
      %dma_start3A_84 = tpu.memref_slice %arg7[%add3A_17, %dma_start3A_83] : memref<10240x128xf32, #tpu.memory_space<vmem_shared>> -> memref<128x128xf32, #tpu.memory_space<vmem_shared>>
      tpu.enqueue_dma source(%arg6 : memref<128x128xf32, #tpu.memory_space<vmem>>) target(%dma_start3A_84 : memref<128x128xf32, #tpu.memory_space<vmem_shared>>) target_semaphore(%run_scoped3A : memref<!tpu.dma_semaphore, #tpu.memory_space<semaphore_mem>>)
      %dma_wait3A = arith.constant 0 : i32
      %dma_wait3A_85 = tpu.memref_slice %arg7[%add3A_17, %dma_wait3A] : memref<10240x128xf32, #tpu.memory_space<vmem_shared>> -> memref<128x128xf32, #tpu.memory_space<vmem_shared>>
      %dma_wait3A_86 = arith.constant 0 : i32
      %dma_wait3A_87 = tpu.memref_slice %arg7[%add3A_17, %dma_wait3A_86] : memref<10240x128xf32, #tpu.memory_space<vmem_shared>> -> memref<128x128xf32, #tpu.memory_space<vmem_shared>>
      tpu.wait_dma2 semaphore(%run_scoped3A : memref<!tpu.dma_semaphore, #tpu.memory_space<semaphore_mem>>) src(%arg6 : memref<128x128xf32, #tpu.memory_space<vmem>>) dst(%dma_wait3A_87 : memref<128x128xf32, #tpu.memory_space<vmem_shared>>)
      tpu.yield
    }) : () -> ()
    %mul3A_18 = arith.constant 640 : i32
    %mul3A_19 = arith.muli %arg1, %mul3A_18 : i32
    %add3A_20 = arith.constant 256 : i32
    %add3A_21 = arith.addi %mul3A_19, %add3A_20 : i32
    "tpu.region"() ({
      %run_scoped3A = tpu.sem_alloc : memref<!tpu.dma_semaphore, #tpu.memory_space<semaphore_mem>>
      %dma_start3A = arith.constant 0 : i32
      %dma_start3A_82 = tpu.memref_slice %arg7[%add3A_21, %dma_start3A] : memref<10240x128xf32, #tpu.memory_space<vmem_shared>> -> memref<128x128xf32, #tpu.memory_space<vmem_shared>>
      %dma_start3A_83 = arith.constant 0 : i32
      %dma_start3A_84 = tpu.memref_slice %arg7[%add3A_21, %dma_start3A_83] : memref<10240x128xf32, #tpu.memory_space<vmem_shared>> -> memref<128x128xf32, #tpu.memory_space<vmem_shared>>
      tpu.enqueue_dma source(%arg6 : memref<128x128xf32, #tpu.memory_space<vmem>>) target(%dma_start3A_84 : memref<128x128xf32, #tpu.memory_space<vmem_shared>>) target_semaphore(%run_scoped3A : memref<!tpu.dma_semaphore, #tpu.memory_space<semaphore_mem>>)
      %dma_wait3A = arith.constant 0 : i32
      %dma_wait3A_85 = tpu.memref_slice %arg7[%add3A_21, %dma_wait3A] : memref<10240x128xf32, #tpu.memory_space<vmem_shared>> -> memref<128x128xf32, #tpu.memory_space<vmem_shared>>
      %dma_wait3A_86 = arith.constant 0 : i32
      %dma_wait3A_87 = tpu.memref_slice %arg7[%add3A_21, %dma_wait3A_86] : memref<10240x128xf32, #tpu.memory_space<vmem_shared>> -> memref<128x128xf32, #tpu.memory_space<vmem_shared>>
      tpu.wait_dma2 semaphore(%run_scoped3A : memref<!tpu.dma_semaphore, #tpu.memory_space<semaphore_mem>>) src(%arg6 : memref<128x128xf32, #tpu.memory_space<vmem>>) dst(%dma_wait3A_87 : memref<128x128xf32, #tpu.memory_space<vmem_shared>>)
      tpu.yield
    }) : () -> ()
    %mul3A_22 = arith.constant 640 : i32
    %mul3A_23 = arith.muli %arg1, %mul3A_22 : i32
    %add3A_24 = arith.constant 384 : i32
    %add3A_25 = arith.addi %mul3A_23, %add3A_24 : i32
    "tpu.region"() ({
      %run_scoped3A = tpu.sem_alloc : memref<!tpu.dma_semaphore, #tpu.memory_space<semaphore_mem>>
      %dma_start3A = arith.constant 0 : i32
      %dma_start3A_82 = tpu.memref_slice %arg7[%add3A_25, %dma_start3A] : memref<10240x128xf32, #tpu.memory_space<vmem_shared>> -> memref<128x128xf32, #tpu.memory_space<vmem_shared>>
      %dma_start3A_83 = arith.constant 0 : i32
      %dma_start3A_84 = tpu.memref_slice %arg7[%add3A_25, %dma_start3A_83] : memref<10240x128xf32, #tpu.memory_space<vmem_shared>> -> memref<128x128xf32, #tpu.memory_space<vmem_shared>>
      tpu.enqueue_dma source(%arg6 : memref<128x128xf32, #tpu.memory_space<vmem>>) target(%dma_start3A_84 : memref<128x128xf32, #tpu.memory_space<vmem_shared>>) target_semaphore(%run_scoped3A : memref<!tpu.dma_semaphore, #tpu.memory_space<semaphore_mem>>)
      %dma_wait3A = arith.constant 0 : i32
      %dma_wait3A_85 = tpu.memref_slice %arg7[%add3A_25, %dma_wait3A] : memref<10240x128xf32, #tpu.memory_space<vmem_shared>> -> memref<128x128xf32, #tpu.memory_space<vmem_shared>>
      %dma_wait3A_86 = arith.constant 0 : i32
      %dma_wait3A_87 = tpu.memref_slice %arg7[%add3A_25, %dma_wait3A_86] : memref<10240x128xf32, #tpu.memory_space<vmem_shared>> -> memref<128x128xf32, #tpu.memory_space<vmem_shared>>
      tpu.wait_dma2 semaphore(%run_scoped3A : memref<!tpu.dma_semaphore, #tpu.memory_space<semaphore_mem>>) src(%arg6 : memref<128x128xf32, #tpu.memory_space<vmem>>) dst(%dma_wait3A_87 : memref<128x128xf32, #tpu.memory_space<vmem_shared>>)
      tpu.yield
    }) : () -> ()
    %mul3A_26 = arith.constant 640 : i32
    %mul3A_27 = arith.muli %arg1, %mul3A_26 : i32
    %add3A_28 = arith.constant 512 : i32
    %add3A_29 = arith.addi %mul3A_27, %add3A_28 : i32
    "tpu.region"() ({
      %run_scoped3A = tpu.sem_alloc : memref<!tpu.dma_semaphore, #tpu.memory_space<semaphore_mem>>
      %dma_start3A = arith.constant 0 : i32
      %dma_start3A_82 = tpu.memref_slice %arg7[%add3A_29, %dma_start3A] : memref<10240x128xf32, #tpu.memory_space<vmem_shared>> -> memref<128x128xf32, #tpu.memory_space<vmem_shared>>
      %dma_start3A_83 = arith.constant 0 : i32
      %dma_start3A_84 = tpu.memref_slice %arg7[%add3A_29, %dma_start3A_83] : memref<10240x128xf32, #tpu.memory_space<vmem_shared>> -> memref<128x128xf32, #tpu.memory_space<vmem_shared>>
      tpu.enqueue_dma source(%arg6 : memref<128x128xf32, #tpu.memory_space<vmem>>) target(%dma_start3A_84 : memref<128x128xf32, #tpu.memory_space<vmem_shared>>) target_semaphore(%run_scoped3A : memref<!tpu.dma_semaphore, #tpu.memory_space<semaphore_mem>>)
      %dma_wait3A = arith.constant 0 : i32
      %dma_wait3A_85 = tpu.memref_slice %arg7[%add3A_29, %dma_wait3A] : memref<10240x128xf32, #tpu.memory_space<vmem_shared>> -> memref<128x128xf32, #tpu.memory_space<vmem_shared>>
      %dma_wait3A_86 = arith.constant 0 : i32
      %dma_wait3A_87 = tpu.memref_slice %arg7[%add3A_29, %dma_wait3A_86] : memref<10240x128xf32, #tpu.memory_space<vmem_shared>> -> memref<128x128xf32, #tpu.memory_space<vmem_shared>>
      tpu.wait_dma2 semaphore(%run_scoped3A : memref<!tpu.dma_semaphore, #tpu.memory_space<semaphore_mem>>) src(%arg6 : memref<128x128xf32, #tpu.memory_space<vmem>>) dst(%dma_wait3A_87 : memref<128x128xf32, #tpu.memory_space<vmem_shared>>)
      tpu.yield
    }) : () -> ()
    %broadcast_in_dim3A_30 = arith.constant 1.000000e+00 : f32
    %broadcast_in_dim3A_31 = vector.broadcast %broadcast_in_dim3A_30 : f32 to vector<16xf32>
    %scan3A_32 = arith.constant 0 : i32
    %scan3A_33 = arith.constant 0 : i32
    %scan3A_34 = arith.constant 640 : i32
    %scan3A_35 = arith.addi %scan3A_33, %scan3A_34 : i32
    %scan3A_36 = arith.constant 1 : i32
    %scan3A_37 = scf.for %scan3A_82 = %scan3A_33 to %scan3A_35 step %scan3A_36 iter_args(%scan3A_83 = %scan3A_32) -> (i32)  : i32 {
      %jit3A = arith.constant 8 : i32
      %div3A = arith.divsi %scan3A_82, %jit3A : i32
      %sign3A = arith.constant 0 : i32
      %sign3A_84 = arith.cmpi sgt, %scan3A_82, %sign3A : i32
      %sign3A_85 = arith.extui %sign3A_84 : i1 to i32
      %sign3A_86 = arith.constant 0 : i32
      %sign3A_87 = arith.cmpi slt, %scan3A_82, %sign3A_86 : i32
      %sign3A_88 = arith.extui %sign3A_87 : i1 to i32
      %sign3A_89 = arith.subi %sign3A_85, %sign3A_88 : i32
      %sign3A_90 = arith.constant 0 : i32
      %sign3A_91 = arith.cmpi sgt, %jit3A, %sign3A_90 : i32
      %sign3A_92 = arith.extui %sign3A_91 : i1 to i32
      %sign3A_93 = arith.constant 0 : i32
      %sign3A_94 = arith.cmpi slt, %jit3A, %sign3A_93 : i32
      %sign3A_95 = arith.extui %sign3A_94 : i1 to i32
      %sign3A_96 = arith.subi %sign3A_92, %sign3A_95 : i32
      %ne3A = arith.cmpi ne, %sign3A_89, %sign3A_96 : i32
      %rem3A = arith.remsi %scan3A_82, %jit3A : i32
      %ne3A_97 = arith.constant 0 : i32
      %ne3A_98 = arith.cmpi ne, %rem3A, %ne3A_97 : i32
      %and3A = arith.andi %ne3A, %ne3A_98 : i1
      %sub3A = arith.constant 1 : i32
      %sub3A_99 = arith.subi %div3A, %sub3A : i32
      %select_n3A = arith.select %and3A, %sub3A_99, %div3A : i32
      %jit3A_100 = arith.constant 8 : i32
      %eq3A = arith.constant 0 : i32
      %eq3A_101 = arith.cmpi eq, %jit3A_100, %eq3A : i32
      %jit3A_102 = arith.constant 1 : i32
      %select_n3A_103 = arith.select %eq3A_101, %jit3A_102, %jit3A_100 : i32
      %rem3A_104 = arith.remsi %scan3A_82, %select_n3A_103 : i32
      %ne3A_105 = arith.constant 0 : i32
      %ne3A_106 = arith.cmpi ne, %rem3A_104, %ne3A_105 : i32
      %lt3A = arith.constant 0 : i32
      %lt3A_107 = arith.cmpi slt, %rem3A_104, %lt3A : i32
      %lt3A_108 = arith.constant 0 : i32
      %lt3A_109 = arith.cmpi slt, %select_n3A_103, %lt3A_108 : i32
      %ne3A_110 = arith.xori %lt3A_107, %lt3A_109 : i1
      %and3A_111 = arith.andi %ne3A_110, %ne3A_106 : i1
      %add3A_112 = arith.addi %rem3A_104, %select_n3A_103 : i32
      %select_n3A_113 = arith.select %and3A_111, %add3A_112, %rem3A_104 : i32
      %mul3A_114 = arith.constant 16 : i32
      %mul3A_115 = arith.muli %select_n3A_113, %mul3A_114 : i32
      %swap3A = arith.index_cast %select_n3A : i32 to index
      %swap3A_116 = arith.index_cast %mul3A_115 : i32 to index
      %swap3A_117 = tpu.vector_load %arg4[%swap3A, %swap3A_116] {strides = array<i32>} : memref<80x128xf32, #tpu.memory_space<vmem>>, vector<1x16xf32>,
      %swap3A_118 = vector.shape_cast %swap3A_117 : vector<1x16xf32> to vector<16xf32>
      %swap3A_119 = vector.shape_cast %broadcast_in_dim3A_31 : vector<16xf32> to vector<1x16xf32>
      tpu.vector_store %arg4[%swap3A, %swap3A_116], %swap3A_119 {strides = array<i32>} : memref<80x128xf32, #tpu.memory_space<vmem>>, vector<1x16xf32>,
      %scan3A_120 = arith.constant 0 : i32
      scf.yield %scan3A_120 : i32
    }
    %scan3A_38 = arith.constant 640 : i32
    %barrier3A = arith.constant 0 : index
    tpu.barrier barrier_id(%barrier3A)
    %scan3A_39 = arith.constant 0 : i32
    %scan3A_40 = arith.constant 0 : i32
    %scan3A_41 = arith.constant 125 : i32
    %scan3A_42 = arith.addi %scan3A_40, %scan3A_41 : i32
    %scan3A_43 = arith.constant 1 : i32
    %scan3A_44 = scf.for %scan3A_82 = %scan3A_40 to %scan3A_42 step %scan3A_43 iter_args(%scan3A_83 = %scan3A_39) -> (i32)  : i32 {
      %mul3A_84 = arith.constant 80 : i32
      %mul3A_85 = arith.muli %scan3A_82, %mul3A_84 : i32
      %add3A_86 = arith.addi %mul3A_2, %mul3A_85 : i32
      "tpu.region"() ({
        %run_scoped3A = tpu.sem_alloc : memref<!tpu.dma_semaphore, #tpu.memory_space<semaphore_mem>>
        %dma_start3A = tpu.memref_slice %arg2[%add3A_86] : memref<320000xi32, #tpu.memory_space<hbm>> -> memref<80xi32, #tpu.memory_space<hbm>>
        %dma_start3A_88 = tpu.memref_slice %arg2[%add3A_86] : memref<320000xi32, #tpu.memory_space<hbm>> -> memref<80xi32, #tpu.memory_space<hbm>>
        tpu.enqueue_dma source(%dma_start3A_88 : memref<80xi32, #tpu.memory_space<hbm>>) target(%arg5 : memref<80xi32, #tpu.memory_space<vmem>>) target_semaphore(%run_scoped3A : memref<!tpu.dma_semaphore, #tpu.memory_space<semaphore_mem>>)
        %dma_wait3A = tpu.memref_slice %arg2[%add3A_86] : memref<320000xi32, #tpu.memory_space<hbm>> -> memref<80xi32, #tpu.memory_space<hbm>>
        %dma_wait3A_89 = tpu.memref_slice %arg2[%add3A_86] : memref<320000xi32, #tpu.memory_space<hbm>> -> memref<80xi32, #tpu.memory_space<hbm>>
        tpu.wait_dma2 semaphore(%run_scoped3A : memref<!tpu.dma_semaphore, #tpu.memory_space<semaphore_mem>>) src(%dma_wait3A_89 : memref<80xi32, #tpu.memory_space<hbm>>) dst(%arg5 : memref<80xi32, #tpu.memory_space<vmem>>)
        tpu.yield
      }) : () -> ()
      "tpu.region"() ({
        %run_scoped3A = tpu.sem_alloc : memref<!tpu.dma_semaphore, #tpu.memory_space<semaphore_mem>>
        %dma_start3A = arith.constant 0 : i32
        %dma_start3A_88 = arith.constant 0 : i32
        %dma_start3A_89 = tpu.memref_slice %arg7[%dma_start3A, %dma_start3A_88] : memref<10240x128xf32, #tpu.memory_space<vmem_shared>> -> memref<10240x128xf32, #tpu.memory_space<vmem_shared>>
        tpu.enqueue_indirect_dma source(%arg4 : memref<80x128xf32, #tpu.memory_space<vmem>>) target(%dma_start3A_89 : memref<10240x128xf32, #tpu.memory_space<vmem_shared>>) offsets(%arg5 : memref<80xi32, #tpu.memory_space<vmem>>) semaphore(%run_scoped3A : memref<!tpu.dma_semaphore, #tpu.memory_space<semaphore_mem>>) {add = true}
        %dma_wait3A = arith.constant 0 : i32
        %dma_wait3A_90 = arith.constant 0 : i32
        %dma_wait3A_91 = tpu.memref_slice %arg7[%dma_wait3A, %dma_wait3A_90] : memref<10240x128xf32, #tpu.memory_space<vmem_shared>> -> memref<10240x128xf32, #tpu.memory_space<vmem_shared>>
        tpu.wait_indirect_dma semaphore(%run_scoped3A : memref<!tpu.dma_semaphore, #tpu.memory_space<semaphore_mem>>) src(%arg4 : memref<80x128xf32, #tpu.memory_space<vmem>>) dst(%dma_wait3A_91 : memref<10240x128xf32, #tpu.memory_space<vmem_shared>>)
        tpu.yield
      }) : () -> ()
      %scan3A_87 = arith.constant 0 : i32
      scf.yield %scan3A_87 : i32
    }
    %scan3A_45 = arith.constant 125 : i32
    %barrier3A_46 = arith.constant 0 : index
    tpu.barrier barrier_id(%barrier3A_46)
    %mul3A_47 = arith.constant 640 : i32
    %mul3A_48 = arith.muli %arg1, %mul3A_47 : i32
    %add3A_49 = arith.constant 0 : i32
    %add3A_50 = arith.addi %mul3A_48, %add3A_49 : i32
    "tpu.region"() ({
      %run_scoped3A = tpu.sem_alloc : memref<!tpu.dma_semaphore, #tpu.memory_space<semaphore_mem>>
      %dma_start3A = arith.constant 0 : i32
      %dma_start3A_82 = tpu.memref_slice %arg7[%add3A_50, %dma_start3A] : memref<10240x128xf32, #tpu.memory_space<vmem_shared>> -> memref<128x128xf32, #tpu.memory_space<vmem_shared>>
      %dma_start3A_83 = arith.constant 0 : i32
      %dma_start3A_84 = tpu.memref_slice %arg7[%add3A_50, %dma_start3A_83] : memref<10240x128xf32, #tpu.memory_space<vmem_shared>> -> memref<128x128xf32, #tpu.memory_space<vmem_shared>>
      tpu.enqueue_dma source(%dma_start3A_84 : memref<128x128xf32, #tpu.memory_space<vmem_shared>>) target(%arg6 : memref<128x128xf32, #tpu.memory_space<vmem>>) target_semaphore(%run_scoped3A : memref<!tpu.dma_semaphore, #tpu.memory_space<semaphore_mem>>)
      %dma_wait3A = arith.constant 0 : i32
      %dma_wait3A_85 = tpu.memref_slice %arg7[%add3A_50, %dma_wait3A] : memref<10240x128xf32, #tpu.memory_space<vmem_shared>> -> memref<128x128xf32, #tpu.memory_space<vmem_shared>>
      %dma_wait3A_86 = arith.constant 0 : i32
      %dma_wait3A_87 = tpu.memref_slice %arg7[%add3A_50, %dma_wait3A_86] : memref<10240x128xf32, #tpu.memory_space<vmem_shared>> -> memref<128x128xf32, #tpu.memory_space<vmem_shared>>
      tpu.wait_dma2 semaphore(%run_scoped3A : memref<!tpu.dma_semaphore, #tpu.memory_space<semaphore_mem>>) src(%dma_wait3A_87 : memref<128x128xf32, #tpu.memory_space<vmem_shared>>) dst(%arg6 : memref<128x128xf32, #tpu.memory_space<vmem>>)
      tpu.yield
    }) : () -> ()
    %mul3A_51 = arith.constant 10240 : i32
    %mul3A_52 = arith.muli %arg0, %mul3A_51 : i32
    %add3A_53 = arith.addi %mul3A_52, %add3A_50 : i32
    "tpu.region"() ({
      %run_scoped3A = tpu.sem_alloc : memref<!tpu.dma_semaphore, #tpu.memory_space<semaphore_mem>>
      %dma_start3A = arith.constant 0 : i32
      %dma_start3A_82 = tpu.memref_slice %arg3[%add3A_53, %dma_start3A] : memref<20480x128xf32, #tpu.memory_space<hbm>> -> memref<128x128xf32, #tpu.memory_space<hbm>>
      %dma_start3A_83 = arith.constant 0 : i32
      %dma_start3A_84 = tpu.memref_slice %arg3[%add3A_53, %dma_start3A_83] : memref<20480x128xf32, #tpu.memory_space<hbm>> -> memref<128x128xf32, #tpu.memory_space<hbm>>
      tpu.enqueue_dma source(%arg6 : memref<128x128xf32, #tpu.memory_space<vmem>>) target(%dma_start3A_84 : memref<128x128xf32, #tpu.memory_space<hbm>>) target_semaphore(%run_scoped3A : memref<!tpu.dma_semaphore, #tpu.memory_space<semaphore_mem>>)
      %dma_wait3A = arith.constant 0 : i32
      %dma_wait3A_85 = tpu.memref_slice %arg3[%add3A_53, %dma_wait3A] : memref<20480x128xf32, #tpu.memory_space<hbm>> -> memref<128x128xf32, #tpu.memory_space<hbm>>
      %dma_wait3A_86 = arith.constant 0 : i32
      %dma_wait3A_87 = tpu.memref_slice %arg3[%add3A_53, %dma_wait3A_86] : memref<20480x128xf32, #tpu.memory_space<hbm>> -> memref<128x128xf32, #tpu.memory_space<hbm>>
      tpu.wait_dma2 semaphore(%run_scoped3A : memref<!tpu.dma_semaphore, #tpu.memory_space<semaphore_mem>>) src(%arg6 : memref<128x128xf32, #tpu.memory_space<vmem>>) dst(%dma_wait3A_87 : memref<128x128xf32, #tpu.memory_space<hbm>>)
      tpu.yield
    }) : () -> ()
    %mul3A_54 = arith.constant 640 : i32
    %mul3A_55 = arith.muli %arg1, %mul3A_54 : i32
    %add3A_56 = arith.constant 128 : i32
    %add3A_57 = arith.addi %mul3A_55, %add3A_56 : i32
    "tpu.region"() ({
      %run_scoped3A = tpu.sem_alloc : memref<!tpu.dma_semaphore, #tpu.memory_space<semaphore_mem>>
      %dma_start3A = arith.constant 0 : i32
      %dma_start3A_82 = tpu.memref_slice %arg7[%add3A_57, %dma_start3A] : memref<10240x128xf32, #tpu.memory_space<vmem_shared>> -> memref<128x128xf32, #tpu.memory_space<vmem_shared>>
      %dma_start3A_83 = arith.constant 0 : i32
      %dma_start3A_84 = tpu.memref_slice %arg7[%add3A_57, %dma_start3A_83] : memref<10240x128xf32, #tpu.memory_space<vmem_shared>> -> memref<128x128xf32, #tpu.memory_space<vmem_shared>>
      tpu.enqueue_dma source(%dma_start3A_84 : memref<128x128xf32, #tpu.memory_space<vmem_shared>>) target(%arg6 : memref<128x128xf32, #tpu.memory_space<vmem>>) target_semaphore(%run_scoped3A : memref<!tpu.dma_semaphore, #tpu.memory_space<semaphore_mem>>)
      %dma_wait3A = arith.constant 0 : i32
      %dma_wait3A_85 = tpu.memref_slice %arg7[%add3A_57, %dma_wait3A] : memref<10240x128xf32, #tpu.memory_space<vmem_shared>> -> memref<128x128xf32, #tpu.memory_space<vmem_shared>>
      %dma_wait3A_86 = arith.constant 0 : i32
      %dma_wait3A_87 = tpu.memref_slice %arg7[%add3A_57, %dma_wait3A_86] : memref<10240x128xf32, #tpu.memory_space<vmem_shared>> -> memref<128x128xf32, #tpu.memory_space<vmem_shared>>
      tpu.wait_dma2 semaphore(%run_scoped3A : memref<!tpu.dma_semaphore, #tpu.memory_space<semaphore_mem>>) src(%dma_wait3A_87 : memref<128x128xf32, #tpu.memory_space<vmem_shared>>) dst(%arg6 : memref<128x128xf32, #tpu.memory_space<vmem>>)
      tpu.yield
    }) : () -> ()
    %mul3A_58 = arith.constant 10240 : i32
    %mul3A_59 = arith.muli %arg0, %mul3A_58 : i32
    %add3A_60 = arith.addi %mul3A_59, %add3A_57 : i32
    "tpu.region"() ({
      %run_scoped3A = tpu.sem_alloc : memref<!tpu.dma_semaphore, #tpu.memory_space<semaphore_mem>>
      %dma_start3A = arith.constant 0 : i32
      %dma_start3A_82 = tpu.memref_slice %arg3[%add3A_60, %dma_start3A] : memref<20480x128xf32, #tpu.memory_space<hbm>> -> memref<128x128xf32, #tpu.memory_space<hbm>>
      %dma_start3A_83 = arith.constant 0 : i32
      %dma_start3A_84 = tpu.memref_slice %arg3[%add3A_60, %dma_start3A_83] : memref<20480x128xf32, #tpu.memory_space<hbm>> -> memref<128x128xf32, #tpu.memory_space<hbm>>
      tpu.enqueue_dma source(%arg6 : memref<128x128xf32, #tpu.memory_space<vmem>>) target(%dma_start3A_84 : memref<128x128xf32, #tpu.memory_space<hbm>>) target_semaphore(%run_scoped3A : memref<!tpu.dma_semaphore, #tpu.memory_space<semaphore_mem>>)
      %dma_wait3A = arith.constant 0 : i32
      %dma_wait3A_85 = tpu.memref_slice %arg3[%add3A_60, %dma_wait3A] : memref<20480x128xf32, #tpu.memory_space<hbm>> -> memref<128x128xf32, #tpu.memory_space<hbm>>
      %dma_wait3A_86 = arith.constant 0 : i32
      %dma_wait3A_87 = tpu.memref_slice %arg3[%add3A_60, %dma_wait3A_86] : memref<20480x128xf32, #tpu.memory_space<hbm>> -> memref<128x128xf32, #tpu.memory_space<hbm>>
      tpu.wait_dma2 semaphore(%run_scoped3A : memref<!tpu.dma_semaphore, #tpu.memory_space<semaphore_mem>>) src(%arg6 : memref<128x128xf32, #tpu.memory_space<vmem>>) dst(%dma_wait3A_87 : memref<128x128xf32, #tpu.memory_space<hbm>>)
      tpu.yield
    }) : () -> ()
    %mul3A_61 = arith.constant 640 : i32
    %mul3A_62 = arith.muli %arg1, %mul3A_61 : i32
    %add3A_63 = arith.constant 256 : i32
    %add3A_64 = arith.addi %mul3A_62, %add3A_63 : i32
    "tpu.region"() ({
      %run_scoped3A = tpu.sem_alloc : memref<!tpu.dma_semaphore, #tpu.memory_space<semaphore_mem>>
      %dma_start3A = arith.constant 0 : i32
      %dma_start3A_82 = tpu.memref_slice %arg7[%add3A_64, %dma_start3A] : memref<10240x128xf32, #tpu.memory_space<vmem_shared>> -> memref<128x128xf32, #tpu.memory_space<vmem_shared>>
      %dma_start3A_83 = arith.constant 0 : i32
      %dma_start3A_84 = tpu.memref_slice %arg7[%add3A_64, %dma_start3A_83] : memref<10240x128xf32, #tpu.memory_space<vmem_shared>> -> memref<128x128xf32, #tpu.memory_space<vmem_shared>>
      tpu.enqueue_dma source(%dma_start3A_84 : memref<128x128xf32, #tpu.memory_space<vmem_shared>>) target(%arg6 : memref<128x128xf32, #tpu.memory_space<vmem>>) target_semaphore(%run_scoped3A : memref<!tpu.dma_semaphore, #tpu.memory_space<semaphore_mem>>)
      %dma_wait3A = arith.constant 0 : i32
      %dma_wait3A_85 = tpu.memref_slice %arg7[%add3A_64, %dma_wait3A] : memref<10240x128xf32, #tpu.memory_space<vmem_shared>> -> memref<128x128xf32, #tpu.memory_space<vmem_shared>>
      %dma_wait3A_86 = arith.constant 0 : i32
      %dma_wait3A_87 = tpu.memref_slice %arg7[%add3A_64, %dma_wait3A_86] : memref<10240x128xf32, #tpu.memory_space<vmem_shared>> -> memref<128x128xf32, #tpu.memory_space<vmem_shared>>
      tpu.wait_dma2 semaphore(%run_scoped3A : memref<!tpu.dma_semaphore, #tpu.memory_space<semaphore_mem>>) src(%dma_wait3A_87 : memref<128x128xf32, #tpu.memory_space<vmem_shared>>) dst(%arg6 : memref<128x128xf32, #tpu.memory_space<vmem>>)
      tpu.yield
    }) : () -> ()
    %mul3A_65 = arith.constant 10240 : i32
    %mul3A_66 = arith.muli %arg0, %mul3A_65 : i32
    %add3A_67 = arith.addi %mul3A_66, %add3A_64 : i32
    "tpu.region"() ({
      %run_scoped3A = tpu.sem_alloc : memref<!tpu.dma_semaphore, #tpu.memory_space<semaphore_mem>>
      %dma_start3A = arith.constant 0 : i32
      %dma_start3A_82 = tpu.memref_slice %arg3[%add3A_67, %dma_start3A] : memref<20480x128xf32, #tpu.memory_space<hbm>> -> memref<128x128xf32, #tpu.memory_space<hbm>>
      %dma_start3A_83 = arith.constant 0 : i32
      %dma_start3A_84 = tpu.memref_slice %arg3[%add3A_67, %dma_start3A_83] : memref<20480x128xf32, #tpu.memory_space<hbm>> -> memref<128x128xf32, #tpu.memory_space<hbm>>
      tpu.enqueue_dma source(%arg6 : memref<128x128xf32, #tpu.memory_space<vmem>>) target(%dma_start3A_84 : memref<128x128xf32, #tpu.memory_space<hbm>>) target_semaphore(%run_scoped3A : memref<!tpu.dma_semaphore, #tpu.memory_space<semaphore_mem>>)
      %dma_wait3A = arith.constant 0 : i32
      %dma_wait3A_85 = tpu.memref_slice %arg3[%add3A_67, %dma_wait3A] : memref<20480x128xf32, #tpu.memory_space<hbm>> -> memref<128x128xf32, #tpu.memory_space<hbm>>
      %dma_wait3A_86 = arith.constant 0 : i32
      %dma_wait3A_87 = tpu.memref_slice %arg3[%add3A_67, %dma_wait3A_86] : memref<20480x128xf32, #tpu.memory_space<hbm>> -> memref<128x128xf32, #tpu.memory_space<hbm>>
      tpu.wait_dma2 semaphore(%run_scoped3A : memref<!tpu.dma_semaphore, #tpu.memory_space<semaphore_mem>>) src(%arg6 : memref<128x128xf32, #tpu.memory_space<vmem>>) dst(%dma_wait3A_87 : memref<128x128xf32, #tpu.memory_space<hbm>>)
      tpu.yield
    }) : () -> ()
    %mul3A_68 = arith.constant 640 : i32
    %mul3A_69 = arith.muli %arg1, %mul3A_68 : i32
    %add3A_70 = arith.constant 384 : i32
    %add3A_71 = arith.addi %mul3A_69, %add3A_70 : i32
    "tpu.region"() ({
      %run_scoped3A = tpu.sem_alloc : memref<!tpu.dma_semaphore, #tpu.memory_space<semaphore_mem>>
      %dma_start3A = arith.constant 0 : i32
      %dma_start3A_82 = tpu.memref_slice %arg7[%add3A_71, %dma_start3A] : memref<10240x128xf32, #tpu.memory_space<vmem_shared>> -> memref<128x128xf32, #tpu.memory_space<vmem_shared>>
      %dma_start3A_83 = arith.constant 0 : i32
      %dma_start3A_84 = tpu.memref_slice %arg7[%add3A_71, %dma_start3A_83] : memref<10240x128xf32, #tpu.memory_space<vmem_shared>> -> memref<128x128xf32, #tpu.memory_space<vmem_shared>>
      tpu.enqueue_dma source(%dma_start3A_84 : memref<128x128xf32, #tpu.memory_space<vmem_shared>>) target(%arg6 : memref<128x128xf32, #tpu.memory_space<vmem>>) target_semaphore(%run_scoped3A : memref<!tpu.dma_semaphore, #tpu.memory_space<semaphore_mem>>)
      %dma_wait3A = arith.constant 0 : i32
      %dma_wait3A_85 = tpu.memref_slice %arg7[%add3A_71, %dma_wait3A] : memref<10240x128xf32, #tpu.memory_space<vmem_shared>> -> memref<128x128xf32, #tpu.memory_space<vmem_shared>>
      %dma_wait3A_86 = arith.constant 0 : i32
      %dma_wait3A_87 = tpu.memref_slice %arg7[%add3A_71, %dma_wait3A_86] : memref<10240x128xf32, #tpu.memory_space<vmem_shared>> -> memref<128x128xf32, #tpu.memory_space<vmem_shared>>
      tpu.wait_dma2 semaphore(%run_scoped3A : memref<!tpu.dma_semaphore, #tpu.memory_space<semaphore_mem>>) src(%dma_wait3A_87 : memref<128x128xf32, #tpu.memory_space<vmem_shared>>) dst(%arg6 : memref<128x128xf32, #tpu.memory_space<vmem>>)
      tpu.yield
    }) : () -> ()
    %mul3A_72 = arith.constant 10240 : i32
    %mul3A_73 = arith.muli %arg0, %mul3A_72 : i32
    %add3A_74 = arith.addi %mul3A_73, %add3A_71 : i32
    "tpu.region"() ({
      %run_scoped3A = tpu.sem_alloc : memref<!tpu.dma_semaphore, #tpu.memory_space<semaphore_mem>>
      %dma_start3A = arith.constant 0 : i32
      %dma_start3A_82 = tpu.memref_slice %arg3[%add3A_74, %dma_start3A] : memref<20480x128xf32, #tpu.memory_space<hbm>> -> memref<128x128xf32, #tpu.memory_space<hbm>>
      %dma_start3A_83 = arith.constant 0 : i32
      %dma_start3A_84 = tpu.memref_slice %arg3[%add3A_74, %dma_start3A_83] : memref<20480x128xf32, #tpu.memory_space<hbm>> -> memref<128x128xf32, #tpu.memory_space<hbm>>
      tpu.enqueue_dma source(%arg6 : memref<128x128xf32, #tpu.memory_space<vmem>>) target(%dma_start3A_84 : memref<128x128xf32, #tpu.memory_space<hbm>>) target_semaphore(%run_scoped3A : memref<!tpu.dma_semaphore, #tpu.memory_space<semaphore_mem>>)
      %dma_wait3A = arith.constant 0 : i32
      %dma_wait3A_85 = tpu.memref_slice %arg3[%add3A_74, %dma_wait3A] : memref<20480x128xf32, #tpu.memory_space<hbm>> -> memref<128x128xf32, #tpu.memory_space<hbm>>
      %dma_wait3A_86 = arith.constant 0 : i32
      %dma_wait3A_87 = tpu.memref_slice %arg3[%add3A_74, %dma_wait3A_86] : memref<20480x128xf32, #tpu.memory_space<hbm>> -> memref<128x128xf32, #tpu.memory_space<hbm>>
      tpu.wait_dma2 semaphore(%run_scoped3A : memref<!tpu.dma_semaphore, #tpu.memory_space<semaphore_mem>>) src(%arg6 : memref<128x128xf32, #tpu.memory_space<vmem>>) dst(%dma_wait3A_87 : memref<128x128xf32, #tpu.memory_space<hbm>>)
      tpu.yield
    }) : () -> ()
    %mul3A_75 = arith.constant 640 : i32
    %mul3A_76 = arith.muli %arg1, %mul3A_75 : i32
    %add3A_77 = arith.constant 512 : i32
    %add3A_78 = arith.addi %mul3A_76, %add3A_77 : i32
    "tpu.region"() ({
      %run_scoped3A = tpu.sem_alloc : memref<!tpu.dma_semaphore, #tpu.memory_space<semaphore_mem>>
      %dma_start3A = arith.constant 0 : i32
      %dma_start3A_82 = tpu.memref_slice %arg7[%add3A_78, %dma_start3A] : memref<10240x128xf32, #tpu.memory_space<vmem_shared>> -> memref<128x128xf32, #tpu.memory_space<vmem_shared>>
      %dma_start3A_83 = arith.constant 0 : i32
      %dma_start3A_84 = tpu.memref_slice %arg7[%add3A_78, %dma_start3A_83] : memref<10240x128xf32, #tpu.memory_space<vmem_shared>> -> memref<128x128xf32, #tpu.memory_space<vmem_shared>>
      tpu.enqueue_dma source(%dma_start3A_84 : memref<128x128xf32, #tpu.memory_space<vmem_shared>>) target(%arg6 : memref<128x128xf32, #tpu.memory_space<vmem>>) target_semaphore(%run_scoped3A : memref<!tpu.dma_semaphore, #tpu.memory_space<semaphore_mem>>)
      %dma_wait3A = arith.constant 0 : i32
      %dma_wait3A_85 = tpu.memref_slice %arg7[%add3A_78, %dma_wait3A] : memref<10240x128xf32, #tpu.memory_space<vmem_shared>> -> memref<128x128xf32, #tpu.memory_space<vmem_shared>>
      %dma_wait3A_86 = arith.constant 0 : i32
      %dma_wait3A_87 = tpu.memref_slice %arg7[%add3A_78, %dma_wait3A_86] : memref<10240x128xf32, #tpu.memory_space<vmem_shared>> -> memref<128x128xf32, #tpu.memory_space<vmem_shared>>
      tpu.wait_dma2 semaphore(%run_scoped3A : memref<!tpu.dma_semaphore, #tpu.memory_space<semaphore_mem>>) src(%dma_wait3A_87 : memref<128x128xf32, #tpu.memory_space<vmem_shared>>) dst(%arg6 : memref<128x128xf32, #tpu.memory_space<vmem>>)
      tpu.yield
    }) : () -> ()
    %mul3A_79 = arith.constant 10240 : i32
    %mul3A_80 = arith.muli %arg0, %mul3A_79 : i32
    %add3A_81 = arith.addi %mul3A_80, %add3A_78 : i32
    "tpu.region"() ({
      %run_scoped3A = tpu.sem_alloc : memref<!tpu.dma_semaphore, #tpu.memory_space<semaphore_mem>>
      %dma_start3A = arith.constant 0 : i32
      %dma_start3A_82 = tpu.memref_slice %arg3[%add3A_81, %dma_start3A] : memref<20480x128xf32, #tpu.memory_space<hbm>> -> memref<128x128xf32, #tpu.memory_space<hbm>>
      %dma_start3A_83 = arith.constant 0 : i32
      %dma_start3A_84 = tpu.memref_slice %arg3[%add3A_81, %dma_start3A_83] : memref<20480x128xf32, #tpu.memory_space<hbm>> -> memref<128x128xf32, #tpu.memory_space<hbm>>
      tpu.enqueue_dma source(%arg6 : memref<128x128xf32, #tpu.memory_space<vmem>>) target(%dma_start3A_84 : memref<128x128xf32, #tpu.memory_space<hbm>>) target_semaphore(%run_scoped3A : memref<!tpu.dma_semaphore, #tpu.memory_space<semaphore_mem>>)
      %dma_wait3A = arith.constant 0 : i32
      %dma_wait3A_85 = tpu.memref_slice %arg3[%add3A_81, %dma_wait3A] : memref<20480x128xf32, #tpu.memory_space<hbm>> -> memref<128x128xf32, #tpu.memory_space<hbm>>
      %dma_wait3A_86 = arith.constant 0 : i32
      %dma_wait3A_87 = tpu.memref_slice %arg3[%add3A_81, %dma_wait3A_86] : memref<20480x128xf32, #tpu.memory_space<hbm>> -> memref<128x128xf32, #tpu.memory_space<hbm>>
      tpu.wait_dma2 semaphore(%run_scoped3A : memref<!tpu.dma_semaphore, #tpu.memory_space<semaphore_mem>>) src(%arg6 : memref<128x128xf32, #tpu.memory_space<vmem>>) dst(%dma_wait3A_87 : memref<128x128xf32, #tpu.memory_space<hbm>>)
      tpu.yield
    }) : () -> ()
    return
  }
}

#map = affine_map<(d0, d1) -> (0, 0)>
#map1 = affine_map<(d0, d1) -> (0)>
module attributes {stable_mosaic.version = 14 : i64} {
  func.func @_sc_init(%arg0: i32, %arg1: i32, %arg2: memref<320000x128xf32, #tpu.memory_space<hbm>>, %arg3: memref<320000xi32, #tpu.memory_space<hbm>>, %arg4: memref<20480x128xf32, #tpu.memory_space<hbm>>, %arg5: memref<80x128xf32, #tpu.memory_space<vmem>>, %arg6: memref<80xi32, #tpu.memory_space<vmem>>, %arg7: memref<128x128xf32, #tpu.memory_space<vmem>>, %arg8: memref<10240x128xf32, #tpu.memory_space<vmem_shared>>, %arg9: memref<!tpu.dma_semaphore, #tpu.memory_space<semaphore_mem>>) attributes {dimension_semantics = [#tpu.dimension_semantics<core_parallel>, #tpu.dimension_semantics<subcore_parallel>], iteration_bounds = array<i64: 2, 16>, scalar_prefetch = 0 : i64, scratch_operands = 5 : i64, tpu.core_type = #tpu.core_type<sc_vector_subcore>, window_params = [{transform_indices = #map}, {transform_indices = #map1}, {transform_indices = #map}]} {
    %mul3A = arith.constant 16 : i32
    %mul3A_0 = arith.muli %arg0, %mul3A : i32
    %add3A = arith.addi %mul3A_0, %arg1 : i32
    %mul3A_1 = arith.constant 10000 : i32
    %mul3A_2 = arith.muli %add3A, %mul3A_1 : i32
    %broadcast_in_dim3A = arith.constant 0.000000e+00 : f32
    %broadcast_in_dim3A_3 = vector.broadcast %broadcast_in_dim3A : f32 to vector<16xf32>
    %scan3A = arith.constant 0 : i32
    %scan3A_4 = arith.constant 0 : i32
    %scan3A_5 = arith.constant 1024 : i32
    %scan3A_6 = arith.addi %scan3A_4, %scan3A_5 : i32
    %scan3A_7 = arith.constant 1 : i32
    %scan3A_8 = scf.for %scan3A_73 = %scan3A_4 to %scan3A_6 step %scan3A_7 iter_args(%scan3A_74 = %scan3A) -> (i32)  : i32 {
      %jit3A = arith.constant 8 : i32
      %div3A = arith.divsi %scan3A_73, %jit3A : i32
      %sign3A = arith.constant 0 : i32
      %sign3A_75 = arith.cmpi sgt, %scan3A_73, %sign3A : i32
      %sign3A_76 = arith.extui %sign3A_75 : i1 to i32
      %sign3A_77 = arith.constant 0 : i32
      %sign3A_78 = arith.cmpi slt, %scan3A_73, %sign3A_77 : i32
      %sign3A_79 = arith.extui %sign3A_78 : i1 to i32
      %sign3A_80 = arith.subi %sign3A_76, %sign3A_79 : i32
      %sign3A_81 = arith.constant 0 : i32
      %sign3A_82 = arith.cmpi sgt, %jit3A, %sign3A_81 : i32
      %sign3A_83 = arith.extui %sign3A_82 : i1 to i32
      %sign3A_84 = arith.constant 0 : i32
      %sign3A_85 = arith.cmpi slt, %jit3A, %sign3A_84 : i32
      %sign3A_86 = arith.extui %sign3A_85 : i1 to i32
      %sign3A_87 = arith.subi %sign3A_83, %sign3A_86 : i32
      %ne3A = arith.cmpi ne, %sign3A_80, %sign3A_87 : i32
      %rem3A = arith.remsi %scan3A_73, %jit3A : i32
      %ne3A_88 = arith.constant 0 : i32
      %ne3A_89 = arith.cmpi ne, %rem3A, %ne3A_88 : i32
      %and3A = arith.andi %ne3A, %ne3A_89 : i1
      %sub3A = arith.constant 1 : i32
      %sub3A_90 = arith.subi %div3A, %sub3A : i32
      %select_n3A = arith.select %and3A, %sub3A_90, %div3A : i32
      %jit3A_91 = arith.constant 8 : i32
      %eq3A = arith.constant 0 : i32
      %eq3A_92 = arith.cmpi eq, %jit3A_91, %eq3A : i32
      %jit3A_93 = arith.constant 1 : i32
      %select_n3A_94 = arith.select %eq3A_92, %jit3A_93, %jit3A_91 : i32
      %rem3A_95 = arith.remsi %scan3A_73, %select_n3A_94 : i32
      %ne3A_96 = arith.constant 0 : i32
      %ne3A_97 = arith.cmpi ne, %rem3A_95, %ne3A_96 : i32
      %lt3A = arith.constant 0 : i32
      %lt3A_98 = arith.cmpi slt, %rem3A_95, %lt3A : i32
      %lt3A_99 = arith.constant 0 : i32
      %lt3A_100 = arith.cmpi slt, %select_n3A_94, %lt3A_99 : i32
      %ne3A_101 = arith.xori %lt3A_98, %lt3A_100 : i1
      %and3A_102 = arith.andi %ne3A_101, %ne3A_97 : i1
      %add3A_103 = arith.addi %rem3A_95, %select_n3A_94 : i32
      %select_n3A_104 = arith.select %and3A_102, %add3A_103, %rem3A_95 : i32
      %mul3A_105 = arith.constant 16 : i32
      %mul3A_106 = arith.muli %select_n3A_104, %mul3A_105 : i32
      %swap3A = arith.index_cast %select_n3A : i32 to index
      %swap3A_107 = arith.index_cast %mul3A_106 : i32 to index
      %swap3A_108 = tpu.vector_load %arg7[%swap3A, %swap3A_107] {strides = array<i32>} : memref<128x128xf32, #tpu.memory_space<vmem>>, vector<1x16xf32>,
      %swap3A_109 = vector.shape_cast %swap3A_108 : vector<1x16xf32> to vector<16xf32>
      %swap3A_110 = vector.shape_cast %broadcast_in_dim3A_3 : vector<16xf32> to vector<1x16xf32>
      tpu.vector_store %arg7[%swap3A, %swap3A_107], %swap3A_110 {strides = array<i32>} : memref<128x128xf32, #tpu.memory_space<vmem>>, vector<1x16xf32>,
      %scan3A_111 = arith.constant 0 : i32
      scf.yield %scan3A_111 : i32
    }
    %scan3A_9 = arith.constant 1024 : i32
    %mul3A_10 = arith.constant 640 : i32
    %mul3A_11 = arith.muli %arg1, %mul3A_10 : i32
    %add3A_12 = arith.constant 0 : i32
    %add3A_13 = arith.addi %mul3A_11, %add3A_12 : i32
    "tpu.region"() ({
      %run_scoped3A = tpu.sem_alloc : memref<!tpu.dma_semaphore, #tpu.memory_space<semaphore_mem>>
      %dma_start3A = arith.constant 0 : i32
      %dma_start3A_73 = tpu.memref_slice %arg8[%add3A_13, %dma_start3A] : memref<10240x128xf32, #tpu.memory_space<vmem_shared>> -> memref<128x128xf32, #tpu.memory_space<vmem_shared>>
      %dma_start3A_74 = arith.constant 0 : i32
      %dma_start3A_75 = tpu.memref_slice %arg8[%add3A_13, %dma_start3A_74] : memref<10240x128xf32, #tpu.memory_space<vmem_shared>> -> memref<128x128xf32, #tpu.memory_space<vmem_shared>>
      tpu.enqueue_dma source(%arg7 : memref<128x128xf32, #tpu.memory_space<vmem>>) target(%dma_start3A_75 : memref<128x128xf32, #tpu.memory_space<vmem_shared>>) target_semaphore(%run_scoped3A : memref<!tpu.dma_semaphore, #tpu.memory_space<semaphore_mem>>)
      %dma_wait3A = arith.constant 0 : i32
      %dma_wait3A_76 = tpu.memref_slice %arg8[%add3A_13, %dma_wait3A] : memref<10240x128xf32, #tpu.memory_space<vmem_shared>> -> memref<128x128xf32, #tpu.memory_space<vmem_shared>>
      %dma_wait3A_77 = arith.constant 0 : i32
      %dma_wait3A_78 = tpu.memref_slice %arg8[%add3A_13, %dma_wait3A_77] : memref<10240x128xf32, #tpu.memory_space<vmem_shared>> -> memref<128x128xf32, #tpu.memory_space<vmem_shared>>
      tpu.wait_dma2 semaphore(%run_scoped3A : memref<!tpu.dma_semaphore, #tpu.memory_space<semaphore_mem>>) src(%arg7 : memref<128x128xf32, #tpu.memory_space<vmem>>) dst(%dma_wait3A_78 : memref<128x128xf32, #tpu.memory_space<vmem_shared>>)
      tpu.yield
    }) : () -> ()
    %mul3A_14 = arith.constant 640 : i32
    %mul3A_15 = arith.muli %arg1, %mul3A_14 : i32
    %add3A_16 = arith.constant 128 : i32
    %add3A_17 = arith.addi %mul3A_15, %add3A_16 : i32
    "tpu.region"() ({
      %run_scoped3A = tpu.sem_alloc : memref<!tpu.dma_semaphore, #tpu.memory_space<semaphore_mem>>
      %dma_start3A = arith.constant 0 : i32
      %dma_start3A_73 = tpu.memref_slice %arg8[%add3A_17, %dma_start3A] : memref<10240x128xf32, #tpu.memory_space<vmem_shared>> -> memref<128x128xf32, #tpu.memory_space<vmem_shared>>
      %dma_start3A_74 = arith.constant 0 : i32
      %dma_start3A_75 = tpu.memref_slice %arg8[%add3A_17, %dma_start3A_74] : memref<10240x128xf32, #tpu.memory_space<vmem_shared>> -> memref<128x128xf32, #tpu.memory_space<vmem_shared>>
      tpu.enqueue_dma source(%arg7 : memref<128x128xf32, #tpu.memory_space<vmem>>) target(%dma_start3A_75 : memref<128x128xf32, #tpu.memory_space<vmem_shared>>) target_semaphore(%run_scoped3A : memref<!tpu.dma_semaphore, #tpu.memory_space<semaphore_mem>>)
      %dma_wait3A = arith.constant 0 : i32
      %dma_wait3A_76 = tpu.memref_slice %arg8[%add3A_17, %dma_wait3A] : memref<10240x128xf32, #tpu.memory_space<vmem_shared>> -> memref<128x128xf32, #tpu.memory_space<vmem_shared>>
      %dma_wait3A_77 = arith.constant 0 : i32
      %dma_wait3A_78 = tpu.memref_slice %arg8[%add3A_17, %dma_wait3A_77] : memref<10240x128xf32, #tpu.memory_space<vmem_shared>> -> memref<128x128xf32, #tpu.memory_space<vmem_shared>>
      tpu.wait_dma2 semaphore(%run_scoped3A : memref<!tpu.dma_semaphore, #tpu.memory_space<semaphore_mem>>) src(%arg7 : memref<128x128xf32, #tpu.memory_space<vmem>>) dst(%dma_wait3A_78 : memref<128x128xf32, #tpu.memory_space<vmem_shared>>)
      tpu.yield
    }) : () -> ()
    %mul3A_18 = arith.constant 640 : i32
    %mul3A_19 = arith.muli %arg1, %mul3A_18 : i32
    %add3A_20 = arith.constant 256 : i32
    %add3A_21 = arith.addi %mul3A_19, %add3A_20 : i32
    "tpu.region"() ({
      %run_scoped3A = tpu.sem_alloc : memref<!tpu.dma_semaphore, #tpu.memory_space<semaphore_mem>>
      %dma_start3A = arith.constant 0 : i32
      %dma_start3A_73 = tpu.memref_slice %arg8[%add3A_21, %dma_start3A] : memref<10240x128xf32, #tpu.memory_space<vmem_shared>> -> memref<128x128xf32, #tpu.memory_space<vmem_shared>>
      %dma_start3A_74 = arith.constant 0 : i32
      %dma_start3A_75 = tpu.memref_slice %arg8[%add3A_21, %dma_start3A_74] : memref<10240x128xf32, #tpu.memory_space<vmem_shared>> -> memref<128x128xf32, #tpu.memory_space<vmem_shared>>
      tpu.enqueue_dma source(%arg7 : memref<128x128xf32, #tpu.memory_space<vmem>>) target(%dma_start3A_75 : memref<128x128xf32, #tpu.memory_space<vmem_shared>>) target_semaphore(%run_scoped3A : memref<!tpu.dma_semaphore, #tpu.memory_space<semaphore_mem>>)
      %dma_wait3A = arith.constant 0 : i32
      %dma_wait3A_76 = tpu.memref_slice %arg8[%add3A_21, %dma_wait3A] : memref<10240x128xf32, #tpu.memory_space<vmem_shared>> -> memref<128x128xf32, #tpu.memory_space<vmem_shared>>
      %dma_wait3A_77 = arith.constant 0 : i32
      %dma_wait3A_78 = tpu.memref_slice %arg8[%add3A_21, %dma_wait3A_77] : memref<10240x128xf32, #tpu.memory_space<vmem_shared>> -> memref<128x128xf32, #tpu.memory_space<vmem_shared>>
      tpu.wait_dma2 semaphore(%run_scoped3A : memref<!tpu.dma_semaphore, #tpu.memory_space<semaphore_mem>>) src(%arg7 : memref<128x128xf32, #tpu.memory_space<vmem>>) dst(%dma_wait3A_78 : memref<128x128xf32, #tpu.memory_space<vmem_shared>>)
      tpu.yield
    }) : () -> ()
    %mul3A_22 = arith.constant 640 : i32
    %mul3A_23 = arith.muli %arg1, %mul3A_22 : i32
    %add3A_24 = arith.constant 384 : i32
    %add3A_25 = arith.addi %mul3A_23, %add3A_24 : i32
    "tpu.region"() ({
      %run_scoped3A = tpu.sem_alloc : memref<!tpu.dma_semaphore, #tpu.memory_space<semaphore_mem>>
      %dma_start3A = arith.constant 0 : i32
      %dma_start3A_73 = tpu.memref_slice %arg8[%add3A_25, %dma_start3A] : memref<10240x128xf32, #tpu.memory_space<vmem_shared>> -> memref<128x128xf32, #tpu.memory_space<vmem_shared>>
      %dma_start3A_74 = arith.constant 0 : i32
      %dma_start3A_75 = tpu.memref_slice %arg8[%add3A_25, %dma_start3A_74] : memref<10240x128xf32, #tpu.memory_space<vmem_shared>> -> memref<128x128xf32, #tpu.memory_space<vmem_shared>>
      tpu.enqueue_dma source(%arg7 : memref<128x128xf32, #tpu.memory_space<vmem>>) target(%dma_start3A_75 : memref<128x128xf32, #tpu.memory_space<vmem_shared>>) target_semaphore(%run_scoped3A : memref<!tpu.dma_semaphore, #tpu.memory_space<semaphore_mem>>)
      %dma_wait3A = arith.constant 0 : i32
      %dma_wait3A_76 = tpu.memref_slice %arg8[%add3A_25, %dma_wait3A] : memref<10240x128xf32, #tpu.memory_space<vmem_shared>> -> memref<128x128xf32, #tpu.memory_space<vmem_shared>>
      %dma_wait3A_77 = arith.constant 0 : i32
      %dma_wait3A_78 = tpu.memref_slice %arg8[%add3A_25, %dma_wait3A_77] : memref<10240x128xf32, #tpu.memory_space<vmem_shared>> -> memref<128x128xf32, #tpu.memory_space<vmem_shared>>
      tpu.wait_dma2 semaphore(%run_scoped3A : memref<!tpu.dma_semaphore, #tpu.memory_space<semaphore_mem>>) src(%arg7 : memref<128x128xf32, #tpu.memory_space<vmem>>) dst(%dma_wait3A_78 : memref<128x128xf32, #tpu.memory_space<vmem_shared>>)
      tpu.yield
    }) : () -> ()
    %mul3A_26 = arith.constant 640 : i32
    %mul3A_27 = arith.muli %arg1, %mul3A_26 : i32
    %add3A_28 = arith.constant 512 : i32
    %add3A_29 = arith.addi %mul3A_27, %add3A_28 : i32
    "tpu.region"() ({
      %run_scoped3A = tpu.sem_alloc : memref<!tpu.dma_semaphore, #tpu.memory_space<semaphore_mem>>
      %dma_start3A = arith.constant 0 : i32
      %dma_start3A_73 = tpu.memref_slice %arg8[%add3A_29, %dma_start3A] : memref<10240x128xf32, #tpu.memory_space<vmem_shared>> -> memref<128x128xf32, #tpu.memory_space<vmem_shared>>
      %dma_start3A_74 = arith.constant 0 : i32
      %dma_start3A_75 = tpu.memref_slice %arg8[%add3A_29, %dma_start3A_74] : memref<10240x128xf32, #tpu.memory_space<vmem_shared>> -> memref<128x128xf32, #tpu.memory_space<vmem_shared>>
      tpu.enqueue_dma source(%arg7 : memref<128x128xf32, #tpu.memory_space<vmem>>) target(%dma_start3A_75 : memref<128x128xf32, #tpu.memory_space<vmem_shared>>) target_semaphore(%run_scoped3A : memref<!tpu.dma_semaphore, #tpu.memory_space<semaphore_mem>>)
      %dma_wait3A = arith.constant 0 : i32
      %dma_wait3A_76 = tpu.memref_slice %arg8[%add3A_29, %dma_wait3A] : memref<10240x128xf32, #tpu.memory_space<vmem_shared>> -> memref<128x128xf32, #tpu.memory_space<vmem_shared>>
      %dma_wait3A_77 = arith.constant 0 : i32
      %dma_wait3A_78 = tpu.memref_slice %arg8[%add3A_29, %dma_wait3A_77] : memref<10240x128xf32, #tpu.memory_space<vmem_shared>> -> memref<128x128xf32, #tpu.memory_space<vmem_shared>>
      tpu.wait_dma2 semaphore(%run_scoped3A : memref<!tpu.dma_semaphore, #tpu.memory_space<semaphore_mem>>) src(%arg7 : memref<128x128xf32, #tpu.memory_space<vmem>>) dst(%dma_wait3A_78 : memref<128x128xf32, #tpu.memory_space<vmem_shared>>)
      tpu.yield
    }) : () -> ()
    %barrier3A = arith.constant 0 : index
    tpu.barrier barrier_id(%barrier3A)
    %scan3A_30 = arith.constant 0 : i32
    %scan3A_31 = arith.constant 0 : i32
    %scan3A_32 = arith.constant 125 : i32
    %scan3A_33 = arith.addi %scan3A_31, %scan3A_32 : i32
    %scan3A_34 = arith.constant 1 : i32
    %scan3A_35 = scf.for %scan3A_73 = %scan3A_31 to %scan3A_33 step %scan3A_34 iter_args(%scan3A_74 = %scan3A_30) -> (i32)  : i32 {
      %mul3A_75 = arith.constant 80 : i32
      %mul3A_76 = arith.muli %scan3A_73, %mul3A_75 : i32
      %add3A_77 = arith.addi %mul3A_2, %mul3A_76 : i32
      "tpu.region"() ({
        %run_scoped3A = tpu.sem_alloc : memref<!tpu.dma_semaphore, #tpu.memory_space<semaphore_mem>>
        %dma_start3A_85 = tpu.memref_slice %arg3[%add3A_77] : memref<320000xi32, #tpu.memory_space<hbm>> -> memref<80xi32, #tpu.memory_space<hbm>>
        %dma_start3A_86 = tpu.memref_slice %arg3[%add3A_77] : memref<320000xi32, #tpu.memory_space<hbm>> -> memref<80xi32, #tpu.memory_space<hbm>>
        tpu.enqueue_dma source(%dma_start3A_86 : memref<80xi32, #tpu.memory_space<hbm>>) target(%arg6 : memref<80xi32, #tpu.memory_space<vmem>>) target_semaphore(%run_scoped3A : memref<!tpu.dma_semaphore, #tpu.memory_space<semaphore_mem>>)
        %dma_wait3A_87 = tpu.memref_slice %arg3[%add3A_77] : memref<320000xi32, #tpu.memory_space<hbm>> -> memref<80xi32, #tpu.memory_space<hbm>>
        %dma_wait3A_88 = tpu.memref_slice %arg3[%add3A_77] : memref<320000xi32, #tpu.memory_space<hbm>> -> memref<80xi32, #tpu.memory_space<hbm>>
        tpu.wait_dma2 semaphore(%run_scoped3A : memref<!tpu.dma_semaphore, #tpu.memory_space<semaphore_mem>>) src(%dma_wait3A_88 : memref<80xi32, #tpu.memory_space<hbm>>) dst(%arg6 : memref<80xi32, #tpu.memory_space<vmem>>)
        tpu.yield
      }) : () -> ()
      %dma_start3A = arith.constant 0 : i32
      %dma_start3A_78 = tpu.memref_slice %arg2[%add3A_77, %dma_start3A] : memref<320000x128xf32, #tpu.memory_space<hbm>> -> memref<80x128xf32, #tpu.memory_space<hbm>>
      %dma_start3A_79 = arith.constant 0 : i32
      %dma_start3A_80 = tpu.memref_slice %arg2[%add3A_77, %dma_start3A_79] : memref<320000x128xf32, #tpu.memory_space<hbm>> -> memref<80x128xf32, #tpu.memory_space<hbm>>
      tpu.enqueue_dma source(%dma_start3A_80 : memref<80x128xf32, #tpu.memory_space<hbm>>) target(%arg5 : memref<80x128xf32, #tpu.memory_space<vmem>>) target_semaphore(%arg9 : memref<!tpu.dma_semaphore, #tpu.memory_space<semaphore_mem>>)
      %dma_wait3A = arith.constant 0 : i32
      %dma_wait3A_81 = tpu.memref_slice %arg2[%add3A_77, %dma_wait3A] : memref<320000x128xf32, #tpu.memory_space<hbm>> -> memref<80x128xf32, #tpu.memory_space<hbm>>
      %dma_wait3A_82 = arith.constant 0 : i32
      %dma_wait3A_83 = tpu.memref_slice %arg2[%add3A_77, %dma_wait3A_82] : memref<320000x128xf32, #tpu.memory_space<hbm>> -> memref<80x128xf32, #tpu.memory_space<hbm>>
      tpu.wait_dma2 semaphore(%arg9 : memref<!tpu.dma_semaphore, #tpu.memory_space<semaphore_mem>>) src(%dma_wait3A_83 : memref<80x128xf32, #tpu.memory_space<hbm>>) dst(%arg5 : memref<80x128xf32, #tpu.memory_space<vmem>>)
      "tpu.region"() ({
        %run_scoped3A = tpu.sem_alloc : memref<!tpu.dma_semaphore, #tpu.memory_space<semaphore_mem>>
        %dma_start3A_85 = arith.constant 0 : i32
        %dma_start3A_86 = arith.constant 0 : i32
        %dma_start3A_87 = tpu.memref_slice %arg8[%dma_start3A_85, %dma_start3A_86] : memref<10240x128xf32, #tpu.memory_space<vmem_shared>> -> memref<10240x128xf32, #tpu.memory_space<vmem_shared>>
        tpu.enqueue_indirect_dma source(%arg5 : memref<80x128xf32, #tpu.memory_space<vmem>>) target(%dma_start3A_87 : memref<10240x128xf32, #tpu.memory_space<vmem_shared>>) offsets(%arg6 : memref<80xi32, #tpu.memory_space<vmem>>) semaphore(%run_scoped3A : memref<!tpu.dma_semaphore, #tpu.memory_space<semaphore_mem>>) {add = true}
        %dma_wait3A_88 = arith.constant 0 : i32
        %dma_wait3A_89 = arith.constant 0 : i32
        %dma_wait3A_90 = tpu.memref_slice %arg8[%dma_wait3A_88, %dma_wait3A_89] : memref<10240x128xf32, #tpu.memory_space<vmem_shared>> -> memref<10240x128xf32, #tpu.memory_space<vmem_shared>>
        tpu.wait_indirect_dma semaphore(%run_scoped3A : memref<!tpu.dma_semaphore, #tpu.memory_space<semaphore_mem>>) src(%arg5 : memref<80x128xf32, #tpu.memory_space<vmem>>) dst(%dma_wait3A_90 : memref<10240x128xf32, #tpu.memory_space<vmem_shared>>)
        tpu.yield
      }) : () -> ()
      %scan3A_84 = arith.constant 0 : i32
      scf.yield %scan3A_84 : i32
    }
    %scan3A_36 = arith.constant 125 : i32
    %barrier3A_37 = arith.constant 0 : index
    tpu.barrier barrier_id(%barrier3A_37)
    %mul3A_38 = arith.constant 640 : i32
    %mul3A_39 = arith.muli %arg1, %mul3A_38 : i32
    %add3A_40 = arith.constant 0 : i32
    %add3A_41 = arith.addi %mul3A_39, %add3A_40 : i32
    "tpu.region"() ({
      %run_scoped3A = tpu.sem_alloc : memref<!tpu.dma_semaphore, #tpu.memory_space<semaphore_mem>>
      %dma_start3A = arith.constant 0 : i32
      %dma_start3A_73 = tpu.memref_slice %arg8[%add3A_41, %dma_start3A] : memref<10240x128xf32, #tpu.memory_space<vmem_shared>> -> memref<128x128xf32, #tpu.memory_space<vmem_shared>>
      %dma_start3A_74 = arith.constant 0 : i32
      %dma_start3A_75 = tpu.memref_slice %arg8[%add3A_41, %dma_start3A_74] : memref<10240x128xf32, #tpu.memory_space<vmem_shared>> -> memref<128x128xf32, #tpu.memory_space<vmem_shared>>
      tpu.enqueue_dma source(%dma_start3A_75 : memref<128x128xf32, #tpu.memory_space<vmem_shared>>) target(%arg7 : memref<128x128xf32, #tpu.memory_space<vmem>>) target_semaphore(%run_scoped3A : memref<!tpu.dma_semaphore, #tpu.memory_space<semaphore_mem>>)
      %dma_wait3A = arith.constant 0 : i32
      %dma_wait3A_76 = tpu.memref_slice %arg8[%add3A_41, %dma_wait3A] : memref<10240x128xf32, #tpu.memory_space<vmem_shared>> -> memref<128x128xf32, #tpu.memory_space<vmem_shared>>
      %dma_wait3A_77 = arith.constant 0 : i32
      %dma_wait3A_78 = tpu.memref_slice %arg8[%add3A_41, %dma_wait3A_77] : memref<10240x128xf32, #tpu.memory_space<vmem_shared>> -> memref<128x128xf32, #tpu.memory_space<vmem_shared>>
      tpu.wait_dma2 semaphore(%run_scoped3A : memref<!tpu.dma_semaphore, #tpu.memory_space<semaphore_mem>>) src(%dma_wait3A_78 : memref<128x128xf32, #tpu.memory_space<vmem_shared>>) dst(%arg7 : memref<128x128xf32, #tpu.memory_space<vmem>>)
      tpu.yield
    }) : () -> ()
    %mul3A_42 = arith.constant 10240 : i32
    %mul3A_43 = arith.muli %arg0, %mul3A_42 : i32
    %add3A_44 = arith.addi %mul3A_43, %add3A_41 : i32
    "tpu.region"() ({
      %run_scoped3A = tpu.sem_alloc : memref<!tpu.dma_semaphore, #tpu.memory_space<semaphore_mem>>
      %dma_start3A = arith.constant 0 : i32
      %dma_start3A_73 = tpu.memref_slice %arg4[%add3A_44, %dma_start3A] : memref<20480x128xf32, #tpu.memory_space<hbm>> -> memref<128x128xf32, #tpu.memory_space<hbm>>
      %dma_start3A_74 = arith.constant 0 : i32
      %dma_start3A_75 = tpu.memref_slice %arg4[%add3A_44, %dma_start3A_74] : memref<20480x128xf32, #tpu.memory_space<hbm>> -> memref<128x128xf32, #tpu.memory_space<hbm>>
      tpu.enqueue_dma source(%arg7 : memref<128x128xf32, #tpu.memory_space<vmem>>) target(%dma_start3A_75 : memref<128x128xf32, #tpu.memory_space<hbm>>) target_semaphore(%run_scoped3A : memref<!tpu.dma_semaphore, #tpu.memory_space<semaphore_mem>>)
      %dma_wait3A = arith.constant 0 : i32
      %dma_wait3A_76 = tpu.memref_slice %arg4[%add3A_44, %dma_wait3A] : memref<20480x128xf32, #tpu.memory_space<hbm>> -> memref<128x128xf32, #tpu.memory_space<hbm>>
      %dma_wait3A_77 = arith.constant 0 : i32
      %dma_wait3A_78 = tpu.memref_slice %arg4[%add3A_44, %dma_wait3A_77] : memref<20480x128xf32, #tpu.memory_space<hbm>> -> memref<128x128xf32, #tpu.memory_space<hbm>>
      tpu.wait_dma2 semaphore(%run_scoped3A : memref<!tpu.dma_semaphore, #tpu.memory_space<semaphore_mem>>) src(%arg7 : memref<128x128xf32, #tpu.memory_space<vmem>>) dst(%dma_wait3A_78 : memref<128x128xf32, #tpu.memory_space<hbm>>)
      tpu.yield
    }) : () -> ()
    %mul3A_45 = arith.constant 640 : i32
    %mul3A_46 = arith.muli %arg1, %mul3A_45 : i32
    %add3A_47 = arith.constant 128 : i32
    %add3A_48 = arith.addi %mul3A_46, %add3A_47 : i32
    "tpu.region"() ({
      %run_scoped3A = tpu.sem_alloc : memref<!tpu.dma_semaphore, #tpu.memory_space<semaphore_mem>>
      %dma_start3A = arith.constant 0 : i32
      %dma_start3A_73 = tpu.memref_slice %arg8[%add3A_48, %dma_start3A] : memref<10240x128xf32, #tpu.memory_space<vmem_shared>> -> memref<128x128xf32, #tpu.memory_space<vmem_shared>>
      %dma_start3A_74 = arith.constant 0 : i32
      %dma_start3A_75 = tpu.memref_slice %arg8[%add3A_48, %dma_start3A_74] : memref<10240x128xf32, #tpu.memory_space<vmem_shared>> -> memref<128x128xf32, #tpu.memory_space<vmem_shared>>
      tpu.enqueue_dma source(%dma_start3A_75 : memref<128x128xf32, #tpu.memory_space<vmem_shared>>) target(%arg7 : memref<128x128xf32, #tpu.memory_space<vmem>>) target_semaphore(%run_scoped3A : memref<!tpu.dma_semaphore, #tpu.memory_space<semaphore_mem>>)
      %dma_wait3A = arith.constant 0 : i32
      %dma_wait3A_76 = tpu.memref_slice %arg8[%add3A_48, %dma_wait3A] : memref<10240x128xf32, #tpu.memory_space<vmem_shared>> -> memref<128x128xf32, #tpu.memory_space<vmem_shared>>
      %dma_wait3A_77 = arith.constant 0 : i32
      %dma_wait3A_78 = tpu.memref_slice %arg8[%add3A_48, %dma_wait3A_77] : memref<10240x128xf32, #tpu.memory_space<vmem_shared>> -> memref<128x128xf32, #tpu.memory_space<vmem_shared>>
      tpu.wait_dma2 semaphore(%run_scoped3A : memref<!tpu.dma_semaphore, #tpu.memory_space<semaphore_mem>>) src(%dma_wait3A_78 : memref<128x128xf32, #tpu.memory_space<vmem_shared>>) dst(%arg7 : memref<128x128xf32, #tpu.memory_space<vmem>>)
      tpu.yield
    }) : () -> ()
    %mul3A_49 = arith.constant 10240 : i32
    %mul3A_50 = arith.muli %arg0, %mul3A_49 : i32
    %add3A_51 = arith.addi %mul3A_50, %add3A_48 : i32
    "tpu.region"() ({
      %run_scoped3A = tpu.sem_alloc : memref<!tpu.dma_semaphore, #tpu.memory_space<semaphore_mem>>
      %dma_start3A = arith.constant 0 : i32
      %dma_start3A_73 = tpu.memref_slice %arg4[%add3A_51, %dma_start3A] : memref<20480x128xf32, #tpu.memory_space<hbm>> -> memref<128x128xf32, #tpu.memory_space<hbm>>
      %dma_start3A_74 = arith.constant 0 : i32
      %dma_start3A_75 = tpu.memref_slice %arg4[%add3A_51, %dma_start3A_74] : memref<20480x128xf32, #tpu.memory_space<hbm>> -> memref<128x128xf32, #tpu.memory_space<hbm>>
      tpu.enqueue_dma source(%arg7 : memref<128x128xf32, #tpu.memory_space<vmem>>) target(%dma_start3A_75 : memref<128x128xf32, #tpu.memory_space<hbm>>) target_semaphore(%run_scoped3A : memref<!tpu.dma_semaphore, #tpu.memory_space<semaphore_mem>>)
      %dma_wait3A = arith.constant 0 : i32
      %dma_wait3A_76 = tpu.memref_slice %arg4[%add3A_51, %dma_wait3A] : memref<20480x128xf32, #tpu.memory_space<hbm>> -> memref<128x128xf32, #tpu.memory_space<hbm>>
      %dma_wait3A_77 = arith.constant 0 : i32
      %dma_wait3A_78 = tpu.memref_slice %arg4[%add3A_51, %dma_wait3A_77] : memref<20480x128xf32, #tpu.memory_space<hbm>> -> memref<128x128xf32, #tpu.memory_space<hbm>>
      tpu.wait_dma2 semaphore(%run_scoped3A : memref<!tpu.dma_semaphore, #tpu.memory_space<semaphore_mem>>) src(%arg7 : memref<128x128xf32, #tpu.memory_space<vmem>>) dst(%dma_wait3A_78 : memref<128x128xf32, #tpu.memory_space<hbm>>)
      tpu.yield
    }) : () -> ()
    %mul3A_52 = arith.constant 640 : i32
    %mul3A_53 = arith.muli %arg1, %mul3A_52 : i32
    %add3A_54 = arith.constant 256 : i32
    %add3A_55 = arith.addi %mul3A_53, %add3A_54 : i32
    "tpu.region"() ({
      %run_scoped3A = tpu.sem_alloc : memref<!tpu.dma_semaphore, #tpu.memory_space<semaphore_mem>>
      %dma_start3A = arith.constant 0 : i32
      %dma_start3A_73 = tpu.memref_slice %arg8[%add3A_55, %dma_start3A] : memref<10240x128xf32, #tpu.memory_space<vmem_shared>> -> memref<128x128xf32, #tpu.memory_space<vmem_shared>>
      %dma_start3A_74 = arith.constant 0 : i32
      %dma_start3A_75 = tpu.memref_slice %arg8[%add3A_55, %dma_start3A_74] : memref<10240x128xf32, #tpu.memory_space<vmem_shared>> -> memref<128x128xf32, #tpu.memory_space<vmem_shared>>
      tpu.enqueue_dma source(%dma_start3A_75 : memref<128x128xf32, #tpu.memory_space<vmem_shared>>) target(%arg7 : memref<128x128xf32, #tpu.memory_space<vmem>>) target_semaphore(%run_scoped3A : memref<!tpu.dma_semaphore, #tpu.memory_space<semaphore_mem>>)
      %dma_wait3A = arith.constant 0 : i32
      %dma_wait3A_76 = tpu.memref_slice %arg8[%add3A_55, %dma_wait3A] : memref<10240x128xf32, #tpu.memory_space<vmem_shared>> -> memref<128x128xf32, #tpu.memory_space<vmem_shared>>
      %dma_wait3A_77 = arith.constant 0 : i32
      %dma_wait3A_78 = tpu.memref_slice %arg8[%add3A_55, %dma_wait3A_77] : memref<10240x128xf32, #tpu.memory_space<vmem_shared>> -> memref<128x128xf32, #tpu.memory_space<vmem_shared>>
      tpu.wait_dma2 semaphore(%run_scoped3A : memref<!tpu.dma_semaphore, #tpu.memory_space<semaphore_mem>>) src(%dma_wait3A_78 : memref<128x128xf32, #tpu.memory_space<vmem_shared>>) dst(%arg7 : memref<128x128xf32, #tpu.memory_space<vmem>>)
      tpu.yield
    }) : () -> ()
    %mul3A_56 = arith.constant 10240 : i32
    %mul3A_57 = arith.muli %arg0, %mul3A_56 : i32
    %add3A_58 = arith.addi %mul3A_57, %add3A_55 : i32
    "tpu.region"() ({
      %run_scoped3A = tpu.sem_alloc : memref<!tpu.dma_semaphore, #tpu.memory_space<semaphore_mem>>
      %dma_start3A = arith.constant 0 : i32
      %dma_start3A_73 = tpu.memref_slice %arg4[%add3A_58, %dma_start3A] : memref<20480x128xf32, #tpu.memory_space<hbm>> -> memref<128x128xf32, #tpu.memory_space<hbm>>
      %dma_start3A_74 = arith.constant 0 : i32
      %dma_start3A_75 = tpu.memref_slice %arg4[%add3A_58, %dma_start3A_74] : memref<20480x128xf32, #tpu.memory_space<hbm>> -> memref<128x128xf32, #tpu.memory_space<hbm>>
      tpu.enqueue_dma source(%arg7 : memref<128x128xf32, #tpu.memory_space<vmem>>) target(%dma_start3A_75 : memref<128x128xf32, #tpu.memory_space<hbm>>) target_semaphore(%run_scoped3A : memref<!tpu.dma_semaphore, #tpu.memory_space<semaphore_mem>>)
      %dma_wait3A = arith.constant 0 : i32
      %dma_wait3A_76 = tpu.memref_slice %arg4[%add3A_58, %dma_wait3A] : memref<20480x128xf32, #tpu.memory_space<hbm>> -> memref<128x128xf32, #tpu.memory_space<hbm>>
      %dma_wait3A_77 = arith.constant 0 : i32
      %dma_wait3A_78 = tpu.memref_slice %arg4[%add3A_58, %dma_wait3A_77] : memref<20480x128xf32, #tpu.memory_space<hbm>> -> memref<128x128xf32, #tpu.memory_space<hbm>>
      tpu.wait_dma2 semaphore(%run_scoped3A : memref<!tpu.dma_semaphore, #tpu.memory_space<semaphore_mem>>) src(%arg7 : memref<128x128xf32, #tpu.memory_space<vmem>>) dst(%dma_wait3A_78 : memref<128x128xf32, #tpu.memory_space<hbm>>)
      tpu.yield
    }) : () -> ()
    %mul3A_59 = arith.constant 640 : i32
    %mul3A_60 = arith.muli %arg1, %mul3A_59 : i32
    %add3A_61 = arith.constant 384 : i32
    %add3A_62 = arith.addi %mul3A_60, %add3A_61 : i32
    "tpu.region"() ({
      %run_scoped3A = tpu.sem_alloc : memref<!tpu.dma_semaphore, #tpu.memory_space<semaphore_mem>>
      %dma_start3A = arith.constant 0 : i32
      %dma_start3A_73 = tpu.memref_slice %arg8[%add3A_62, %dma_start3A] : memref<10240x128xf32, #tpu.memory_space<vmem_shared>> -> memref<128x128xf32, #tpu.memory_space<vmem_shared>>
      %dma_start3A_74 = arith.constant 0 : i32
      %dma_start3A_75 = tpu.memref_slice %arg8[%add3A_62, %dma_start3A_74] : memref<10240x128xf32, #tpu.memory_space<vmem_shared>> -> memref<128x128xf32, #tpu.memory_space<vmem_shared>>
      tpu.enqueue_dma source(%dma_start3A_75 : memref<128x128xf32, #tpu.memory_space<vmem_shared>>) target(%arg7 : memref<128x128xf32, #tpu.memory_space<vmem>>) target_semaphore(%run_scoped3A : memref<!tpu.dma_semaphore, #tpu.memory_space<semaphore_mem>>)
      %dma_wait3A = arith.constant 0 : i32
      %dma_wait3A_76 = tpu.memref_slice %arg8[%add3A_62, %dma_wait3A] : memref<10240x128xf32, #tpu.memory_space<vmem_shared>> -> memref<128x128xf32, #tpu.memory_space<vmem_shared>>
      %dma_wait3A_77 = arith.constant 0 : i32
      %dma_wait3A_78 = tpu.memref_slice %arg8[%add3A_62, %dma_wait3A_77] : memref<10240x128xf32, #tpu.memory_space<vmem_shared>> -> memref<128x128xf32, #tpu.memory_space<vmem_shared>>
      tpu.wait_dma2 semaphore(%run_scoped3A : memref<!tpu.dma_semaphore, #tpu.memory_space<semaphore_mem>>) src(%dma_wait3A_78 : memref<128x128xf32, #tpu.memory_space<vmem_shared>>) dst(%arg7 : memref<128x128xf32, #tpu.memory_space<vmem>>)
      tpu.yield
    }) : () -> ()
    %mul3A_63 = arith.constant 10240 : i32
    %mul3A_64 = arith.muli %arg0, %mul3A_63 : i32
    %add3A_65 = arith.addi %mul3A_64, %add3A_62 : i32
    "tpu.region"() ({
      %run_scoped3A = tpu.sem_alloc : memref<!tpu.dma_semaphore, #tpu.memory_space<semaphore_mem>>
      %dma_start3A = arith.constant 0 : i32
      %dma_start3A_73 = tpu.memref_slice %arg4[%add3A_65, %dma_start3A] : memref<20480x128xf32, #tpu.memory_space<hbm>> -> memref<128x128xf32, #tpu.memory_space<hbm>>
      %dma_start3A_74 = arith.constant 0 : i32
      %dma_start3A_75 = tpu.memref_slice %arg4[%add3A_65, %dma_start3A_74] : memref<20480x128xf32, #tpu.memory_space<hbm>> -> memref<128x128xf32, #tpu.memory_space<hbm>>
      tpu.enqueue_dma source(%arg7 : memref<128x128xf32, #tpu.memory_space<vmem>>) target(%dma_start3A_75 : memref<128x128xf32, #tpu.memory_space<hbm>>) target_semaphore(%run_scoped3A : memref<!tpu.dma_semaphore, #tpu.memory_space<semaphore_mem>>)
      %dma_wait3A = arith.constant 0 : i32
      %dma_wait3A_76 = tpu.memref_slice %arg4[%add3A_65, %dma_wait3A] : memref<20480x128xf32, #tpu.memory_space<hbm>> -> memref<128x128xf32, #tpu.memory_space<hbm>>
      %dma_wait3A_77 = arith.constant 0 : i32
      %dma_wait3A_78 = tpu.memref_slice %arg4[%add3A_65, %dma_wait3A_77] : memref<20480x128xf32, #tpu.memory_space<hbm>> -> memref<128x128xf32, #tpu.memory_space<hbm>>
      tpu.wait_dma2 semaphore(%run_scoped3A : memref<!tpu.dma_semaphore, #tpu.memory_space<semaphore_mem>>) src(%arg7 : memref<128x128xf32, #tpu.memory_space<vmem>>) dst(%dma_wait3A_78 : memref<128x128xf32, #tpu.memory_space<hbm>>)
      tpu.yield
    }) : () -> ()
    %mul3A_66 = arith.constant 640 : i32
    %mul3A_67 = arith.muli %arg1, %mul3A_66 : i32
    %add3A_68 = arith.constant 512 : i32
    %add3A_69 = arith.addi %mul3A_67, %add3A_68 : i32
    "tpu.region"() ({
      %run_scoped3A = tpu.sem_alloc : memref<!tpu.dma_semaphore, #tpu.memory_space<semaphore_mem>>
      %dma_start3A = arith.constant 0 : i32
      %dma_start3A_73 = tpu.memref_slice %arg8[%add3A_69, %dma_start3A] : memref<10240x128xf32, #tpu.memory_space<vmem_shared>> -> memref<128x128xf32, #tpu.memory_space<vmem_shared>>
      %dma_start3A_74 = arith.constant 0 : i32
      %dma_start3A_75 = tpu.memref_slice %arg8[%add3A_69, %dma_start3A_74] : memref<10240x128xf32, #tpu.memory_space<vmem_shared>> -> memref<128x128xf32, #tpu.memory_space<vmem_shared>>
      tpu.enqueue_dma source(%dma_start3A_75 : memref<128x128xf32, #tpu.memory_space<vmem_shared>>) target(%arg7 : memref<128x128xf32, #tpu.memory_space<vmem>>) target_semaphore(%run_scoped3A : memref<!tpu.dma_semaphore, #tpu.memory_space<semaphore_mem>>)
      %dma_wait3A = arith.constant 0 : i32
      %dma_wait3A_76 = tpu.memref_slice %arg8[%add3A_69, %dma_wait3A] : memref<10240x128xf32, #tpu.memory_space<vmem_shared>> -> memref<128x128xf32, #tpu.memory_space<vmem_shared>>
      %dma_wait3A_77 = arith.constant 0 : i32
      %dma_wait3A_78 = tpu.memref_slice %arg8[%add3A_69, %dma_wait3A_77] : memref<10240x128xf32, #tpu.memory_space<vmem_shared>> -> memref<128x128xf32, #tpu.memory_space<vmem_shared>>
      tpu.wait_dma2 semaphore(%run_scoped3A : memref<!tpu.dma_semaphore, #tpu.memory_space<semaphore_mem>>) src(%dma_wait3A_78 : memref<128x128xf32, #tpu.memory_space<vmem_shared>>) dst(%arg7 : memref<128x128xf32, #tpu.memory_space<vmem>>)
      tpu.yield
    }) : () -> ()
    %mul3A_70 = arith.constant 10240 : i32
    %mul3A_71 = arith.muli %arg0, %mul3A_70 : i32
    %add3A_72 = arith.addi %mul3A_71, %add3A_69 : i32
    "tpu.region"() ({
      %run_scoped3A = tpu.sem_alloc : memref<!tpu.dma_semaphore, #tpu.memory_space<semaphore_mem>>
      %dma_start3A = arith.constant 0 : i32
      %dma_start3A_73 = tpu.memref_slice %arg4[%add3A_72, %dma_start3A] : memref<20480x128xf32, #tpu.memory_space<hbm>> -> memref<128x128xf32, #tpu.memory_space<hbm>>
      %dma_start3A_74 = arith.constant 0 : i32
      %dma_start3A_75 = tpu.memref_slice %arg4[%add3A_72, %dma_start3A_74] : memref<20480x128xf32, #tpu.memory_space<hbm>> -> memref<128x128xf32, #tpu.memory_space<hbm>>
      tpu.enqueue_dma source(%arg7 : memref<128x128xf32, #tpu.memory_space<vmem>>) target(%dma_start3A_75 : memref<128x128xf32, #tpu.memory_space<hbm>>) target_semaphore(%run_scoped3A : memref<!tpu.dma_semaphore, #tpu.memory_space<semaphore_mem>>)
      %dma_wait3A = arith.constant 0 : i32
      %dma_wait3A_76 = tpu.memref_slice %arg4[%add3A_72, %dma_wait3A] : memref<20480x128xf32, #tpu.memory_space<hbm>> -> memref<128x128xf32, #tpu.memory_space<hbm>>
      %dma_wait3A_77 = arith.constant 0 : i32
      %dma_wait3A_78 = tpu.memref_slice %arg4[%add3A_72, %dma_wait3A_77] : memref<20480x128xf32, #tpu.memory_space<hbm>> -> memref<128x128xf32, #tpu.memory_space<hbm>>
      tpu.wait_dma2 semaphore(%run_scoped3A : memref<!tpu.dma_semaphore, #tpu.memory_space<semaphore_mem>>) src(%arg7 : memref<128x128xf32, #tpu.memory_space<vmem>>) dst(%dma_wait3A_78 : memref<128x128xf32, #tpu.memory_space<hbm>>)
      tpu.yield
    }) : () -> ()
    return
  }
}

#map = affine_map<(d0, d1) -> (0, 0)>
#map1 = affine_map<(d0, d1) -> (0)>
module attributes {stable_mosaic.version = 14 : i64} {
  func.func @_sc_conv(%arg0: i32, %arg1: i32, %arg2: memref<10240x128xf32, #tpu.memory_space<hbm>>, %arg3: memref<10240x128xf32, #tpu.memory_space<hbm>>, %arg4: memref<320000xi32, #tpu.memory_space<hbm>>, %arg5: memref<320000xi32, #tpu.memory_space<hbm>>, %arg6: memref<20480x128xf32, #tpu.memory_space<hbm>>, %arg7: memref<80x128xf32, #tpu.memory_space<vmem>>, %arg8: memref<80x128xf32, #tpu.memory_space<vmem>>, %arg9: memref<80xi32, #tpu.memory_space<vmem>>, %arg10: memref<80xi32, #tpu.memory_space<vmem>>, %arg11: memref<128x128xf32, #tpu.memory_space<vmem>>, %arg12: memref<10240x128xf32, #tpu.memory_space<vmem_shared>>, %arg13: memref<!tpu.dma_semaphore, #tpu.memory_space<semaphore_mem>>, %arg14: memref<!tpu.dma_semaphore, #tpu.memory_space<semaphore_mem>>) attributes {dimension_semantics = [#tpu.dimension_semantics<core_parallel>, #tpu.dimension_semantics<subcore_parallel>], iteration_bounds = array<i64: 2, 16>, scalar_prefetch = 0 : i64, scratch_operands = 8 : i64, tpu.core_type = #tpu.core_type<sc_vector_subcore>, window_params = [{transform_indices = #map}, {transform_indices = #map}, {transform_indices = #map1}, {transform_indices = #map1}, {transform_indices = #map}]} {
    %mul3A = arith.constant 16 : i32
    %mul3A_0 = arith.muli %arg0, %mul3A : i32
    %add3A = arith.addi %mul3A_0, %arg1 : i32
    %mul3A_1 = arith.constant 10000 : i32
    %mul3A_2 = arith.muli %add3A, %mul3A_1 : i32
    %broadcast_in_dim3A = arith.constant 0.000000e+00 : f32
    %broadcast_in_dim3A_3 = vector.broadcast %broadcast_in_dim3A : f32 to vector<16xf32>
    %scan3A = arith.constant 0 : i32
    %scan3A_4 = arith.constant 0 : i32
    %scan3A_5 = arith.constant 1024 : i32
    %scan3A_6 = arith.addi %scan3A_4, %scan3A_5 : i32
    %scan3A_7 = arith.constant 1 : i32
    %scan3A_8 = scf.for %scan3A_73 = %scan3A_4 to %scan3A_6 step %scan3A_7 iter_args(%scan3A_74 = %scan3A) -> (i32)  : i32 {
      %jit3A = arith.constant 8 : i32
      %div3A = arith.divsi %scan3A_73, %jit3A : i32
      %sign3A = arith.constant 0 : i32
      %sign3A_75 = arith.cmpi sgt, %scan3A_73, %sign3A : i32
      %sign3A_76 = arith.extui %sign3A_75 : i1 to i32
      %sign3A_77 = arith.constant 0 : i32
      %sign3A_78 = arith.cmpi slt, %scan3A_73, %sign3A_77 : i32
      %sign3A_79 = arith.extui %sign3A_78 : i1 to i32
      %sign3A_80 = arith.subi %sign3A_76, %sign3A_79 : i32
      %sign3A_81 = arith.constant 0 : i32
      %sign3A_82 = arith.cmpi sgt, %jit3A, %sign3A_81 : i32
      %sign3A_83 = arith.extui %sign3A_82 : i1 to i32
      %sign3A_84 = arith.constant 0 : i32
      %sign3A_85 = arith.cmpi slt, %jit3A, %sign3A_84 : i32
      %sign3A_86 = arith.extui %sign3A_85 : i1 to i32
      %sign3A_87 = arith.subi %sign3A_83, %sign3A_86 : i32
      %ne3A = arith.cmpi ne, %sign3A_80, %sign3A_87 : i32
      %rem3A = arith.remsi %scan3A_73, %jit3A : i32
      %ne3A_88 = arith.constant 0 : i32
      %ne3A_89 = arith.cmpi ne, %rem3A, %ne3A_88 : i32
      %and3A = arith.andi %ne3A, %ne3A_89 : i1
      %sub3A = arith.constant 1 : i32
      %sub3A_90 = arith.subi %div3A, %sub3A : i32
      %select_n3A = arith.select %and3A, %sub3A_90, %div3A : i32
      %jit3A_91 = arith.constant 8 : i32
      %eq3A = arith.constant 0 : i32
      %eq3A_92 = arith.cmpi eq, %jit3A_91, %eq3A : i32
      %jit3A_93 = arith.constant 1 : i32
      %select_n3A_94 = arith.select %eq3A_92, %jit3A_93, %jit3A_91 : i32
      %rem3A_95 = arith.remsi %scan3A_73, %select_n3A_94 : i32
      %ne3A_96 = arith.constant 0 : i32
      %ne3A_97 = arith.cmpi ne, %rem3A_95, %ne3A_96 : i32
      %lt3A = arith.constant 0 : i32
      %lt3A_98 = arith.cmpi slt, %rem3A_95, %lt3A : i32
      %lt3A_99 = arith.constant 0 : i32
      %lt3A_100 = arith.cmpi slt, %select_n3A_94, %lt3A_99 : i32
      %ne3A_101 = arith.xori %lt3A_98, %lt3A_100 : i1
      %and3A_102 = arith.andi %ne3A_101, %ne3A_97 : i1
      %add3A_103 = arith.addi %rem3A_95, %select_n3A_94 : i32
      %select_n3A_104 = arith.select %and3A_102, %add3A_103, %rem3A_95 : i32
      %mul3A_105 = arith.constant 16 : i32
      %mul3A_106 = arith.muli %select_n3A_104, %mul3A_105 : i32
      %swap3A = arith.index_cast %select_n3A : i32 to index
      %swap3A_107 = arith.index_cast %mul3A_106 : i32 to index
      %swap3A_108 = tpu.vector_load %arg11[%swap3A, %swap3A_107] {strides = array<i32>} : memref<128x128xf32, #tpu.memory_space<vmem>>, vector<1x16xf32>,
      %swap3A_109 = vector.shape_cast %swap3A_108 : vector<1x16xf32> to vector<16xf32>
      %swap3A_110 = vector.shape_cast %broadcast_in_dim3A_3 : vector<16xf32> to vector<1x16xf32>
      tpu.vector_store %arg11[%swap3A, %swap3A_107], %swap3A_110 {strides = array<i32>} : memref<128x128xf32, #tpu.memory_space<vmem>>, vector<1x16xf32>,
      %scan3A_111 = arith.constant 0 : i32
      scf.yield %scan3A_111 : i32
    }
    %scan3A_9 = arith.constant 1024 : i32
    %mul3A_10 = arith.constant 640 : i32
    %mul3A_11 = arith.muli %arg1, %mul3A_10 : i32
    %add3A_12 = arith.constant 0 : i32
    %add3A_13 = arith.addi %mul3A_11, %add3A_12 : i32
    "tpu.region"() ({
      %run_scoped3A = tpu.sem_alloc : memref<!tpu.dma_semaphore, #tpu.memory_space<semaphore_mem>>
      %dma_start3A = arith.constant 0 : i32
      %dma_start3A_73 = tpu.memref_slice %arg12[%add3A_13, %dma_start3A] : memref<10240x128xf32, #tpu.memory_space<vmem_shared>> -> memref<128x128xf32, #tpu.memory_space<vmem_shared>>
      %dma_start3A_74 = arith.constant 0 : i32
      %dma_start3A_75 = tpu.memref_slice %arg12[%add3A_13, %dma_start3A_74] : memref<10240x128xf32, #tpu.memory_space<vmem_shared>> -> memref<128x128xf32, #tpu.memory_space<vmem_shared>>
      tpu.enqueue_dma source(%arg11 : memref<128x128xf32, #tpu.memory_space<vmem>>) target(%dma_start3A_75 : memref<128x128xf32, #tpu.memory_space<vmem_shared>>) target_semaphore(%run_scoped3A : memref<!tpu.dma_semaphore, #tpu.memory_space<semaphore_mem>>)
      %dma_wait3A = arith.constant 0 : i32
      %dma_wait3A_76 = tpu.memref_slice %arg12[%add3A_13, %dma_wait3A] : memref<10240x128xf32, #tpu.memory_space<vmem_shared>> -> memref<128x128xf32, #tpu.memory_space<vmem_shared>>
      %dma_wait3A_77 = arith.constant 0 : i32
      %dma_wait3A_78 = tpu.memref_slice %arg12[%add3A_13, %dma_wait3A_77] : memref<10240x128xf32, #tpu.memory_space<vmem_shared>> -> memref<128x128xf32, #tpu.memory_space<vmem_shared>>
      tpu.wait_dma2 semaphore(%run_scoped3A : memref<!tpu.dma_semaphore, #tpu.memory_space<semaphore_mem>>) src(%arg11 : memref<128x128xf32, #tpu.memory_space<vmem>>) dst(%dma_wait3A_78 : memref<128x128xf32, #tpu.memory_space<vmem_shared>>)
      tpu.yield
    }) : () -> ()
    %mul3A_14 = arith.constant 640 : i32
    %mul3A_15 = arith.muli %arg1, %mul3A_14 : i32
    %add3A_16 = arith.constant 128 : i32
    %add3A_17 = arith.addi %mul3A_15, %add3A_16 : i32
    "tpu.region"() ({
      %run_scoped3A = tpu.sem_alloc : memref<!tpu.dma_semaphore, #tpu.memory_space<semaphore_mem>>
      %dma_start3A = arith.constant 0 : i32
      %dma_start3A_73 = tpu.memref_slice %arg12[%add3A_17, %dma_start3A] : memref<10240x128xf32, #tpu.memory_space<vmem_shared>> -> memref<128x128xf32, #tpu.memory_space<vmem_shared>>
      %dma_start3A_74 = arith.constant 0 : i32
      %dma_start3A_75 = tpu.memref_slice %arg12[%add3A_17, %dma_start3A_74] : memref<10240x128xf32, #tpu.memory_space<vmem_shared>> -> memref<128x128xf32, #tpu.memory_space<vmem_shared>>
      tpu.enqueue_dma source(%arg11 : memref<128x128xf32, #tpu.memory_space<vmem>>) target(%dma_start3A_75 : memref<128x128xf32, #tpu.memory_space<vmem_shared>>) target_semaphore(%run_scoped3A : memref<!tpu.dma_semaphore, #tpu.memory_space<semaphore_mem>>)
      %dma_wait3A = arith.constant 0 : i32
      %dma_wait3A_76 = tpu.memref_slice %arg12[%add3A_17, %dma_wait3A] : memref<10240x128xf32, #tpu.memory_space<vmem_shared>> -> memref<128x128xf32, #tpu.memory_space<vmem_shared>>
      %dma_wait3A_77 = arith.constant 0 : i32
      %dma_wait3A_78 = tpu.memref_slice %arg12[%add3A_17, %dma_wait3A_77] : memref<10240x128xf32, #tpu.memory_space<vmem_shared>> -> memref<128x128xf32, #tpu.memory_space<vmem_shared>>
      tpu.wait_dma2 semaphore(%run_scoped3A : memref<!tpu.dma_semaphore, #tpu.memory_space<semaphore_mem>>) src(%arg11 : memref<128x128xf32, #tpu.memory_space<vmem>>) dst(%dma_wait3A_78 : memref<128x128xf32, #tpu.memory_space<vmem_shared>>)
      tpu.yield
    }) : () -> ()
    %mul3A_18 = arith.constant 640 : i32
    %mul3A_19 = arith.muli %arg1, %mul3A_18 : i32
    %add3A_20 = arith.constant 256 : i32
    %add3A_21 = arith.addi %mul3A_19, %add3A_20 : i32
    "tpu.region"() ({
      %run_scoped3A = tpu.sem_alloc : memref<!tpu.dma_semaphore, #tpu.memory_space<semaphore_mem>>
      %dma_start3A = arith.constant 0 : i32
      %dma_start3A_73 = tpu.memref_slice %arg12[%add3A_21, %dma_start3A] : memref<10240x128xf32, #tpu.memory_space<vmem_shared>> -> memref<128x128xf32, #tpu.memory_space<vmem_shared>>
      %dma_start3A_74 = arith.constant 0 : i32
      %dma_start3A_75 = tpu.memref_slice %arg12[%add3A_21, %dma_start3A_74] : memref<10240x128xf32, #tpu.memory_space<vmem_shared>> -> memref<128x128xf32, #tpu.memory_space<vmem_shared>>
      tpu.enqueue_dma source(%arg11 : memref<128x128xf32, #tpu.memory_space<vmem>>) target(%dma_start3A_75 : memref<128x128xf32, #tpu.memory_space<vmem_shared>>) target_semaphore(%run_scoped3A : memref<!tpu.dma_semaphore, #tpu.memory_space<semaphore_mem>>)
      %dma_wait3A = arith.constant 0 : i32
      %dma_wait3A_76 = tpu.memref_slice %arg12[%add3A_21, %dma_wait3A] : memref<10240x128xf32, #tpu.memory_space<vmem_shared>> -> memref<128x128xf32, #tpu.memory_space<vmem_shared>>
      %dma_wait3A_77 = arith.constant 0 : i32
      %dma_wait3A_78 = tpu.memref_slice %arg12[%add3A_21, %dma_wait3A_77] : memref<10240x128xf32, #tpu.memory_space<vmem_shared>> -> memref<128x128xf32, #tpu.memory_space<vmem_shared>>
      tpu.wait_dma2 semaphore(%run_scoped3A : memref<!tpu.dma_semaphore, #tpu.memory_space<semaphore_mem>>) src(%arg11 : memref<128x128xf32, #tpu.memory_space<vmem>>) dst(%dma_wait3A_78 : memref<128x128xf32, #tpu.memory_space<vmem_shared>>)
      tpu.yield
    }) : () -> ()
    %mul3A_22 = arith.constant 640 : i32
    %mul3A_23 = arith.muli %arg1, %mul3A_22 : i32
    %add3A_24 = arith.constant 384 : i32
    %add3A_25 = arith.addi %mul3A_23, %add3A_24 : i32
    "tpu.region"() ({
      %run_scoped3A = tpu.sem_alloc : memref<!tpu.dma_semaphore, #tpu.memory_space<semaphore_mem>>
      %dma_start3A = arith.constant 0 : i32
      %dma_start3A_73 = tpu.memref_slice %arg12[%add3A_25, %dma_start3A] : memref<10240x128xf32, #tpu.memory_space<vmem_shared>> -> memref<128x128xf32, #tpu.memory_space<vmem_shared>>
      %dma_start3A_74 = arith.constant 0 : i32
      %dma_start3A_75 = tpu.memref_slice %arg12[%add3A_25, %dma_start3A_74] : memref<10240x128xf32, #tpu.memory_space<vmem_shared>> -> memref<128x128xf32, #tpu.memory_space<vmem_shared>>
      tpu.enqueue_dma source(%arg11 : memref<128x128xf32, #tpu.memory_space<vmem>>) target(%dma_start3A_75 : memref<128x128xf32, #tpu.memory_space<vmem_shared>>) target_semaphore(%run_scoped3A : memref<!tpu.dma_semaphore, #tpu.memory_space<semaphore_mem>>)
      %dma_wait3A = arith.constant 0 : i32
      %dma_wait3A_76 = tpu.memref_slice %arg12[%add3A_25, %dma_wait3A] : memref<10240x128xf32, #tpu.memory_space<vmem_shared>> -> memref<128x128xf32, #tpu.memory_space<vmem_shared>>
      %dma_wait3A_77 = arith.constant 0 : i32
      %dma_wait3A_78 = tpu.memref_slice %arg12[%add3A_25, %dma_wait3A_77] : memref<10240x128xf32, #tpu.memory_space<vmem_shared>> -> memref<128x128xf32, #tpu.memory_space<vmem_shared>>
      tpu.wait_dma2 semaphore(%run_scoped3A : memref<!tpu.dma_semaphore, #tpu.memory_space<semaphore_mem>>) src(%arg11 : memref<128x128xf32, #tpu.memory_space<vmem>>) dst(%dma_wait3A_78 : memref<128x128xf32, #tpu.memory_space<vmem_shared>>)
      tpu.yield
    }) : () -> ()
    %mul3A_26 = arith.constant 640 : i32
    %mul3A_27 = arith.muli %arg1, %mul3A_26 : i32
    %add3A_28 = arith.constant 512 : i32
    %add3A_29 = arith.addi %mul3A_27, %add3A_28 : i32
    "tpu.region"() ({
      %run_scoped3A = tpu.sem_alloc : memref<!tpu.dma_semaphore, #tpu.memory_space<semaphore_mem>>
      %dma_start3A = arith.constant 0 : i32
      %dma_start3A_73 = tpu.memref_slice %arg12[%add3A_29, %dma_start3A] : memref<10240x128xf32, #tpu.memory_space<vmem_shared>> -> memref<128x128xf32, #tpu.memory_space<vmem_shared>>
      %dma_start3A_74 = arith.constant 0 : i32
      %dma_start3A_75 = tpu.memref_slice %arg12[%add3A_29, %dma_start3A_74] : memref<10240x128xf32, #tpu.memory_space<vmem_shared>> -> memref<128x128xf32, #tpu.memory_space<vmem_shared>>
      tpu.enqueue_dma source(%arg11 : memref<128x128xf32, #tpu.memory_space<vmem>>) target(%dma_start3A_75 : memref<128x128xf32, #tpu.memory_space<vmem_shared>>) target_semaphore(%run_scoped3A : memref<!tpu.dma_semaphore, #tpu.memory_space<semaphore_mem>>)
      %dma_wait3A = arith.constant 0 : i32
      %dma_wait3A_76 = tpu.memref_slice %arg12[%add3A_29, %dma_wait3A] : memref<10240x128xf32, #tpu.memory_space<vmem_shared>> -> memref<128x128xf32, #tpu.memory_space<vmem_shared>>
      %dma_wait3A_77 = arith.constant 0 : i32
      %dma_wait3A_78 = tpu.memref_slice %arg12[%add3A_29, %dma_wait3A_77] : memref<10240x128xf32, #tpu.memory_space<vmem_shared>> -> memref<128x128xf32, #tpu.memory_space<vmem_shared>>
      tpu.wait_dma2 semaphore(%run_scoped3A : memref<!tpu.dma_semaphore, #tpu.memory_space<semaphore_mem>>) src(%arg11 : memref<128x128xf32, #tpu.memory_space<vmem>>) dst(%dma_wait3A_78 : memref<128x128xf32, #tpu.memory_space<vmem_shared>>)
      tpu.yield
    }) : () -> ()
    %barrier3A = arith.constant 0 : index
    tpu.barrier barrier_id(%barrier3A)
    %scan3A_30 = arith.constant 0 : i32
    %scan3A_31 = arith.constant 0 : i32
    %scan3A_32 = arith.constant 125 : i32
    %scan3A_33 = arith.addi %scan3A_31, %scan3A_32 : i32
    %scan3A_34 = arith.constant 1 : i32
    %scan3A_35 = scf.for %scan3A_73 = %scan3A_31 to %scan3A_33 step %scan3A_34 iter_args(%scan3A_74 = %scan3A_30) -> (i32)  : i32 {
      %mul3A_75 = arith.constant 80 : i32
      %mul3A_76 = arith.muli %scan3A_73, %mul3A_75 : i32
      %add3A_77 = arith.addi %mul3A_2, %mul3A_76 : i32
      "tpu.region"() ({
        %run_scoped3A = tpu.sem_alloc : memref<!tpu.dma_semaphore, #tpu.memory_space<semaphore_mem>>
        %dma_start3A_96 = tpu.memref_slice %arg4[%add3A_77] : memref<320000xi32, #tpu.memory_space<hbm>> -> memref<80xi32, #tpu.memory_space<hbm>>
        %dma_start3A_97 = tpu.memref_slice %arg4[%add3A_77] : memref<320000xi32, #tpu.memory_space<hbm>> -> memref<80xi32, #tpu.memory_space<hbm>>
        tpu.enqueue_dma source(%dma_start3A_97 : memref<80xi32, #tpu.memory_space<hbm>>) target(%arg9 : memref<80xi32, #tpu.memory_space<vmem>>) target_semaphore(%run_scoped3A : memref<!tpu.dma_semaphore, #tpu.memory_space<semaphore_mem>>)
        %dma_wait3A_98 = tpu.memref_slice %arg4[%add3A_77] : memref<320000xi32, #tpu.memory_space<hbm>> -> memref<80xi32, #tpu.memory_space<hbm>>
        %dma_wait3A_99 = tpu.memref_slice %arg4[%add3A_77] : memref<320000xi32, #tpu.memory_space<hbm>> -> memref<80xi32, #tpu.memory_space<hbm>>
        tpu.wait_dma2 semaphore(%run_scoped3A : memref<!tpu.dma_semaphore, #tpu.memory_space<semaphore_mem>>) src(%dma_wait3A_99 : memref<80xi32, #tpu.memory_space<hbm>>) dst(%arg9 : memref<80xi32, #tpu.memory_space<vmem>>)
        tpu.yield
      }) : () -> ()
      "tpu.region"() ({
        %run_scoped3A = tpu.sem_alloc : memref<!tpu.dma_semaphore, #tpu.memory_space<semaphore_mem>>
        %dma_start3A_96 = tpu.memref_slice %arg5[%add3A_77] : memref<320000xi32, #tpu.memory_space<hbm>> -> memref<80xi32, #tpu.memory_space<hbm>>
        %dma_start3A_97 = tpu.memref_slice %arg5[%add3A_77] : memref<320000xi32, #tpu.memory_space<hbm>> -> memref<80xi32, #tpu.memory_space<hbm>>
        tpu.enqueue_dma source(%dma_start3A_97 : memref<80xi32, #tpu.memory_space<hbm>>) target(%arg10 : memref<80xi32, #tpu.memory_space<vmem>>) target_semaphore(%run_scoped3A : memref<!tpu.dma_semaphore, #tpu.memory_space<semaphore_mem>>)
        %dma_wait3A_98 = tpu.memref_slice %arg5[%add3A_77] : memref<320000xi32, #tpu.memory_space<hbm>> -> memref<80xi32, #tpu.memory_space<hbm>>
        %dma_wait3A_99 = tpu.memref_slice %arg5[%add3A_77] : memref<320000xi32, #tpu.memory_space<hbm>> -> memref<80xi32, #tpu.memory_space<hbm>>
        tpu.wait_dma2 semaphore(%run_scoped3A : memref<!tpu.dma_semaphore, #tpu.memory_space<semaphore_mem>>) src(%dma_wait3A_99 : memref<80xi32, #tpu.memory_space<hbm>>) dst(%arg10 : memref<80xi32, #tpu.memory_space<vmem>>)
        tpu.yield
      }) : () -> ()
      %dma_start3A = arith.constant 0 : i32
      %dma_start3A_78 = arith.constant 0 : i32
      %dma_start3A_79 = tpu.memref_slice %arg2[%dma_start3A, %dma_start3A_78] : memref<10240x128xf32, #tpu.memory_space<hbm>> -> memref<10240x128xf32, #tpu.memory_space<hbm>>
      tpu.enqueue_indirect_dma source(%dma_start3A_79 : memref<10240x128xf32, #tpu.memory_space<hbm>>) target(%arg7 : memref<80x128xf32, #tpu.memory_space<vmem>>) offsets(%arg9 : memref<80xi32, #tpu.memory_space<vmem>>) semaphore(%arg13 : memref<!tpu.dma_semaphore, #tpu.memory_space<semaphore_mem>>)
      %dma_start3A_80 = arith.constant 0 : i32
      %dma_start3A_81 = arith.constant 0 : i32
      %dma_start3A_82 = tpu.memref_slice %arg3[%dma_start3A_80, %dma_start3A_81] : memref<10240x128xf32, #tpu.memory_space<hbm>> -> memref<10240x128xf32, #tpu.memory_space<hbm>>
      tpu.enqueue_indirect_dma source(%dma_start3A_82 : memref<10240x128xf32, #tpu.memory_space<hbm>>) target(%arg8 : memref<80x128xf32, #tpu.memory_space<vmem>>) offsets(%arg10 : memref<80xi32, #tpu.memory_space<vmem>>) semaphore(%arg14 : memref<!tpu.dma_semaphore, #tpu.memory_space<semaphore_mem>>)
      %dma_wait3A = arith.constant 0 : i32
      %dma_wait3A_83 = arith.constant 0 : i32
      %dma_wait3A_84 = tpu.memref_slice %arg2[%dma_wait3A, %dma_wait3A_83] : memref<10240x128xf32, #tpu.memory_space<hbm>> -> memref<10240x128xf32, #tpu.memory_space<hbm>>
      tpu.wait_indirect_dma semaphore(%arg13 : memref<!tpu.dma_semaphore, #tpu.memory_space<semaphore_mem>>) src(%dma_wait3A_84 : memref<10240x128xf32, #tpu.memory_space<hbm>>) dst(%arg7 : memref<80x128xf32, #tpu.memory_space<vmem>>)
      %dma_wait3A_85 = arith.constant 0 : i32
      %dma_wait3A_86 = arith.constant 0 : i32
      %dma_wait3A_87 = tpu.memref_slice %arg3[%dma_wait3A_85, %dma_wait3A_86] : memref<10240x128xf32, #tpu.memory_space<hbm>> -> memref<10240x128xf32, #tpu.memory_space<hbm>>
      tpu.wait_indirect_dma semaphore(%arg14 : memref<!tpu.dma_semaphore, #tpu.memory_space<semaphore_mem>>) src(%dma_wait3A_87 : memref<10240x128xf32, #tpu.memory_space<hbm>>) dst(%arg8 : memref<80x128xf32, #tpu.memory_space<vmem>>)
      %scan3A_88 = arith.constant 0 : i32
      %scan3A_89 = arith.constant 0 : i32
      %scan3A_90 = arith.constant 80 : i32
      %scan3A_91 = arith.addi %scan3A_89, %scan3A_90 : i32
      %scan3A_92 = arith.constant 1 : i32
      %scan3A_93 = scf.for %scan3A_96 = %scan3A_89 to %scan3A_91 step %scan3A_92 iter_args(%scan3A_97 = %scan3A_88) -> (i32)  : i32 {
        %get3A = arith.index_cast %scan3A_96 : i32 to index
        %get3A_98 = arith.constant 0 : index
        %get3A_99 = tpu.vector_load %arg7[%get3A, %get3A_98] {strides = array<i32>} : memref<80x128xf32, #tpu.memory_space<vmem>>, vector<1x16xf32>,
        %get3A_100 = vector.shape_cast %get3A_99 : vector<1x16xf32> to vector<16xf32>
        %get3A_101 = arith.index_cast %scan3A_96 : i32 to index
        %get3A_102 = arith.constant 0 : index
        %get3A_103 = tpu.vector_load %arg8[%get3A_101, %get3A_102] {strides = array<i32>} : memref<80x128xf32, #tpu.memory_space<vmem>>, vector<1x16xf32>,
        %get3A_104 = vector.shape_cast %get3A_103 : vector<1x16xf32> to vector<16xf32>
        %add3A_105 = arith.addf %get3A_100, %get3A_104 : vector<16xf32>
        %mul3A_106 = arith.constant 0.00999999977 : f32
        %mul3A_107 = vector.broadcast %mul3A_106 : f32 to vector<16xf32>
        %mul3A_108 = arith.mulf %add3A_105, %mul3A_107 : vector<16xf32>
        %max3A = arith.maximumf %add3A_105, %mul3A_108 : vector<16xf32>
        %swap3A = arith.index_cast %scan3A_96 : i32 to index
        %swap3A_109 = arith.constant 0 : index
        %swap3A_110 = tpu.vector_load %arg7[%swap3A, %swap3A_109] {strides = array<i32>} : memref<80x128xf32, #tpu.memory_space<vmem>>, vector<1x16xf32>,
        %swap3A_111 = vector.shape_cast %swap3A_110 : vector<1x16xf32> to vector<16xf32>
        %swap3A_112 = vector.shape_cast %max3A : vector<16xf32> to vector<1x16xf32>
        tpu.vector_store %arg7[%swap3A, %swap3A_109], %swap3A_112 {strides = array<i32>} : memref<80x128xf32, #tpu.memory_space<vmem>>, vector<1x16xf32>,
        %get3A_113 = arith.index_cast %scan3A_96 : i32 to index
        %get3A_114 = arith.constant 16 : index
        %get3A_115 = tpu.vector_load %arg7[%get3A_113, %get3A_114] {strides = array<i32>} : memref<80x128xf32, #tpu.memory_space<vmem>>, vector<1x16xf32>,
        %get3A_116 = vector.shape_cast %get3A_115 : vector<1x16xf32> to vector<16xf32>
        %get3A_117 = arith.index_cast %scan3A_96 : i32 to index
        %get3A_118 = arith.constant 16 : index
        %get3A_119 = tpu.vector_load %arg8[%get3A_117, %get3A_118] {strides = array<i32>} : memref<80x128xf32, #tpu.memory_space<vmem>>, vector<1x16xf32>,
        %get3A_120 = vector.shape_cast %get3A_119 : vector<1x16xf32> to vector<16xf32>
        %add3A_121 = arith.addf %get3A_116, %get3A_120 : vector<16xf32>
        %mul3A_122 = arith.constant 0.00999999977 : f32
        %mul3A_123 = vector.broadcast %mul3A_122 : f32 to vector<16xf32>
        %mul3A_124 = arith.mulf %add3A_121, %mul3A_123 : vector<16xf32>
        %max3A_125 = arith.maximumf %add3A_121, %mul3A_124 : vector<16xf32>
        %swap3A_126 = arith.index_cast %scan3A_96 : i32 to index
        %swap3A_127 = arith.constant 16 : index
        %swap3A_128 = tpu.vector_load %arg7[%swap3A_126, %swap3A_127] {strides = array<i32>} : memref<80x128xf32, #tpu.memory_space<vmem>>, vector<1x16xf32>,
        %swap3A_129 = vector.shape_cast %swap3A_128 : vector<1x16xf32> to vector<16xf32>
        %swap3A_130 = vector.shape_cast %max3A_125 : vector<16xf32> to vector<1x16xf32>
        tpu.vector_store %arg7[%swap3A_126, %swap3A_127], %swap3A_130 {strides = array<i32>} : memref<80x128xf32, #tpu.memory_space<vmem>>, vector<1x16xf32>,
        %get3A_131 = arith.index_cast %scan3A_96 : i32 to index
        %get3A_132 = arith.constant 32 : index
        %get3A_133 = tpu.vector_load %arg7[%get3A_131, %get3A_132] {strides = array<i32>} : memref<80x128xf32, #tpu.memory_space<vmem>>, vector<1x16xf32>,
        %get3A_134 = vector.shape_cast %get3A_133 : vector<1x16xf32> to vector<16xf32>
        %get3A_135 = arith.index_cast %scan3A_96 : i32 to index
        %get3A_136 = arith.constant 32 : index
        %get3A_137 = tpu.vector_load %arg8[%get3A_135, %get3A_136] {strides = array<i32>} : memref<80x128xf32, #tpu.memory_space<vmem>>, vector<1x16xf32>,
        %get3A_138 = vector.shape_cast %get3A_137 : vector<1x16xf32> to vector<16xf32>
        %add3A_139 = arith.addf %get3A_134, %get3A_138 : vector<16xf32>
        %mul3A_140 = arith.constant 0.00999999977 : f32
        %mul3A_141 = vector.broadcast %mul3A_140 : f32 to vector<16xf32>
        %mul3A_142 = arith.mulf %add3A_139, %mul3A_141 : vector<16xf32>
        %max3A_143 = arith.maximumf %add3A_139, %mul3A_142 : vector<16xf32>
        %swap3A_144 = arith.index_cast %scan3A_96 : i32 to index
        %swap3A_145 = arith.constant 32 : index
        %swap3A_146 = tpu.vector_load %arg7[%swap3A_144, %swap3A_145] {strides = array<i32>} : memref<80x128xf32, #tpu.memory_space<vmem>>, vector<1x16xf32>,
        %swap3A_147 = vector.shape_cast %swap3A_146 : vector<1x16xf32> to vector<16xf32>
        %swap3A_148 = vector.shape_cast %max3A_143 : vector<16xf32> to vector<1x16xf32>
        tpu.vector_store %arg7[%swap3A_144, %swap3A_145], %swap3A_148 {strides = array<i32>} : memref<80x128xf32, #tpu.memory_space<vmem>>, vector<1x16xf32>,
        %get3A_149 = arith.index_cast %scan3A_96 : i32 to index
        %get3A_150 = arith.constant 48 : index
        %get3A_151 = tpu.vector_load %arg7[%get3A_149, %get3A_150] {strides = array<i32>} : memref<80x128xf32, #tpu.memory_space<vmem>>, vector<1x16xf32>,
        %get3A_152 = vector.shape_cast %get3A_151 : vector<1x16xf32> to vector<16xf32>
        %get3A_153 = arith.index_cast %scan3A_96 : i32 to index
        %get3A_154 = arith.constant 48 : index
        %get3A_155 = tpu.vector_load %arg8[%get3A_153, %get3A_154] {strides = array<i32>} : memref<80x128xf32, #tpu.memory_space<vmem>>, vector<1x16xf32>,
        %get3A_156 = vector.shape_cast %get3A_155 : vector<1x16xf32> to vector<16xf32>
        %add3A_157 = arith.addf %get3A_152, %get3A_156 : vector<16xf32>
        %mul3A_158 = arith.constant 0.00999999977 : f32
        %mul3A_159 = vector.broadcast %mul3A_158 : f32 to vector<16xf32>
        %mul3A_160 = arith.mulf %add3A_157, %mul3A_159 : vector<16xf32>
        %max3A_161 = arith.maximumf %add3A_157, %mul3A_160 : vector<16xf32>
        %swap3A_162 = arith.index_cast %scan3A_96 : i32 to index
        %swap3A_163 = arith.constant 48 : index
        %swap3A_164 = tpu.vector_load %arg7[%swap3A_162, %swap3A_163] {strides = array<i32>} : memref<80x128xf32, #tpu.memory_space<vmem>>, vector<1x16xf32>,
        %swap3A_165 = vector.shape_cast %swap3A_164 : vector<1x16xf32> to vector<16xf32>
        %swap3A_166 = vector.shape_cast %max3A_161 : vector<16xf32> to vector<1x16xf32>
        tpu.vector_store %arg7[%swap3A_162, %swap3A_163], %swap3A_166 {strides = array<i32>} : memref<80x128xf32, #tpu.memory_space<vmem>>, vector<1x16xf32>,
        %get3A_167 = arith.index_cast %scan3A_96 : i32 to index
        %get3A_168 = arith.constant 64 : index
        %get3A_169 = tpu.vector_load %arg7[%get3A_167, %get3A_168] {strides = array<i32>} : memref<80x128xf32, #tpu.memory_space<vmem>>, vector<1x16xf32>,
        %get3A_170 = vector.shape_cast %get3A_169 : vector<1x16xf32> to vector<16xf32>
        %get3A_171 = arith.index_cast %scan3A_96 : i32 to index
        %get3A_172 = arith.constant 64 : index
        %get3A_173 = tpu.vector_load %arg8[%get3A_171, %get3A_172] {strides = array<i32>} : memref<80x128xf32, #tpu.memory_space<vmem>>, vector<1x16xf32>,
        %get3A_174 = vector.shape_cast %get3A_173 : vector<1x16xf32> to vector<16xf32>
        %add3A_175 = arith.addf %get3A_170, %get3A_174 : vector<16xf32>
        %mul3A_176 = arith.constant 0.00999999977 : f32
        %mul3A_177 = vector.broadcast %mul3A_176 : f32 to vector<16xf32>
        %mul3A_178 = arith.mulf %add3A_175, %mul3A_177 : vector<16xf32>
        %max3A_179 = arith.maximumf %add3A_175, %mul3A_178 : vector<16xf32>
        %swap3A_180 = arith.index_cast %scan3A_96 : i32 to index
        %swap3A_181 = arith.constant 64 : index
        %swap3A_182 = tpu.vector_load %arg7[%swap3A_180, %swap3A_181] {strides = array<i32>} : memref<80x128xf32, #tpu.memory_space<vmem>>, vector<1x16xf32>,
        %swap3A_183 = vector.shape_cast %swap3A_182 : vector<1x16xf32> to vector<16xf32>
        %swap3A_184 = vector.shape_cast %max3A_179 : vector<16xf32> to vector<1x16xf32>
        tpu.vector_store %arg7[%swap3A_180, %swap3A_181], %swap3A_184 {strides = array<i32>} : memref<80x128xf32, #tpu.memory_space<vmem>>, vector<1x16xf32>,
        %get3A_185 = arith.index_cast %scan3A_96 : i32 to index
        %get3A_186 = arith.constant 80 : index
        %get3A_187 = tpu.vector_load %arg7[%get3A_185, %get3A_186] {strides = array<i32>} : memref<80x128xf32, #tpu.memory_space<vmem>>, vector<1x16xf32>,
        %get3A_188 = vector.shape_cast %get3A_187 : vector<1x16xf32> to vector<16xf32>
        %get3A_189 = arith.index_cast %scan3A_96 : i32 to index
        %get3A_190 = arith.constant 80 : index
        %get3A_191 = tpu.vector_load %arg8[%get3A_189, %get3A_190] {strides = array<i32>} : memref<80x128xf32, #tpu.memory_space<vmem>>, vector<1x16xf32>,
        %get3A_192 = vector.shape_cast %get3A_191 : vector<1x16xf32> to vector<16xf32>
        %add3A_193 = arith.addf %get3A_188, %get3A_192 : vector<16xf32>
        %mul3A_194 = arith.constant 0.00999999977 : f32
        %mul3A_195 = vector.broadcast %mul3A_194 : f32 to vector<16xf32>
        %mul3A_196 = arith.mulf %add3A_193, %mul3A_195 : vector<16xf32>
        %max3A_197 = arith.maximumf %add3A_193, %mul3A_196 : vector<16xf32>
        %swap3A_198 = arith.index_cast %scan3A_96 : i32 to index
        %swap3A_199 = arith.constant 80 : index
        %swap3A_200 = tpu.vector_load %arg7[%swap3A_198, %swap3A_199] {strides = array<i32>} : memref<80x128xf32, #tpu.memory_space<vmem>>, vector<1x16xf32>,
        %swap3A_201 = vector.shape_cast %swap3A_200 : vector<1x16xf32> to vector<16xf32>
        %swap3A_202 = vector.shape_cast %max3A_197 : vector<16xf32> to vector<1x16xf32>
        tpu.vector_store %arg7[%swap3A_198, %swap3A_199], %swap3A_202 {strides = array<i32>} : memref<80x128xf32, #tpu.memory_space<vmem>>, vector<1x16xf32>,
        %get3A_203 = arith.index_cast %scan3A_96 : i32 to index
        %get3A_204 = arith.constant 96 : index
        %get3A_205 = tpu.vector_load %arg7[%get3A_203, %get3A_204] {strides = array<i32>} : memref<80x128xf32, #tpu.memory_space<vmem>>, vector<1x16xf32>,
        %get3A_206 = vector.shape_cast %get3A_205 : vector<1x16xf32> to vector<16xf32>
        %get3A_207 = arith.index_cast %scan3A_96 : i32 to index
        %get3A_208 = arith.constant 96 : index
        %get3A_209 = tpu.vector_load %arg8[%get3A_207, %get3A_208] {strides = array<i32>} : memref<80x128xf32, #tpu.memory_space<vmem>>, vector<1x16xf32>,
        %get3A_210 = vector.shape_cast %get3A_209 : vector<1x16xf32> to vector<16xf32>
        %add3A_211 = arith.addf %get3A_206, %get3A_210 : vector<16xf32>
        %mul3A_212 = arith.constant 0.00999999977 : f32
        %mul3A_213 = vector.broadcast %mul3A_212 : f32 to vector<16xf32>
        %mul3A_214 = arith.mulf %add3A_211, %mul3A_213 : vector<16xf32>
        %max3A_215 = arith.maximumf %add3A_211, %mul3A_214 : vector<16xf32>
        %swap3A_216 = arith.index_cast %scan3A_96 : i32 to index
        %swap3A_217 = arith.constant 96 : index
        %swap3A_218 = tpu.vector_load %arg7[%swap3A_216, %swap3A_217] {strides = array<i32>} : memref<80x128xf32, #tpu.memory_space<vmem>>, vector<1x16xf32>,
        %swap3A_219 = vector.shape_cast %swap3A_218 : vector<1x16xf32> to vector<16xf32>
        %swap3A_220 = vector.shape_cast %max3A_215 : vector<16xf32> to vector<1x16xf32>
        tpu.vector_store %arg7[%swap3A_216, %swap3A_217], %swap3A_220 {strides = array<i32>} : memref<80x128xf32, #tpu.memory_space<vmem>>, vector<1x16xf32>,
        %get3A_221 = arith.index_cast %scan3A_96 : i32 to index
        %get3A_222 = arith.constant 112 : index
        %get3A_223 = tpu.vector_load %arg7[%get3A_221, %get3A_222] {strides = array<i32>} : memref<80x128xf32, #tpu.memory_space<vmem>>, vector<1x16xf32>,
        %get3A_224 = vector.shape_cast %get3A_223 : vector<1x16xf32> to vector<16xf32>
        %get3A_225 = arith.index_cast %scan3A_96 : i32 to index
        %get3A_226 = arith.constant 112 : index
        %get3A_227 = tpu.vector_load %arg8[%get3A_225, %get3A_226] {strides = array<i32>} : memref<80x128xf32, #tpu.memory_space<vmem>>, vector<1x16xf32>,
        %get3A_228 = vector.shape_cast %get3A_227 : vector<1x16xf32> to vector<16xf32>
        %add3A_229 = arith.addf %get3A_224, %get3A_228 : vector<16xf32>
        %mul3A_230 = arith.constant 0.00999999977 : f32
        %mul3A_231 = vector.broadcast %mul3A_230 : f32 to vector<16xf32>
        %mul3A_232 = arith.mulf %add3A_229, %mul3A_231 : vector<16xf32>
        %max3A_233 = arith.maximumf %add3A_229, %mul3A_232 : vector<16xf32>
        %swap3A_234 = arith.index_cast %scan3A_96 : i32 to index
        %swap3A_235 = arith.constant 112 : index
        %swap3A_236 = tpu.vector_load %arg7[%swap3A_234, %swap3A_235] {strides = array<i32>} : memref<80x128xf32, #tpu.memory_space<vmem>>, vector<1x16xf32>,
        %swap3A_237 = vector.shape_cast %swap3A_236 : vector<1x16xf32> to vector<16xf32>
        %swap3A_238 = vector.shape_cast %max3A_233 : vector<16xf32> to vector<1x16xf32>
        tpu.vector_store %arg7[%swap3A_234, %swap3A_235], %swap3A_238 {strides = array<i32>} : memref<80x128xf32, #tpu.memory_space<vmem>>, vector<1x16xf32>,
        %scan3A_239 = arith.constant 0 : i32
        scf.yield %scan3A_239 : i32
      }
      %scan3A_94 = arith.constant 80 : i32
      "tpu.region"() ({
        %run_scoped3A = tpu.sem_alloc : memref<!tpu.dma_semaphore, #tpu.memory_space<semaphore_mem>>
        %dma_start3A_96 = arith.constant 0 : i32
        %dma_start3A_97 = arith.constant 0 : i32
        %dma_start3A_98 = tpu.memref_slice %arg12[%dma_start3A_96, %dma_start3A_97] : memref<10240x128xf32, #tpu.memory_space<vmem_shared>> -> memref<10240x128xf32, #tpu.memory_space<vmem_shared>>
        tpu.enqueue_indirect_dma source(%arg7 : memref<80x128xf32, #tpu.memory_space<vmem>>) target(%dma_start3A_98 : memref<10240x128xf32, #tpu.memory_space<vmem_shared>>) offsets(%arg9 : memref<80xi32, #tpu.memory_space<vmem>>) semaphore(%run_scoped3A : memref<!tpu.dma_semaphore, #tpu.memory_space<semaphore_mem>>) {add = true}
        %dma_wait3A_99 = arith.constant 0 : i32
        %dma_wait3A_100 = arith.constant 0 : i32
        %dma_wait3A_101 = tpu.memref_slice %arg12[%dma_wait3A_99, %dma_wait3A_100] : memref<10240x128xf32, #tpu.memory_space<vmem_shared>> -> memref<10240x128xf32, #tpu.memory_space<vmem_shared>>
        tpu.wait_indirect_dma semaphore(%run_scoped3A : memref<!tpu.dma_semaphore, #tpu.memory_space<semaphore_mem>>) src(%arg7 : memref<80x128xf32, #tpu.memory_space<vmem>>) dst(%dma_wait3A_101 : memref<10240x128xf32, #tpu.memory_space<vmem_shared>>)
        tpu.yield
      }) : () -> ()
      %scan3A_95 = arith.constant 0 : i32
      scf.yield %scan3A_95 : i32
    }
    %scan3A_36 = arith.constant 125 : i32
    %barrier3A_37 = arith.constant 0 : index
    tpu.barrier barrier_id(%barrier3A_37)
    %mul3A_38 = arith.constant 640 : i32
    %mul3A_39 = arith.muli %arg1, %mul3A_38 : i32
    %add3A_40 = arith.constant 0 : i32
    %add3A_41 = arith.addi %mul3A_39, %add3A_40 : i32
    "tpu.region"() ({
      %run_scoped3A = tpu.sem_alloc : memref<!tpu.dma_semaphore, #tpu.memory_space<semaphore_mem>>
      %dma_start3A = arith.constant 0 : i32
      %dma_start3A_73 = tpu.memref_slice %arg12[%add3A_41, %dma_start3A] : memref<10240x128xf32, #tpu.memory_space<vmem_shared>> -> memref<128x128xf32, #tpu.memory_space<vmem_shared>>
      %dma_start3A_74 = arith.constant 0 : i32
      %dma_start3A_75 = tpu.memref_slice %arg12[%add3A_41, %dma_start3A_74] : memref<10240x128xf32, #tpu.memory_space<vmem_shared>> -> memref<128x128xf32, #tpu.memory_space<vmem_shared>>
      tpu.enqueue_dma source(%dma_start3A_75 : memref<128x128xf32, #tpu.memory_space<vmem_shared>>) target(%arg11 : memref<128x128xf32, #tpu.memory_space<vmem>>) target_semaphore(%run_scoped3A : memref<!tpu.dma_semaphore, #tpu.memory_space<semaphore_mem>>)
      %dma_wait3A = arith.constant 0 : i32
      %dma_wait3A_76 = tpu.memref_slice %arg12[%add3A_41, %dma_wait3A] : memref<10240x128xf32, #tpu.memory_space<vmem_shared>> -> memref<128x128xf32, #tpu.memory_space<vmem_shared>>
      %dma_wait3A_77 = arith.constant 0 : i32
      %dma_wait3A_78 = tpu.memref_slice %arg12[%add3A_41, %dma_wait3A_77] : memref<10240x128xf32, #tpu.memory_space<vmem_shared>> -> memref<128x128xf32, #tpu.memory_space<vmem_shared>>
      tpu.wait_dma2 semaphore(%run_scoped3A : memref<!tpu.dma_semaphore, #tpu.memory_space<semaphore_mem>>) src(%dma_wait3A_78 : memref<128x128xf32, #tpu.memory_space<vmem_shared>>) dst(%arg11 : memref<128x128xf32, #tpu.memory_space<vmem>>)
      tpu.yield
    }) : () -> ()
    %mul3A_42 = arith.constant 10240 : i32
    %mul3A_43 = arith.muli %arg0, %mul3A_42 : i32
    %add3A_44 = arith.addi %mul3A_43, %add3A_41 : i32
    "tpu.region"() ({
      %run_scoped3A = tpu.sem_alloc : memref<!tpu.dma_semaphore, #tpu.memory_space<semaphore_mem>>
      %dma_start3A = arith.constant 0 : i32
      %dma_start3A_73 = tpu.memref_slice %arg6[%add3A_44, %dma_start3A] : memref<20480x128xf32, #tpu.memory_space<hbm>> -> memref<128x128xf32, #tpu.memory_space<hbm>>
      %dma_start3A_74 = arith.constant 0 : i32
      %dma_start3A_75 = tpu.memref_slice %arg6[%add3A_44, %dma_start3A_74] : memref<20480x128xf32, #tpu.memory_space<hbm>> -> memref<128x128xf32, #tpu.memory_space<hbm>>
      tpu.enqueue_dma source(%arg11 : memref<128x128xf32, #tpu.memory_space<vmem>>) target(%dma_start3A_75 : memref<128x128xf32, #tpu.memory_space<hbm>>) target_semaphore(%run_scoped3A : memref<!tpu.dma_semaphore, #tpu.memory_space<semaphore_mem>>)
      %dma_wait3A = arith.constant 0 : i32
      %dma_wait3A_76 = tpu.memref_slice %arg6[%add3A_44, %dma_wait3A] : memref<20480x128xf32, #tpu.memory_space<hbm>> -> memref<128x128xf32, #tpu.memory_space<hbm>>
      %dma_wait3A_77 = arith.constant 0 : i32
      %dma_wait3A_78 = tpu.memref_slice %arg6[%add3A_44, %dma_wait3A_77] : memref<20480x128xf32, #tpu.memory_space<hbm>> -> memref<128x128xf32, #tpu.memory_space<hbm>>
      tpu.wait_dma2 semaphore(%run_scoped3A : memref<!tpu.dma_semaphore, #tpu.memory_space<semaphore_mem>>) src(%arg11 : memref<128x128xf32, #tpu.memory_space<vmem>>) dst(%dma_wait3A_78 : memref<128x128xf32, #tpu.memory_space<hbm>>)
      tpu.yield
    }) : () -> ()
    %mul3A_45 = arith.constant 640 : i32
    %mul3A_46 = arith.muli %arg1, %mul3A_45 : i32
    %add3A_47 = arith.constant 128 : i32
    %add3A_48 = arith.addi %mul3A_46, %add3A_47 : i32
    "tpu.region"() ({
      %run_scoped3A = tpu.sem_alloc : memref<!tpu.dma_semaphore, #tpu.memory_space<semaphore_mem>>
      %dma_start3A = arith.constant 0 : i32
      %dma_start3A_73 = tpu.memref_slice %arg12[%add3A_48, %dma_start3A] : memref<10240x128xf32, #tpu.memory_space<vmem_shared>> -> memref<128x128xf32, #tpu.memory_space<vmem_shared>>
      %dma_start3A_74 = arith.constant 0 : i32
      %dma_start3A_75 = tpu.memref_slice %arg12[%add3A_48, %dma_start3A_74] : memref<10240x128xf32, #tpu.memory_space<vmem_shared>> -> memref<128x128xf32, #tpu.memory_space<vmem_shared>>
      tpu.enqueue_dma source(%dma_start3A_75 : memref<128x128xf32, #tpu.memory_space<vmem_shared>>) target(%arg11 : memref<128x128xf32, #tpu.memory_space<vmem>>) target_semaphore(%run_scoped3A : memref<!tpu.dma_semaphore, #tpu.memory_space<semaphore_mem>>)
      %dma_wait3A = arith.constant 0 : i32
      %dma_wait3A_76 = tpu.memref_slice %arg12[%add3A_48, %dma_wait3A] : memref<10240x128xf32, #tpu.memory_space<vmem_shared>> -> memref<128x128xf32, #tpu.memory_space<vmem_shared>>
      %dma_wait3A_77 = arith.constant 0 : i32
      %dma_wait3A_78 = tpu.memref_slice %arg12[%add3A_48, %dma_wait3A_77] : memref<10240x128xf32, #tpu.memory_space<vmem_shared>> -> memref<128x128xf32, #tpu.memory_space<vmem_shared>>
      tpu.wait_dma2 semaphore(%run_scoped3A : memref<!tpu.dma_semaphore, #tpu.memory_space<semaphore_mem>>) src(%dma_wait3A_78 : memref<128x128xf32, #tpu.memory_space<vmem_shared>>) dst(%arg11 : memref<128x128xf32, #tpu.memory_space<vmem>>)
      tpu.yield
    }) : () -> ()
    %mul3A_49 = arith.constant 10240 : i32
    %mul3A_50 = arith.muli %arg0, %mul3A_49 : i32
    %add3A_51 = arith.addi %mul3A_50, %add3A_48 : i32
    "tpu.region"() ({
      %run_scoped3A = tpu.sem_alloc : memref<!tpu.dma_semaphore, #tpu.memory_space<semaphore_mem>>
      %dma_start3A = arith.constant 0 : i32
      %dma_start3A_73 = tpu.memref_slice %arg6[%add3A_51, %dma_start3A] : memref<20480x128xf32, #tpu.memory_space<hbm>> -> memref<128x128xf32, #tpu.memory_space<hbm>>
      %dma_start3A_74 = arith.constant 0 : i32
      %dma_start3A_75 = tpu.memref_slice %arg6[%add3A_51, %dma_start3A_74] : memref<20480x128xf32, #tpu.memory_space<hbm>> -> memref<128x128xf32, #tpu.memory_space<hbm>>
      tpu.enqueue_dma source(%arg11 : memref<128x128xf32, #tpu.memory_space<vmem>>) target(%dma_start3A_75 : memref<128x128xf32, #tpu.memory_space<hbm>>) target_semaphore(%run_scoped3A : memref<!tpu.dma_semaphore, #tpu.memory_space<semaphore_mem>>)
      %dma_wait3A = arith.constant 0 : i32
      %dma_wait3A_76 = tpu.memref_slice %arg6[%add3A_51, %dma_wait3A] : memref<20480x128xf32, #tpu.memory_space<hbm>> -> memref<128x128xf32, #tpu.memory_space<hbm>>
      %dma_wait3A_77 = arith.constant 0 : i32
      %dma_wait3A_78 = tpu.memref_slice %arg6[%add3A_51, %dma_wait3A_77] : memref<20480x128xf32, #tpu.memory_space<hbm>> -> memref<128x128xf32, #tpu.memory_space<hbm>>
      tpu.wait_dma2 semaphore(%run_scoped3A : memref<!tpu.dma_semaphore, #tpu.memory_space<semaphore_mem>>) src(%arg11 : memref<128x128xf32, #tpu.memory_space<vmem>>) dst(%dma_wait3A_78 : memref<128x128xf32, #tpu.memory_space<hbm>>)
      tpu.yield
    }) : () -> ()
    %mul3A_52 = arith.constant 640 : i32
    %mul3A_53 = arith.muli %arg1, %mul3A_52 : i32
    %add3A_54 = arith.constant 256 : i32
    %add3A_55 = arith.addi %mul3A_53, %add3A_54 : i32
    "tpu.region"() ({
      %run_scoped3A = tpu.sem_alloc : memref<!tpu.dma_semaphore, #tpu.memory_space<semaphore_mem>>
      %dma_start3A = arith.constant 0 : i32
      %dma_start3A_73 = tpu.memref_slice %arg12[%add3A_55, %dma_start3A] : memref<10240x128xf32, #tpu.memory_space<vmem_shared>> -> memref<128x128xf32, #tpu.memory_space<vmem_shared>>
      %dma_start3A_74 = arith.constant 0 : i32
      %dma_start3A_75 = tpu.memref_slice %arg12[%add3A_55, %dma_start3A_74] : memref<10240x128xf32, #tpu.memory_space<vmem_shared>> -> memref<128x128xf32, #tpu.memory_space<vmem_shared>>
      tpu.enqueue_dma source(%dma_start3A_75 : memref<128x128xf32, #tpu.memory_space<vmem_shared>>) target(%arg11 : memref<128x128xf32, #tpu.memory_space<vmem>>) target_semaphore(%run_scoped3A : memref<!tpu.dma_semaphore, #tpu.memory_space<semaphore_mem>>)
      %dma_wait3A = arith.constant 0 : i32
      %dma_wait3A_76 = tpu.memref_slice %arg12[%add3A_55, %dma_wait3A] : memref<10240x128xf32, #tpu.memory_space<vmem_shared>> -> memref<128x128xf32, #tpu.memory_space<vmem_shared>>
      %dma_wait3A_77 = arith.constant 0 : i32
      %dma_wait3A_78 = tpu.memref_slice %arg12[%add3A_55, %dma_wait3A_77] : memref<10240x128xf32, #tpu.memory_space<vmem_shared>> -> memref<128x128xf32, #tpu.memory_space<vmem_shared>>
      tpu.wait_dma2 semaphore(%run_scoped3A : memref<!tpu.dma_semaphore, #tpu.memory_space<semaphore_mem>>) src(%dma_wait3A_78 : memref<128x128xf32, #tpu.memory_space<vmem_shared>>) dst(%arg11 : memref<128x128xf32, #tpu.memory_space<vmem>>)
      tpu.yield
    }) : () -> ()
    %mul3A_56 = arith.constant 10240 : i32
    %mul3A_57 = arith.muli %arg0, %mul3A_56 : i32
    %add3A_58 = arith.addi %mul3A_57, %add3A_55 : i32
    "tpu.region"() ({
      %run_scoped3A = tpu.sem_alloc : memref<!tpu.dma_semaphore, #tpu.memory_space<semaphore_mem>>
      %dma_start3A = arith.constant 0 : i32
      %dma_start3A_73 = tpu.memref_slice %arg6[%add3A_58, %dma_start3A] : memref<20480x128xf32, #tpu.memory_space<hbm>> -> memref<128x128xf32, #tpu.memory_space<hbm>>
      %dma_start3A_74 = arith.constant 0 : i32
      %dma_start3A_75 = tpu.memref_slice %arg6[%add3A_58, %dma_start3A_74] : memref<20480x128xf32, #tpu.memory_space<hbm>> -> memref<128x128xf32, #tpu.memory_space<hbm>>
      tpu.enqueue_dma source(%arg11 : memref<128x128xf32, #tpu.memory_space<vmem>>) target(%dma_start3A_75 : memref<128x128xf32, #tpu.memory_space<hbm>>) target_semaphore(%run_scoped3A : memref<!tpu.dma_semaphore, #tpu.memory_space<semaphore_mem>>)
      %dma_wait3A = arith.constant 0 : i32
      %dma_wait3A_76 = tpu.memref_slice %arg6[%add3A_58, %dma_wait3A] : memref<20480x128xf32, #tpu.memory_space<hbm>> -> memref<128x128xf32, #tpu.memory_space<hbm>>
      %dma_wait3A_77 = arith.constant 0 : i32
      %dma_wait3A_78 = tpu.memref_slice %arg6[%add3A_58, %dma_wait3A_77] : memref<20480x128xf32, #tpu.memory_space<hbm>> -> memref<128x128xf32, #tpu.memory_space<hbm>>
      tpu.wait_dma2 semaphore(%run_scoped3A : memref<!tpu.dma_semaphore, #tpu.memory_space<semaphore_mem>>) src(%arg11 : memref<128x128xf32, #tpu.memory_space<vmem>>) dst(%dma_wait3A_78 : memref<128x128xf32, #tpu.memory_space<hbm>>)
      tpu.yield
    }) : () -> ()
    %mul3A_59 = arith.constant 640 : i32
    %mul3A_60 = arith.muli %arg1, %mul3A_59 : i32
    %add3A_61 = arith.constant 384 : i32
    %add3A_62 = arith.addi %mul3A_60, %add3A_61 : i32
    "tpu.region"() ({
      %run_scoped3A = tpu.sem_alloc : memref<!tpu.dma_semaphore, #tpu.memory_space<semaphore_mem>>
      %dma_start3A = arith.constant 0 : i32
      %dma_start3A_73 = tpu.memref_slice %arg12[%add3A_62, %dma_start3A] : memref<10240x128xf32, #tpu.memory_space<vmem_shared>> -> memref<128x128xf32, #tpu.memory_space<vmem_shared>>
      %dma_start3A_74 = arith.constant 0 : i32
      %dma_start3A_75 = tpu.memref_slice %arg12[%add3A_62, %dma_start3A_74] : memref<10240x128xf32, #tpu.memory_space<vmem_shared>> -> memref<128x128xf32, #tpu.memory_space<vmem_shared>>
      tpu.enqueue_dma source(%dma_start3A_75 : memref<128x128xf32, #tpu.memory_space<vmem_shared>>) target(%arg11 : memref<128x128xf32, #tpu.memory_space<vmem>>) target_semaphore(%run_scoped3A : memref<!tpu.dma_semaphore, #tpu.memory_space<semaphore_mem>>)
      %dma_wait3A = arith.constant 0 : i32
      %dma_wait3A_76 = tpu.memref_slice %arg12[%add3A_62, %dma_wait3A] : memref<10240x128xf32, #tpu.memory_space<vmem_shared>> -> memref<128x128xf32, #tpu.memory_space<vmem_shared>>
      %dma_wait3A_77 = arith.constant 0 : i32
      %dma_wait3A_78 = tpu.memref_slice %arg12[%add3A_62, %dma_wait3A_77] : memref<10240x128xf32, #tpu.memory_space<vmem_shared>> -> memref<128x128xf32, #tpu.memory_space<vmem_shared>>
      tpu.wait_dma2 semaphore(%run_scoped3A : memref<!tpu.dma_semaphore, #tpu.memory_space<semaphore_mem>>) src(%dma_wait3A_78 : memref<128x128xf32, #tpu.memory_space<vmem_shared>>) dst(%arg11 : memref<128x128xf32, #tpu.memory_space<vmem>>)
      tpu.yield
    }) : () -> ()
    %mul3A_63 = arith.constant 10240 : i32
    %mul3A_64 = arith.muli %arg0, %mul3A_63 : i32
    %add3A_65 = arith.addi %mul3A_64, %add3A_62 : i32
    "tpu.region"() ({
      %run_scoped3A = tpu.sem_alloc : memref<!tpu.dma_semaphore, #tpu.memory_space<semaphore_mem>>
      %dma_start3A = arith.constant 0 : i32
      %dma_start3A_73 = tpu.memref_slice %arg6[%add3A_65, %dma_start3A] : memref<20480x128xf32, #tpu.memory_space<hbm>> -> memref<128x128xf32, #tpu.memory_space<hbm>>
      %dma_start3A_74 = arith.constant 0 : i32
      %dma_start3A_75 = tpu.memref_slice %arg6[%add3A_65, %dma_start3A_74] : memref<20480x128xf32, #tpu.memory_space<hbm>> -> memref<128x128xf32, #tpu.memory_space<hbm>>
      tpu.enqueue_dma source(%arg11 : memref<128x128xf32, #tpu.memory_space<vmem>>) target(%dma_start3A_75 : memref<128x128xf32, #tpu.memory_space<hbm>>) target_semaphore(%run_scoped3A : memref<!tpu.dma_semaphore, #tpu.memory_space<semaphore_mem>>)
      %dma_wait3A = arith.constant 0 : i32
      %dma_wait3A_76 = tpu.memref_slice %arg6[%add3A_65, %dma_wait3A] : memref<20480x128xf32, #tpu.memory_space<hbm>> -> memref<128x128xf32, #tpu.memory_space<hbm>>
      %dma_wait3A_77 = arith.constant 0 : i32
      %dma_wait3A_78 = tpu.memref_slice %arg6[%add3A_65, %dma_wait3A_77] : memref<20480x128xf32, #tpu.memory_space<hbm>> -> memref<128x128xf32, #tpu.memory_space<hbm>>
      tpu.wait_dma2 semaphore(%run_scoped3A : memref<!tpu.dma_semaphore, #tpu.memory_space<semaphore_mem>>) src(%arg11 : memref<128x128xf32, #tpu.memory_space<vmem>>) dst(%dma_wait3A_78 : memref<128x128xf32, #tpu.memory_space<hbm>>)
      tpu.yield
    }) : () -> ()
    %mul3A_66 = arith.constant 640 : i32
    %mul3A_67 = arith.muli %arg1, %mul3A_66 : i32
    %add3A_68 = arith.constant 512 : i32
    %add3A_69 = arith.addi %mul3A_67, %add3A_68 : i32
    "tpu.region"() ({
      %run_scoped3A = tpu.sem_alloc : memref<!tpu.dma_semaphore, #tpu.memory_space<semaphore_mem>>
      %dma_start3A = arith.constant 0 : i32
      %dma_start3A_73 = tpu.memref_slice %arg12[%add3A_69, %dma_start3A] : memref<10240x128xf32, #tpu.memory_space<vmem_shared>> -> memref<128x128xf32, #tpu.memory_space<vmem_shared>>
      %dma_start3A_74 = arith.constant 0 : i32
      %dma_start3A_75 = tpu.memref_slice %arg12[%add3A_69, %dma_start3A_74] : memref<10240x128xf32, #tpu.memory_space<vmem_shared>> -> memref<128x128xf32, #tpu.memory_space<vmem_shared>>
      tpu.enqueue_dma source(%dma_start3A_75 : memref<128x128xf32, #tpu.memory_space<vmem_shared>>) target(%arg11 : memref<128x128xf32, #tpu.memory_space<vmem>>) target_semaphore(%run_scoped3A : memref<!tpu.dma_semaphore, #tpu.memory_space<semaphore_mem>>)
      %dma_wait3A = arith.constant 0 : i32
      %dma_wait3A_76 = tpu.memref_slice %arg12[%add3A_69, %dma_wait3A] : memref<10240x128xf32, #tpu.memory_space<vmem_shared>> -> memref<128x128xf32, #tpu.memory_space<vmem_shared>>
      %dma_wait3A_77 = arith.constant 0 : i32
      %dma_wait3A_78 = tpu.memref_slice %arg12[%add3A_69, %dma_wait3A_77] : memref<10240x128xf32, #tpu.memory_space<vmem_shared>> -> memref<128x128xf32, #tpu.memory_space<vmem_shared>>
      tpu.wait_dma2 semaphore(%run_scoped3A : memref<!tpu.dma_semaphore, #tpu.memory_space<semaphore_mem>>) src(%dma_wait3A_78 : memref<128x128xf32, #tpu.memory_space<vmem_shared>>) dst(%arg11 : memref<128x128xf32, #tpu.memory_space<vmem>>)
      tpu.yield
    }) : () -> ()
    %mul3A_70 = arith.constant 10240 : i32
    %mul3A_71 = arith.muli %arg0, %mul3A_70 : i32
    %add3A_72 = arith.addi %mul3A_71, %add3A_69 : i32
    "tpu.region"() ({
      %run_scoped3A = tpu.sem_alloc : memref<!tpu.dma_semaphore, #tpu.memory_space<semaphore_mem>>
      %dma_start3A = arith.constant 0 : i32
      %dma_start3A_73 = tpu.memref_slice %arg6[%add3A_72, %dma_start3A] : memref<20480x128xf32, #tpu.memory_space<hbm>> -> memref<128x128xf32, #tpu.memory_space<hbm>>
      %dma_start3A_74 = arith.constant 0 : i32
      %dma_start3A_75 = tpu.memref_slice %arg6[%add3A_72, %dma_start3A_74] : memref<20480x128xf32, #tpu.memory_space<hbm>> -> memref<128x128xf32, #tpu.memory_space<hbm>>
      tpu.enqueue_dma source(%arg11 : memref<128x128xf32, #tpu.memory_space<vmem>>) target(%dma_start3A_75 : memref<128x128xf32, #tpu.memory_space<hbm>>) target_semaphore(%run_scoped3A : memref<!tpu.dma_semaphore, #tpu.memory_space<semaphore_mem>>)
      %dma_wait3A = arith.constant 0 : i32
      %dma_wait3A_76 = tpu.memref_slice %arg6[%add3A_72, %dma_wait3A] : memref<20480x128xf32, #tpu.memory_space<hbm>> -> memref<128x128xf32, #tpu.memory_space<hbm>>
      %dma_wait3A_77 = arith.constant 0 : i32
      %dma_wait3A_78 = tpu.memref_slice %arg6[%add3A_72, %dma_wait3A_77] : memref<20480x128xf32, #tpu.memory_space<hbm>> -> memref<128x128xf32, #tpu.memory_space<hbm>>
      tpu.wait_dma2 semaphore(%run_scoped3A : memref<!tpu.dma_semaphore, #tpu.memory_space<semaphore_mem>>) src(%arg11 : memref<128x128xf32, #tpu.memory_space<vmem>>) dst(%dma_wait3A_78 : memref<128x128xf32, #tpu.memory_space<hbm>>)
      tpu.yield
    }) : () -> ()
    return
  }
}

#map = affine_map<(d0, d1) -> (0, 0)>
#map1 = affine_map<(d0, d1) -> (0)>
module attributes {stable_mosaic.version = 14 : i64} {
  func.func @_sc_final(%arg0: i32, %arg1: i32, %arg2: memref<10240x128xf32, #tpu.memory_space<hbm>>, %arg3: memref<10240x128xf32, #tpu.memory_space<hbm>>, %arg4: memref<320000xi32, #tpu.memory_space<hbm>>, %arg5: memref<320000xi32, #tpu.memory_space<hbm>>, %arg6: memref<320000x128xf32, #tpu.memory_space<hbm>>, %arg7: memref<512xf32, #tpu.memory_space<hbm>>, %arg8: memref<80x128xf32, #tpu.memory_space<vmem>>, %arg9: memref<80x128xf32, #tpu.memory_space<vmem>>, %arg10: memref<80x128xf32, #tpu.memory_space<vmem>>, %arg11: memref<80x128xf32, #tpu.memory_space<vmem>>, %arg12: memref<80xi32, #tpu.memory_space<vmem>>, %arg13: memref<80xi32, #tpu.memory_space<vmem>>, %arg14: memref<16xf32, #tpu.memory_space<vmem>>, %arg15: memref<!tpu.dma_semaphore, #tpu.memory_space<semaphore_mem>>, %arg16: memref<!tpu.dma_semaphore, #tpu.memory_space<semaphore_mem>>, %arg17: memref<!tpu.dma_semaphore, #tpu.memory_space<semaphore_mem>>, %arg18: memref<!tpu.dma_semaphore, #tpu.memory_space<semaphore_mem>>) attributes {dimension_semantics = [#tpu.dimension_semantics<core_parallel>, #tpu.dimension_semantics<subcore_parallel>], iteration_bounds = array<i64: 2, 16>, scalar_prefetch = 0 : i64, scratch_operands = 11 : i64, tpu.core_type = #tpu.core_type<sc_vector_subcore>, window_params = [{transform_indices = #map}, {transform_indices = #map}, {transform_indices = #map1}, {transform_indices = #map1}, {transform_indices = #map}, {transform_indices = #map1}]} {
    %mul3A = arith.constant 16 : i32
    %mul3A_0 = arith.muli %arg0, %mul3A : i32
    %add3A = arith.addi %mul3A_0, %arg1 : i32
    %mul3A_1 = arith.constant 10000 : i32
    %mul3A_2 = arith.muli %add3A, %mul3A_1 : i32
    %broadcast_in_dim3A = arith.constant 0.000000e+00 : f32
    %broadcast_in_dim3A_3 = vector.broadcast %broadcast_in_dim3A : f32 to vector<16xf32>
    %scan3A = arith.constant 0 : i32
    %scan3A_4 = arith.constant 125 : i32
    %scan3A_5 = arith.addi %scan3A, %scan3A_4 : i32
    %scan3A_6 = arith.constant 1 : i32
    %scan3A_7 = scf.for %scan3A_17 = %scan3A to %scan3A_5 step %scan3A_6 iter_args(%scan3A_18 = %broadcast_in_dim3A_3) -> (vector<16xf32>)  : i32 {
      %mul3A_19 = arith.constant 80 : i32
      %mul3A_20 = arith.muli %scan3A_17, %mul3A_19 : i32
      %add3A_21 = arith.addi %mul3A_2, %mul3A_20 : i32
      "tpu.region"() ({
        %run_scoped3A = tpu.sem_alloc : memref<!tpu.dma_semaphore, #tpu.memory_space<semaphore_mem>>
        %dma_start3A_50 = tpu.memref_slice %arg4[%add3A_21] : memref<320000xi32, #tpu.memory_space<hbm>> -> memref<80xi32, #tpu.memory_space<hbm>>
        %dma_start3A_51 = tpu.memref_slice %arg4[%add3A_21] : memref<320000xi32, #tpu.memory_space<hbm>> -> memref<80xi32, #tpu.memory_space<hbm>>
        tpu.enqueue_dma source(%dma_start3A_51 : memref<80xi32, #tpu.memory_space<hbm>>) target(%arg12 : memref<80xi32, #tpu.memory_space<vmem>>) target_semaphore(%run_scoped3A : memref<!tpu.dma_semaphore, #tpu.memory_space<semaphore_mem>>)
        %dma_wait3A_52 = tpu.memref_slice %arg4[%add3A_21] : memref<320000xi32, #tpu.memory_space<hbm>> -> memref<80xi32, #tpu.memory_space<hbm>>
        %dma_wait3A_53 = tpu.memref_slice %arg4[%add3A_21] : memref<320000xi32, #tpu.memory_space<hbm>> -> memref<80xi32, #tpu.memory_space<hbm>>
        tpu.wait_dma2 semaphore(%run_scoped3A : memref<!tpu.dma_semaphore, #tpu.memory_space<semaphore_mem>>) src(%dma_wait3A_53 : memref<80xi32, #tpu.memory_space<hbm>>) dst(%arg12 : memref<80xi32, #tpu.memory_space<vmem>>)
        tpu.yield
      }) : () -> ()
      "tpu.region"() ({
        %run_scoped3A = tpu.sem_alloc : memref<!tpu.dma_semaphore, #tpu.memory_space<semaphore_mem>>
        %dma_start3A_50 = tpu.memref_slice %arg5[%add3A_21] : memref<320000xi32, #tpu.memory_space<hbm>> -> memref<80xi32, #tpu.memory_space<hbm>>
        %dma_start3A_51 = tpu.memref_slice %arg5[%add3A_21] : memref<320000xi32, #tpu.memory_space<hbm>> -> memref<80xi32, #tpu.memory_space<hbm>>
        tpu.enqueue_dma source(%dma_start3A_51 : memref<80xi32, #tpu.memory_space<hbm>>) target(%arg13 : memref<80xi32, #tpu.memory_space<vmem>>) target_semaphore(%run_scoped3A : memref<!tpu.dma_semaphore, #tpu.memory_space<semaphore_mem>>)
        %dma_wait3A_52 = tpu.memref_slice %arg5[%add3A_21] : memref<320000xi32, #tpu.memory_space<hbm>> -> memref<80xi32, #tpu.memory_space<hbm>>
        %dma_wait3A_53 = tpu.memref_slice %arg5[%add3A_21] : memref<320000xi32, #tpu.memory_space<hbm>> -> memref<80xi32, #tpu.memory_space<hbm>>
        tpu.wait_dma2 semaphore(%run_scoped3A : memref<!tpu.dma_semaphore, #tpu.memory_space<semaphore_mem>>) src(%dma_wait3A_53 : memref<80xi32, #tpu.memory_space<hbm>>) dst(%arg13 : memref<80xi32, #tpu.memory_space<vmem>>)
        tpu.yield
      }) : () -> ()
      %dma_start3A = arith.constant 0 : i32
      %dma_start3A_22 = arith.constant 0 : i32
      %dma_start3A_23 = tpu.memref_slice %arg2[%dma_start3A, %dma_start3A_22] : memref<10240x128xf32, #tpu.memory_space<hbm>> -> memref<10240x128xf32, #tpu.memory_space<hbm>>
      tpu.enqueue_indirect_dma source(%dma_start3A_23 : memref<10240x128xf32, #tpu.memory_space<hbm>>) target(%arg8 : memref<80x128xf32, #tpu.memory_space<vmem>>) offsets(%arg13 : memref<80xi32, #tpu.memory_space<vmem>>) semaphore(%arg15 : memref<!tpu.dma_semaphore, #tpu.memory_space<semaphore_mem>>)
      %dma_start3A_24 = arith.constant 0 : i32
      %dma_start3A_25 = arith.constant 0 : i32
      %dma_start3A_26 = tpu.memref_slice %arg2[%dma_start3A_24, %dma_start3A_25] : memref<10240x128xf32, #tpu.memory_space<hbm>> -> memref<10240x128xf32, #tpu.memory_space<hbm>>
      tpu.enqueue_indirect_dma source(%dma_start3A_26 : memref<10240x128xf32, #tpu.memory_space<hbm>>) target(%arg9 : memref<80x128xf32, #tpu.memory_space<vmem>>) offsets(%arg12 : memref<80xi32, #tpu.memory_space<vmem>>) semaphore(%arg16 : memref<!tpu.dma_semaphore, #tpu.memory_space<semaphore_mem>>)
      %dma_start3A_27 = arith.constant 0 : i32
      %dma_start3A_28 = arith.constant 0 : i32
      %dma_start3A_29 = tpu.memref_slice %arg3[%dma_start3A_27, %dma_start3A_28] : memref<10240x128xf32, #tpu.memory_space<hbm>> -> memref<10240x128xf32, #tpu.memory_space<hbm>>
      tpu.enqueue_indirect_dma source(%dma_start3A_29 : memref<10240x128xf32, #tpu.memory_space<hbm>>) target(%arg10 : memref<80x128xf32, #tpu.memory_space<vmem>>) offsets(%arg13 : memref<80xi32, #tpu.memory_space<vmem>>) semaphore(%arg17 : memref<!tpu.dma_semaphore, #tpu.memory_space<semaphore_mem>>)
      %dma_start3A_30 = arith.constant 0 : i32
      %dma_start3A_31 = arith.constant 0 : i32
      %dma_start3A_32 = tpu.memref_slice %arg3[%dma_start3A_30, %dma_start3A_31] : memref<10240x128xf32, #tpu.memory_space<hbm>> -> memref<10240x128xf32, #tpu.memory_space<hbm>>
      tpu.enqueue_indirect_dma source(%dma_start3A_32 : memref<10240x128xf32, #tpu.memory_space<hbm>>) target(%arg11 : memref<80x128xf32, #tpu.memory_space<vmem>>) offsets(%arg12 : memref<80xi32, #tpu.memory_space<vmem>>) semaphore(%arg18 : memref<!tpu.dma_semaphore, #tpu.memory_space<semaphore_mem>>)
      %dma_wait3A = arith.constant 0 : i32
      %dma_wait3A_33 = arith.constant 0 : i32
      %dma_wait3A_34 = tpu.memref_slice %arg2[%dma_wait3A, %dma_wait3A_33] : memref<10240x128xf32, #tpu.memory_space<hbm>> -> memref<10240x128xf32, #tpu.memory_space<hbm>>
      tpu.wait_indirect_dma semaphore(%arg15 : memref<!tpu.dma_semaphore, #tpu.memory_space<semaphore_mem>>) src(%dma_wait3A_34 : memref<10240x128xf32, #tpu.memory_space<hbm>>) dst(%arg8 : memref<80x128xf32, #tpu.memory_space<vmem>>)
      %dma_wait3A_35 = arith.constant 0 : i32
      %dma_wait3A_36 = arith.constant 0 : i32
      %dma_wait3A_37 = tpu.memref_slice %arg2[%dma_wait3A_35, %dma_wait3A_36] : memref<10240x128xf32, #tpu.memory_space<hbm>> -> memref<10240x128xf32, #tpu.memory_space<hbm>>
      tpu.wait_indirect_dma semaphore(%arg16 : memref<!tpu.dma_semaphore, #tpu.memory_space<semaphore_mem>>) src(%dma_wait3A_37 : memref<10240x128xf32, #tpu.memory_space<hbm>>) dst(%arg9 : memref<80x128xf32, #tpu.memory_space<vmem>>)
      %dma_wait3A_38 = arith.constant 0 : i32
      %dma_wait3A_39 = arith.constant 0 : i32
      %dma_wait3A_40 = tpu.memref_slice %arg3[%dma_wait3A_38, %dma_wait3A_39] : memref<10240x128xf32, #tpu.memory_space<hbm>> -> memref<10240x128xf32, #tpu.memory_space<hbm>>
      tpu.wait_indirect_dma semaphore(%arg17 : memref<!tpu.dma_semaphore, #tpu.memory_space<semaphore_mem>>) src(%dma_wait3A_40 : memref<10240x128xf32, #tpu.memory_space<hbm>>) dst(%arg10 : memref<80x128xf32, #tpu.memory_space<vmem>>)
      %dma_wait3A_41 = arith.constant 0 : i32
      %dma_wait3A_42 = arith.constant 0 : i32
      %dma_wait3A_43 = tpu.memref_slice %arg3[%dma_wait3A_41, %dma_wait3A_42] : memref<10240x128xf32, #tpu.memory_space<hbm>> -> memref<10240x128xf32, #tpu.memory_space<hbm>>
      tpu.wait_indirect_dma semaphore(%arg18 : memref<!tpu.dma_semaphore, #tpu.memory_space<semaphore_mem>>) src(%dma_wait3A_43 : memref<10240x128xf32, #tpu.memory_space<hbm>>) dst(%arg11 : memref<80x128xf32, #tpu.memory_space<vmem>>)
      %scan3A_44 = arith.constant 0 : i32
      %scan3A_45 = arith.constant 80 : i32
      %scan3A_46 = arith.addi %scan3A_44, %scan3A_45 : i32
      %scan3A_47 = arith.constant 1 : i32
      %scan3A_48 = scf.for %scan3A_50 = %scan3A_44 to %scan3A_46 step %scan3A_47 iter_args(%scan3A_51 = %scan3A_18) -> (vector<16xf32>)  : i32 {
        %get3A = arith.index_cast %scan3A_50 : i32 to index
        %get3A_52 = arith.constant 0 : index
        %get3A_53 = tpu.vector_load %arg8[%get3A, %get3A_52] {strides = array<i32>} : memref<80x128xf32, #tpu.memory_space<vmem>>, vector<1x16xf32>,
        %get3A_54 = vector.shape_cast %get3A_53 : vector<1x16xf32> to vector<16xf32>
        %get3A_55 = arith.index_cast %scan3A_50 : i32 to index
        %get3A_56 = arith.constant 0 : index
        %get3A_57 = tpu.vector_load %arg9[%get3A_55, %get3A_56] {strides = array<i32>} : memref<80x128xf32, #tpu.memory_space<vmem>>, vector<1x16xf32>,
        %get3A_58 = vector.shape_cast %get3A_57 : vector<1x16xf32> to vector<16xf32>
        %add3A_59 = arith.addf %get3A_54, %get3A_58 : vector<16xf32>
        %swap3A_60 = arith.index_cast %scan3A_50 : i32 to index
        %swap3A_61 = arith.constant 0 : index
        %swap3A_62 = tpu.vector_load %arg8[%swap3A_60, %swap3A_61] {strides = array<i32>} : memref<80x128xf32, #tpu.memory_space<vmem>>, vector<1x16xf32>,
        %swap3A_63 = vector.shape_cast %swap3A_62 : vector<1x16xf32> to vector<16xf32>
        %swap3A_64 = vector.shape_cast %add3A_59 : vector<16xf32> to vector<1x16xf32>
        tpu.vector_store %arg8[%swap3A_60, %swap3A_61], %swap3A_64 {strides = array<i32>} : memref<80x128xf32, #tpu.memory_space<vmem>>, vector<1x16xf32>,
        %get3A_65 = arith.index_cast %scan3A_50 : i32 to index
        %get3A_66 = arith.constant 0 : index
        %get3A_67 = tpu.vector_load %arg10[%get3A_65, %get3A_66] {strides = array<i32>} : memref<80x128xf32, #tpu.memory_space<vmem>>, vector<1x16xf32>,
        %get3A_68 = vector.shape_cast %get3A_67 : vector<1x16xf32> to vector<16xf32>
        %get3A_69 = arith.index_cast %scan3A_50 : i32 to index
        %get3A_70 = arith.constant 0 : index
        %get3A_71 = tpu.vector_load %arg11[%get3A_69, %get3A_70] {strides = array<i32>} : memref<80x128xf32, #tpu.memory_space<vmem>>, vector<1x16xf32>,
        %get3A_72 = vector.shape_cast %get3A_71 : vector<1x16xf32> to vector<16xf32>
        %sub3A = arith.subf %get3A_68, %get3A_72 : vector<16xf32>
        %mul3A_73 = arith.mulf %sub3A, %sub3A : vector<16xf32>
        %add3A_74 = arith.addf %scan3A_51, %mul3A_73 : vector<16xf32>
        %get3A_75 = arith.index_cast %scan3A_50 : i32 to index
        %get3A_76 = arith.constant 16 : index
        %get3A_77 = tpu.vector_load %arg8[%get3A_75, %get3A_76] {strides = array<i32>} : memref<80x128xf32, #tpu.memory_space<vmem>>, vector<1x16xf32>,
        %get3A_78 = vector.shape_cast %get3A_77 : vector<1x16xf32> to vector<16xf32>
        %get3A_79 = arith.index_cast %scan3A_50 : i32 to index
        %get3A_80 = arith.constant 16 : index
        %get3A_81 = tpu.vector_load %arg9[%get3A_79, %get3A_80] {strides = array<i32>} : memref<80x128xf32, #tpu.memory_space<vmem>>, vector<1x16xf32>,
        %get3A_82 = vector.shape_cast %get3A_81 : vector<1x16xf32> to vector<16xf32>
        %add3A_83 = arith.addf %get3A_78, %get3A_82 : vector<16xf32>
        %swap3A_84 = arith.index_cast %scan3A_50 : i32 to index
        %swap3A_85 = arith.constant 16 : index
        %swap3A_86 = tpu.vector_load %arg8[%swap3A_84, %swap3A_85] {strides = array<i32>} : memref<80x128xf32, #tpu.memory_space<vmem>>, vector<1x16xf32>,
        %swap3A_87 = vector.shape_cast %swap3A_86 : vector<1x16xf32> to vector<16xf32>
        %swap3A_88 = vector.shape_cast %add3A_83 : vector<16xf32> to vector<1x16xf32>
        tpu.vector_store %arg8[%swap3A_84, %swap3A_85], %swap3A_88 {strides = array<i32>} : memref<80x128xf32, #tpu.memory_space<vmem>>, vector<1x16xf32>,
        %get3A_89 = arith.index_cast %scan3A_50 : i32 to index
        %get3A_90 = arith.constant 16 : index
        %get3A_91 = tpu.vector_load %arg10[%get3A_89, %get3A_90] {strides = array<i32>} : memref<80x128xf32, #tpu.memory_space<vmem>>, vector<1x16xf32>,
        %get3A_92 = vector.shape_cast %get3A_91 : vector<1x16xf32> to vector<16xf32>
        %get3A_93 = arith.index_cast %scan3A_50 : i32 to index
        %get3A_94 = arith.constant 16 : index
        %get3A_95 = tpu.vector_load %arg11[%get3A_93, %get3A_94] {strides = array<i32>} : memref<80x128xf32, #tpu.memory_space<vmem>>, vector<1x16xf32>,
        %get3A_96 = vector.shape_cast %get3A_95 : vector<1x16xf32> to vector<16xf32>
        %sub3A_97 = arith.subf %get3A_92, %get3A_96 : vector<16xf32>
        %mul3A_98 = arith.mulf %sub3A_97, %sub3A_97 : vector<16xf32>
        %add3A_99 = arith.addf %add3A_74, %mul3A_98 : vector<16xf32>
        %get3A_100 = arith.index_cast %scan3A_50 : i32 to index
        %get3A_101 = arith.constant 32 : index
        %get3A_102 = tpu.vector_load %arg8[%get3A_100, %get3A_101] {strides = array<i32>} : memref<80x128xf32, #tpu.memory_space<vmem>>, vector<1x16xf32>,
        %get3A_103 = vector.shape_cast %get3A_102 : vector<1x16xf32> to vector<16xf32>
        %get3A_104 = arith.index_cast %scan3A_50 : i32 to index
        %get3A_105 = arith.constant 32 : index
        %get3A_106 = tpu.vector_load %arg9[%get3A_104, %get3A_105] {strides = array<i32>} : memref<80x128xf32, #tpu.memory_space<vmem>>, vector<1x16xf32>,
        %get3A_107 = vector.shape_cast %get3A_106 : vector<1x16xf32> to vector<16xf32>
        %add3A_108 = arith.addf %get3A_103, %get3A_107 : vector<16xf32>
        %swap3A_109 = arith.index_cast %scan3A_50 : i32 to index
        %swap3A_110 = arith.constant 32 : index
        %swap3A_111 = tpu.vector_load %arg8[%swap3A_109, %swap3A_110] {strides = array<i32>} : memref<80x128xf32, #tpu.memory_space<vmem>>, vector<1x16xf32>,
        %swap3A_112 = vector.shape_cast %swap3A_111 : vector<1x16xf32> to vector<16xf32>
        %swap3A_113 = vector.shape_cast %add3A_108 : vector<16xf32> to vector<1x16xf32>
        tpu.vector_store %arg8[%swap3A_109, %swap3A_110], %swap3A_113 {strides = array<i32>} : memref<80x128xf32, #tpu.memory_space<vmem>>, vector<1x16xf32>,
        %get3A_114 = arith.index_cast %scan3A_50 : i32 to index
        %get3A_115 = arith.constant 32 : index
        %get3A_116 = tpu.vector_load %arg10[%get3A_114, %get3A_115] {strides = array<i32>} : memref<80x128xf32, #tpu.memory_space<vmem>>, vector<1x16xf32>,
        %get3A_117 = vector.shape_cast %get3A_116 : vector<1x16xf32> to vector<16xf32>
        %get3A_118 = arith.index_cast %scan3A_50 : i32 to index
        %get3A_119 = arith.constant 32 : index
        %get3A_120 = tpu.vector_load %arg11[%get3A_118, %get3A_119] {strides = array<i32>} : memref<80x128xf32, #tpu.memory_space<vmem>>, vector<1x16xf32>,
        %get3A_121 = vector.shape_cast %get3A_120 : vector<1x16xf32> to vector<16xf32>
        %sub3A_122 = arith.subf %get3A_117, %get3A_121 : vector<16xf32>
        %mul3A_123 = arith.mulf %sub3A_122, %sub3A_122 : vector<16xf32>
        %add3A_124 = arith.addf %add3A_99, %mul3A_123 : vector<16xf32>
        %get3A_125 = arith.index_cast %scan3A_50 : i32 to index
        %get3A_126 = arith.constant 48 : index
        %get3A_127 = tpu.vector_load %arg8[%get3A_125, %get3A_126] {strides = array<i32>} : memref<80x128xf32, #tpu.memory_space<vmem>>, vector<1x16xf32>,
        %get3A_128 = vector.shape_cast %get3A_127 : vector<1x16xf32> to vector<16xf32>
        %get3A_129 = arith.index_cast %scan3A_50 : i32 to index
        %get3A_130 = arith.constant 48 : index
        %get3A_131 = tpu.vector_load %arg9[%get3A_129, %get3A_130] {strides = array<i32>} : memref<80x128xf32, #tpu.memory_space<vmem>>, vector<1x16xf32>,
        %get3A_132 = vector.shape_cast %get3A_131 : vector<1x16xf32> to vector<16xf32>
        %add3A_133 = arith.addf %get3A_128, %get3A_132 : vector<16xf32>
        %swap3A_134 = arith.index_cast %scan3A_50 : i32 to index
        %swap3A_135 = arith.constant 48 : index
        %swap3A_136 = tpu.vector_load %arg8[%swap3A_134, %swap3A_135] {strides = array<i32>} : memref<80x128xf32, #tpu.memory_space<vmem>>, vector<1x16xf32>,
        %swap3A_137 = vector.shape_cast %swap3A_136 : vector<1x16xf32> to vector<16xf32>
        %swap3A_138 = vector.shape_cast %add3A_133 : vector<16xf32> to vector<1x16xf32>
        tpu.vector_store %arg8[%swap3A_134, %swap3A_135], %swap3A_138 {strides = array<i32>} : memref<80x128xf32, #tpu.memory_space<vmem>>, vector<1x16xf32>,
        %get3A_139 = arith.index_cast %scan3A_50 : i32 to index
        %get3A_140 = arith.constant 48 : index
        %get3A_141 = tpu.vector_load %arg10[%get3A_139, %get3A_140] {strides = array<i32>} : memref<80x128xf32, #tpu.memory_space<vmem>>, vector<1x16xf32>,
        %get3A_142 = vector.shape_cast %get3A_141 : vector<1x16xf32> to vector<16xf32>
        %get3A_143 = arith.index_cast %scan3A_50 : i32 to index
        %get3A_144 = arith.constant 48 : index
        %get3A_145 = tpu.vector_load %arg11[%get3A_143, %get3A_144] {strides = array<i32>} : memref<80x128xf32, #tpu.memory_space<vmem>>, vector<1x16xf32>,
        %get3A_146 = vector.shape_cast %get3A_145 : vector<1x16xf32> to vector<16xf32>
        %sub3A_147 = arith.subf %get3A_142, %get3A_146 : vector<16xf32>
        %mul3A_148 = arith.mulf %sub3A_147, %sub3A_147 : vector<16xf32>
        %add3A_149 = arith.addf %add3A_124, %mul3A_148 : vector<16xf32>
        %get3A_150 = arith.index_cast %scan3A_50 : i32 to index
        %get3A_151 = arith.constant 64 : index
        %get3A_152 = tpu.vector_load %arg8[%get3A_150, %get3A_151] {strides = array<i32>} : memref<80x128xf32, #tpu.memory_space<vmem>>, vector<1x16xf32>,
        %get3A_153 = vector.shape_cast %get3A_152 : vector<1x16xf32> to vector<16xf32>
        %get3A_154 = arith.index_cast %scan3A_50 : i32 to index
        %get3A_155 = arith.constant 64 : index
        %get3A_156 = tpu.vector_load %arg9[%get3A_154, %get3A_155] {strides = array<i32>} : memref<80x128xf32, #tpu.memory_space<vmem>>, vector<1x16xf32>,
        %get3A_157 = vector.shape_cast %get3A_156 : vector<1x16xf32> to vector<16xf32>
        %add3A_158 = arith.addf %get3A_153, %get3A_157 : vector<16xf32>
        %swap3A_159 = arith.index_cast %scan3A_50 : i32 to index
        %swap3A_160 = arith.constant 64 : index
        %swap3A_161 = tpu.vector_load %arg8[%swap3A_159, %swap3A_160] {strides = array<i32>} : memref<80x128xf32, #tpu.memory_space<vmem>>, vector<1x16xf32>,
        %swap3A_162 = vector.shape_cast %swap3A_161 : vector<1x16xf32> to vector<16xf32>
        %swap3A_163 = vector.shape_cast %add3A_158 : vector<16xf32> to vector<1x16xf32>
        tpu.vector_store %arg8[%swap3A_159, %swap3A_160], %swap3A_163 {strides = array<i32>} : memref<80x128xf32, #tpu.memory_space<vmem>>, vector<1x16xf32>,
        %get3A_164 = arith.index_cast %scan3A_50 : i32 to index
        %get3A_165 = arith.constant 64 : index
        %get3A_166 = tpu.vector_load %arg10[%get3A_164, %get3A_165] {strides = array<i32>} : memref<80x128xf32, #tpu.memory_space<vmem>>, vector<1x16xf32>,
        %get3A_167 = vector.shape_cast %get3A_166 : vector<1x16xf32> to vector<16xf32>
        %get3A_168 = arith.index_cast %scan3A_50 : i32 to index
        %get3A_169 = arith.constant 64 : index
        %get3A_170 = tpu.vector_load %arg11[%get3A_168, %get3A_169] {strides = array<i32>} : memref<80x128xf32, #tpu.memory_space<vmem>>, vector<1x16xf32>,
        %get3A_171 = vector.shape_cast %get3A_170 : vector<1x16xf32> to vector<16xf32>
        %sub3A_172 = arith.subf %get3A_167, %get3A_171 : vector<16xf32>
        %mul3A_173 = arith.mulf %sub3A_172, %sub3A_172 : vector<16xf32>
        %add3A_174 = arith.addf %add3A_149, %mul3A_173 : vector<16xf32>
        %get3A_175 = arith.index_cast %scan3A_50 : i32 to index
        %get3A_176 = arith.constant 80 : index
        %get3A_177 = tpu.vector_load %arg8[%get3A_175, %get3A_176] {strides = array<i32>} : memref<80x128xf32, #tpu.memory_space<vmem>>, vector<1x16xf32>,
        %get3A_178 = vector.shape_cast %get3A_177 : vector<1x16xf32> to vector<16xf32>
        %get3A_179 = arith.index_cast %scan3A_50 : i32 to index
        %get3A_180 = arith.constant 80 : index
        %get3A_181 = tpu.vector_load %arg9[%get3A_179, %get3A_180] {strides = array<i32>} : memref<80x128xf32, #tpu.memory_space<vmem>>, vector<1x16xf32>,
        %get3A_182 = vector.shape_cast %get3A_181 : vector<1x16xf32> to vector<16xf32>
        %add3A_183 = arith.addf %get3A_178, %get3A_182 : vector<16xf32>
        %swap3A_184 = arith.index_cast %scan3A_50 : i32 to index
        %swap3A_185 = arith.constant 80 : index
        %swap3A_186 = tpu.vector_load %arg8[%swap3A_184, %swap3A_185] {strides = array<i32>} : memref<80x128xf32, #tpu.memory_space<vmem>>, vector<1x16xf32>,
        %swap3A_187 = vector.shape_cast %swap3A_186 : vector<1x16xf32> to vector<16xf32>
        %swap3A_188 = vector.shape_cast %add3A_183 : vector<16xf32> to vector<1x16xf32>
        tpu.vector_store %arg8[%swap3A_184, %swap3A_185], %swap3A_188 {strides = array<i32>} : memref<80x128xf32, #tpu.memory_space<vmem>>, vector<1x16xf32>,
        %get3A_189 = arith.index_cast %scan3A_50 : i32 to index
        %get3A_190 = arith.constant 80 : index
        %get3A_191 = tpu.vector_load %arg10[%get3A_189, %get3A_190] {strides = array<i32>} : memref<80x128xf32, #tpu.memory_space<vmem>>, vector<1x16xf32>,
        %get3A_192 = vector.shape_cast %get3A_191 : vector<1x16xf32> to vector<16xf32>
        %get3A_193 = arith.index_cast %scan3A_50 : i32 to index
        %get3A_194 = arith.constant 80 : index
        %get3A_195 = tpu.vector_load %arg11[%get3A_193, %get3A_194] {strides = array<i32>} : memref<80x128xf32, #tpu.memory_space<vmem>>, vector<1x16xf32>,
        %get3A_196 = vector.shape_cast %get3A_195 : vector<1x16xf32> to vector<16xf32>
        %sub3A_197 = arith.subf %get3A_192, %get3A_196 : vector<16xf32>
        %mul3A_198 = arith.mulf %sub3A_197, %sub3A_197 : vector<16xf32>
        %add3A_199 = arith.addf %add3A_174, %mul3A_198 : vector<16xf32>
        %get3A_200 = arith.index_cast %scan3A_50 : i32 to index
        %get3A_201 = arith.constant 96 : index
        %get3A_202 = tpu.vector_load %arg8[%get3A_200, %get3A_201] {strides = array<i32>} : memref<80x128xf32, #tpu.memory_space<vmem>>, vector<1x16xf32>,
        %get3A_203 = vector.shape_cast %get3A_202 : vector<1x16xf32> to vector<16xf32>
        %get3A_204 = arith.index_cast %scan3A_50 : i32 to index
        %get3A_205 = arith.constant 96 : index
        %get3A_206 = tpu.vector_load %arg9[%get3A_204, %get3A_205] {strides = array<i32>} : memref<80x128xf32, #tpu.memory_space<vmem>>, vector<1x16xf32>,
        %get3A_207 = vector.shape_cast %get3A_206 : vector<1x16xf32> to vector<16xf32>
        %add3A_208 = arith.addf %get3A_203, %get3A_207 : vector<16xf32>
        %swap3A_209 = arith.index_cast %scan3A_50 : i32 to index
        %swap3A_210 = arith.constant 96 : index
        %swap3A_211 = tpu.vector_load %arg8[%swap3A_209, %swap3A_210] {strides = array<i32>} : memref<80x128xf32, #tpu.memory_space<vmem>>, vector<1x16xf32>,
        %swap3A_212 = vector.shape_cast %swap3A_211 : vector<1x16xf32> to vector<16xf32>
        %swap3A_213 = vector.shape_cast %add3A_208 : vector<16xf32> to vector<1x16xf32>
        tpu.vector_store %arg8[%swap3A_209, %swap3A_210], %swap3A_213 {strides = array<i32>} : memref<80x128xf32, #tpu.memory_space<vmem>>, vector<1x16xf32>,
        %get3A_214 = arith.index_cast %scan3A_50 : i32 to index
        %get3A_215 = arith.constant 96 : index
        %get3A_216 = tpu.vector_load %arg10[%get3A_214, %get3A_215] {strides = array<i32>} : memref<80x128xf32, #tpu.memory_space<vmem>>, vector<1x16xf32>,
        %get3A_217 = vector.shape_cast %get3A_216 : vector<1x16xf32> to vector<16xf32>
        %get3A_218 = arith.index_cast %scan3A_50 : i32 to index
        %get3A_219 = arith.constant 96 : index
        %get3A_220 = tpu.vector_load %arg11[%get3A_218, %get3A_219] {strides = array<i32>} : memref<80x128xf32, #tpu.memory_space<vmem>>, vector<1x16xf32>,
        %get3A_221 = vector.shape_cast %get3A_220 : vector<1x16xf32> to vector<16xf32>
        %sub3A_222 = arith.subf %get3A_217, %get3A_221 : vector<16xf32>
        %mul3A_223 = arith.mulf %sub3A_222, %sub3A_222 : vector<16xf32>
        %add3A_224 = arith.addf %add3A_199, %mul3A_223 : vector<16xf32>
        %get3A_225 = arith.index_cast %scan3A_50 : i32 to index
        %get3A_226 = arith.constant 112 : index
        %get3A_227 = tpu.vector_load %arg8[%get3A_225, %get3A_226] {strides = array<i32>} : memref<80x128xf32, #tpu.memory_space<vmem>>, vector<1x16xf32>,
        %get3A_228 = vector.shape_cast %get3A_227 : vector<1x16xf32> to vector<16xf32>
        %get3A_229 = arith.index_cast %scan3A_50 : i32 to index
        %get3A_230 = arith.constant 112 : index
        %get3A_231 = tpu.vector_load %arg9[%get3A_229, %get3A_230] {strides = array<i32>} : memref<80x128xf32, #tpu.memory_space<vmem>>, vector<1x16xf32>,
        %get3A_232 = vector.shape_cast %get3A_231 : vector<1x16xf32> to vector<16xf32>
        %add3A_233 = arith.addf %get3A_228, %get3A_232 : vector<16xf32>
        %swap3A_234 = arith.index_cast %scan3A_50 : i32 to index
        %swap3A_235 = arith.constant 112 : index
        %swap3A_236 = tpu.vector_load %arg8[%swap3A_234, %swap3A_235] {strides = array<i32>} : memref<80x128xf32, #tpu.memory_space<vmem>>, vector<1x16xf32>,
        %swap3A_237 = vector.shape_cast %swap3A_236 : vector<1x16xf32> to vector<16xf32>
        %swap3A_238 = vector.shape_cast %add3A_233 : vector<16xf32> to vector<1x16xf32>
        tpu.vector_store %arg8[%swap3A_234, %swap3A_235], %swap3A_238 {strides = array<i32>} : memref<80x128xf32, #tpu.memory_space<vmem>>, vector<1x16xf32>,
        %get3A_239 = arith.index_cast %scan3A_50 : i32 to index
        %get3A_240 = arith.constant 112 : index
        %get3A_241 = tpu.vector_load %arg10[%get3A_239, %get3A_240] {strides = array<i32>} : memref<80x128xf32, #tpu.memory_space<vmem>>, vector<1x16xf32>,
        %get3A_242 = vector.shape_cast %get3A_241 : vector<1x16xf32> to vector<16xf32>
        %get3A_243 = arith.index_cast %scan3A_50 : i32 to index
        %get3A_244 = arith.constant 112 : index
        %get3A_245 = tpu.vector_load %arg11[%get3A_243, %get3A_244] {strides = array<i32>} : memref<80x128xf32, #tpu.memory_space<vmem>>, vector<1x16xf32>,
        %get3A_246 = vector.shape_cast %get3A_245 : vector<1x16xf32> to vector<16xf32>
        %sub3A_247 = arith.subf %get3A_242, %get3A_246 : vector<16xf32>
        %mul3A_248 = arith.mulf %sub3A_247, %sub3A_247 : vector<16xf32>
        %add3A_249 = arith.addf %add3A_224, %mul3A_248 : vector<16xf32>
        scf.yield %add3A_249 : vector<16xf32>
      }
      %scan3A_49 = arith.constant 80 : i32
      "tpu.region"() ({
        %run_scoped3A = tpu.sem_alloc : memref<!tpu.dma_semaphore, #tpu.memory_space<semaphore_mem>>
        %dma_start3A_50 = arith.constant 0 : i32
        %dma_start3A_51 = tpu.memref_slice %arg6[%add3A_21, %dma_start3A_50] : memref<320000x128xf32, #tpu.memory_space<hbm>> -> memref<80x128xf32, #tpu.memory_space<hbm>>
        %dma_start3A_52 = arith.constant 0 : i32
        %dma_start3A_53 = tpu.memref_slice %arg6[%add3A_21, %dma_start3A_52] : memref<320000x128xf32, #tpu.memory_space<hbm>> -> memref<80x128xf32, #tpu.memory_space<hbm>>
        tpu.enqueue_dma source(%arg8 : memref<80x128xf32, #tpu.memory_space<vmem>>) target(%dma_start3A_53 : memref<80x128xf32, #tpu.memory_space<hbm>>) target_semaphore(%run_scoped3A : memref<!tpu.dma_semaphore, #tpu.memory_space<semaphore_mem>>)
        %dma_wait3A_54 = arith.constant 0 : i32
        %dma_wait3A_55 = tpu.memref_slice %arg6[%add3A_21, %dma_wait3A_54] : memref<320000x128xf32, #tpu.memory_space<hbm>> -> memref<80x128xf32, #tpu.memory_space<hbm>>
        %dma_wait3A_56 = arith.constant 0 : i32
        %dma_wait3A_57 = tpu.memref_slice %arg6[%add3A_21, %dma_wait3A_56] : memref<320000x128xf32, #tpu.memory_space<hbm>> -> memref<80x128xf32, #tpu.memory_space<hbm>>
        tpu.wait_dma2 semaphore(%run_scoped3A : memref<!tpu.dma_semaphore, #tpu.memory_space<semaphore_mem>>) src(%arg8 : memref<80x128xf32, #tpu.memory_space<vmem>>) dst(%dma_wait3A_57 : memref<80x128xf32, #tpu.memory_space<hbm>>)
        tpu.yield
      }) : () -> ()
      scf.yield %scan3A_48 : vector<16xf32>
    }
    %scan3A_8 = arith.constant 125 : i32
    %swap3A = arith.constant 0 : index
    %swap3A_9 = tpu.vector_load %arg14[%swap3A] {strides = array<i32>} : memref<16xf32, #tpu.memory_space<vmem>>, vector<16xf32>,
    %swap3A_10 = vector.shape_cast %swap3A_9 : vector<16xf32> to vector<16xf32>
    %swap3A_11 = vector.shape_cast %scan3A_7 : vector<16xf32> to vector<16xf32>
    tpu.vector_store %arg14[%swap3A], %swap3A_11 {strides = array<i32>} : memref<16xf32, #tpu.memory_space<vmem>>, vector<16xf32>,
    %mul3A_12 = arith.constant 16 : i32
    %mul3A_13 = arith.muli %arg0, %mul3A_12 : i32
    %add3A_14 = arith.addi %mul3A_13, %arg1 : i32
    %mul3A_15 = arith.constant 16 : i32
    %mul3A_16 = arith.muli %add3A_14, %mul3A_15 : i32
    "tpu.region"() ({
      %run_scoped3A = tpu.sem_alloc : memref<!tpu.dma_semaphore, #tpu.memory_space<semaphore_mem>>
      %dma_start3A = tpu.memref_slice %arg7[%mul3A_16] : memref<512xf32, #tpu.memory_space<hbm>> -> memref<16xf32, #tpu.memory_space<hbm>>
      %dma_start3A_17 = tpu.memref_slice %arg7[%mul3A_16] : memref<512xf32, #tpu.memory_space<hbm>> -> memref<16xf32, #tpu.memory_space<hbm>>
      tpu.enqueue_dma source(%arg14 : memref<16xf32, #tpu.memory_space<vmem>>) target(%dma_start3A_17 : memref<16xf32, #tpu.memory_space<hbm>>) target_semaphore(%run_scoped3A : memref<!tpu.dma_semaphore, #tpu.memory_space<semaphore_mem>>)
      %dma_wait3A = tpu.memref_slice %arg7[%mul3A_16] : memref<512xf32, #tpu.memory_space<hbm>> -> memref<16xf32, #tpu.memory_space<hbm>>
      %dma_wait3A_18 = tpu.memref_slice %arg7[%mul3A_16] : memref<512xf32, #tpu.memory_space<hbm>> -> memref<16xf32, #tpu.memory_space<hbm>>
      tpu.wait_dma2 semaphore(%run_scoped3A : memref<!tpu.dma_semaphore, #tpu.memory_space<semaphore_mem>>) src(%arg14 : memref<16xf32, #tpu.memory_space<vmem>>) dst(%dma_wait3A_18 : memref<16xf32, #tpu.memory_space<hbm>>)
      tpu.yield
    }) : () -> ()
    return
  }
}

module attributes {stable_mosaic.version = 14 : i64} {
  func.func @_tc_update_body(%arg0: i32, %arg1: memref<1024x128xf32, #tpu.memory_space<vmem>>, %arg2: memref<1024x128xf32, #tpu.memory_space<vmem>>, %arg3: memref<1024x128xf32, #tpu.memory_space<vmem>>, %arg4: memref<1024x128xf32, #tpu.memory_space<vmem>>, %arg5: memref<1024x128xf32, #tpu.memory_space<vmem>>, %arg6: memref<128x128xf32, #tpu.memory_space<vmem>>, %arg7: memref<128x128xf32, #tpu.memory_space<vmem>>, %arg8: memref<1x128xf32, #tpu.memory_space<vmem>>, %arg9: memref<1024x128xf32, #tpu.memory_space<vmem>>, %arg10: memref<1024x128xf32, #tpu.memory_space<vmem>>, %arg11: memref<1024x128xf32, #tpu.memory_space<vmem>>) attributes {dimension_semantics = [#tpu.dimension_semantics<arbitrary>], iteration_bounds = array<i64: 10>, scalar_prefetch = 0 : i64, scratch_operands = 0 : i64, tpu.core_type = #tpu.core_type<tc>, window_params = [{transform_indices = @transform_0, window_bounds = array<i64: 1024, 128>}, {transform_indices = @transform_1, window_bounds = array<i64: 1024, 128>}, {transform_indices = @transform_2, window_bounds = array<i64: 1024, 128>}, {transform_indices = @transform_3, window_bounds = array<i64: 1024, 128>}, {transform_indices = @transform_4, window_bounds = array<i64: 1024, 128>}, {pipeline_mode = #tpu.pipeline_mode<synchronous>, transform_indices = @transform_5, window_bounds = array<i64: 128, 128>}, {pipeline_mode = #tpu.pipeline_mode<synchronous>, transform_indices = @transform_6, window_bounds = array<i64: 128, 128>}, {pipeline_mode = #tpu.pipeline_mode<synchronous>, transform_indices = @transform_7, window_bounds = array<i64: 1, 128>}, {transform_indices = @transform_8, window_bounds = array<i64: 1024, 128>}, {transform_indices = @transform_9, window_bounds = array<i64: 1024, 128>}, {transform_indices = @transform_10, window_bounds = array<i64: 1024, 128>}]} {
    %get3A = arith.constant 0 : index
    %get3A_0 = arith.constant 0 : index
    %get3A_1 = vector.load %arg4[%get3A, %get3A_0] : memref<1024x128xf32, #tpu.memory_space<vmem>>, vector<1024x1xf32>
    %get3A_2 = arith.constant 0 : index
    %get3A_3 = arith.constant 0 : index
    %get3A_4 = vector.load %arg5[%get3A_2, %get3A_3] : memref<1024x128xf32, #tpu.memory_space<vmem>>, vector<1024x1xf32>
    %add3A = arith.addf %get3A_1, %get3A_4 : vector<1024x1xf32>
    %max3A = arith.constant 1.000000e+00 : f32
    %max3A_5 = vector.broadcast %max3A : f32 to vector<1024x1xf32>
    %max3A_6 = arith.maximumf %add3A, %max3A_5 : vector<1024x1xf32>
    %div3A = arith.constant 1.000000e+00 : f32
    %div3A_7 = vector.broadcast %div3A : f32 to vector<1024x1xf32>
    %div3A_8 = arith.divf %div3A_7, %max3A_6 : vector<1024x1xf32>
    %get3A_9 = arith.constant 0 : index
    %get3A_10 = arith.constant 0 : index
    %get3A_11 = vector.load %arg1[%get3A_9, %get3A_10] : memref<1024x128xf32, #tpu.memory_space<vmem>>, vector<1024x128xf32>
    %get3A_12 = arith.constant 0 : index
    %get3A_13 = arith.constant 0 : index
    %get3A_14 = vector.load %arg2[%get3A_12, %get3A_13] : memref<1024x128xf32, #tpu.memory_space<vmem>>, vector<1024x128xf32>
    %get3A_15 = arith.constant 0 : index
    %get3A_16 = arith.constant 0 : index
    %get3A_17 = vector.load %arg3[%get3A_15, %get3A_16] : memref<1024x128xf32, #tpu.memory_space<vmem>>, vector<1024x128xf32>
    %add3A_18 = arith.addf %get3A_14, %get3A_17 : vector<1024x128xf32>
    %mul3A = vector.broadcast %div3A_8 : vector<1024x1xf32> to vector<1024x128xf32>
    %mul3A_19 = arith.mulf %add3A_18, %mul3A : vector<1024x128xf32>
    %add3A_20 = arith.addf %get3A_11, %mul3A_19 : vector<1024x128xf32>
    %swap3A = arith.constant 0 : index
    %swap3A_21 = arith.constant 0 : index
    %swap3A_22 = vector.load %arg9[%swap3A, %swap3A_21] : memref<1024x128xf32, #tpu.memory_space<vmem>>, vector<1024x128xf32>
    tpu.vector_store %arg9[%swap3A, %swap3A_21], %add3A_20 {strides = array<i32>} : memref<1024x128xf32, #tpu.memory_space<vmem>>, vector<1024x128xf32>,
    %get3A_23 = arith.constant 0 : index
    %get3A_24 = arith.constant 0 : index
    %get3A_25 = vector.load %arg6[%get3A_23, %get3A_24] : memref<128x128xf32, #tpu.memory_space<vmem>>, vector<128x128xf32>
    %dot_general3A = arith.constant dense<0.000000e+00> : vector<1024x128xf32>
    %dot_general3A_26 = tpu.matmul %add3A_20, %get3A_25, %dot_general3A {dimension_numbers = #tpu.dot_dimension_numbers<[1], [0], [0], [1], [0, 0, 1, 1], [], []>, transpose_lhs_hint = false} : vector<1024x128xf32>, vector<128x128xf32>, vector<1024x128xf32> -> vector<1024x128xf32>
    %get3A_27 = arith.constant 0 : index
    %get3A_28 = arith.constant 0 : index
    %get3A_29 = vector.load %arg8[%get3A_27, %get3A_28] : memref<1x128xf32, #tpu.memory_space<vmem>>, vector<1x128xf32>
    %add3A_30 = vector.broadcast %get3A_29 : vector<1x128xf32> to vector<1024x128xf32>
    %add3A_31 = arith.addf %dot_general3A_26, %add3A_30 : vector<1024x128xf32>
    %swap3A_32 = arith.constant 0 : index
    %swap3A_33 = arith.constant 0 : index
    %swap3A_34 = vector.load %arg10[%swap3A_32, %swap3A_33] : memref<1024x128xf32, #tpu.memory_space<vmem>>, vector<1024x128xf32>
    tpu.vector_store %arg10[%swap3A_32, %swap3A_33], %add3A_31 {strides = array<i32>} : memref<1024x128xf32, #tpu.memory_space<vmem>>, vector<1024x128xf32>,
    %get3A_35 = arith.constant 0 : index
    %get3A_36 = arith.constant 0 : index
    %get3A_37 = vector.load %arg7[%get3A_35, %get3A_36] : memref<128x128xf32, #tpu.memory_space<vmem>>, vector<128x128xf32>
    %dot_general3A_38 = arith.constant dense<0.000000e+00> : vector<1024x128xf32>
    %dot_general3A_39 = tpu.matmul %add3A_20, %get3A_37, %dot_general3A_38 {dimension_numbers = #tpu.dot_dimension_numbers<[1], [0], [0], [1], [0, 0, 1, 1], [], []>, transpose_lhs_hint = false} : vector<1024x128xf32>, vector<128x128xf32>, vector<1024x128xf32> -> vector<1024x128xf32>
    %swap3A_40 = arith.constant 0 : index
    %swap3A_41 = arith.constant 0 : index
    %swap3A_42 = vector.load %arg11[%swap3A_40, %swap3A_41] : memref<1024x128xf32, #tpu.memory_space<vmem>>, vector<1024x128xf32>
    tpu.vector_store %arg11[%swap3A_40, %swap3A_41], %dot_general3A_39 {strides = array<i32>} : memref<1024x128xf32, #tpu.memory_space<vmem>>, vector<1024x128xf32>,
    return
  }
  func.func @transform_0(%arg0: i32) -> (i32, i32) {
    %c0_i32 = arith.constant 0 : i32
    %c0_i32_0 = arith.constant 0 : i32
    return %arg0, %c0_i32 : i32, i32
  }
  func.func @transform_1(%arg0: i32) -> (i32, i32) {
    %c0_i32 = arith.constant 0 : i32
    %c0_i32_0 = arith.constant 0 : i32
    return %arg0, %c0_i32 : i32, i32
  }
  func.func @transform_2(%arg0: i32) -> (i32, i32) {
    %add3A = arith.constant 10 : i32
    %add3A_0 = arith.addi %arg0, %add3A : i32
    %c0_i32 = arith.constant 0 : i32
    %c0_i32_1 = arith.constant 0 : i32
    return %add3A_0, %c0_i32 : i32, i32
  }
  func.func @transform_3(%arg0: i32) -> (i32, i32) {
    %c0_i32 = arith.constant 0 : i32
    %c0_i32_0 = arith.constant 0 : i32
    return %arg0, %c0_i32 : i32, i32
  }
  func.func @transform_4(%arg0: i32) -> (i32, i32) {
    %add3A = arith.constant 10 : i32
    %add3A_0 = arith.addi %arg0, %add3A : i32
    %c0_i32 = arith.constant 0 : i32
    %c0_i32_1 = arith.constant 0 : i32
    return %add3A_0, %c0_i32 : i32, i32
  }
  func.func @transform_5(%arg0: i32) -> (i32, i32) {
    %c0_i32 = arith.constant 0 : i32
    %c0_i32_0 = arith.constant 0 : i32
    %c0_i32_1 = arith.constant 0 : i32
    return %c0_i32, %c0_i32_0 : i32, i32
  }
  func.func @transform_6(%arg0: i32) -> (i32, i32) {
    %c0_i32 = arith.constant 0 : i32
    %c0_i32_0 = arith.constant 0 : i32
    %c0_i32_1 = arith.constant 0 : i32
    return %c0_i32, %c0_i32_0 : i32, i32
  }
  func.func @transform_7(%arg0: i32) -> (i32, i32) {
    %c0_i32 = arith.constant 0 : i32
    %c0_i32_0 = arith.constant 0 : i32
    %c0_i32_1 = arith.constant 0 : i32
    return %c0_i32, %c0_i32_0 : i32, i32
  }
  func.func @transform_8(%arg0: i32) -> (i32, i32) {
    %c0_i32 = arith.constant 0 : i32
    %c0_i32_0 = arith.constant 0 : i32
    return %arg0, %c0_i32 : i32, i32
  }
  func.func @transform_9(%arg0: i32) -> (i32, i32) {
    %c0_i32 = arith.constant 0 : i32
    %c0_i32_0 = arith.constant 0 : i32
    return %arg0, %c0_i32 : i32, i32
  }
  func.func @transform_10(%arg0: i32) -> (i32, i32) {
    %c0_i32 = arith.constant 0 : i32
    %c0_i32_0 = arith.constant 0 : i32
    return %arg0, %c0_i32 : i32, i32
  }
}

module attributes {stable_mosaic.version = 14 : i64} {
  func.func @_tc_update_body(%arg0: i32, %arg1: memref<1024x128xf32, #tpu.memory_space<vmem>>, %arg2: memref<1024x128xf32, #tpu.memory_space<vmem>>, %arg3: memref<1024x128xf32, #tpu.memory_space<vmem>>, %arg4: memref<1024x128xf32, #tpu.memory_space<vmem>>, %arg5: memref<1024x128xf32, #tpu.memory_space<vmem>>, %arg6: memref<128x128xf32, #tpu.memory_space<vmem>>, %arg7: memref<128x128xf32, #tpu.memory_space<vmem>>, %arg8: memref<1x128xf32, #tpu.memory_space<vmem>>, %arg9: memref<1024x128xf32, #tpu.memory_space<vmem>>, %arg10: memref<1024x128xf32, #tpu.memory_space<vmem>>, %arg11: memref<1024x128xf32, #tpu.memory_space<vmem>>) attributes {dimension_semantics = [#tpu.dimension_semantics<arbitrary>], iteration_bounds = array<i64: 10>, scalar_prefetch = 0 : i64, scratch_operands = 0 : i64, tpu.core_type = #tpu.core_type<tc>, window_params = [{transform_indices = @transform_0, window_bounds = array<i64: 1024, 128>}, {transform_indices = @transform_1, window_bounds = array<i64: 1024, 128>}, {transform_indices = @transform_2, window_bounds = array<i64: 1024, 128>}, {transform_indices = @transform_3, window_bounds = array<i64: 1024, 128>}, {transform_indices = @transform_4, window_bounds = array<i64: 1024, 128>}, {pipeline_mode = #tpu.pipeline_mode<synchronous>, transform_indices = @transform_5, window_bounds = array<i64: 128, 128>}, {pipeline_mode = #tpu.pipeline_mode<synchronous>, transform_indices = @transform_6, window_bounds = array<i64: 128, 128>}, {pipeline_mode = #tpu.pipeline_mode<synchronous>, transform_indices = @transform_7, window_bounds = array<i64: 1, 128>}, {transform_indices = @transform_8, window_bounds = array<i64: 1024, 128>}, {transform_indices = @transform_9, window_bounds = array<i64: 1024, 128>}, {transform_indices = @transform_10, window_bounds = array<i64: 1024, 128>}]} {
    %get3A = arith.constant 0 : index
    %get3A_0 = arith.constant 0 : index
    %get3A_1 = vector.load %arg4[%get3A, %get3A_0] : memref<1024x128xf32, #tpu.memory_space<vmem>>, vector<1024x1xf32>
    %get3A_2 = arith.constant 0 : index
    %get3A_3 = arith.constant 0 : index
    %get3A_4 = vector.load %arg5[%get3A_2, %get3A_3] : memref<1024x128xf32, #tpu.memory_space<vmem>>, vector<1024x1xf32>
    %add3A = arith.addf %get3A_1, %get3A_4 : vector<1024x1xf32>
    %max3A = arith.constant 1.000000e+00 : f32
    %max3A_5 = vector.broadcast %max3A : f32 to vector<1024x1xf32>
    %max3A_6 = arith.maximumf %add3A, %max3A_5 : vector<1024x1xf32>
    %div3A = arith.constant 1.000000e+00 : f32
    %div3A_7 = vector.broadcast %div3A : f32 to vector<1024x1xf32>
    %div3A_8 = arith.divf %div3A_7, %max3A_6 : vector<1024x1xf32>
    %get3A_9 = arith.constant 0 : index
    %get3A_10 = arith.constant 0 : index
    %get3A_11 = vector.load %arg1[%get3A_9, %get3A_10] : memref<1024x128xf32, #tpu.memory_space<vmem>>, vector<1024x128xf32>
    %get3A_12 = arith.constant 0 : index
    %get3A_13 = arith.constant 0 : index
    %get3A_14 = vector.load %arg2[%get3A_12, %get3A_13] : memref<1024x128xf32, #tpu.memory_space<vmem>>, vector<1024x128xf32>
    %get3A_15 = arith.constant 0 : index
    %get3A_16 = arith.constant 0 : index
    %get3A_17 = vector.load %arg3[%get3A_15, %get3A_16] : memref<1024x128xf32, #tpu.memory_space<vmem>>, vector<1024x128xf32>
    %add3A_18 = arith.addf %get3A_14, %get3A_17 : vector<1024x128xf32>
    %mul3A = vector.broadcast %div3A_8 : vector<1024x1xf32> to vector<1024x128xf32>
    %mul3A_19 = arith.mulf %add3A_18, %mul3A : vector<1024x128xf32>
    %add3A_20 = arith.addf %get3A_11, %mul3A_19 : vector<1024x128xf32>
    %swap3A = arith.constant 0 : index
    %swap3A_21 = arith.constant 0 : index
    %swap3A_22 = vector.load %arg9[%swap3A, %swap3A_21] : memref<1024x128xf32, #tpu.memory_space<vmem>>, vector<1024x128xf32>
    tpu.vector_store %arg9[%swap3A, %swap3A_21], %add3A_20 {strides = array<i32>} : memref<1024x128xf32, #tpu.memory_space<vmem>>, vector<1024x128xf32>,
    %get3A_23 = arith.constant 0 : index
    %get3A_24 = arith.constant 0 : index
    %get3A_25 = vector.load %arg6[%get3A_23, %get3A_24] : memref<128x128xf32, #tpu.memory_space<vmem>>, vector<128x128xf32>
    %dot_general3A = arith.constant dense<0.000000e+00> : vector<1024x128xf32>
    %dot_general3A_26 = tpu.matmul %add3A_20, %get3A_25, %dot_general3A {dimension_numbers = #tpu.dot_dimension_numbers<[1], [0], [0], [1], [0, 0, 1, 1], [], []>, transpose_lhs_hint = false} : vector<1024x128xf32>, vector<128x128xf32>, vector<1024x128xf32> -> vector<1024x128xf32>
    %get3A_27 = arith.constant 0 : index
    %get3A_28 = arith.constant 0 : index
    %get3A_29 = vector.load %arg8[%get3A_27, %get3A_28] : memref<1x128xf32, #tpu.memory_space<vmem>>, vector<1x128xf32>
    %add3A_30 = vector.broadcast %get3A_29 : vector<1x128xf32> to vector<1024x128xf32>
    %add3A_31 = arith.addf %dot_general3A_26, %add3A_30 : vector<1024x128xf32>
    %swap3A_32 = arith.constant 0 : index
    %swap3A_33 = arith.constant 0 : index
    %swap3A_34 = vector.load %arg10[%swap3A_32, %swap3A_33] : memref<1024x128xf32, #tpu.memory_space<vmem>>, vector<1024x128xf32>
    tpu.vector_store %arg10[%swap3A_32, %swap3A_33], %add3A_31 {strides = array<i32>} : memref<1024x128xf32, #tpu.memory_space<vmem>>, vector<1024x128xf32>,
    %get3A_35 = arith.constant 0 : index
    %get3A_36 = arith.constant 0 : index
    %get3A_37 = vector.load %arg7[%get3A_35, %get3A_36] : memref<128x128xf32, #tpu.memory_space<vmem>>, vector<128x128xf32>
    %dot_general3A_38 = arith.constant dense<0.000000e+00> : vector<1024x128xf32>
    %dot_general3A_39 = tpu.matmul %add3A_20, %get3A_37, %dot_general3A_38 {dimension_numbers = #tpu.dot_dimension_numbers<[1], [0], [0], [1], [0, 0, 1, 1], [], []>, transpose_lhs_hint = false} : vector<1024x128xf32>, vector<128x128xf32>, vector<1024x128xf32> -> vector<1024x128xf32>
    %swap3A_40 = arith.constant 0 : index
    %swap3A_41 = arith.constant 0 : index
    %swap3A_42 = vector.load %arg11[%swap3A_40, %swap3A_41] : memref<1024x128xf32, #tpu.memory_space<vmem>>, vector<1024x128xf32>
    tpu.vector_store %arg11[%swap3A_40, %swap3A_41], %dot_general3A_39 {strides = array<i32>} : memref<1024x128xf32, #tpu.memory_space<vmem>>, vector<1024x128xf32>,
    return
  }
  func.func @transform_0(%arg0: i32) -> (i32, i32) {
    %c0_i32 = arith.constant 0 : i32
    %c0_i32_0 = arith.constant 0 : i32
    return %arg0, %c0_i32 : i32, i32
  }
  func.func @transform_1(%arg0: i32) -> (i32, i32) {
    %c0_i32 = arith.constant 0 : i32
    %c0_i32_0 = arith.constant 0 : i32
    return %arg0, %c0_i32 : i32, i32
  }
  func.func @transform_2(%arg0: i32) -> (i32, i32) {
    %add3A = arith.constant 10 : i32
    %add3A_0 = arith.addi %arg0, %add3A : i32
    %c0_i32 = arith.constant 0 : i32
    %c0_i32_1 = arith.constant 0 : i32
    return %add3A_0, %c0_i32 : i32, i32
  }
  func.func @transform_3(%arg0: i32) -> (i32, i32) {
    %c0_i32 = arith.constant 0 : i32
    %c0_i32_0 = arith.constant 0 : i32
    return %arg0, %c0_i32 : i32, i32
  }
  func.func @transform_4(%arg0: i32) -> (i32, i32) {
    %add3A = arith.constant 10 : i32
    %add3A_0 = arith.addi %arg0, %add3A : i32
    %c0_i32 = arith.constant 0 : i32
    %c0_i32_1 = arith.constant 0 : i32
    return %add3A_0, %c0_i32 : i32, i32
  }
  func.func @transform_5(%arg0: i32) -> (i32, i32) {
    %c0_i32 = arith.constant 0 : i32
    %c0_i32_0 = arith.constant 0 : i32
    %c0_i32_1 = arith.constant 0 : i32
    return %c0_i32, %c0_i32_0 : i32, i32
  }
  func.func @transform_6(%arg0: i32) -> (i32, i32) {
    %c0_i32 = arith.constant 0 : i32
    %c0_i32_0 = arith.constant 0 : i32
    %c0_i32_1 = arith.constant 0 : i32
    return %c0_i32, %c0_i32_0 : i32, i32
  }
  func.func @transform_7(%arg0: i32) -> (i32, i32) {
    %c0_i32 = arith.constant 0 : i32
    %c0_i32_0 = arith.constant 0 : i32
    %c0_i32_1 = arith.constant 0 : i32
    return %c0_i32, %c0_i32_0 : i32, i32
  }
  func.func @transform_8(%arg0: i32) -> (i32, i32) {
    %c0_i32 = arith.constant 0 : i32
    %c0_i32_0 = arith.constant 0 : i32
    return %arg0, %c0_i32 : i32, i32
  }
  func.func @transform_9(%arg0: i32) -> (i32, i32) {
    %c0_i32 = arith.constant 0 : i32
    %c0_i32_0 = arith.constant 0 : i32
    return %arg0, %c0_i32 : i32, i32
  }
  func.func @transform_10(%arg0: i32) -> (i32, i32) {
    %c0_i32 = arith.constant 0 : i32
    %c0_i32_0 = arith.constant 0 : i32
    return %arg0, %c0_i32 : i32, i32
  }
}

</mosaic_0001>

<sc_bundles>
// kernel: kernel.12.cloned.1.call-start
scs
__scs_entry_jumppad:
0x0: {  	(pc) =	sbr.rel $0x88, $3  }
0x1: {  	(tag) =	ssettag $0x0;
	lr =	simm.s32 $0x1  }
0x2: {  	[smem:$0x3F97] =	sst lr;
	_ =	strace $0xD0000000  }
0x3: {  	_ = 	snop  }
0x4: {  	_ = 	snop  }
0x5: {  	_ = 	snop  }
0x6: {  	_ = 	snop  }
0x7: {  	_ = 	snop  }
__scs_overlays_trampoline_lowered:
0x8: {  	[smem:$0x3FA6] =	sst s0  }
0x9: {  	[smem:$0x3FA7] =	sst s1  }
0xa: {  	[smem:$0x3FA8] =	sst s2  }
0xb: {  	[smem:$0x3FA9] =	sst s3  }
0xc: {  	[smem:$0x3FAA] =	sst s4  }
0xd: {  	[smem:$0x3FAB] =	sst s5  }
0xe: {  	[smem:$0x3FAC] =	sst s6  }
0xf: {  	[smem:$0x3FAD] =	sst s7  }
0x10: {  	[smem:$0x3FAE] =	sst s8  }
0x11: {  	[smem:$0x3FAF] =	sst s9;
	s0 =	simm.s32 @!p0 $0x0  }
0x12: {  	s1 =	sld [smem:$0x3F95];
	s0 =	simm.s32 @p0 $0x1  }
0x13: {  	[smem:$0x3FB0] =	sst s0;
	s0 =	simm.s32 @!p1 $0x0  }
0x14: {  	s2 =	sld [smem:$0x3F94];
	s0 =	simm.s32 @p1 $0x1  }
0x15: {  	[smem:$0x3FB1] =	sst s0;
	s0 =	simm.s32 @!p2 $0x0  }
0x16: {  	s3 =	sld [smem:$0x3FDB];
	s0 =	simm.s32 @p2 $0x1  }
0x17: {  	s4 =	simm.s32 $0x1BF5;
	[smem:$0x3FB3] =	sst s0  }
0x18: {  	s0 =	sld [smem:$0x3F96];
	_ =	swait.ge [sflag:s4], $0x0  }
0x19: {  	s7 =	sld [smem:$0x3F97]  }
0x1a: {  	s8 =	sadd.s32 $0xFFFFE003, lr  }
0x1b: {  	s9 =	sadd.s32 $0xFFFFFEF7, lr;
	s5 =	simm.s32 $0xFFFFFFFF;
	p2 =	slt.u32 s8, $0xFFFFF086  }
0x1c: {  	p1 =	slt.u32 s9, $0xF7A;
	s5 =	simm.s32 @!p2 $0x0  }
0x1d: {  	s5 =	simm.s32 @p1 $0x1;
	p0 =	seq.s32 s7, s2  }
0x1e: {  	s7 =	smul.u32 @!p0 $0xF7A, s2;
	p2 =	seq.s32 @!p0 s5, $0x0  }
0x1f: {  	s9 =	smul.u32 $0xF7A, s1;
	s8 =	simm.s32 @!p0 $0x1BF5;
	p2 =	por !p2, p0  }
0x20: {  	[sflag:s8] =	ssyncset.s32 @!p0 $0xFFFFF086;
	s6 =	sadd.s32 @!p0 s3, s7;
	s7 =	simm.s32 @!p0 $0x108  }
0x21: {  	s3 =	sadd.s32 s3, s9;
	s6 =	sadd.s32 @!p0 $0x88, s6;
	s7 =	simm.s32 @p2 $0x1082  }
0x22: {  	[simem:s7], [sflag:s8] =	dma.local @!p0 [hbm:s6], $0xF7A  }
0x23: {  	s9 =	sor.u32 $0xD0000000, s2;
	s6 =	simm.s32 $0x108;
	_ =	swait.ge @!p0 [sflag:s8], $0x0  }
0x24: {  	s3 =	sadd.s32 $0x88, s3;
	s6 =	simm.s32 @!p1 $0x1082;
	[sflag:s4] =	ssyncset.s32 $0xFFFFF086  }
0x25: {  	[simem:s6], [sflag:s4] =	dma.local [hbm:s3], $0xF7A  }
0x26: {  	[smem:$0x3F97] =	sst s1;
	(tag) =	ssettag s2;
	_ =	strace s9  }
0x27: {  	s1 =	sld [smem:$0x3FA7]  }
0x28: {  	s2 =	sld [smem:$0x3FA8]  }
0x29: {  	s4 =	sld [smem:$0x3FAA]  }
0x2a: {  	p0 =	seq.s32 s5, $0x0;
	s5 =	sld [smem:$0x3FAB]  }
0x2b: {  	s6 =	sld [smem:$0x3FAC]  }
0x2c: {  	s7 =	sld [smem:$0x3FAD]  }
0x2d: {  	s3 =	simm.s32 $0x108;
	s8 =	sld [smem:$0x3FAE]  }
0x2e: {  	s3 =	simm.s32 @!p0 $0x1082;
	s9 =	sld [smem:$0x3FAF]  }
0x2f: {  	lr =	sadd.s32 s0, s3;
	s0 =	sld [smem:$0x3FA6]  }
0x30: {  	s3 =	sld [smem:$0x3FA9]  }
0x31: {  	[smem:$0x3FB2] =	sst s10  }
0x32: {  	s10 =	sld [smem:$0x3FB0];
	_ =	sdelay $0x3  }
0x33: {  	p0 =	seq.s32 s10, $0x1;
	s10 =	sld [smem:$0x3FB2];
	_ =	sdelay $0x3  }
0x34: {  	[smem:$0x3FB2] =	sst s10  }
0x35: {  	s10 =	sld [smem:$0x3FB1];
	_ =	sdelay $0x3  }
0x36: {  	p1 =	seq.s32 s10, $0x1;
	s10 =	sld [smem:$0x3FB2];
	_ =	sdelay $0x3  }
0x37: {  	[smem:$0x3FB2] =	sst s10  }
0x38: {  	s10 =	sld [smem:$0x3FB3]  }
0x39: {  	_ = 	snop;
	(pc) =	sbr.ind lr, $3  }
0x3a: {  	_ = 	snop  }
0x3b: {  	_ = 	snop  }
0x3c: {  	p2 =	seq.s32 s10, $0x1;
	s10 =	sld [smem:$0x3FB2]  }
0x3d: {  	_ =	shalt  }
0x3e: {  	_ =	shalt  }
0x3f: {  	_ =	shalt  }
0x40: {  	_ =	shalt  }
0x41: {  	_ =	shalt  }
0x42: {  	_ =	shalt  }
0x43: {  	_ =	shalt  }
0x44: {  	_ =	shalt  }
0x45: {  	_ =	shalt  }
0x46: {  	_ =	shalt  }
0x47: {  	_ =	shalt  }
0x48: {  	_ =	shalt  }
0x49: {  	_ =	shalt  }
0x4a: {  	_ =	shalt  }
0x4b: {  	_ =	shalt  }
0x4c: {  	_ =	shalt  }
0x4d: {  	_ =	shalt  }
0x4e: {  	_ =	shalt  }
0x4f: {  	_ =	shalt  }
0x50: {  	_ =	shalt  }
0x51: {  	_ =	shalt  }
0x52: {  	_ =	shalt  }
0x53: {  	_ =	shalt  }
0x54: {  	_ =	shalt  }
0x55: {  	_ =	shalt  }
0x56: {  	_ =	shalt  }
0x57: {  	_ =	shalt  }
0x58: {  	_ =	shalt  }
0x59: {  	_ =	shalt  }
0x5a: {  	_ =	shalt  }
0x5b: {  	_ =	shalt  }
0x5c: {  	_ =	shalt  }
0x5d: {  	_ =	shalt  }
0x5e: {  	_ =	shalt  }
0x5f: {  	_ =	shalt  }
0x60: {  	_ =	shalt  }
0x61: {  	_ =	shalt  }
0x62: {  	_ =	shalt  }
0x63: {  	_ =	shalt  }
0x64: {  	_ =	shalt  }
0x65: {  	_ =	shalt  }
0x66: {  	_ =	shalt  }
0x67: {  	_ =	shalt  }
0x68: {  	_ =	shalt  }
0x69: {  	_ =	shalt  }
0x6a: {  	_ =	shalt  }
0x6b: {  	_ =	shalt  }
0x6c: {  	_ =	shalt  }
0x6d: {  	_ =	shalt  }
0x6e: {  	_ =	shalt  }
0x6f: {  	_ =	shalt  }
0x70: {  	_ =	shalt  }
0x71: {  	_ =	shalt  }
0x72: {  	_ =	shalt  }
0x73: {  	_ =	shalt  }
0x74: {  	_ =	shalt  }
0x75: {  	_ =	shalt  }
0x76: {  	_ =	shalt  }
0x77: {  	_ =	shalt  }
0x78: {  	_ =	shalt  }
0x79: {  	_ =	shalt  }
0x7a: {  	_ =	shalt  }
0x7b: {  	_ =	shalt  }
0x7c: {  	_ =	shalt  }
0x7d: {  	_ =	shalt  }
0x7e: {  	_ =	shalt  }
0x7f: {  	_ =	shalt  }
0x80: {  	_ =	shalt  }
0x81: {  	_ =	shalt  }
0x82: {  	_ =	shalt  }
0x83: {  	_ =	shalt  }
0x84: {  	_ =	shalt  }
0x85: {  	_ =	shalt  }
0x86: {  	_ =	shalt  }
0x87: {  	_ =	shalt  }
.Lfunc_end0:
.L_simem_size_0:
called_computation_lowered:
.L_overlay_start_0:
0x88: {  	s2 =	sld [smem:$0x3FD9]  }
0x89: {  	s3 =	sld [smem:$0x3FFE];
	_ =	sdelay $0x1  }
0x8a: {  	s1 =	srdreg.scid  }
0x8b: {  	s0 =	sand.u32 $0x1, s1  }
0x8c: {  	s16 =	sshll.u32 s0, $0xA;
	s2 =	sadd.s32 s3, s2  }
0x8d: {  	s2 =	sadd.s32 s2, s16  }
0x8e: {  	[smem:$0x3FBE] =	sst s2  }
0x8f: {  	_ = 	snop  }
0x90: {  	(tm) =	ssettm $0x1  }
0x91: {  	s17 =	sld [smem:$0x3FFB];
	_ =	sdelay $0x3  }
0x92: {  	_ =	strace s17  }
0x93: {  	s2 =	sld [smem:$0x3FFC];
	_ =	sdelay $0x3  }
0x94: {  	_ =	strace s2  }
0x95: {  	s2 =	sld [smem:$0x3FFD];
	_ =	sdelay $0x3  }
0x96: {  	_ =	strace s2  }
0x97: {  	_ =	strace $0x8FFFFFFF  }
0x98: {  	s18 =	sld [smem:$0x3FDB];
	_ =	sdelay $0x1  }
0x99: {  	s19 =	simm.s32 $_scs_section_size  }
0x9a: {  	s4 =	simm.s32 $_size__tile_overlayer_lowered;
	s5 =	simm.s32 $_tile_overlayer_lowered  }
0x9b: {  	s22 =	simm.s32 $0x1BFF;
	s21 =	sshll.u32 s5, $0x1;
	s2 =	sadd.s32 s19, s18  }
0x9c: {  	s6 =	simm.s32 $0x0;
	s20 =	sshll.u32 s4, $0x1;
	s4 =	sadd.s32 s21, s2  }
0x9d: {  	[timem:s6], [sflag:s22] =	dma.local [hbm:s4], s20  }
0x9e: {  	_ =	swait.ge [sflag:s22], s20  }
0x9f: {  	s3 =	ssub.s32 $0x0, s20;
	[sflag:s22] =	ssyncset.done $0x0  }
0xa0: {  	[sflag:s22] =	ssyncadd.s32 s3;
	_ =	sdelay $0x1  }
0xa1: {  	s23 =	simm.s32 $0x1B8B  }
0xa2: {  	_ =	swait.ge [sflag:s23], $0x1  }
0xa3: {  	[sflag:s23] =	ssyncset.done $0x0  }
0xa4: {  	s25 =	simm.s32 $0x1B8E;
	s24 =	sld [smem:$0x3FFE];
	[sflag:s23] =	ssyncadd.s32 $0xFFFFFFFF  }
0xa5: {  	s26 =	simm.s32 $execute0_lowered;
	[smem:$0x3FD2] =	sst s25  }
0xa6: {  	s4 =	sshll.u32 s26, $0x1;
	_ =	strace $0x80000046;
	[dreg:$0x1] =	wrdreg $0xFFFFFFFF  }
0xa7: {  	s28 =	simm.s32 $_size_execute0_lowered;
	s2 =	sadd.s32 s2, s4;
	[dreg:$0x0] =	wrdreg $0x0  }
0xa8: {  	s4 =	sshll.u32 s28, $0x1;
	[dreg:$0x2] =	wrdreg s2  }
0xa9: {  	[dreg:$0x3] =	wrdreg s4  }
0xaa: {  	[dreg:$0x4] =	wrdreg $0xC0  }
0xab: {  	_ =	task [dreg:s6], $0x5FFFF  }
0xac: {  	[dreg:$0x1] =	wrdreg $0xFFFFFFFF  }
0xad: {  	[dreg:$0x0] =	wrdreg $0x60  }
0xae: {  	[dreg:$0x2] =	wrdreg s24  }
0xaf: {  	[dreg:$0x3] =	wrdreg $0x68800  }
0xb0: {  	[dreg:$0x4] =	wrdreg $0x9  }
0xb1: {  	_ =	task.clear_ibuf [dreg:s6], $0x5FFFF;
	_ =	strace $0x90000046  }
0xb2: {  	s29 =	simm.s32 $0x9;
	_ =	strace $0x80000048  }
0xb3: {  	_ =	swait.ge [sflag:s29], $0x1  }
0xb4: {  	[sflag:s29] =	ssyncadd.s32 $0xFFFFFFFF  }
0xb5: {  	_ =	strace $0x90000048  }
0xb6: {  	_ =	sfence  }
0xb7: {  	s30 =	sld [smem:$0x0];
	_ =	sdelay $0x2  }
0xb8: {  	s31 =	sshll.u32 s1, $0xD;
	s1 =	sshrl.u32 s1, $0x2  }
0xb9: {  	s3 =	sand.u32 $0x4000, s31;
	s1 =	sadd.s32 s1, s30  }
0xba: {  	s0 =	sor.u32 s3, s0;
	s1 =	sshll.u32 s1, $0x11  }
0xbb: {  	s0 =	sor.u32 s1, s0  }
0xbc: {  	s0 =	sadd.s32 $0x8F2B, s0  }
0xbd: {  	[sflag:s0] =	ssyncadd.remote.s32 $0x1  }
0xbe: {  	_ =	sfence.sel $0xFFFF  }
0xbf: {  	[dreg:$0x0] =	wrdreg $0xFFFFFFFF;
	(pc) =	sbr.abs _section_cstart, $3  }
0xc0: {  	[dreg:$0x1] =	wrdreg $0xFFFFFFFF  }
0xc1: {  	_ =	task.clear_ibuf [dreg:s6], $0x2FFFF;
	_ =	strace $0x9FFFFFFF  }
0xc2: {  	(tm) =	ssettm $0x7FFFFFFF  }
0xc3: {  	_ =	shalt  }
tec
execute0_lowered:
.L_overlay_start_1:
0x0: {  	(tag) =	ssettag $0x1  }
0x1: {  	s0 =	srdreg.scid;
	s4 =	rddreg [dreg:$0x0]  }
0x2: {  	s2 =	rddreg [dreg:$0x1];
	s6 =	sand.u32 $0x1, s0  }
0x3: {  	s0 =	stileid.u32;
	s5 =	smul.u32 $0x27100, s6  }
0x4: {  	s1 =	rddreg [dreg:$0x2];
	s3 =	simm.s32 $0x0;
	s7 =	smul.u32 $0x2710, s0  }
0x5: {  	s19 =	simm.s32 $0x50;
	s20 =	simm.s32 $0x0;
	s8 =	smul.u32 $0x280, s0  }
0x6: {  	[smem:$0x7FF] =	sst s3;
	s13 =	sadd.s32 $0x17A00, s4;
	s23 =	smul.u32 $0x50000, s0  }
0x7: {  	_ =	strace $0x80000047;
	s24 =	ssub.s32 $0x2, s6;
	s16 =	smul.u32 $0x2800, s6  }
0x8: {  	s25 =	sshrl.u32 s24, $0x1;
	s5 =	sadd.s32 s7, s5;
	s7 =	sshrl.u32 s23, $0x2  }
0x9: {  	s9 =	sadd.s32 $0x80, s8;
	s14 =	ssub.s32 s24, s25;
	s11 =	sadd.s32 $0x100, s8  }
0xa: {  	s12 =	sadd.s32 $0x180, s8;
	s17 =	sadd.s32 $0x200, s8;
	s18 =	sadd.s32 s8, s16  }
0xb: {  	s5 =	sshrl.u32 s5, $0x3;
	s26 =	sshll.u32 s9, $0x7;
	s28 =	sshll.u32 s11, $0x7  }
0xc: {  	s10 =	sshll.u32 s12, $0x7;
	s29 =	sshll.u32 s17, $0x7;
	s9 =	sadd.s32 s16, s9  }
0xd: {  	s30 =	sshll.u32 s18, $0x4;
	s11 =	sadd.s32 s16, s11;
	s12 =	sadd.s32 s16, s12  }
0xe: {  	s16 =	sadd.s32 s16, s17;
	s14 =	smax.u32 s14, $0x1;
	s17 =	simm.s32 $0x1  }
0xf: {  	s18 =	simm.s32 $0x2800;
	s15 =	sadd.s32 s5, s4;
	s4 =	sadd.s32 s7, s2  }
0x10: {  	s5 =	sadd.s32 s26, s2;
	s6 =	sadd.s32 s28, s2;
	s7 =	sadd.s32 s10, s2  }
0x11: {  	s8 =	sadd.s32 s29, s2;
	s31 =	sshll.u32 s9, $0x4;
	s9 =	sadd.s32 s13, s30  }
0x12: {  	s11 =	sshll.u32 s11, $0x4;
	s12 =	sshll.u32 s12, $0x4;
	s16 =	sshll.u32 s16, $0x4  }
0x13: {  	s10 =	sadd.s32 s13, s31;
	s11 =	sadd.s32 s13, s11;
	s12 =	sadd.s32 s13, s12  }
0x14: {  	v0 =	vimm.f32 $0.0e+00;
	v1 =	vimm.f32 $1.000000000e+00;
	s13 =	sadd.s32 s13, s16;
	s15 =	sadd.s32 $0xDC00, s15;
	s16 =	simm.s32 $0x2880  }
.LBB2_1:
0x15: {  	s21 =	sand.u32 $0xFE00, s3  }
0x16: {  	s22 =	sand.u32 $0x70, s3;
	s23 =	sshrl.u32 s21, $0x2  }
0x17: {  	s21 =	simm.s32 $0x40;
	s23 =	sor.u32 s22, s23;
	s22 =	simm.s32 $0x0  }
.LBB2_2:
0x18: {  	p0 =	sne.s32 s21, $0xFFC0  }
0x19: {  	[tilespmem:s23+$0x2880] =	vst v0;
	s22 =	sadd.s32 $0x10, s22;
	s23 =	smov.u32 s21;
	s21 =	sadd.s32 $0x40, s21  }
.Ltmp0:
0x1a: {  	(pc) =	sbr.rel @p0 .LBB2_2-.Ltmp0, $4  }
0x1b: {  	_ = 	snop  }
0x1c: {  	s23 =	sand.u32 $0xFE00, s23  }
0x1d: {  	s24 =	sand.u32 $0x70, s22;
	s23 =	sshrl.u32 s23, $0x2  }
0x1e: {  	s23 =	sor.u32 s24, s23  }
0x1f: {  	[tilespmem:s23+$0x2880] =	vst v0  }
0x20: {  	[spmem:s4] =	stream.linear.scatter [tilespmem:s16], [sflag:$0x1], $0x4000, $0x38;
	[tilespmem:$0x1A880] =	vst v63  }
0x21: {  	_ =	swait.ge [sflag:s17], $0x4000  }
0x22: {  	[sflag:s17] =	ssyncset.done $0x0  }
0x23: {  	[sflag:s17] =	ssyncadd.s32 $0xFFFFC000  }
0x24: {  	[spmem:s5] =	stream.linear.scatter [tilespmem:s16], [sflag:$0x1], $0x4000, $0x38;
	[tilespmem:$0x1A880] =	vst v63  }
0x25: {  	_ =	swait.ge [sflag:s17], $0x4000  }
0x26: {  	[sflag:s17] =	ssyncset.done $0x0  }
0x27: {  	[sflag:s17] =	ssyncadd.s32 $0xFFFFC000  }
0x28: {  	[spmem:s6] =	stream.linear.scatter [tilespmem:s16], [sflag:$0x1], $0x4000, $0x38;
	[tilespmem:$0x1A880] =	vst v63  }
0x29: {  	_ =	swait.ge [sflag:s17], $0x4000  }
0x2a: {  	[sflag:s17] =	ssyncset.done $0x0  }
0x2b: {  	[sflag:s17] =	ssyncadd.s32 $0xFFFFC000  }
0x2c: {  	[spmem:s7] =	stream.linear.scatter [tilespmem:s16], [sflag:$0x1], $0x4000, $0x38;
	[tilespmem:$0x1A880] =	vst v63  }
0x2d: {  	_ =	swait.ge [sflag:s17], $0x4000  }
0x2e: {  	[sflag:s17] =	ssyncset.done $0x0  }
0x2f: {  	s21 =	simm.s32 $0x0;
	[sflag:s17] =	ssyncadd.s32 $0xFFFFC000  }
0x30: {  	[spmem:s8] =	stream.linear.scatter [tilespmem:s16], [sflag:$0x1], $0x4000, $0x38;
	[tilespmem:$0x1A880] =	vst v63  }
0x31: {  	s22 =	sand.u32 $0xFE00, s21;
	_ =	swait.ge [sflag:s17], $0x4000  }
0x32: {  	s31 =	sand.u32 $0x70, s21;
	s24 =	sshrl.u32 s22, $0x2;
	[sflag:s17] =	ssyncset.done $0x0  }
0x33: {  	s22 =	simm.s32 $0x40;
	s23 =	sor.u32 s31, s24;
	[sflag:s17] =	ssyncadd.s32 $0xFFFFC000  }
.LBB2_4:
0x34: {  	p0 =	sne.s32 s22, $0x9FC0  }
0x35: {  	[tilespmem:s23+$0x0] =	vst v1;
	s21 =	sadd.s32 $0x10, s21;
	s23 =	smov.u32 s22;
	s22 =	sadd.s32 $0x40, s22  }
.Ltmp1:
0x36: {  	(pc) =	sbr.rel @p0 .LBB2_4-.Ltmp1, $4  }
0x37: {  	_ = 	snop  }
0x38: {  	s23 =	sand.u32 $0xFE00, s23  }
0x39: {  	s24 =	sand.u32 $0x70, s21;
	s23 =	sshrl.u32 s23, $0x2  }
0x3a: {  	s23 =	sor.u32 s24, s23  }
0x3b: {  	[tilespmem:s23+$0x0] =	vst v1  }
0x3c: {  	s21 =	sadd.s32 $0x0, s15;
	[bflag:$0x0] =	sbarrier.arrive $0xFFFF  }
0x3d: {  	[tilespmem:s18], [sflag:$0x1] =	stream.linear.gather [hbm4b:s21+s3], $0x50, $0x38;
	[tilespmem:$0x1A880] =	vst v63  }
0x3e: {  	_ =	swait.ge [sflag:s17], $0x50  }
0x3f: {  	[sflag:s17] =	ssyncset.done $0x0  }
0x40: {  	[sflag:s17] =	ssyncadd.s32 $0xFFFFFFB0  }
0x41: {  	[spmem:s2] =	stream.indirect.scatter.add.f32 [tilespmem:s3], [sflag:$0x1], $0x80, s18, s19, $0xb8;
	[tilespmem:$0x1A880] =	vst v63  }
0x42: {  	_ =	swait.ge [sflag:s17], $0x2800  }
0x43: {  	s22 =	simm.s32 $0x14;
	s21 =	simm.s32 $0xA;
	[sflag:s17] =	ssyncset.done $0x0  }
.LBB2_6:
0x44: {  	s23 =	sadd.s32 s21, s15  }
0x45: {  	[sflag:s17] =	ssyncadd.s32 $0xFFFFD800;
	s21 =	smov.u32 s22;
	s24 =	sadd.s32 $0xA, s22  }
0x46: {  	[tilespmem:s18], [sflag:$0x1] =	stream.linear.gather [hbm4b:s23+s3], $0x50, $0x38;
	[tilespmem:$0x1A880] =	vst v63  }
0x47: {  	p0 =	sne.s32 s22, $0x4D8;
	_ =	swait.ge [sflag:s17], $0x50  }
.Ltmp2:
0x48: {  	[sflag:s17] =	ssyncset.done $0x0;
	(pc) =	sbr.rel @p0 .LBB2_6-.Ltmp2, $4  }
0x49: {  	[sflag:s17] =	ssyncadd.s32 $0xFFFFFFB0  }
0x4a: {  	[spmem:s2] =	stream.indirect.scatter.add.f32 [tilespmem:s3], [sflag:$0x1], $0x80, s18, s19, $0xb8;
	[tilespmem:$0x1A880] =	vst v63  }
0x4b: {  	_ =	swait.ge [sflag:s17], $0x2800  }
0x4c: {  	s22 =	smov.u32 s24;
	[sflag:s17] =	ssyncset.done $0x0  }
0x4d: {  	s21 =	sadd.s32 s21, s15;
	[sflag:s17] =	ssyncadd.s32 $0xFFFFD800  }
0x4e: {  	[tilespmem:s18], [sflag:$0x1] =	stream.linear.gather [hbm4b:s21+s3], $0x50, $0x38;
	[tilespmem:$0x1A880] =	vst v63  }
0x4f: {  	_ =	swait.ge [sflag:s17], $0x50  }
0x50: {  	[sflag:s17] =	ssyncset.done $0x0  }
0x51: {  	[sflag:s17] =	ssyncadd.s32 $0xFFFFFFB0  }
0x52: {  	[spmem:s2] =	stream.indirect.scatter.add.f32 [tilespmem:s3], [sflag:$0x1], $0x80, s18, s19, $0xb8;
	[tilespmem:$0x1A880] =	vst v63  }
0x53: {  	_ =	swait.ge [sflag:s17], $0x2800  }
0x54: {  	[sflag:s17] =	ssyncset.done $0x0  }
0x55: {  	[sflag:s17] =	ssyncadd.s32 $0xFFFFD800  }
0x56: {  	[bflag:$0x0] =	sbarrier.arrive $0xFFFF  }
0x57: {  	[tilespmem:s16], [sflag:$0x1] =	stream.linear.gather [spmem:s4], $0x4000, $0x38;
	[tilespmem:$0x1A880] =	vst v63  }
0x58: {  	_ =	swait.ge [sflag:s17], $0x4000  }
0x59: {  	[sflag:s17] =	ssyncset.done $0x0  }
0x5a: {  	[sflag:s17] =	ssyncadd.s32 $0xFFFFC000  }
0x5b: {  	[hbm4b:s9+s3] =	stream.linear.scatter [tilespmem:s16], [sflag:$0x1], $0x4000, $0x38;
	[tilespmem:$0x1A880] =	vst v63  }
0x5c: {  	_ =	swait.ge [sflag:s17], $0x4000  }
0x5d: {  	[sflag:s17] =	ssyncset.done $0x0  }
0x5e: {  	[sflag:s17] =	ssyncadd.s32 $0xFFFFC000  }
0x5f: {  	[tilespmem:s16], [sflag:$0x1] =	stream.linear.gather [spmem:s5], $0x4000, $0x38;
	[tilespmem:$0x1A880] =	vst v63  }
0x60: {  	_ =	swait.ge [sflag:s17], $0x4000  }
0x61: {  	[sflag:s17] =	ssyncset.done $0x0  }
0x62: {  	[sflag:s17] =	ssyncadd.s32 $0xFFFFC000  }
0x63: {  	[hbm4b:s10+s3] =	stream.linear.scatter [tilespmem:s16], [sflag:$0x1], $0x4000, $0x38;
	[tilespmem:$0x1A880] =	vst v63  }
0x64: {  	_ =	swait.ge [sflag:s17], $0x4000  }
0x65: {  	[sflag:s17] =	ssyncset.done $0x0  }
0x66: {  	[sflag:s17] =	ssyncadd.s32 $0xFFFFC000  }
0x67: {  	[tilespmem:s16], [sflag:$0x1] =	stream.linear.gather [spmem:s6], $0x4000, $0x38;
	[tilespmem:$0x1A880] =	vst v63  }
0x68: {  	_ =	swait.ge [sflag:s17], $0x4000  }
0x69: {  	[sflag:s17] =	ssyncset.done $0x0  }
0x6a: {  	[sflag:s17] =	ssyncadd.s32 $0xFFFFC000  }
0x6b: {  	[hbm4b:s11+s3] =	stream.linear.scatter [tilespmem:s16], [sflag:$0x1], $0x4000, $0x38;
	[tilespmem:$0x1A880] =	vst v63  }
0x6c: {  	_ =	swait.ge [sflag:s17], $0x4000  }
0x6d: {  	[sflag:s17] =	ssyncset.done $0x0  }
0x6e: {  	[sflag:s17] =	ssyncadd.s32 $0xFFFFC000  }
0x6f: {  	[tilespmem:s16], [sflag:$0x1] =	stream.linear.gather [spmem:s7], $0x4000, $0x38;
	[tilespmem:$0x1A880] =	vst v63  }
0x70: {  	_ =	swait.ge [sflag:s17], $0x4000  }
0x71: {  	[sflag:s17] =	ssyncset.done $0x0  }
0x72: {  	[sflag:s17] =	ssyncadd.s32 $0xFFFFC000  }
0x73: {  	[hbm4b:s12+s3] =	stream.linear.scatter [tilespmem:s16], [sflag:$0x1], $0x4000, $0x38;
	[tilespmem:$0x1A880] =	vst v63  }
0x74: {  	_ =	swait.ge [sflag:s17], $0x4000  }
0x75: {  	[sflag:s17] =	ssyncset.done $0x0  }
0x76: {  	[sflag:s17] =	ssyncadd.s32 $0xFFFFC000  }
0x77: {  	[tilespmem:s16], [sflag:$0x1] =	stream.linear.gather [spmem:s8], $0x4000, $0x38;
	[tilespmem:$0x1A880] =	vst v63  }
0x78: {  	s20 =	sadd.s32 $0x1, s20;
	_ =	swait.ge [sflag:s17], $0x4000  }
0x79: {  	p0 =	sne.s32 s20, s14;
	[sflag:s17] =	ssyncset.done $0x0  }
.Ltmp3:
0x7a: {  	[sflag:s17] =	ssyncadd.s32 $0xFFFFC000;
	(pc) =	sbr.rel @p0 .LBB2_1-.Ltmp3, $4  }
0x7b: {  	[hbm4b:s13+s3] =	stream.linear.scatter [tilespmem:s16], [sflag:$0x1], $0x4000, $0x38;
	[tilespmem:$0x1A880] =	vst v63  }
0x7c: {  	_ =	swait.ge [sflag:s17], $0x4000  }
0x7d: {  	[sflag:s17] =	ssyncset.done $0x0  }
0x7e: {  	[sflag:s17] =	ssyncadd.s32 $0xFFFFC000  }
0x7f: {  	_ =	sfence.sel $0x180000  }
0x80: {  	[bflag:$0x0] =	sbarrier.arrive $0xFFFF  }
0x81: {  	p0 =	sne.s32 s0, $0x0;
	_ =	strace $0x90000047  }
0x82: {  	s0 =	sadd.s32 @!p0 $0x100000, s1;
	[bflag:$0x2] =	sbarrier.arrive $0xFFFF  }
0x83: {  	[sflag:s0] =	ssyncadd.tile.s32 @!p0 $0x1;
	_ =	shalt  }
.Lfunc_end2:
_tile_overlayer_lowered:
.L_overlay_start_2:
0x84: {  	(tag) =	ssettag $0x2  }
0x85: {  	s0 =	rddreg [dreg:$0x0];
	s2 =	stileid.u32  }
0x86: {  	s1 =	rddreg [dreg:$0x1];
	p0 =	sne.s32 s2, $0x0  }
0x87: {  	s3 =	rddreg [dreg:$0x2];
	[bflag:$0x3] =	sbarrier.arrive $0xFFFF;
	s2 =	simm.s32 @!p0 $0x1C01  }
0x88: {  	[timem:s3], [sflag:s2] =	dma.local @!p0 [hbm:s0], s1  }
0x89: {  	s0 =	simm.s32 @!p0 $0x1  }
0x8a: {  	_ =	swait.ge @!p0 [sflag:s0], s1  }
0x8b: {  	s1 =	ssub.s32 @!p0 $0x0, s1;
	[sflag:s0] =	ssyncset.done @!p0 $0x0  }
0x8c: {  	[sflag:s0] =	ssyncadd.s32 @!p0 s1  }
0x8d: {  	[bflag:$0x3] =	sbarrier.arrive $0xFFFF  }
0x8e: {  	_ =	shalt  }

// kernel: kernel.15.cloned.1.call-start
scs
__scs_entry_jumppad:
0x0: {  	(pc) =	sbr.rel $0x88, $3  }
0x1: {  	(tag) =	ssettag $0x0;
	lr =	simm.s32 $0x1  }
0x2: {  	[smem:$0x3F97] =	sst lr;
	_ =	strace $0xD0000000  }
0x3: {  	_ = 	snop  }
0x4: {  	_ = 	snop  }
0x5: {  	_ = 	snop  }
0x6: {  	_ = 	snop  }
0x7: {  	_ = 	snop  }
__scs_overlays_trampoline_lowered:
0x8: {  	[smem:$0x3FA6] =	sst s0  }
0x9: {  	[smem:$0x3FA7] =	sst s1  }
0xa: {  	[smem:$0x3FA8] =	sst s2  }
0xb: {  	[smem:$0x3FA9] =	sst s3  }
0xc: {  	[smem:$0x3FAA] =	sst s4  }
0xd: {  	[smem:$0x3FAB] =	sst s5  }
0xe: {  	[smem:$0x3FAC] =	sst s6  }
0xf: {  	[smem:$0x3FAD] =	sst s7  }
0x10: {  	[smem:$0x3FAE] =	sst s8  }
0x11: {  	[smem:$0x3FAF] =	sst s9;
	s0 =	simm.s32 @!p0 $0x0  }
0x12: {  	s1 =	sld [smem:$0x3F95];
	s0 =	simm.s32 @p0 $0x1  }
0x13: {  	[smem:$0x3FB0] =	sst s0;
	s0 =	simm.s32 @!p1 $0x0  }
0x14: {  	s2 =	sld [smem:$0x3F94];
	s0 =	simm.s32 @p1 $0x1  }
0x15: {  	[smem:$0x3FB1] =	sst s0;
	s0 =	simm.s32 @!p2 $0x0  }
0x16: {  	s3 =	sld [smem:$0x3FDB];
	s0 =	simm.s32 @p2 $0x1  }
0x17: {  	s4 =	simm.s32 $0x1BF5;
	[smem:$0x3FB3] =	sst s0  }
0x18: {  	s0 =	sld [smem:$0x3F96];
	_ =	swait.ge [sflag:s4], $0x0  }
0x19: {  	s7 =	sld [smem:$0x3F97]  }
0x1a: {  	s8 =	sadd.s32 $0xFFFFE003, lr  }
0x1b: {  	s9 =	sadd.s32 $0xFFFFFEF7, lr;
	s5 =	simm.s32 $0xFFFFFFFF;
	p2 =	slt.u32 s8, $0xFFFFF086  }
0x1c: {  	p1 =	slt.u32 s9, $0xF7A;
	s5 =	simm.s32 @!p2 $0x0  }
0x1d: {  	s5 =	simm.s32 @p1 $0x1;
	p0 =	seq.s32 s7, s2  }
0x1e: {  	s7 =	smul.u32 @!p0 $0xF7A, s2;
	p2 =	seq.s32 @!p0 s5, $0x0  }
0x1f: {  	s9 =	smul.u32 $0xF7A, s1;
	s8 =	simm.s32 @!p0 $0x1BF5;
	p2 =	por !p2, p0  }
0x20: {  	[sflag:s8] =	ssyncset.s32 @!p0 $0xFFFFF086;
	s6 =	sadd.s32 @!p0 s3, s7;
	s7 =	simm.s32 @!p0 $0x108  }
0x21: {  	s3 =	sadd.s32 s3, s9;
	s6 =	sadd.s32 @!p0 $0x88, s6;
	s7 =	simm.s32 @p2 $0x1082  }
0x22: {  	[simem:s7], [sflag:s8] =	dma.local @!p0 [hbm:s6], $0xF7A  }
0x23: {  	s9 =	sor.u32 $0xD0000000, s2;
	s6 =	simm.s32 $0x108;
	_ =	swait.ge @!p0 [sflag:s8], $0x0  }
0x24: {  	s3 =	sadd.s32 $0x88, s3;
	s6 =	simm.s32 @!p1 $0x1082;
	[sflag:s4] =	ssyncset.s32 $0xFFFFF086  }
0x25: {  	[simem:s6], [sflag:s4] =	dma.local [hbm:s3], $0xF7A  }
0x26: {  	[smem:$0x3F97] =	sst s1;
	(tag) =	ssettag s2;
	_ =	strace s9  }
0x27: {  	s1 =	sld [smem:$0x3FA7]  }
0x28: {  	s2 =	sld [smem:$0x3FA8]  }
0x29: {  	s4 =	sld [smem:$0x3FAA]  }
0x2a: {  	p0 =	seq.s32 s5, $0x0;
	s5 =	sld [smem:$0x3FAB]  }
0x2b: {  	s6 =	sld [smem:$0x3FAC]  }
0x2c: {  	s7 =	sld [smem:$0x3FAD]  }
0x2d: {  	s3 =	simm.s32 $0x108;
	s8 =	sld [smem:$0x3FAE]  }
0x2e: {  	s3 =	simm.s32 @!p0 $0x1082;
	s9 =	sld [smem:$0x3FAF]  }
0x2f: {  	lr =	sadd.s32 s0, s3;
	s0 =	sld [smem:$0x3FA6]  }
0x30: {  	s3 =	sld [smem:$0x3FA9]  }
0x31: {  	[smem:$0x3FB2] =	sst s10  }
0x32: {  	s10 =	sld [smem:$0x3FB0];
	_ =	sdelay $0x3  }
0x33: {  	p0 =	seq.s32 s10, $0x1;
	s10 =	sld [smem:$0x3FB2];
	_ =	sdelay $0x3  }
0x34: {  	[smem:$0x3FB2] =	sst s10  }
0x35: {  	s10 =	sld [smem:$0x3FB1];
	_ =	sdelay $0x3  }
0x36: {  	p1 =	seq.s32 s10, $0x1;
	s10 =	sld [smem:$0x3FB2];
	_ =	sdelay $0x3  }
0x37: {  	[smem:$0x3FB2] =	sst s10  }
0x38: {  	s10 =	sld [smem:$0x3FB3]  }
0x39: {  	_ = 	snop;
	(pc) =	sbr.ind lr, $3  }
0x3a: {  	_ = 	snop  }
0x3b: {  	_ = 	snop  }
0x3c: {  	p2 =	seq.s32 s10, $0x1;
	s10 =	sld [smem:$0x3FB2]  }
0x3d: {  	_ =	shalt  }
0x3e: {  	_ =	shalt  }
0x3f: {  	_ =	shalt  }
0x40: {  	_ =	shalt  }
0x41: {  	_ =	shalt  }
0x42: {  	_ =	shalt  }
0x43: {  	_ =	shalt  }
0x44: {  	_ =	shalt  }
0x45: {  	_ =	shalt  }
0x46: {  	_ =	shalt  }
0x47: {  	_ =	shalt  }
0x48: {  	_ =	shalt  }
0x49: {  	_ =	shalt  }
0x4a: {  	_ =	shalt  }
0x4b: {  	_ =	shalt  }
0x4c: {  	_ =	shalt  }
0x4d: {  	_ =	shalt  }
0x4e: {  	_ =	shalt  }
0x4f: {  	_ =	shalt  }
0x50: {  	_ =	shalt  }
0x51: {  	_ =	shalt  }
0x52: {  	_ =	shalt  }
0x53: {  	_ =	shalt  }
0x54: {  	_ =	shalt  }
0x55: {  	_ =	shalt  }
0x56: {  	_ =	shalt  }
0x57: {  	_ =	shalt  }
0x58: {  	_ =	shalt  }
0x59: {  	_ =	shalt  }
0x5a: {  	_ =	shalt  }
0x5b: {  	_ =	shalt  }
0x5c: {  	_ =	shalt  }
0x5d: {  	_ =	shalt  }
0x5e: {  	_ =	shalt  }
0x5f: {  	_ =	shalt  }
0x60: {  	_ =	shalt  }
0x61: {  	_ =	shalt  }
0x62: {  	_ =	shalt  }
0x63: {  	_ =	shalt  }
0x64: {  	_ =	shalt  }
0x65: {  	_ =	shalt  }
0x66: {  	_ =	shalt  }
0x67: {  	_ =	shalt  }
0x68: {  	_ =	shalt  }
0x69: {  	_ =	shalt  }
0x6a: {  	_ =	shalt  }
0x6b: {  	_ =	shalt  }
0x6c: {  	_ =	shalt  }
0x6d: {  	_ =	shalt  }
0x6e: {  	_ =	shalt  }
0x6f: {  	_ =	shalt  }
0x70: {  	_ =	shalt  }
0x71: {  	_ =	shalt  }
0x72: {  	_ =	shalt  }
0x73: {  	_ =	shalt  }
0x74: {  	_ =	shalt  }
0x75: {  	_ =	shalt  }
0x76: {  	_ =	shalt  }
0x77: {  	_ =	shalt  }
0x78: {  	_ =	shalt  }
0x79: {  	_ =	shalt  }
0x7a: {  	_ =	shalt  }
0x7b: {  	_ =	shalt  }
0x7c: {  	_ =	shalt  }
0x7d: {  	_ =	shalt  }
0x7e: {  	_ =	shalt  }
0x7f: {  	_ =	shalt  }
0x80: {  	_ =	shalt  }
0x81: {  	_ =	shalt  }
0x82: {  	_ =	shalt  }
0x83: {  	_ =	shalt  }
0x84: {  	_ =	shalt  }
0x85: {  	_ =	shalt  }
0x86: {  	_ =	shalt  }
0x87: {  	_ =	shalt  }
.Lfunc_end0:
.L_simem_size_0:
called_computation.1_lowered:
.L_overlay_start_0:
0x88: {  	s2 =	sld [smem:$0x3FD9]  }
0x89: {  	s3 =	sld [smem:$0x3FFE];
	_ =	sdelay $0x1  }
0x8a: {  	s1 =	srdreg.scid  }
0x8b: {  	s0 =	sand.u32 $0x1, s1  }
0x8c: {  	s15 =	sshll.u32 s0, $0xA;
	s2 =	sadd.s32 s3, s2  }
0x8d: {  	s2 =	sadd.s32 s2, s15  }
0x8e: {  	[smem:$0x3FBE] =	sst s2  }
0x8f: {  	_ = 	snop  }
0x90: {  	s2 =	sld [smem:$0x3FD0];
	_ =	sdelay $0x2  }
0x91: {  	s4 =	simm.s32 $0xB;
	s5 =	simm.s32 $0x10;
	s16 =	sld [smem:$0x3FC9]  }
0x92: {  	[smem:s5], [sflag:s4] =	dma.local [hbm:s2], $0x1  }
0x93: {  	_ =	swait.eq [sflag:s4], $0x1  }
0x94: {  	[sflag:s4] =	ssyncset.done $0x0  }
0x95: {  	[sflag:s4] =	ssyncadd.s32 $0xFFFFFFFF  }
0x96: {  	s17 =	sld [smem:$0x10];
	(tm) =	ssettm $0x1  }
0x97: {  	s18 =	sld [smem:$0x3FFB];
	_ =	sdelay $0x3  }
0x98: {  	_ =	strace s18  }
0x99: {  	s2 =	sld [smem:$0x3FFC];
	_ =	sdelay $0x3  }
0x9a: {  	_ =	strace s2  }
0x9b: {  	s2 =	sld [smem:$0x3FFD];
	_ =	sdelay $0x3  }
0x9c: {  	_ =	strace s2  }
0x9d: {  	_ =	strace $0x8FFFFFFF  }
0x9e: {  	s19 =	sld [smem:$0x3FDB];
	_ =	sdelay $0x1  }
0x9f: {  	s20 =	simm.s32 $_scs_section_size  }
0xa0: {  	s6 =	simm.s32 $_size__tile_overlayer_lowered;
	s7 =	simm.s32 $_tile_overlayer_lowered  }
0xa1: {  	s8 =	simm.s32 $0x1BFF;
	s21 =	sshll.u32 s7, $0x1;
	s5 =	sadd.s32 s20, s19  }
0xa2: {  	s22 =	simm.s32 $0x0;
	s6 =	sshll.u32 s6, $0x1;
	s7 =	sadd.s32 s21, s5  }
0xa3: {  	[timem:s22], [sflag:s8] =	dma.local [hbm:s7], s6  }
0xa4: {  	_ =	swait.ge [sflag:s8], s6  }
0xa5: {  	s6 =	ssub.s32 $0x0, s6;
	[sflag:s8] =	ssyncset.done $0x0  }
0xa6: {  	[sflag:s8] =	ssyncadd.s32 s6;
	_ =	sdelay $0x1  }
0xa7: {  	s23 =	simm.s32 $0x1B8B  }
0xa8: {  	_ =	swait.ge [sflag:s23], $0x1  }
0xa9: {  	[sflag:s23] =	ssyncset.done $0x0  }
0xaa: {  	[sflag:s23] =	ssyncadd.s32 $0xFFFFFFFF  }
0xab: {  	s6 =	sld [smem:$0x0]  }
0xac: {  	s7 =	sand.u32 $0xFFFFFFFE, s1  }
0xad: {  	p0 =	sne.s32 s1, s7  }
0xae: {  	s7 =	sshll.u32 @p0 s7, $0xE  }
0xaf: {  	s7 =	sadd.s32 @p0 $0x11B8D, s7;
	s8 =	sshll.u32 @p0 s6, $0x11  }
0xb0: {  	s7 =	sor.u32 @p0 s8, s7  }
0xb1: {  	[sflag:s7] =	ssyncadd.remote.s32 @p0 $0x1;
	_ =	sdelay $0x1  }
0xb2: {  	s7 =	simm.s32 @p0 $0x1B8D  }
0xb3: {  	_ =	swait.eq @p0 [sflag:s7], $0x1  }
0xb4: {  	[sflag:s7] =	ssyncadd.s32 @p0 $0xFFFFFFFF  }
0xb5: {  	s8 =	sshll.u32 @!p0 s1, $0xE  }
0xb6: {  	s8 =	sor.u32 @!p0 $0x4000, s8;
	s7 =	simm.s32 @!p0 $0x1B8D  }
0xb7: {  	s6 =	sshll.u32 @!p0 s6, $0x11;
	s8 =	sadd.s32 @!p0 $0x11B8D, s8;
	_ =	swait.eq @!p0 [sflag:s7], $0x1  }
0xb8: {  	s6 =	sor.u32 @!p0 s6, s8;
	[sflag:s7] =	ssyncadd.s32 @!p0 $0xFFFFFFFF  }
0xb9: {  	s25 =	simm.s32 $0x1B8E;
	s24 =	sld [smem:$0x3FFE];
	[sflag:s6] =	ssyncadd.remote.s32 @!p0 $0x1  }
0xba: {  	s26 =	simm.s32 $execute0_lowered;
	[smem:$0x3FD2] =	sst s25  }
0xbb: {  	s7 =	sshll.u32 s26, $0x1;
	_ =	strace $0x80000049;
	[dreg:$0x1] =	wrdreg $0xFFFFFFFF  }
0xbc: {  	s28 =	simm.s32 $_size_execute0_lowered;
	s5 =	sadd.s32 s5, s7;
	[dreg:$0x0] =	wrdreg $0x0  }
0xbd: {  	s7 =	sshll.u32 s28, $0x1;
	[dreg:$0x2] =	wrdreg s5  }
0xbe: {  	[dreg:$0x3] =	wrdreg s7  }
0xbf: {  	[dreg:$0x4] =	wrdreg $0xC0  }
0xc0: {  	_ =	task [dreg:s22], $0x5FFFF  }
0xc1: {  	[dreg:$0x1] =	wrdreg $0xFFFFFFFF  }
0xc2: {  	[dreg:$0x0] =	wrdreg $0x60  }
0xc3: {  	[dreg:$0x2] =	wrdreg s16  }
0xc4: {  	[dreg:$0x3] =	wrdreg s24  }
0xc5: {  	[dreg:$0x4] =	wrdreg s17  }
0xc6: {  	[dreg:$0x5] =	wrdreg $0x68800  }
0xc7: {  	[dreg:$0x6] =	wrdreg $0xA  }
0xc8: {  	_ =	task.clear_ibuf [dreg:s22], $0x7FFFF;
	_ =	strace $0x90000049  }
0xc9: {  	s29 =	simm.s32 $0xA;
	_ =	strace $0x8000004B  }
0xca: {  	_ =	swait.ge [sflag:s29], $0x1  }
0xcb: {  	[sflag:s29] =	ssyncadd.s32 $0xFFFFFFFF  }
0xcc: {  	_ =	strace $0x9000004B  }
0xcd: {  	_ =	sfence  }
0xce: {  	s30 =	sld [smem:$0x0];
	_ =	sdelay $0x2  }
0xcf: {  	s31 =	sshll.u32 s1, $0xD;
	s1 =	sshrl.u32 s1, $0x2  }
0xd0: {  	s4 =	sand.u32 $0x4000, s31;
	s1 =	sadd.s32 s1, s30  }
0xd1: {  	s0 =	sor.u32 s4, s0;
	s1 =	sshll.u32 s1, $0x11  }
0xd2: {  	s0 =	sor.u32 s1, s0  }
0xd3: {  	s0 =	sadd.s32 $0x8F2B, s0  }
0xd4: {  	[sflag:s0] =	ssyncadd.remote.s32 $0x1  }
0xd5: {  	_ =	sfence.sel $0xFFFF  }
0xd6: {  	[dreg:$0x0] =	wrdreg $0xFFFFFFFF;
	(pc) =	sbr.abs _section_cstart, $3  }
0xd7: {  	[dreg:$0x1] =	wrdreg $0xFFFFFFFF  }
0xd8: {  	_ =	task.clear_ibuf [dreg:s22], $0x2FFFF;
	_ =	strace $0x9FFFFFFF  }
0xd9: {  	(tm) =	ssettm $0x7FFFFFFF  }
tec
execute0_lowered:
.L_overlay_start_1:
0x0: {  	(tag) =	ssettag $0x1  }
0x1: {  	s14 =	rddreg [dreg:$0x0]  }
0x2: {  	s4 =	rddreg [dreg:$0x1];
	s1 =	stileid.u32  }
0x3: {  	s13 =	rddreg [dreg:$0x2];
	s6 =	smul.u32 $0x2710, s1  }
0x4: {  	s0 =	srdreg.scid;
	s9 =	smul.u32 $0x280, s1  }
0x5: {  	s2 =	rddreg [dreg:$0x3];
	s3 =	simm.s32 $0x0;
	s7 =	smul.u32 $0x50000, s1  }
0x6: {  	s12 =	sand.u32 $0x1, s0;
	s0 =	rddreg [dreg:$0x4];
	s30 =	smul.u32 $0x27100, s1  }
0x7: {  	[smem:$0x7FF] =	sst s3;
	s5 =	smul.u32 $0x27100, s12  }
0x8: {  	_ =	strace $0x8000004A;
	s20 =	ssub.s32 $0x2, s12;
	s19 =	smul.u32 $0x2800, s12  }
0x9: {  	s26 =	smul.u32 $0x271000, s12;
	s21 =	sshrl.u32 s20, $0x1;
	s10 =	sadd.s32 $0x80, s9  }
0xa: {  	s22 =	sshrl.u32 s7, $0x2;
	s11 =	sadd.s32 $0x100, s9;
	s17 =	sadd.s32 $0x180, s9  }
0xb: {  	s18 =	sadd.s32 $0x200, s9;
	s5 =	sadd.s32 s6, s5;
	s15 =	ssub.s32 s20, s21  }
0xc: {  	s23 =	sshll.u32 s10, $0x7;
	s24 =	sshll.u32 s11, $0x7;
	s25 =	sshll.u32 s17, $0x7  }
0xd: {  	s8 =	sshll.u32 s18, $0x7;
	s9 =	sadd.s32 s9, s19;
	s10 =	sadd.s32 s19, s10  }
0xe: {  	s11 =	sadd.s32 s19, s11;
	s17 =	sadd.s32 s19, s17;
	s18 =	sadd.s32 s19, s18  }
0xf: {  	s31 =	sadd.s32 s26, s14;
	s19 =	simm.s32 $0x2800;
	s20 =	simm.s32 $0x1  }
0x10: {  	s21 =	simm.s32 $0x50;
	s5 =	sshrl.u32 s5, $0x3;
	s6 =	sadd.s32 s24, s2  }
0x11: {  	s7 =	sadd.s32 s25, s2;
	s8 =	sadd.s32 s8, s2;
	s9 =	sshll.u32 s9, $0x4  }
0x12: {  	s10 =	sshll.u32 s10, $0x4;
	s11 =	sshll.u32 s11, $0x4;
	s28 =	sshll.u32 s17, $0x4  }
0x13: {  	s29 =	sshll.u32 s18, $0x4;
	s14 =	smax.u32 s15, $0x1;
	s15 =	sadd.s32 s30, s31  }
0x14: {  	s17 =	simm.s32 $0x2880;
	s18 =	simm.s32 $0x2;
	s16 =	sadd.s32 s5, s4  }
0x15: {  	s4 =	sadd.s32 s22, s2;
	s5 =	sadd.s32 s23, s2;
	s9 =	sadd.s32 s13, s9  }
0x16: {  	s10 =	sadd.s32 s13, s10;
	s11 =	sadd.s32 s13, s11;
	s12 =	sadd.s32 s13, s28  }
0x17: {  	v0 =	vimm.f32 $0.0e+00;
	s13 =	sadd.s32 s13, s29;
	s22 =	simm.s32 $0x0;
	s16 =	sadd.s32 $0xDC00, s16  }
.LBB2_1:
0x18: {  	s23 =	sand.u32 $0xFE00, s3  }
0x19: {  	s24 =	sand.u32 $0x70, s3;
	s25 =	sshrl.u32 s23, $0x2  }
0x1a: {  	s23 =	simm.s32 $0x40;
	s25 =	sor.u32 s24, s25;
	s24 =	simm.s32 $0x0  }
.LBB2_2:
0x1b: {  	p0 =	sne.s32 s23, $0xFFC0  }
0x1c: {  	[tilespmem:s25+$0x2880] =	vst v0;
	s24 =	sadd.s32 $0x10, s24;
	s25 =	smov.u32 s23;
	s23 =	sadd.s32 $0x40, s23  }
.Ltmp0:
0x1d: {  	(pc) =	sbr.rel @p0 .LBB2_2-.Ltmp0, $4  }
0x1e: {  	_ = 	snop  }
0x1f: {  	s25 =	sand.u32 $0xFE00, s25  }
0x20: {  	s26 =	sand.u32 $0x70, s24;
	s25 =	sshrl.u32 s25, $0x2  }
0x21: {  	s25 =	sor.u32 s26, s25  }
0x22: {  	[tilespmem:s25+$0x2880] =	vst v0  }
0x23: {  	[spmem:s4] =	stream.linear.scatter [tilespmem:s17], [sflag:$0x2], $0x4000, $0x38;
	[tilespmem:$0x1A880] =	vst v63  }
0x24: {  	_ =	swait.ge [sflag:s18], $0x4000  }
0x25: {  	[sflag:s18] =	ssyncset.done $0x0  }
0x26: {  	[sflag:s18] =	ssyncadd.s32 $0xFFFFC000  }
0x27: {  	[spmem:s5] =	stream.linear.scatter [tilespmem:s17], [sflag:$0x2], $0x4000, $0x38;
	[tilespmem:$0x1A880] =	vst v63  }
0x28: {  	_ =	swait.ge [sflag:s18], $0x4000  }
0x29: {  	[sflag:s18] =	ssyncset.done $0x0  }
0x2a: {  	[sflag:s18] =	ssyncadd.s32 $0xFFFFC000  }
0x2b: {  	[spmem:s6] =	stream.linear.scatter [tilespmem:s17], [sflag:$0x2], $0x4000, $0x38;
	[tilespmem:$0x1A880] =	vst v63  }
0x2c: {  	_ =	swait.ge [sflag:s18], $0x4000  }
0x2d: {  	[sflag:s18] =	ssyncset.done $0x0  }
0x2e: {  	[sflag:s18] =	ssyncadd.s32 $0xFFFFC000  }
0x2f: {  	[spmem:s7] =	stream.linear.scatter [tilespmem:s17], [sflag:$0x2], $0x4000, $0x38;
	[tilespmem:$0x1A880] =	vst v63  }
0x30: {  	_ =	swait.ge [sflag:s18], $0x4000  }
0x31: {  	[sflag:s18] =	ssyncset.done $0x0  }
0x32: {  	[sflag:s18] =	ssyncadd.s32 $0xFFFFC000  }
0x33: {  	[spmem:s8] =	stream.linear.scatter [tilespmem:s17], [sflag:$0x2], $0x4000, $0x38;
	[tilespmem:$0x1A880] =	vst v63  }
0x34: {  	_ =	swait.ge [sflag:s18], $0x4000  }
0x35: {  	[sflag:s18] =	ssyncset.done $0x0  }
0x36: {  	[sflag:s18] =	ssyncadd.s32 $0xFFFFC000  }
0x37: {  	s23 =	sadd.s32 $0x0, s16;
	[bflag:$0x0] =	sbarrier.arrive $0xFFFF  }
0x38: {  	[tilespmem:s19], [sflag:$0x2] =	stream.linear.gather [hbm4b:s23+s3], $0x50, $0x38;
	[tilespmem:$0x1A880] =	vst v63  }
0x39: {  	_ =	swait.ge [sflag:s18], $0x50  }
0x3a: {  	[sflag:s18] =	ssyncset.done $0x0  }
0x3b: {  	[sflag:s18] =	ssyncadd.s32 $0xFFFFFFB0  }
0x3c: {  	[tilespmem:s3], [sflag:$0x1] =	stream.linear.gather [hbm4b:s15+s3], $0x2800, $0x38;
	[tilespmem:$0x1A880] =	vst v63  }
0x3d: {  	_ =	swait.ge [sflag:s20], $0x2800  }
0x3e: {  	[sflag:s20] =	ssyncset.done $0x0  }
0x3f: {  	[sflag:s20] =	ssyncadd.s32 $0xFFFFD800  }
0x40: {  	[spmem:s2] =	stream.indirect.scatter.add.f32 [tilespmem:s3], [sflag:$0x2], $0x80, s19, s21, $0xb8;
	[tilespmem:$0x1A880] =	vst v63  }
0x41: {  	s24 =	simm.s32 $0xA;
	_ =	swait.ge [sflag:s18], $0x2800  }
0x42: {  	s25 =	simm.s32 $0x14;
	s23 =	sadd.s32 $0x500, s15;
	[sflag:s18] =	ssyncset.done $0x0  }
.LBB2_4:
0x43: {  	s26 =	sadd.s32 s24, s16  }
0x44: {  	[sflag:s18] =	ssyncadd.s32 $0xFFFFD800;
	s24 =	smov.u32 s25;
	s28 =	sadd.s32 $0xA, s25  }
0x45: {  	[tilespmem:s19], [sflag:$0x2] =	stream.linear.gather [hbm4b:s26+s3], $0x50, $0x38;
	[tilespmem:$0x1A880] =	vst v63  }
0x46: {  	p0 =	sne.s32 s25, $0x4D8;
	_ =	swait.ge [sflag:s18], $0x50  }
0x47: {  	[sflag:s18] =	ssyncset.done $0x0  }
0x48: {  	[sflag:s18] =	ssyncadd.s32 $0xFFFFFFB0  }
0x49: {  	[tilespmem:s3], [sflag:$0x1] =	stream.linear.gather [hbm4b:s23+s3], $0x2800, $0x38;
	[tilespmem:$0x1A880] =	vst v63  }
0x4a: {  	_ =	swait.ge [sflag:s20], $0x2800  }
.Ltmp1:
0x4b: {  	[sflag:s20] =	ssyncset.done $0x0;
	(pc) =	sbr.rel @p0 .LBB2_4-.Ltmp1, $4  }
0x4c: {  	[sflag:s20] =	ssyncadd.s32 $0xFFFFD800  }
0x4d: {  	[spmem:s2] =	stream.indirect.scatter.add.f32 [tilespmem:s3], [sflag:$0x2], $0x80, s19, s21, $0xb8;
	[tilespmem:$0x1A880] =	vst v63  }
0x4e: {  	_ =	swait.ge [sflag:s18], $0x2800  }
0x4f: {  	s25 =	smov.u32 s28;
	s23 =	sadd.s32 $0x500, s23;
	[sflag:s18] =	ssyncset.done $0x0  }
0x50: {  	s24 =	sadd.s32 s24, s16;
	[sflag:s18] =	ssyncadd.s32 $0xFFFFD800  }
0x51: {  	[tilespmem:s19], [sflag:$0x2] =	stream.linear.gather [hbm4b:s24+s3], $0x50, $0x38;
	[tilespmem:$0x1A880] =	vst v63  }
0x52: {  	_ =	swait.ge [sflag:s18], $0x50  }
0x53: {  	[sflag:s18] =	ssyncset.done $0x0  }
0x54: {  	[sflag:s18] =	ssyncadd.s32 $0xFFFFFFB0  }
0x55: {  	[tilespmem:s3], [sflag:$0x1] =	stream.linear.gather [hbm4b:s23+s3], $0x2800, $0x38;
	[tilespmem:$0x1A880] =	vst v63  }
0x56: {  	_ =	swait.ge [sflag:s20], $0x2800  }
0x57: {  	[sflag:s20] =	ssyncset.done $0x0  }
0x58: {  	[sflag:s20] =	ssyncadd.s32 $0xFFFFD800  }
0x59: {  	[spmem:s2] =	stream.indirect.scatter.add.f32 [tilespmem:s3], [sflag:$0x2], $0x80, s19, s21, $0xb8;
	[tilespmem:$0x1A880] =	vst v63  }
0x5a: {  	_ =	swait.ge [sflag:s18], $0x2800  }
0x5b: {  	[sflag:s18] =	ssyncset.done $0x0  }
0x5c: {  	[sflag:s18] =	ssyncadd.s32 $0xFFFFD800  }
0x5d: {  	[bflag:$0x0] =	sbarrier.arrive $0xFFFF  }
0x5e: {  	[tilespmem:s17], [sflag:$0x2] =	stream.linear.gather [spmem:s4], $0x4000, $0x38;
	[tilespmem:$0x1A880] =	vst v63  }
0x5f: {  	_ =	swait.ge [sflag:s18], $0x4000  }
0x60: {  	[sflag:s18] =	ssyncset.done $0x0  }
0x61: {  	[sflag:s18] =	ssyncadd.s32 $0xFFFFC000  }
0x62: {  	[hbm4b:s9+s3] =	stream.linear.scatter [tilespmem:s17], [sflag:$0x2], $0x4000, $0x38;
	[tilespmem:$0x1A880] =	vst v63  }
0x63: {  	_ =	swait.ge [sflag:s18], $0x4000  }
0x64: {  	[sflag:s18] =	ssyncset.done $0x0  }
0x65: {  	[sflag:s18] =	ssyncadd.s32 $0xFFFFC000  }
0x66: {  	[tilespmem:s17], [sflag:$0x2] =	stream.linear.gather [spmem:s5], $0x4000, $0x38;
	[tilespmem:$0x1A880] =	vst v63  }
0x67: {  	_ =	swait.ge [sflag:s18], $0x4000  }
0x68: {  	[sflag:s18] =	ssyncset.done $0x0  }
0x69: {  	[sflag:s18] =	ssyncadd.s32 $0xFFFFC000  }
0x6a: {  	[hbm4b:s10+s3] =	stream.linear.scatter [tilespmem:s17], [sflag:$0x2], $0x4000, $0x38;
	[tilespmem:$0x1A880] =	vst v63  }
0x6b: {  	_ =	swait.ge [sflag:s18], $0x4000  }
0x6c: {  	[sflag:s18] =	ssyncset.done $0x0  }
0x6d: {  	[sflag:s18] =	ssyncadd.s32 $0xFFFFC000  }
0x6e: {  	[tilespmem:s17], [sflag:$0x2] =	stream.linear.gather [spmem:s6], $0x4000, $0x38;
	[tilespmem:$0x1A880] =	vst v63  }
0x6f: {  	_ =	swait.ge [sflag:s18], $0x4000  }
0x70: {  	[sflag:s18] =	ssyncset.done $0x0  }
0x71: {  	[sflag:s18] =	ssyncadd.s32 $0xFFFFC000  }
0x72: {  	[hbm4b:s11+s3] =	stream.linear.scatter [tilespmem:s17], [sflag:$0x2], $0x4000, $0x38;
	[tilespmem:$0x1A880] =	vst v63  }
0x73: {  	_ =	swait.ge [sflag:s18], $0x4000  }
0x74: {  	[sflag:s18] =	ssyncset.done $0x0  }
0x75: {  	[sflag:s18] =	ssyncadd.s32 $0xFFFFC000  }
0x76: {  	[tilespmem:s17], [sflag:$0x2] =	stream.linear.gather [spmem:s7], $0x4000, $0x38;
	[tilespmem:$0x1A880] =	vst v63  }
0x77: {  	_ =	swait.ge [sflag:s18], $0x4000  }
0x78: {  	[sflag:s18] =	ssyncset.done $0x0  }
0x79: {  	[sflag:s18] =	ssyncadd.s32 $0xFFFFC000  }
0x7a: {  	[hbm4b:s12+s3] =	stream.linear.scatter [tilespmem:s17], [sflag:$0x2], $0x4000, $0x38;
	[tilespmem:$0x1A880] =	vst v63  }
0x7b: {  	_ =	swait.ge [sflag:s18], $0x4000  }
0x7c: {  	[sflag:s18] =	ssyncset.done $0x0  }
0x7d: {  	[sflag:s18] =	ssyncadd.s32 $0xFFFFC000  }
0x7e: {  	[tilespmem:s17], [sflag:$0x2] =	stream.linear.gather [spmem:s8], $0x4000, $0x38;
	[tilespmem:$0x1A880] =	vst v63  }
0x7f: {  	s22 =	sadd.s32 $0x1, s22;
	_ =	swait.ge [sflag:s18], $0x4000  }
0x80: {  	p0 =	sne.s32 s22, s14;
	[sflag:s18] =	ssyncset.done $0x0  }
.Ltmp2:
0x81: {  	[sflag:s18] =	ssyncadd.s32 $0xFFFFC000;
	(pc) =	sbr.rel @p0 .LBB2_1-.Ltmp2, $4  }
0x82: {  	[hbm4b:s13+s3] =	stream.linear.scatter [tilespmem:s17], [sflag:$0x2], $0x4000, $0x38;
	[tilespmem:$0x1A880] =	vst v63  }
0x83: {  	_ =	swait.ge [sflag:s18], $0x4000  }
0x84: {  	[sflag:s18] =	ssyncset.done $0x0  }
0x85: {  	[sflag:s18] =	ssyncadd.s32 $0xFFFFC000  }
0x86: {  	_ =	sfence.sel $0x180000  }
0x87: {  	[bflag:$0x0] =	sbarrier.arrive $0xFFFF  }
0x88: {  	p0 =	sne.s32 s1, $0x0;
	_ =	strace $0x9000004A  }
0x89: {  	s0 =	sadd.s32 @!p0 $0x100000, s0;
	[bflag:$0x2] =	sbarrier.arrive $0xFFFF  }
0x8a: {  	[sflag:s0] =	ssyncadd.tile.s32 @!p0 $0x1;
	_ =	shalt  }
.Lfunc_end2:
_tile_overlayer_lowered:
.L_overlay_start_2:
0x8b: {  	(tag) =	ssettag $0x2  }
0x8c: {  	s0 =	rddreg [dreg:$0x0];
	s2 =	stileid.u32  }
0x8d: {  	s1 =	rddreg [dreg:$0x1];
	p0 =	sne.s32 s2, $0x0  }
0x8e: {  	s3 =	rddreg [dreg:$0x2];
	[bflag:$0x3] =	sbarrier.arrive $0xFFFF;
	s2 =	simm.s32 @!p0 $0x1C02  }
0x8f: {  	[timem:s3], [sflag:s2] =	dma.local @!p0 [hbm:s0], s1  }
0x90: {  	s0 =	simm.s32 @!p0 $0x2  }
0x91: {  	_ =	swait.ge @!p0 [sflag:s0], s1  }
0x92: {  	s1 =	ssub.s32 @!p0 $0x0, s1;
	[sflag:s0] =	ssyncset.done @!p0 $0x0  }
0x93: {  	[sflag:s0] =	ssyncadd.s32 @!p0 s1  }
0x94: {  	[bflag:$0x3] =	sbarrier.arrive $0xFFFF  }
0x95: {  	_ =	shalt  }

// kernel: kernel.18.cloned.1.call-start
scs
__scs_entry_jumppad:
0x0: {  	(pc) =	sbr.rel $0x88, $3  }
0x1: {  	(tag) =	ssettag $0x0;
	lr =	simm.s32 $0x1  }
0x2: {  	[smem:$0x3F97] =	sst lr;
	_ =	strace $0xD0000000  }
0x3: {  	_ = 	snop  }
0x4: {  	_ = 	snop  }
0x5: {  	_ = 	snop  }
0x6: {  	_ = 	snop  }
0x7: {  	_ = 	snop  }
__scs_overlays_trampoline_lowered:
0x8: {  	[smem:$0x3FA6] =	sst s0  }
0x9: {  	[smem:$0x3FA7] =	sst s1  }
0xa: {  	[smem:$0x3FA8] =	sst s2  }
0xb: {  	[smem:$0x3FA9] =	sst s3  }
0xc: {  	[smem:$0x3FAA] =	sst s4  }
0xd: {  	[smem:$0x3FAB] =	sst s5  }
0xe: {  	[smem:$0x3FAC] =	sst s6  }
0xf: {  	[smem:$0x3FAD] =	sst s7  }
0x10: {  	[smem:$0x3FAE] =	sst s8  }
0x11: {  	[smem:$0x3FAF] =	sst s9;
	s0 =	simm.s32 @!p0 $0x0  }
0x12: {  	s1 =	sld [smem:$0x3F95];
	s0 =	simm.s32 @p0 $0x1  }
0x13: {  	[smem:$0x3FB0] =	sst s0;
	s0 =	simm.s32 @!p1 $0x0  }
0x14: {  	s2 =	sld [smem:$0x3F94];
	s0 =	simm.s32 @p1 $0x1  }
0x15: {  	[smem:$0x3FB1] =	sst s0;
	s0 =	simm.s32 @!p2 $0x0  }
0x16: {  	s3 =	sld [smem:$0x3FDB];
	s0 =	simm.s32 @p2 $0x1  }
0x17: {  	s4 =	simm.s32 $0x1BF5;
	[smem:$0x3FB3] =	sst s0  }
0x18: {  	s0 =	sld [smem:$0x3F96];
	_ =	swait.ge [sflag:s4], $0x0  }
0x19: {  	s7 =	sld [smem:$0x3F97]  }
0x1a: {  	s8 =	sadd.s32 $0xFFFFE003, lr  }
0x1b: {  	s9 =	sadd.s32 $0xFFFFFEF7, lr;
	s5 =	simm.s32 $0xFFFFFFFF;
	p2 =	slt.u32 s8, $0xFFFFF086  }
0x1c: {  	p1 =	slt.u32 s9, $0xF7A;
	s5 =	simm.s32 @!p2 $0x0  }
0x1d: {  	s5 =	simm.s32 @p1 $0x1;
	p0 =	seq.s32 s7, s2  }
0x1e: {  	s7 =	smul.u32 @!p0 $0xF7A, s2;
	p2 =	seq.s32 @!p0 s5, $0x0  }
0x1f: {  	s9 =	smul.u32 $0xF7A, s1;
	s8 =	simm.s32 @!p0 $0x1BF5;
	p2 =	por !p2, p0  }
0x20: {  	[sflag:s8] =	ssyncset.s32 @!p0 $0xFFFFF086;
	s6 =	sadd.s32 @!p0 s3, s7;
	s7 =	simm.s32 @!p0 $0x108  }
0x21: {  	s3 =	sadd.s32 s3, s9;
	s6 =	sadd.s32 @!p0 $0x88, s6;
	s7 =	simm.s32 @p2 $0x1082  }
0x22: {  	[simem:s7], [sflag:s8] =	dma.local @!p0 [hbm:s6], $0xF7A  }
0x23: {  	s9 =	sor.u32 $0xD0000000, s2;
	s6 =	simm.s32 $0x108;
	_ =	swait.ge @!p0 [sflag:s8], $0x0  }
0x24: {  	s3 =	sadd.s32 $0x88, s3;
	s6 =	simm.s32 @!p1 $0x1082;
	[sflag:s4] =	ssyncset.s32 $0xFFFFF086  }
0x25: {  	[simem:s6], [sflag:s4] =	dma.local [hbm:s3], $0xF7A  }
0x26: {  	[smem:$0x3F97] =	sst s1;
	(tag) =	ssettag s2;
	_ =	strace s9  }
0x27: {  	s1 =	sld [smem:$0x3FA7]  }
0x28: {  	s2 =	sld [smem:$0x3FA8]  }
0x29: {  	s4 =	sld [smem:$0x3FAA]  }
0x2a: {  	p0 =	seq.s32 s5, $0x0;
	s5 =	sld [smem:$0x3FAB]  }
0x2b: {  	s6 =	sld [smem:$0x3FAC]  }
0x2c: {  	s7 =	sld [smem:$0x3FAD]  }
0x2d: {  	s3 =	simm.s32 $0x108;
	s8 =	sld [smem:$0x3FAE]  }
0x2e: {  	s3 =	simm.s32 @!p0 $0x1082;
	s9 =	sld [smem:$0x3FAF]  }
0x2f: {  	lr =	sadd.s32 s0, s3;
	s0 =	sld [smem:$0x3FA6]  }
0x30: {  	s3 =	sld [smem:$0x3FA9]  }
0x31: {  	[smem:$0x3FB2] =	sst s10  }
0x32: {  	s10 =	sld [smem:$0x3FB0];
	_ =	sdelay $0x3  }
0x33: {  	p0 =	seq.s32 s10, $0x1;
	s10 =	sld [smem:$0x3FB2];
	_ =	sdelay $0x3  }
0x34: {  	[smem:$0x3FB2] =	sst s10  }
0x35: {  	s10 =	sld [smem:$0x3FB1];
	_ =	sdelay $0x3  }
0x36: {  	p1 =	seq.s32 s10, $0x1;
	s10 =	sld [smem:$0x3FB2];
	_ =	sdelay $0x3  }
0x37: {  	[smem:$0x3FB2] =	sst s10  }
0x38: {  	s10 =	sld [smem:$0x3FB3]  }
0x39: {  	_ = 	snop;
	(pc) =	sbr.ind lr, $3  }
0x3a: {  	_ = 	snop  }
0x3b: {  	_ = 	snop  }
0x3c: {  	p2 =	seq.s32 s10, $0x1;
	s10 =	sld [smem:$0x3FB2]  }
0x3d: {  	_ =	shalt  }
0x3e: {  	_ =	shalt  }
0x3f: {  	_ =	shalt  }
0x40: {  	_ =	shalt  }
0x41: {  	_ =	shalt  }
0x42: {  	_ =	shalt  }
0x43: {  	_ =	shalt  }
0x44: {  	_ =	shalt  }
0x45: {  	_ =	shalt  }
0x46: {  	_ =	shalt  }
0x47: {  	_ =	shalt  }
0x48: {  	_ =	shalt  }
0x49: {  	_ =	shalt  }
0x4a: {  	_ =	shalt  }
0x4b: {  	_ =	shalt  }
0x4c: {  	_ =	shalt  }
0x4d: {  	_ =	shalt  }
0x4e: {  	_ =	shalt  }
0x4f: {  	_ =	shalt  }
0x50: {  	_ =	shalt  }
0x51: {  	_ =	shalt  }
0x52: {  	_ =	shalt  }
0x53: {  	_ =	shalt  }
0x54: {  	_ =	shalt  }
0x55: {  	_ =	shalt  }
0x56: {  	_ =	shalt  }
0x57: {  	_ =	shalt  }
0x58: {  	_ =	shalt  }
0x59: {  	_ =	shalt  }
0x5a: {  	_ =	shalt  }
0x5b: {  	_ =	shalt  }
0x5c: {  	_ =	shalt  }
0x5d: {  	_ =	shalt  }
0x5e: {  	_ =	shalt  }
0x5f: {  	_ =	shalt  }
0x60: {  	_ =	shalt  }
0x61: {  	_ =	shalt  }
0x62: {  	_ =	shalt  }
0x63: {  	_ =	shalt  }
0x64: {  	_ =	shalt  }
0x65: {  	_ =	shalt  }
0x66: {  	_ =	shalt  }
0x67: {  	_ =	shalt  }
0x68: {  	_ =	shalt  }
0x69: {  	_ =	shalt  }
0x6a: {  	_ =	shalt  }
0x6b: {  	_ =	shalt  }
0x6c: {  	_ =	shalt  }
0x6d: {  	_ =	shalt  }
0x6e: {  	_ =	shalt  }
0x6f: {  	_ =	shalt  }
0x70: {  	_ =	shalt  }
0x71: {  	_ =	shalt  }
0x72: {  	_ =	shalt  }
0x73: {  	_ =	shalt  }
0x74: {  	_ =	shalt  }
0x75: {  	_ =	shalt  }
0x76: {  	_ =	shalt  }
0x77: {  	_ =	shalt  }
0x78: {  	_ =	shalt  }
0x79: {  	_ =	shalt  }
0x7a: {  	_ =	shalt  }
0x7b: {  	_ =	shalt  }
0x7c: {  	_ =	shalt  }
0x7d: {  	_ =	shalt  }
0x7e: {  	_ =	shalt  }
0x7f: {  	_ =	shalt  }
0x80: {  	_ =	shalt  }
0x81: {  	_ =	shalt  }
0x82: {  	_ =	shalt  }
0x83: {  	_ =	shalt  }
0x84: {  	_ =	shalt  }
0x85: {  	_ =	shalt  }
0x86: {  	_ =	shalt  }
0x87: {  	_ =	shalt  }
.Lfunc_end0:
.L_simem_size_0:
called_computation.2_lowered:
.L_overlay_start_0:
0x88: {  	s2 =	sld [smem:$0x3FD9]  }
0x89: {  	s3 =	sld [smem:$0x3FFE];
	_ =	sdelay $0x1  }
0x8a: {  	s1 =	srdreg.scid  }
0x8b: {  	s0 =	sand.u32 $0x1, s1  }
0x8c: {  	s14 =	sshll.u32 s0, $0xA;
	s2 =	sadd.s32 s3, s2  }
0x8d: {  	s2 =	sadd.s32 s2, s14  }
0x8e: {  	[smem:$0x3FBE] =	sst s2  }
0x8f: {  	_ = 	snop  }
0x90: {  	s2 =	sld [smem:$0x3FD0];
	_ =	sdelay $0x2  }
0x91: {  	s15 =	simm.s32 $0xB;
	s4 =	simm.s32 $0x10  }
0x92: {  	[smem:s4], [sflag:s15] =	dma.local [hbm:s2], $0x1  }
0x93: {  	_ =	swait.eq [sflag:s15], $0x1  }
0x94: {  	[sflag:s15] =	ssyncset.done $0x0  }
0x95: {  	[sflag:s15] =	ssyncadd.s32 $0xFFFFFFFF  }
0x96: {  	s16 =	sld [smem:$0x10];
	(tm) =	ssettm $0x1  }
0x97: {  	s17 =	sld [smem:$0x3FFB];
	_ =	sdelay $0x3  }
0x98: {  	_ =	strace s17  }
0x99: {  	s3 =	sld [smem:$0x3FFC];
	_ =	sdelay $0x3  }
0x9a: {  	_ =	strace s3  }
0x9b: {  	s3 =	sld [smem:$0x3FFD];
	_ =	sdelay $0x3  }
0x9c: {  	_ =	strace s3  }
0x9d: {  	_ =	strace $0x8FFFFFFF  }
0x9e: {  	s18 =	sld [smem:$0x3FDB];
	_ =	sdelay $0x1  }
0x9f: {  	s19 =	simm.s32 $_scs_section_size  }
0xa0: {  	s5 =	simm.s32 $_size__tile_overlayer_lowered;
	s6 =	simm.s32 $_tile_overlayer_lowered  }
0xa1: {  	s22 =	simm.s32 $0x1BFF;
	s21 =	sshll.u32 s6, $0x1;
	s3 =	sadd.s32 s19, s18  }
0xa2: {  	s7 =	simm.s32 $0x0;
	s20 =	sshll.u32 s5, $0x1;
	s5 =	sadd.s32 s21, s3  }
0xa3: {  	[timem:s7], [sflag:s22] =	dma.local [hbm:s5], s20  }
0xa4: {  	_ =	swait.ge [sflag:s22], s20  }
0xa5: {  	s4 =	ssub.s32 $0x0, s20;
	[sflag:s22] =	ssyncset.done $0x0  }
0xa6: {  	[sflag:s22] =	ssyncadd.s32 s4;
	_ =	sdelay $0x1  }
0xa7: {  	s23 =	simm.s32 $0x1B8B  }
0xa8: {  	_ =	swait.ge [sflag:s23], $0x1  }
0xa9: {  	[sflag:s23] =	ssyncset.done $0x0  }
0xaa: {  	s25 =	simm.s32 $0x1B8E;
	s24 =	sld [smem:$0x3FFE];
	[sflag:s23] =	ssyncadd.s32 $0xFFFFFFFF  }
0xab: {  	s26 =	simm.s32 $execute0_lowered;
	[smem:$0x3FD2] =	sst s25  }
0xac: {  	s5 =	sshll.u32 s26, $0x1;
	_ =	strace $0x8000004C;
	[dreg:$0x1] =	wrdreg $0xFFFFFFFF  }
0xad: {  	s28 =	simm.s32 $_size_execute0_lowered;
	s3 =	sadd.s32 s3, s5;
	[dreg:$0x0] =	wrdreg $0x0  }
0xae: {  	s5 =	sshll.u32 s28, $0x1;
	[dreg:$0x2] =	wrdreg s3  }
0xaf: {  	[dreg:$0x3] =	wrdreg s5  }
0xb0: {  	[dreg:$0x4] =	wrdreg $0xC0  }
0xb1: {  	_ =	task [dreg:s7], $0x5FFFF  }
0xb2: {  	[dreg:$0x1] =	wrdreg $0xFFFFFFFF  }
0xb3: {  	[dreg:$0x0] =	wrdreg $0x60  }
0xb4: {  	[dreg:$0x2] =	wrdreg s24  }
0xb5: {  	[dreg:$0x3] =	wrdreg s16  }
0xb6: {  	[dreg:$0x4] =	wrdreg $0x91000  }
0xb7: {  	[dreg:$0x5] =	wrdreg $0x9  }
0xb8: {  	_ =	task.clear_ibuf [dreg:s7], $0x6FFFF;
	_ =	strace $0x9000004C  }
0xb9: {  	s29 =	simm.s32 $0x9;
	_ =	strace $0x8000004E  }
0xba: {  	_ =	swait.ge [sflag:s29], $0x1  }
0xbb: {  	[sflag:s29] =	ssyncadd.s32 $0xFFFFFFFF  }
0xbc: {  	_ =	strace $0x9000004E  }
0xbd: {  	_ =	sfence  }
0xbe: {  	s30 =	sld [smem:$0x0];
	_ =	sdelay $0x2  }
0xbf: {  	s31 =	sshll.u32 s1, $0xD;
	s1 =	sshrl.u32 s1, $0x2  }
0xc0: {  	s3 =	sand.u32 $0x4000, s31;
	s1 =	sadd.s32 s1, s30  }
0xc1: {  	s0 =	sor.u32 s3, s0;
	s1 =	sshll.u32 s1, $0x11  }
0xc2: {  	s0 =	sor.u32 s1, s0  }
0xc3: {  	s0 =	sadd.s32 $0x8F2B, s0  }
0xc4: {  	[sflag:s0] =	ssyncadd.remote.s32 $0x1  }
0xc5: {  	_ =	sfence.sel $0xFFFF  }
0xc6: {  	[dreg:$0x0] =	wrdreg $0xFFFFFFFF;
	(pc) =	sbr.abs _section_cstart, $3  }
0xc7: {  	[dreg:$0x1] =	wrdreg $0xFFFFFFFF  }
0xc8: {  	_ =	task.clear_ibuf [dreg:s7], $0x2FFFF;
	_ =	strace $0x9FFFFFFF  }
0xc9: {  	(tm) =	ssettm $0x7FFFFFFF  }
tec
execute0_lowered:
.L_overlay_start_1:
0x0: {  	(tag) =	ssettag $0x1  }
0x1: {  	s0 =	rddreg [dreg:$0x0]  }
0x2: {  	s3 =	rddreg [dreg:$0x1]  }
0x3: {  	s1 =	rddreg [dreg:$0x2];
	s2 =	simm.s32 $0x0;
	s5 =	srdreg.scid  }
0x4: {  	s12 =	stileid.u32;
	s28 =	simm.s32 $0x2;
	s29 =	simm.s32 $0x0  }
0x5: {  	[smem:$0x7FF] =	sst s2;
	s4 =	sadd.s32 $0x67A00, s0;
	s11 =	sand.u32 $0x1, s5  }
0x6: {  	s5 =	sadd.s32 $0x8FA00, s0;
	s13 =	smul.u32 $0x280, s12;
	s6 =	sadd.s32 $0xDC00, s0  }
0x7: {  	s10 =	smul.u32 $0x50000, s12;
	s7 =	sadd.s32 $0x3E00, s0;
	_ =	strace $0x8000004D  }
0x8: {  	s8 =	ssub.s32 $0x2, s11;
	s21 =	sshll.u32 s11, $0x4;
	s18 =	smul.u32 $0x2800, s11  }
0x9: {  	s9 =	sshrl.u32 s8, $0x1;
	s22 =	sshrl.u32 s10, $0x2;
	s14 =	sadd.s32 $0x80, s13  }
0xa: {  	s16 =	sadd.s32 $0x100, s13;
	s17 =	sadd.s32 $0x180, s13;
	s19 =	sadd.s32 $0x200, s13  }
0xb: {  	s0 =	ssub.s32 s8, s9;
	s8 =	sor.u32 s12, s21;
	s9 =	sadd.s32 s22, s1  }
0xc: {  	s23 =	sshll.u32 s14, $0x7;
	s24 =	sshll.u32 s16, $0x7;
	s15 =	sshll.u32 s17, $0x7  }
0xd: {  	s25 =	sshll.u32 s19, $0x7;
	s20 =	sadd.s32 s13, s18;
	s14 =	sadd.s32 s18, s14  }
0xe: {  	s16 =	sadd.s32 s18, s16;
	s17 =	sadd.s32 s18, s17;
	s18 =	sadd.s32 s18, s19  }
0xf: {  	s21 =	simm.s32 $0x3;
	s22 =	simm.s32 $0x5000;
	s8 =	smul.u32 $0x2710, s8  }
0x10: {  	s10 =	sadd.s32 s23, s1;
	s11 =	sadd.s32 s24, s1;
	s12 =	sadd.s32 s15, s1  }
0x11: {  	s13 =	sadd.s32 s25, s1;
	s26 =	sshll.u32 s20, $0x4;
	s30 =	sshll.u32 s14, $0x4  }
0x12: {  	s16 =	sshll.u32 s16, $0x4;
	s17 =	sshll.u32 s17, $0x4;
	s18 =	sshll.u32 s18, $0x4  }
0x13: {  	s19 =	smax.u32 s0, $0x1;
	s20 =	simm.s32 $0x5100;
	s23 =	simm.s32 $0x5080  }
0x14: {  	s24 =	simm.s32 $0x50;
	s25 =	simm.s32 $0x2800;
	s31 =	sadd.s32 s3, s26  }
0x15: {  	s15 =	sadd.s32 s3, s30;
	s16 =	sadd.s32 s3, s16;
	s17 =	sadd.s32 s3, s17  }
0x16: {  	v0 =	vimm.f32 $0.0e+00;
	s18 =	sadd.s32 s3, s18;
	s26 =	simm.s32 $0x1;
	[dreg:$0x4] =	wrdreg s31  }
.LBB2_1:
0x17: {  	s0 =	sand.u32 $0xFE00, s2  }
0x18: {  	s3 =	sand.u32 $0x70, s2;
	s30 =	sshrl.u32 s0, $0x2  }
0x19: {  	s0 =	simm.s32 $0x40;
	s30 =	sor.u32 s3, s30;
	s3 =	simm.s32 $0x0  }
.LBB2_2:
0x1a: {  	p0 =	sne.s32 s0, $0xFFC0  }
0x1b: {  	[tilespmem:s30+$0x5100] =	vst v0;
	s3 =	sadd.s32 $0x10, s3;
	s30 =	smov.u32 s0;
	s0 =	sadd.s32 $0x40, s0  }
.Ltmp0:
0x1c: {  	(pc) =	sbr.rel @p0 .LBB2_2-.Ltmp0, $4  }
0x1d: {  	_ = 	snop  }
0x1e: {  	s30 =	sand.u32 $0xFE00, s30  }
0x1f: {  	s31 =	sand.u32 $0x70, s3;
	s30 =	sshrl.u32 s30, $0x2  }
0x20: {  	s30 =	sor.u32 s31, s30  }
0x21: {  	[tilespmem:s30+$0x5100] =	vst v0  }
0x22: {  	[spmem:s9] =	stream.linear.scatter [tilespmem:s20], [sflag:$0x3], $0x4000, $0x38;
	[tilespmem:$0x1D100] =	vst v63  }
0x23: {  	_ =	swait.ge [sflag:s21], $0x4000  }
0x24: {  	[sflag:s21] =	ssyncset.done $0x0  }
0x25: {  	[sflag:s21] =	ssyncadd.s32 $0xFFFFC000  }
0x26: {  	[spmem:s10] =	stream.linear.scatter [tilespmem:s20], [sflag:$0x3], $0x4000, $0x38;
	[tilespmem:$0x1D100] =	vst v63  }
0x27: {  	_ =	swait.ge [sflag:s21], $0x4000  }
0x28: {  	[sflag:s21] =	ssyncset.done $0x0  }
0x29: {  	[sflag:s21] =	ssyncadd.s32 $0xFFFFC000  }
0x2a: {  	[spmem:s11] =	stream.linear.scatter [tilespmem:s20], [sflag:$0x3], $0x4000, $0x38;
	[tilespmem:$0x1D100] =	vst v63  }
0x2b: {  	_ =	swait.ge [sflag:s21], $0x4000  }
0x2c: {  	[sflag:s21] =	ssyncset.done $0x0  }
0x2d: {  	[sflag:s21] =	ssyncadd.s32 $0xFFFFC000  }
0x2e: {  	[spmem:s12] =	stream.linear.scatter [tilespmem:s20], [sflag:$0x3], $0x4000, $0x38;
	[tilespmem:$0x1D100] =	vst v63  }
0x2f: {  	_ =	swait.ge [sflag:s21], $0x4000  }
0x30: {  	[sflag:s21] =	ssyncset.done $0x0  }
0x31: {  	[sflag:s21] =	ssyncadd.s32 $0xFFFFC000  }
0x32: {  	[spmem:s13] =	stream.linear.scatter [tilespmem:s20], [sflag:$0x3], $0x4000, $0x38;
	[tilespmem:$0x1D100] =	vst v63  }
0x33: {  	_ =	swait.ge [sflag:s21], $0x4000  }
0x34: {  	[sflag:s21] =	ssyncset.done $0x0  }
0x35: {  	[sflag:s21] =	ssyncadd.s32 $0xFFFFC000  }
0x36: {  	s30 =	simm.s32 $0x0;
	s31 =	simm.s32 $0x0;
	[bflag:$0x0] =	sbarrier.arrive $0xFFFF  }
.LBB2_4:
0x37: {  	s0 =	smul.u32 $0x50, s31;
	_ =	sdelay $0x1  }
0x38: {  	s0 =	sadd.s32 s8, s0  }
0x39: {  	s0 =	sshrl.u32 s0, $0x3  }
0x3a: {  	s3 =	sadd.s32 s6, s0  }
0x3b: {  	[tilespmem:s22], [sflag:$0x3] =	stream.linear.gather [hbm4b:s3+s30], $0x50, $0x38;
	[tilespmem:$0x1D100] =	vst v63  }
0x3c: {  	_ =	swait.ge [sflag:s21], $0x50  }
0x3d: {  	[sflag:s21] =	ssyncset.done $0x0  }
0x3e: {  	s0 =	sadd.s32 s7, s0;
	[sflag:s21] =	ssyncadd.s32 $0xFFFFFFB0  }
0x3f: {  	[tilespmem:s23], [sflag:$0x3] =	stream.linear.gather [hbm4b:s0+s30], $0x50, $0x38;
	[tilespmem:$0x1D100] =	vst v63  }
0x40: {  	_ =	swait.ge [sflag:s21], $0x50  }
0x41: {  	[sflag:s21] =	ssyncset.done $0x0  }
0x42: {  	[sflag:s21] =	ssyncadd.s32 $0xFFFFFFB0  }
0x43: {  	[tilespmem:s30], [sflag:$0x1] =	stream.indirect.gather [hbm4b:s4+s24], $0x80, s22, s24, $0xb8;
	[tilespmem:$0x1D100] =	vst v63  }
0x44: {  	_ = 	snop  }
0x45: {  	[tilespmem:s25], [sflag:$0x2] =	stream.indirect.gather [hbm4b:s5+s24], $0x80, s23, s24, $0xb8;
	[tilespmem:$0x1D100] =	vst v63  }
0x46: {  	_ =	swait.ge [sflag:s26], $0x2800  }
0x47: {  	[sflag:s26] =	ssyncset.done $0x0  }
0x48: {  	[sflag:s26] =	ssyncadd.s32 $0xFFFFD800  }
0x49: {  	_ =	swait.ge [sflag:s28], $0x2800  }
0x4a: {  	[sflag:s28] =	ssyncset.done $0x0  }
0x4b: {  	s0 =	simm.s32 $0x0;
	[sflag:s28] =	ssyncadd.s32 $0xFFFFD800  }
0x4c: {  	v7 =	vld [tilespmem:s0+$0x2800]  }
0x4d: {  	v10 =	vld [tilespmem:s0+$0x2810]  }
0x4e: {  	v6 =	vld [tilespmem:s0+$0x2820]  }
0x4f: {  	v5 =	vld [tilespmem:s0+$0x2830]  }
0x50: {  	v4 =	vld [tilespmem:s0+$0x2840]  }
0x51: {  	v3 =	vld [tilespmem:s0+$0x2850]  }
0x52: {  	v2 =	vld [tilespmem:s0+$0x2860]  }
0x53: {  	v1 =	vld [tilespmem:s0+$0x2870]  }
0x54: {  	v12 =	vld [tilespmem:s0+$0x0]  }
0x55: {  	v14 =	vld [tilespmem:s0+$0x10]  }
0x56: {  	v13 =	vld [tilespmem:s0+$0x20]  }
0x57: {  	v11 =	vld [tilespmem:s0+$0x30]  }
0x58: {  	v9 =	vld [tilespmem:s0+$0x40]  }
0x59: {  	v8 =	vld [tilespmem:s0+$0x50];
	v12 =	vadd.f32 v7, v12  }
0x5a: {  	s3 =	simm.s32 $0x200;
	v10 =	vadd.f32 v10, v14;
	v7 =	vld [tilespmem:s0+$0x60]  }
.LBB2_5:
0x5b: {  	s14 =	sshra.s32 s3, $0x2;
	p0 =	sne.s32 s3, $0x9E00;
	v14 =	vmul.f32 $9.999999770e-03, v12;
	v13 =	vadd.f32 v6, v13;
	v15 =	vld [tilespmem:s0+$0x70]  }
0x5c: {  	v16 =	vld [tilespmem:s14+$0x2800];
	v17 =	vmul.f32 $9.999999770e-03, v10;
	v11 =	vadd.f32 v5, v11  }
0x5d: {  	v18 =	vld [tilespmem:s14+$0x2810];
	v5 =	vmax.f32 v12, v14;
	v12 =	vmul.f32 $9.999999770e-03, v13;
	v9 =	vadd.f32 v4, v9  }
0x5e: {  	v6 =	vld [tilespmem:s14+$0x2820];
	[tilespmem:s0+$0x0] =	vst v5;
	v4 =	vmax.f32 v10, v17;
	v10 =	vmul.f32 $9.999999770e-03, v11;
	v8 =	vadd.f32 v3, v8  }
0x5f: {  	v5 =	vld [tilespmem:s14+$0x2830];
	[tilespmem:s0+$0x10] =	vst v4;
	v3 =	vmax.f32 v13, v12;
	v12 =	vmul.f32 $9.999999770e-03, v9;
	v7 =	vadd.f32 v2, v7  }
0x60: {  	v4 =	vld [tilespmem:s14+$0x2840];
	[tilespmem:s0+$0x20] =	vst v3;
	v2 =	vmax.f32 v11, v10;
	v10 =	vmul.f32 $9.999999770e-03, v8;
	v11 =	vadd.f32 v1, v15  }
0x61: {  	v3 =	vld [tilespmem:s14+$0x2850];
	[tilespmem:s0+$0x30] =	vst v2;
	v1 =	vmax.f32 v9, v12;
	v9 =	vmul.f32 $9.999999770e-03, v7  }
0x62: {  	v2 =	vld [tilespmem:s14+$0x2860];
	[tilespmem:s0+$0x40] =	vst v1;
	v8 =	vmax.f32 v8, v10;
	v10 =	vmul.f32 $9.999999770e-03, v11  }
0x63: {  	v1 =	vld [tilespmem:s14+$0x2870];
	[tilespmem:s0+$0x50] =	vst v8;
	v7 =	vmax.f32 v7, v9  }
0x64: {  	v8 =	vld [tilespmem:s14+$0x0];
	[tilespmem:s0+$0x60] =	vst v7;
	v7 =	vmax.f32 v11, v10  }
0x65: {  	v10 =	vld [tilespmem:s14+$0x10];
	[tilespmem:s0+$0x70] =	vst v7;
	s0 =	smov.u32 s14  }
.Ltmp1:
0x66: {  	v13 =	vld [tilespmem:s0+$0x20];
	(pc) =	sbr.rel @p0 .LBB2_5-.Ltmp1, $4  }
0x67: {  	v11 =	vld [tilespmem:s0+$0x30]  }
0x68: {  	v9 =	vld [tilespmem:s0+$0x40]  }
0x69: {  	v12 =	vadd.f32 v16, v8;
	v8 =	vld [tilespmem:s0+$0x50]  }
0x6a: {  	s3 =	sadd.s32 $0x200, s3;
	v10 =	vadd.f32 v18, v10;
	v7 =	vld [tilespmem:s0+$0x60]  }
0x6b: {  	v14 =	vmul.f32 $9.999999770e-03, v12;
	v6 =	vadd.f32 v6, v13;
	v55 =	vld [tilespmem:s0+$0x70]  }
0x6c: {  	v15 =	vmul.f32 $9.999999770e-03, v10;
	v5 =	vadd.f32 v5, v11  }
0x6d: {  	v56 =	vmax.f32 v12, v14;
	v57 =	vmul.f32 $9.999999770e-03, v6;
	v4 =	vadd.f32 v4, v9  }
0x6e: {  	[tilespmem:s0+$0x0] =	vst v56;
	v58 =	vmax.f32 v10, v15;
	v59 =	vmul.f32 $9.999999770e-03, v5;
	v3 =	vadd.f32 v3, v8  }
0x6f: {  	[tilespmem:s0+$0x10] =	vst v58;
	v6 =	vmax.f32 v6, v57;
	v60 =	vmul.f32 $9.999999770e-03, v4;
	v2 =	vadd.f32 v2, v7  }
0x70: {  	[tilespmem:s0+$0x20] =	vst v6;
	v5 =	vmax.f32 v5, v59;
	v61 =	vmul.f32 $9.999999770e-03, v3;
	v1 =	vadd.f32 v1, v55  }
0x71: {  	[tilespmem:s0+$0x30] =	vst v5;
	v4 =	vmax.f32 v4, v60;
	v62 =	vmul.f32 $9.999999770e-03, v2  }
0x72: {  	[tilespmem:s0+$0x40] =	vst v4;
	v3 =	vmax.f32 v3, v61;
	v63 =	vmul.f32 $9.999999770e-03, v1  }
0x73: {  	s31 =	sadd.s32 $0x1, s31;
	[tilespmem:s0+$0x50] =	vst v3;
	v2 =	vmax.f32 v2, v62  }
0x74: {  	p0 =	sne.s32 s31, $0x7D;
	[tilespmem:s0+$0x60] =	vst v2;
	v1 =	vmax.f32 v1, v63  }
.Ltmp2:
0x75: {  	[tilespmem:s0+$0x70] =	vst v1;
	(pc) =	sbr.rel @p0 .LBB2_4-.Ltmp2, $4  }
0x76: {  	[spmem:s1] =	stream.indirect.scatter.add.f32 [tilespmem:s2], [sflag:$0x3], $0x80, s22, s24, $0xb8;
	[tilespmem:$0x1D100] =	vst v63  }
0x77: {  	_ =	swait.ge [sflag:s21], $0x2800  }
0x78: {  	[sflag:s21] =	ssyncset.done $0x0  }
0x79: {  	[sflag:s21] =	ssyncadd.s32 $0xFFFFD800  }
0x7a: {  	[bflag:$0x0] =	sbarrier.arrive $0xFFFF  }
0x7b: {  	[tilespmem:s20], [sflag:$0x3] =	stream.linear.gather [spmem:s9], $0x4000, $0x38;
	[tilespmem:$0x1D100] =	vst v63  }
0x7c: {  	_ =	swait.ge [sflag:s21], $0x4000  }
0x7d: {  	[sflag:s21] =	ssyncset.done $0x0  }
0x7e: {  	s0 =	rddreg [dreg:$0x4];
	[sflag:s21] =	ssyncadd.s32 $0xFFFFC000  }
0x7f: {  	[hbm4b:s0+s2] =	stream.linear.scatter [tilespmem:s20], [sflag:$0x3], $0x4000, $0x38;
	[tilespmem:$0x1D100] =	vst v63  }
0x80: {  	_ =	swait.ge [sflag:s21], $0x4000  }
0x81: {  	[sflag:s21] =	ssyncset.done $0x0  }
0x82: {  	[sflag:s21] =	ssyncadd.s32 $0xFFFFC000  }
0x83: {  	[tilespmem:s20], [sflag:$0x3] =	stream.linear.gather [spmem:s10], $0x4000, $0x38;
	[tilespmem:$0x1D100] =	vst v63  }
0x84: {  	_ =	swait.ge [sflag:s21], $0x4000  }
0x85: {  	[sflag:s21] =	ssyncset.done $0x0  }
0x86: {  	[sflag:s21] =	ssyncadd.s32 $0xFFFFC000  }
0x87: {  	[hbm4b:s15+s2] =	stream.linear.scatter [tilespmem:s20], [sflag:$0x3], $0x4000, $0x38;
	[tilespmem:$0x1D100] =	vst v63  }
0x88: {  	_ =	swait.ge [sflag:s21], $0x4000  }
0x89: {  	[sflag:s21] =	ssyncset.done $0x0  }
0x8a: {  	[sflag:s21] =	ssyncadd.s32 $0xFFFFC000  }
0x8b: {  	[tilespmem:s20], [sflag:$0x3] =	stream.linear.gather [spmem:s11], $0x4000, $0x38;
	[tilespmem:$0x1D100] =	vst v63  }
0x8c: {  	_ =	swait.ge [sflag:s21], $0x4000  }
0x8d: {  	[sflag:s21] =	ssyncset.done $0x0  }
0x8e: {  	[sflag:s21] =	ssyncadd.s32 $0xFFFFC000  }
0x8f: {  	[hbm4b:s16+s2] =	stream.linear.scatter [tilespmem:s20], [sflag:$0x3], $0x4000, $0x38;
	[tilespmem:$0x1D100] =	vst v63  }
0x90: {  	_ =	swait.ge [sflag:s21], $0x4000  }
0x91: {  	[sflag:s21] =	ssyncset.done $0x0  }
0x92: {  	[sflag:s21] =	ssyncadd.s32 $0xFFFFC000  }
0x93: {  	[tilespmem:s20], [sflag:$0x3] =	stream.linear.gather [spmem:s12], $0x4000, $0x38;
	[tilespmem:$0x1D100] =	vst v63  }
0x94: {  	_ =	swait.ge [sflag:s21], $0x4000  }
0x95: {  	[sflag:s21] =	ssyncset.done $0x0  }
0x96: {  	[sflag:s21] =	ssyncadd.s32 $0xFFFFC000  }
0x97: {  	[hbm4b:s17+s2] =	stream.linear.scatter [tilespmem:s20], [sflag:$0x3], $0x4000, $0x38;
	[tilespmem:$0x1D100] =	vst v63  }
0x98: {  	_ =	swait.ge [sflag:s21], $0x4000  }
0x99: {  	[sflag:s21] =	ssyncset.done $0x0  }
0x9a: {  	[sflag:s21] =	ssyncadd.s32 $0xFFFFC000  }
0x9b: {  	[tilespmem:s20], [sflag:$0x3] =	stream.linear.gather [spmem:s13], $0x4000, $0x38;
	[tilespmem:$0x1D100] =	vst v63  }
0x9c: {  	s29 =	sadd.s32 $0x1, s29;
	_ =	swait.ge [sflag:s21], $0x4000  }
0x9d: {  	p0 =	sne.s32 s29, s19;
	[sflag:s21] =	ssyncset.done $0x0  }
.Ltmp3:
0x9e: {  	[sflag:s21] =	ssyncadd.s32 $0xFFFFC000;
	(pc) =	sbr.rel @p0 .LBB2_1-.Ltmp3, $4  }
0x9f: {  	[hbm4b:s18+s2] =	stream.linear.scatter [tilespmem:s20], [sflag:$0x3], $0x4000, $0x38;
	[tilespmem:$0x1D100] =	vst v63  }
0xa0: {  	_ =	swait.ge [sflag:s21], $0x4000  }
0xa1: {  	[sflag:s21] =	ssyncset.done $0x0  }
0xa2: {  	[sflag:s21] =	ssyncadd.s32 $0xFFFFC000  }
0xa3: {  	_ =	sfence.sel $0x180000  }
0xa4: {  	[bflag:$0x0] =	sbarrier.arrive $0xFFFF  }
0xa5: {  	_ =	strace $0x9000004D  }
0xa6: {  	s0 =	stileid.u32;
	[bflag:$0x2] =	sbarrier.arrive $0xFFFF  }
0xa7: {  	p0 =	sne.s32 s0, $0x0;
	s0 =	rddreg [dreg:$0x3]  }
0xa8: {  	s0 =	sadd.s32 @!p0 $0x100000, s0  }
0xa9: {  	[sflag:s0] =	ssyncadd.tile.s32 @!p0 $0x1;
	_ =	shalt  }
.Lfunc_end2:
_tile_overlayer_lowered:
.L_overlay_start_2:
0xaa: {  	(tag) =	ssettag $0x2  }
0xab: {  	s0 =	rddreg [dreg:$0x0];
	s2 =	stileid.u32  }
0xac: {  	s1 =	rddreg [dreg:$0x1];
	p0 =	sne.s32 s2, $0x0  }
0xad: {  	s3 =	rddreg [dreg:$0x2];
	[bflag:$0x3] =	sbarrier.arrive $0xFFFF;
	s2 =	simm.s32 @!p0 $0x1C03  }
0xae: {  	[timem:s3], [sflag:s2] =	dma.local @!p0 [hbm:s0], s1  }
0xaf: {  	s0 =	simm.s32 @!p0 $0x3  }
0xb0: {  	_ =	swait.ge @!p0 [sflag:s0], s1  }
0xb1: {  	s1 =	ssub.s32 @!p0 $0x0, s1;
	[sflag:s0] =	ssyncset.done @!p0 $0x0  }
0xb2: {  	[sflag:s0] =	ssyncadd.s32 @!p0 s1  }
0xb3: {  	[bflag:$0x3] =	sbarrier.arrive $0xFFFF  }
0xb4: {  	_ =	shalt  }

// kernel: kernel.21.cloned.1.call-start
scs
__scs_entry_jumppad:
0x0: {  	(pc) =	sbr.rel $0x88, $3  }
0x1: {  	(tag) =	ssettag $0x0;
	lr =	simm.s32 $0x1  }
0x2: {  	[smem:$0x3F97] =	sst lr;
	_ =	strace $0xD0000000  }
0x3: {  	_ = 	snop  }
0x4: {  	_ = 	snop  }
0x5: {  	_ = 	snop  }
0x6: {  	_ = 	snop  }
0x7: {  	_ = 	snop  }
__scs_overlays_trampoline_lowered:
0x8: {  	[smem:$0x3FA6] =	sst s0  }
0x9: {  	[smem:$0x3FA7] =	sst s1  }
0xa: {  	[smem:$0x3FA8] =	sst s2  }
0xb: {  	[smem:$0x3FA9] =	sst s3  }
0xc: {  	[smem:$0x3FAA] =	sst s4  }
0xd: {  	[smem:$0x3FAB] =	sst s5  }
0xe: {  	[smem:$0x3FAC] =	sst s6  }
0xf: {  	[smem:$0x3FAD] =	sst s7  }
0x10: {  	[smem:$0x3FAE] =	sst s8  }
0x11: {  	[smem:$0x3FAF] =	sst s9;
	s0 =	simm.s32 @!p0 $0x0  }
0x12: {  	s1 =	sld [smem:$0x3F95];
	s0 =	simm.s32 @p0 $0x1  }
0x13: {  	[smem:$0x3FB0] =	sst s0;
	s0 =	simm.s32 @!p1 $0x0  }
0x14: {  	s2 =	sld [smem:$0x3F94];
	s0 =	simm.s32 @p1 $0x1  }
0x15: {  	[smem:$0x3FB1] =	sst s0;
	s0 =	simm.s32 @!p2 $0x0  }
0x16: {  	s3 =	sld [smem:$0x3FDB];
	s0 =	simm.s32 @p2 $0x1  }
0x17: {  	s4 =	simm.s32 $0x1BF5;
	[smem:$0x3FB3] =	sst s0  }
0x18: {  	s0 =	sld [smem:$0x3F96];
	_ =	swait.ge [sflag:s4], $0x0  }
0x19: {  	s7 =	sld [smem:$0x3F97]  }
0x1a: {  	s8 =	sadd.s32 $0xFFFFE003, lr  }
0x1b: {  	s9 =	sadd.s32 $0xFFFFFEF7, lr;
	s5 =	simm.s32 $0xFFFFFFFF;
	p2 =	slt.u32 s8, $0xFFFFF086  }
0x1c: {  	p1 =	slt.u32 s9, $0xF7A;
	s5 =	simm.s32 @!p2 $0x0  }
0x1d: {  	s5 =	simm.s32 @p1 $0x1;
	p0 =	seq.s32 s7, s2  }
0x1e: {  	s7 =	smul.u32 @!p0 $0xF7A, s2;
	p2 =	seq.s32 @!p0 s5, $0x0  }
0x1f: {  	s9 =	smul.u32 $0xF7A, s1;
	s8 =	simm.s32 @!p0 $0x1BF5;
	p2 =	por !p2, p0  }
0x20: {  	[sflag:s8] =	ssyncset.s32 @!p0 $0xFFFFF086;
	s6 =	sadd.s32 @!p0 s3, s7;
	s7 =	simm.s32 @!p0 $0x108  }
0x21: {  	s3 =	sadd.s32 s3, s9;
	s6 =	sadd.s32 @!p0 $0x88, s6;
	s7 =	simm.s32 @p2 $0x1082  }
0x22: {  	[simem:s7], [sflag:s8] =	dma.local @!p0 [hbm:s6], $0xF7A  }
0x23: {  	s9 =	sor.u32 $0xD0000000, s2;
	s6 =	simm.s32 $0x108;
	_ =	swait.ge @!p0 [sflag:s8], $0x0  }
0x24: {  	s3 =	sadd.s32 $0x88, s3;
	s6 =	simm.s32 @!p1 $0x1082;
	[sflag:s4] =	ssyncset.s32 $0xFFFFF086  }
0x25: {  	[simem:s6], [sflag:s4] =	dma.local [hbm:s3], $0xF7A  }
0x26: {  	[smem:$0x3F97] =	sst s1;
	(tag) =	ssettag s2;
	_ =	strace s9  }
0x27: {  	s1 =	sld [smem:$0x3FA7]  }
0x28: {  	s2 =	sld [smem:$0x3FA8]  }
0x29: {  	s4 =	sld [smem:$0x3FAA]  }
0x2a: {  	p0 =	seq.s32 s5, $0x0;
	s5 =	sld [smem:$0x3FAB]  }
0x2b: {  	s6 =	sld [smem:$0x3FAC]  }
0x2c: {  	s7 =	sld [smem:$0x3FAD]  }
0x2d: {  	s3 =	simm.s32 $0x108;
	s8 =	sld [smem:$0x3FAE]  }
0x2e: {  	s3 =	simm.s32 @!p0 $0x1082;
	s9 =	sld [smem:$0x3FAF]  }
0x2f: {  	lr =	sadd.s32 s0, s3;
	s0 =	sld [smem:$0x3FA6]  }
0x30: {  	s3 =	sld [smem:$0x3FA9]  }
0x31: {  	[smem:$0x3FB2] =	sst s10  }
0x32: {  	s10 =	sld [smem:$0x3FB0];
	_ =	sdelay $0x3  }
0x33: {  	p0 =	seq.s32 s10, $0x1;
	s10 =	sld [smem:$0x3FB2];
	_ =	sdelay $0x3  }
0x34: {  	[smem:$0x3FB2] =	sst s10  }
0x35: {  	s10 =	sld [smem:$0x3FB1];
	_ =	sdelay $0x3  }
0x36: {  	p1 =	seq.s32 s10, $0x1;
	s10 =	sld [smem:$0x3FB2];
	_ =	sdelay $0x3  }
0x37: {  	[smem:$0x3FB2] =	sst s10  }
0x38: {  	s10 =	sld [smem:$0x3FB3]  }
0x39: {  	_ = 	snop;
	(pc) =	sbr.ind lr, $3  }
0x3a: {  	_ = 	snop  }
0x3b: {  	_ = 	snop  }
0x3c: {  	p2 =	seq.s32 s10, $0x1;
	s10 =	sld [smem:$0x3FB2]  }
0x3d: {  	_ =	shalt  }
0x3e: {  	_ =	shalt  }
0x3f: {  	_ =	shalt  }
0x40: {  	_ =	shalt  }
0x41: {  	_ =	shalt  }
0x42: {  	_ =	shalt  }
0x43: {  	_ =	shalt  }
0x44: {  	_ =	shalt  }
0x45: {  	_ =	shalt  }
0x46: {  	_ =	shalt  }
0x47: {  	_ =	shalt  }
0x48: {  	_ =	shalt  }
0x49: {  	_ =	shalt  }
0x4a: {  	_ =	shalt  }
0x4b: {  	_ =	shalt  }
0x4c: {  	_ =	shalt  }
0x4d: {  	_ =	shalt  }
0x4e: {  	_ =	shalt  }
0x4f: {  	_ =	shalt  }
0x50: {  	_ =	shalt  }
0x51: {  	_ =	shalt  }
0x52: {  	_ =	shalt  }
0x53: {  	_ =	shalt  }
0x54: {  	_ =	shalt  }
0x55: {  	_ =	shalt  }
0x56: {  	_ =	shalt  }
0x57: {  	_ =	shalt  }
0x58: {  	_ =	shalt  }
0x59: {  	_ =	shalt  }
0x5a: {  	_ =	shalt  }
0x5b: {  	_ =	shalt  }
0x5c: {  	_ =	shalt  }
0x5d: {  	_ =	shalt  }
0x5e: {  	_ =	shalt  }
0x5f: {  	_ =	shalt  }
0x60: {  	_ =	shalt  }
0x61: {  	_ =	shalt  }
0x62: {  	_ =	shalt  }
0x63: {  	_ =	shalt  }
0x64: {  	_ =	shalt  }
0x65: {  	_ =	shalt  }
0x66: {  	_ =	shalt  }
0x67: {  	_ =	shalt  }
0x68: {  	_ =	shalt  }
0x69: {  	_ =	shalt  }
0x6a: {  	_ =	shalt  }
0x6b: {  	_ =	shalt  }
0x6c: {  	_ =	shalt  }
0x6d: {  	_ =	shalt  }
0x6e: {  	_ =	shalt  }
0x6f: {  	_ =	shalt  }
0x70: {  	_ =	shalt  }
0x71: {  	_ =	shalt  }
0x72: {  	_ =	shalt  }
0x73: {  	_ =	shalt  }
0x74: {  	_ =	shalt  }
0x75: {  	_ =	shalt  }
0x76: {  	_ =	shalt  }
0x77: {  	_ =	shalt  }
0x78: {  	_ =	shalt  }
0x79: {  	_ =	shalt  }
0x7a: {  	_ =	shalt  }
0x7b: {  	_ =	shalt  }
0x7c: {  	_ =	shalt  }
0x7d: {  	_ =	shalt  }
0x7e: {  	_ =	shalt  }
0x7f: {  	_ =	shalt  }
0x80: {  	_ =	shalt  }
0x81: {  	_ =	shalt  }
0x82: {  	_ =	shalt  }
0x83: {  	_ =	shalt  }
0x84: {  	_ =	shalt  }
0x85: {  	_ =	shalt  }
0x86: {  	_ =	shalt  }
0x87: {  	_ =	shalt  }
.Lfunc_end0:
.L_simem_size_0:
called_computation.3_lowered:
.L_overlay_start_0:
0x88: {  	s2 =	sld [smem:$0x3FD9]  }
0x89: {  	s3 =	sld [smem:$0x3FFE];
	_ =	sdelay $0x1  }
0x8a: {  	s1 =	srdreg.scid  }
0x8b: {  	s0 =	sand.u32 $0x1, s1  }
0x8c: {  	s14 =	sshll.u32 s0, $0xA;
	s2 =	sadd.s32 s3, s2  }
0x8d: {  	s2 =	sadd.s32 s2, s14  }
0x8e: {  	[smem:$0x3FBE] =	sst s2  }
0x8f: {  	_ = 	snop  }
0x90: {  	s2 =	sld [smem:$0x3FD0];
	_ =	sdelay $0x2  }
0x91: {  	s15 =	simm.s32 $0xB;
	s4 =	simm.s32 $0x10  }
0x92: {  	[smem:s4], [sflag:s15] =	dma.local [hbm:s2], $0x1  }
0x93: {  	_ =	swait.eq [sflag:s15], $0x1  }
0x94: {  	[sflag:s15] =	ssyncset.done $0x0  }
0x95: {  	[sflag:s15] =	ssyncadd.s32 $0xFFFFFFFF  }
0x96: {  	s16 =	sld [smem:$0x10];
	(tm) =	ssettm $0x1  }
0x97: {  	s17 =	sld [smem:$0x3FFB];
	_ =	sdelay $0x3  }
0x98: {  	_ =	strace s17  }
0x99: {  	s3 =	sld [smem:$0x3FFC];
	_ =	sdelay $0x3  }
0x9a: {  	_ =	strace s3  }
0x9b: {  	s3 =	sld [smem:$0x3FFD];
	_ =	sdelay $0x3  }
0x9c: {  	_ =	strace s3  }
0x9d: {  	_ =	strace $0x8FFFFFFF  }
0x9e: {  	s18 =	sld [smem:$0x3FDB];
	_ =	sdelay $0x1  }
0x9f: {  	s19 =	simm.s32 $_scs_section_size  }
0xa0: {  	s5 =	simm.s32 $_size__tile_overlayer_lowered;
	s6 =	simm.s32 $_tile_overlayer_lowered  }
0xa1: {  	s22 =	simm.s32 $0x1BFF;
	s21 =	sshll.u32 s6, $0x1;
	s3 =	sadd.s32 s19, s18  }
0xa2: {  	s7 =	simm.s32 $0x0;
	s20 =	sshll.u32 s5, $0x1;
	s5 =	sadd.s32 s21, s3  }
0xa3: {  	[timem:s7], [sflag:s22] =	dma.local [hbm:s5], s20  }
0xa4: {  	_ =	swait.ge [sflag:s22], s20  }
0xa5: {  	s4 =	ssub.s32 $0x0, s20;
	[sflag:s22] =	ssyncset.done $0x0  }
0xa6: {  	[sflag:s22] =	ssyncadd.s32 s4;
	_ =	sdelay $0x1  }
0xa7: {  	s23 =	simm.s32 $0x1B8B  }
0xa8: {  	_ =	swait.ge [sflag:s23], $0x1  }
0xa9: {  	[sflag:s23] =	ssyncset.done $0x0  }
0xaa: {  	s25 =	simm.s32 $0x1B8E;
	s24 =	sld [smem:$0x3FFE];
	[sflag:s23] =	ssyncadd.s32 $0xFFFFFFFF  }
0xab: {  	s26 =	simm.s32 $execute0_lowered;
	[smem:$0x3FD2] =	sst s25  }
0xac: {  	s5 =	sshll.u32 s26, $0x1;
	_ =	strace $0x8000004F;
	[dreg:$0x1] =	wrdreg $0xFFFFFFFF  }
0xad: {  	s28 =	simm.s32 $_size_execute0_lowered;
	s3 =	sadd.s32 s3, s5;
	[dreg:$0x0] =	wrdreg $0x0  }
0xae: {  	s5 =	sshll.u32 s28, $0x1;
	[dreg:$0x2] =	wrdreg s3  }
0xaf: {  	[dreg:$0x3] =	wrdreg s5  }
0xb0: {  	[dreg:$0x4] =	wrdreg $0xC0  }
0xb1: {  	_ =	task [dreg:s7], $0x5FFFF  }
0xb2: {  	[dreg:$0x1] =	wrdreg $0xFFFFFFFF  }
0xb3: {  	[dreg:$0x0] =	wrdreg $0x60  }
0xb4: {  	[dreg:$0x2] =	wrdreg s24  }
0xb5: {  	[dreg:$0x3] =	wrdreg s16  }
0xb6: {  	[dreg:$0x4] =	wrdreg $0x91000  }
0xb7: {  	[dreg:$0x5] =	wrdreg $0x9  }
0xb8: {  	_ =	task.clear_ibuf [dreg:s7], $0x6FFFF;
	_ =	strace $0x9000004F  }
0xb9: {  	s29 =	simm.s32 $0x9;
	_ =	strace $0x80000051  }
0xba: {  	_ =	swait.ge [sflag:s29], $0x1  }
0xbb: {  	[sflag:s29] =	ssyncadd.s32 $0xFFFFFFFF  }
0xbc: {  	_ =	strace $0x90000051  }
0xbd: {  	_ =	sfence  }
0xbe: {  	s30 =	sld [smem:$0x0];
	_ =	sdelay $0x2  }
0xbf: {  	s31 =	sshll.u32 s1, $0xD;
	s1 =	sshrl.u32 s1, $0x2  }
0xc0: {  	s3 =	sand.u32 $0x4000, s31;
	s1 =	sadd.s32 s1, s30  }
0xc1: {  	s0 =	sor.u32 s3, s0;
	s1 =	sshll.u32 s1, $0x11  }
0xc2: {  	s0 =	sor.u32 s1, s0  }
0xc3: {  	s0 =	sadd.s32 $0x8F2B, s0  }
0xc4: {  	[sflag:s0] =	ssyncadd.remote.s32 $0x1  }
0xc5: {  	_ =	sfence.sel $0xFFFF  }
0xc6: {  	[dreg:$0x0] =	wrdreg $0xFFFFFFFF;
	(pc) =	sbr.abs _section_cstart, $3  }
0xc7: {  	[dreg:$0x1] =	wrdreg $0xFFFFFFFF  }
0xc8: {  	_ =	task.clear_ibuf [dreg:s7], $0x2FFFF;
	_ =	strace $0x9FFFFFFF  }
0xc9: {  	(tm) =	ssettm $0x7FFFFFFF  }
tec
execute0_lowered:
.L_overlay_start_1:
0x0: {  	(tag) =	ssettag $0x1  }
0x1: {  	s0 =	rddreg [dreg:$0x0]  }
0x2: {  	s3 =	rddreg [dreg:$0x1]  }
0x3: {  	s1 =	rddreg [dreg:$0x2];
	s2 =	simm.s32 $0x0;
	s5 =	srdreg.scid  }
0x4: {  	s12 =	stileid.u32;
	s28 =	simm.s32 $0x2;
	s29 =	simm.s32 $0x0  }
0x5: {  	[smem:$0x7FF] =	sst s2;
	s4 =	sadd.s32 $0x67A00, s0;
	s11 =	sand.u32 $0x1, s5  }
0x6: {  	s5 =	sadd.s32 $0x8FA00, s0;
	s13 =	smul.u32 $0x280, s12;
	s6 =	sadd.s32 $0xDC00, s0  }
0x7: {  	s10 =	smul.u32 $0x50000, s12;
	s7 =	sadd.s32 $0x3E00, s0;
	_ =	strace $0x80000050  }
0x8: {  	s8 =	ssub.s32 $0x2, s11;
	s21 =	sshll.u32 s11, $0x4;
	s18 =	smul.u32 $0x2800, s11  }
0x9: {  	s9 =	sshrl.u32 s8, $0x1;
	s22 =	sshrl.u32 s10, $0x2;
	s14 =	sadd.s32 $0x80, s13  }
0xa: {  	s16 =	sadd.s32 $0x100, s13;
	s17 =	sadd.s32 $0x180, s13;
	s19 =	sadd.s32 $0x200, s13  }
0xb: {  	s0 =	ssub.s32 s8, s9;
	s8 =	sor.u32 s12, s21;
	s9 =	sadd.s32 s22, s1  }
0xc: {  	s23 =	sshll.u32 s14, $0x7;
	s24 =	sshll.u32 s16, $0x7;
	s15 =	sshll.u32 s17, $0x7  }
0xd: {  	s25 =	sshll.u32 s19, $0x7;
	s20 =	sadd.s32 s13, s18;
	s14 =	sadd.s32 s18, s14  }
0xe: {  	s16 =	sadd.s32 s18, s16;
	s17 =	sadd.s32 s18, s17;
	s18 =	sadd.s32 s18, s19  }
0xf: {  	s21 =	simm.s32 $0x3;
	s22 =	simm.s32 $0x5000;
	s8 =	smul.u32 $0x2710, s8  }
0x10: {  	s10 =	sadd.s32 s23, s1;
	s11 =	sadd.s32 s24, s1;
	s12 =	sadd.s32 s15, s1  }
0x11: {  	s13 =	sadd.s32 s25, s1;
	s26 =	sshll.u32 s20, $0x4;
	s30 =	sshll.u32 s14, $0x4  }
0x12: {  	s16 =	sshll.u32 s16, $0x4;
	s17 =	sshll.u32 s17, $0x4;
	s18 =	sshll.u32 s18, $0x4  }
0x13: {  	s19 =	smax.u32 s0, $0x1;
	s20 =	simm.s32 $0x5100;
	s23 =	simm.s32 $0x5080  }
0x14: {  	s24 =	simm.s32 $0x50;
	s25 =	simm.s32 $0x2800;
	s31 =	sadd.s32 s3, s26  }
0x15: {  	s15 =	sadd.s32 s3, s30;
	s16 =	sadd.s32 s3, s16;
	s17 =	sadd.s32 s3, s17  }
0x16: {  	v0 =	vimm.f32 $0.0e+00;
	s18 =	sadd.s32 s3, s18;
	s26 =	simm.s32 $0x1;
	[dreg:$0x4] =	wrdreg s31  }
.LBB2_1:
0x17: {  	s0 =	sand.u32 $0xFE00, s2  }
0x18: {  	s3 =	sand.u32 $0x70, s2;
	s30 =	sshrl.u32 s0, $0x2  }
0x19: {  	s0 =	simm.s32 $0x40;
	s30 =	sor.u32 s3, s30;
	s3 =	simm.s32 $0x0  }
.LBB2_2:
0x1a: {  	p0 =	sne.s32 s0, $0xFFC0  }
0x1b: {  	[tilespmem:s30+$0x5100] =	vst v0;
	s3 =	sadd.s32 $0x10, s3;
	s30 =	smov.u32 s0;
	s0 =	sadd.s32 $0x40, s0  }
.Ltmp0:
0x1c: {  	(pc) =	sbr.rel @p0 .LBB2_2-.Ltmp0, $4  }
0x1d: {  	_ = 	snop  }
0x1e: {  	s30 =	sand.u32 $0xFE00, s30  }
0x1f: {  	s31 =	sand.u32 $0x70, s3;
	s30 =	sshrl.u32 s30, $0x2  }
0x20: {  	s30 =	sor.u32 s31, s30  }
0x21: {  	[tilespmem:s30+$0x5100] =	vst v0  }
0x22: {  	[spmem:s9] =	stream.linear.scatter [tilespmem:s20], [sflag:$0x3], $0x4000, $0x38;
	[tilespmem:$0x1D100] =	vst v63  }
0x23: {  	_ =	swait.ge [sflag:s21], $0x4000  }
0x24: {  	[sflag:s21] =	ssyncset.done $0x0  }
0x25: {  	[sflag:s21] =	ssyncadd.s32 $0xFFFFC000  }
0x26: {  	[spmem:s10] =	stream.linear.scatter [tilespmem:s20], [sflag:$0x3], $0x4000, $0x38;
	[tilespmem:$0x1D100] =	vst v63  }
0x27: {  	_ =	swait.ge [sflag:s21], $0x4000  }
0x28: {  	[sflag:s21] =	ssyncset.done $0x0  }
0x29: {  	[sflag:s21] =	ssyncadd.s32 $0xFFFFC000  }
0x2a: {  	[spmem:s11] =	stream.linear.scatter [tilespmem:s20], [sflag:$0x3], $0x4000, $0x38;
	[tilespmem:$0x1D100] =	vst v63  }
0x2b: {  	_ =	swait.ge [sflag:s21], $0x4000  }
0x2c: {  	[sflag:s21] =	ssyncset.done $0x0  }
0x2d: {  	[sflag:s21] =	ssyncadd.s32 $0xFFFFC000  }
0x2e: {  	[spmem:s12] =	stream.linear.scatter [tilespmem:s20], [sflag:$0x3], $0x4000, $0x38;
	[tilespmem:$0x1D100] =	vst v63  }
0x2f: {  	_ =	swait.ge [sflag:s21], $0x4000  }
0x30: {  	[sflag:s21] =	ssyncset.done $0x0  }
0x31: {  	[sflag:s21] =	ssyncadd.s32 $0xFFFFC000  }
0x32: {  	[spmem:s13] =	stream.linear.scatter [tilespmem:s20], [sflag:$0x3], $0x4000, $0x38;
	[tilespmem:$0x1D100] =	vst v63  }
0x33: {  	_ =	swait.ge [sflag:s21], $0x4000  }
0x34: {  	[sflag:s21] =	ssyncset.done $0x0  }
0x35: {  	[sflag:s21] =	ssyncadd.s32 $0xFFFFC000  }
0x36: {  	s30 =	simm.s32 $0x0;
	s31 =	simm.s32 $0x0;
	[bflag:$0x0] =	sbarrier.arrive $0xFFFF  }
.LBB2_4:
0x37: {  	s0 =	smul.u32 $0x50, s31;
	_ =	sdelay $0x1  }
0x38: {  	s0 =	sadd.s32 s8, s0  }
0x39: {  	s0 =	sshrl.u32 s0, $0x3  }
0x3a: {  	s3 =	sadd.s32 s6, s0  }
0x3b: {  	[tilespmem:s22], [sflag:$0x3] =	stream.linear.gather [hbm4b:s3+s30], $0x50, $0x38;
	[tilespmem:$0x1D100] =	vst v63  }
0x3c: {  	_ =	swait.ge [sflag:s21], $0x50  }
0x3d: {  	[sflag:s21] =	ssyncset.done $0x0  }
0x3e: {  	s0 =	sadd.s32 s7, s0;
	[sflag:s21] =	ssyncadd.s32 $0xFFFFFFB0  }
0x3f: {  	[tilespmem:s23], [sflag:$0x3] =	stream.linear.gather [hbm4b:s0+s30], $0x50, $0x38;
	[tilespmem:$0x1D100] =	vst v63  }
0x40: {  	_ =	swait.ge [sflag:s21], $0x50  }
0x41: {  	[sflag:s21] =	ssyncset.done $0x0  }
0x42: {  	[sflag:s21] =	ssyncadd.s32 $0xFFFFFFB0  }
0x43: {  	[tilespmem:s30], [sflag:$0x1] =	stream.indirect.gather [hbm4b:s4+s24], $0x80, s22, s24, $0xb8;
	[tilespmem:$0x1D100] =	vst v63  }
0x44: {  	_ = 	snop  }
0x45: {  	[tilespmem:s25], [sflag:$0x2] =	stream.indirect.gather [hbm4b:s5+s24], $0x80, s23, s24, $0xb8;
	[tilespmem:$0x1D100] =	vst v63  }
0x46: {  	_ =	swait.ge [sflag:s26], $0x2800  }
0x47: {  	[sflag:s26] =	ssyncset.done $0x0  }
0x48: {  	[sflag:s26] =	ssyncadd.s32 $0xFFFFD800  }
0x49: {  	_ =	swait.ge [sflag:s28], $0x2800  }
0x4a: {  	[sflag:s28] =	ssyncset.done $0x0  }
0x4b: {  	s0 =	simm.s32 $0x0;
	[sflag:s28] =	ssyncadd.s32 $0xFFFFD800  }
0x4c: {  	v7 =	vld [tilespmem:s0+$0x2800]  }
0x4d: {  	v10 =	vld [tilespmem:s0+$0x2810]  }
0x4e: {  	v6 =	vld [tilespmem:s0+$0x2820]  }
0x4f: {  	v5 =	vld [tilespmem:s0+$0x2830]  }
0x50: {  	v4 =	vld [tilespmem:s0+$0x2840]  }
0x51: {  	v3 =	vld [tilespmem:s0+$0x2850]  }
0x52: {  	v2 =	vld [tilespmem:s0+$0x2860]  }
0x53: {  	v1 =	vld [tilespmem:s0+$0x2870]  }
0x54: {  	v12 =	vld [tilespmem:s0+$0x0]  }
0x55: {  	v14 =	vld [tilespmem:s0+$0x10]  }
0x56: {  	v13 =	vld [tilespmem:s0+$0x20]  }
0x57: {  	v11 =	vld [tilespmem:s0+$0x30]  }
0x58: {  	v9 =	vld [tilespmem:s0+$0x40]  }
0x59: {  	v8 =	vld [tilespmem:s0+$0x50];
	v12 =	vadd.f32 v7, v12  }
0x5a: {  	s3 =	simm.s32 $0x200;
	v10 =	vadd.f32 v10, v14;
	v7 =	vld [tilespmem:s0+$0x60]  }
.LBB2_5:
0x5b: {  	s14 =	sshra.s32 s3, $0x2;
	p0 =	sne.s32 s3, $0x9E00;
	v14 =	vmul.f32 $9.999999770e-03, v12;
	v13 =	vadd.f32 v6, v13;
	v15 =	vld [tilespmem:s0+$0x70]  }
0x5c: {  	v16 =	vld [tilespmem:s14+$0x2800];
	v17 =	vmul.f32 $9.999999770e-03, v10;
	v11 =	vadd.f32 v5, v11  }
0x5d: {  	v18 =	vld [tilespmem:s14+$0x2810];
	v5 =	vmax.f32 v12, v14;
	v12 =	vmul.f32 $9.999999770e-03, v13;
	v9 =	vadd.f32 v4, v9  }
0x5e: {  	v6 =	vld [tilespmem:s14+$0x2820];
	[tilespmem:s0+$0x0] =	vst v5;
	v4 =	vmax.f32 v10, v17;
	v10 =	vmul.f32 $9.999999770e-03, v11;
	v8 =	vadd.f32 v3, v8  }
0x5f: {  	v5 =	vld [tilespmem:s14+$0x2830];
	[tilespmem:s0+$0x10] =	vst v4;
	v3 =	vmax.f32 v13, v12;
	v12 =	vmul.f32 $9.999999770e-03, v9;
	v7 =	vadd.f32 v2, v7  }
0x60: {  	v4 =	vld [tilespmem:s14+$0x2840];
	[tilespmem:s0+$0x20] =	vst v3;
	v2 =	vmax.f32 v11, v10;
	v10 =	vmul.f32 $9.999999770e-03, v8;
	v11 =	vadd.f32 v1, v15  }
0x61: {  	v3 =	vld [tilespmem:s14+$0x2850];
	[tilespmem:s0+$0x30] =	vst v2;
	v1 =	vmax.f32 v9, v12;
	v9 =	vmul.f32 $9.999999770e-03, v7  }
0x62: {  	v2 =	vld [tilespmem:s14+$0x2860];
	[tilespmem:s0+$0x40] =	vst v1;
	v8 =	vmax.f32 v8, v10;
	v10 =	vmul.f32 $9.999999770e-03, v11  }
0x63: {  	v1 =	vld [tilespmem:s14+$0x2870];
	[tilespmem:s0+$0x50] =	vst v8;
	v7 =	vmax.f32 v7, v9  }
0x64: {  	v8 =	vld [tilespmem:s14+$0x0];
	[tilespmem:s0+$0x60] =	vst v7;
	v7 =	vmax.f32 v11, v10  }
0x65: {  	v10 =	vld [tilespmem:s14+$0x10];
	[tilespmem:s0+$0x70] =	vst v7;
	s0 =	smov.u32 s14  }
.Ltmp1:
0x66: {  	v13 =	vld [tilespmem:s0+$0x20];
	(pc) =	sbr.rel @p0 .LBB2_5-.Ltmp1, $4  }
0x67: {  	v11 =	vld [tilespmem:s0+$0x30]  }
0x68: {  	v9 =	vld [tilespmem:s0+$0x40]  }
0x69: {  	v12 =	vadd.f32 v16, v8;
	v8 =	vld [tilespmem:s0+$0x50]  }
0x6a: {  	s3 =	sadd.s32 $0x200, s3;
	v10 =	vadd.f32 v18, v10;
	v7 =	vld [tilespmem:s0+$0x60]  }
0x6b: {  	v14 =	vmul.f32 $9.999999770e-03, v12;
	v6 =	vadd.f32 v6, v13;
	v55 =	vld [tilespmem:s0+$0x70]  }
0x6c: {  	v15 =	vmul.f32 $9.999999770e-03, v10;
	v5 =	vadd.f32 v5, v11  }
0x6d: {  	v56 =	vmax.f32 v12, v14;
	v57 =	vmul.f32 $9.999999770e-03, v6;
	v4 =	vadd.f32 v4, v9  }
0x6e: {  	[tilespmem:s0+$0x0] =	vst v56;
	v58 =	vmax.f32 v10, v15;
	v59 =	vmul.f32 $9.999999770e-03, v5;
	v3 =	vadd.f32 v3, v8  }
0x6f: {  	[tilespmem:s0+$0x10] =	vst v58;
	v6 =	vmax.f32 v6, v57;
	v60 =	vmul.f32 $9.999999770e-03, v4;
	v2 =	vadd.f32 v2, v7  }
0x70: {  	[tilespmem:s0+$0x20] =	vst v6;
	v5 =	vmax.f32 v5, v59;
	v61 =	vmul.f32 $9.999999770e-03, v3;
	v1 =	vadd.f32 v1, v55  }
0x71: {  	[tilespmem:s0+$0x30] =	vst v5;
	v4 =	vmax.f32 v4, v60;
	v62 =	vmul.f32 $9.999999770e-03, v2  }
0x72: {  	[tilespmem:s0+$0x40] =	vst v4;
	v3 =	vmax.f32 v3, v61;
	v63 =	vmul.f32 $9.999999770e-03, v1  }
0x73: {  	s31 =	sadd.s32 $0x1, s31;
	[tilespmem:s0+$0x50] =	vst v3;
	v2 =	vmax.f32 v2, v62  }
0x74: {  	p0 =	sne.s32 s31, $0x7D;
	[tilespmem:s0+$0x60] =	vst v2;
	v1 =	vmax.f32 v1, v63  }
.Ltmp2:
0x75: {  	[tilespmem:s0+$0x70] =	vst v1;
	(pc) =	sbr.rel @p0 .LBB2_4-.Ltmp2, $4  }
0x76: {  	[spmem:s1] =	stream.indirect.scatter.add.f32 [tilespmem:s2], [sflag:$0x3], $0x80, s22, s24, $0xb8;
	[tilespmem:$0x1D100] =	vst v63  }
0x77: {  	_ =	swait.ge [sflag:s21], $0x2800  }
0x78: {  	[sflag:s21] =	ssyncset.done $0x0  }
0x79: {  	[sflag:s21] =	ssyncadd.s32 $0xFFFFD800  }
0x7a: {  	[bflag:$0x0] =	sbarrier.arrive $0xFFFF  }
0x7b: {  	[tilespmem:s20], [sflag:$0x3] =	stream.linear.gather [spmem:s9], $0x4000, $0x38;
	[tilespmem:$0x1D100] =	vst v63  }
0x7c: {  	_ =	swait.ge [sflag:s21], $0x4000  }
0x7d: {  	[sflag:s21] =	ssyncset.done $0x0  }
0x7e: {  	s0 =	rddreg [dreg:$0x4];
	[sflag:s21] =	ssyncadd.s32 $0xFFFFC000  }
0x7f: {  	[hbm4b:s0+s2] =	stream.linear.scatter [tilespmem:s20], [sflag:$0x3], $0x4000, $0x38;
	[tilespmem:$0x1D100] =	vst v63  }
0x80: {  	_ =	swait.ge [sflag:s21], $0x4000  }
0x81: {  	[sflag:s21] =	ssyncset.done $0x0  }
0x82: {  	[sflag:s21] =	ssyncadd.s32 $0xFFFFC000  }
0x83: {  	[tilespmem:s20], [sflag:$0x3] =	stream.linear.gather [spmem:s10], $0x4000, $0x38;
	[tilespmem:$0x1D100] =	vst v63  }
0x84: {  	_ =	swait.ge [sflag:s21], $0x4000  }
0x85: {  	[sflag:s21] =	ssyncset.done $0x0  }
0x86: {  	[sflag:s21] =	ssyncadd.s32 $0xFFFFC000  }
0x87: {  	[hbm4b:s15+s2] =	stream.linear.scatter [tilespmem:s20], [sflag:$0x3], $0x4000, $0x38;
	[tilespmem:$0x1D100] =	vst v63  }
0x88: {  	_ =	swait.ge [sflag:s21], $0x4000  }
0x89: {  	[sflag:s21] =	ssyncset.done $0x0  }
0x8a: {  	[sflag:s21] =	ssyncadd.s32 $0xFFFFC000  }
0x8b: {  	[tilespmem:s20], [sflag:$0x3] =	stream.linear.gather [spmem:s11], $0x4000, $0x38;
	[tilespmem:$0x1D100] =	vst v63  }
0x8c: {  	_ =	swait.ge [sflag:s21], $0x4000  }
0x8d: {  	[sflag:s21] =	ssyncset.done $0x0  }
0x8e: {  	[sflag:s21] =	ssyncadd.s32 $0xFFFFC000  }
0x8f: {  	[hbm4b:s16+s2] =	stream.linear.scatter [tilespmem:s20], [sflag:$0x3], $0x4000, $0x38;
	[tilespmem:$0x1D100] =	vst v63  }
0x90: {  	_ =	swait.ge [sflag:s21], $0x4000  }
0x91: {  	[sflag:s21] =	ssyncset.done $0x0  }
0x92: {  	[sflag:s21] =	ssyncadd.s32 $0xFFFFC000  }
0x93: {  	[tilespmem:s20], [sflag:$0x3] =	stream.linear.gather [spmem:s12], $0x4000, $0x38;
	[tilespmem:$0x1D100] =	vst v63  }
0x94: {  	_ =	swait.ge [sflag:s21], $0x4000  }
0x95: {  	[sflag:s21] =	ssyncset.done $0x0  }
0x96: {  	[sflag:s21] =	ssyncadd.s32 $0xFFFFC000  }
0x97: {  	[hbm4b:s17+s2] =	stream.linear.scatter [tilespmem:s20], [sflag:$0x3], $0x4000, $0x38;
	[tilespmem:$0x1D100] =	vst v63  }
0x98: {  	_ =	swait.ge [sflag:s21], $0x4000  }
0x99: {  	[sflag:s21] =	ssyncset.done $0x0  }
0x9a: {  	[sflag:s21] =	ssyncadd.s32 $0xFFFFC000  }
0x9b: {  	[tilespmem:s20], [sflag:$0x3] =	stream.linear.gather [spmem:s13], $0x4000, $0x38;
	[tilespmem:$0x1D100] =	vst v63  }
0x9c: {  	s29 =	sadd.s32 $0x1, s29;
	_ =	swait.ge [sflag:s21], $0x4000  }
0x9d: {  	p0 =	sne.s32 s29, s19;
	[sflag:s21] =	ssyncset.done $0x0  }
.Ltmp3:
0x9e: {  	[sflag:s21] =	ssyncadd.s32 $0xFFFFC000;
	(pc) =	sbr.rel @p0 .LBB2_1-.Ltmp3, $4  }
0x9f: {  	[hbm4b:s18+s2] =	stream.linear.scatter [tilespmem:s20], [sflag:$0x3], $0x4000, $0x38;
	[tilespmem:$0x1D100] =	vst v63  }
0xa0: {  	_ =	swait.ge [sflag:s21], $0x4000  }
0xa1: {  	[sflag:s21] =	ssyncset.done $0x0  }
0xa2: {  	[sflag:s21] =	ssyncadd.s32 $0xFFFFC000  }
0xa3: {  	_ =	sfence.sel $0x180000  }
0xa4: {  	[bflag:$0x0] =	sbarrier.arrive $0xFFFF  }
0xa5: {  	_ =	strace $0x90000050  }
0xa6: {  	s0 =	stileid.u32;
	[bflag:$0x2] =	sbarrier.arrive $0xFFFF  }
0xa7: {  	p0 =	sne.s32 s0, $0x0;
	s0 =	rddreg [dreg:$0x3]  }
0xa8: {  	s0 =	sadd.s32 @!p0 $0x100000, s0  }
0xa9: {  	[sflag:s0] =	ssyncadd.tile.s32 @!p0 $0x1;
	_ =	shalt  }
.Lfunc_end2:
_tile_overlayer_lowered:
.L_overlay_start_2:
0xaa: {  	(tag) =	ssettag $0x2  }
0xab: {  	s0 =	rddreg [dreg:$0x0];
	s2 =	stileid.u32  }
0xac: {  	s1 =	rddreg [dreg:$0x1];
	p0 =	sne.s32 s2, $0x0  }
0xad: {  	s3 =	rddreg [dreg:$0x2];
	[bflag:$0x3] =	sbarrier.arrive $0xFFFF;
	s2 =	simm.s32 @!p0 $0x1C03  }
0xae: {  	[timem:s3], [sflag:s2] =	dma.local @!p0 [hbm:s0], s1  }
0xaf: {  	s0 =	simm.s32 @!p0 $0x3  }
0xb0: {  	_ =	swait.ge @!p0 [sflag:s0], s1  }
0xb1: {  	s1 =	ssub.s32 @!p0 $0x0, s1;
	[sflag:s0] =	ssyncset.done @!p0 $0x0  }
0xb2: {  	[sflag:s0] =	ssyncadd.s32 @!p0 s1  }
0xb3: {  	[bflag:$0x3] =	sbarrier.arrive $0xFFFF  }
0xb4: {  	_ =	shalt  }

// kernel: kernel.24.cloned.1.call-start
scs
__scs_entry_jumppad:
0x0: {  	(pc) =	sbr.rel $0x88, $3  }
0x1: {  	(tag) =	ssettag $0x0;
	lr =	simm.s32 $0x1  }
0x2: {  	[smem:$0x3F97] =	sst lr;
	_ =	strace $0xD0000000  }
0x3: {  	_ = 	snop  }
0x4: {  	_ = 	snop  }
0x5: {  	_ = 	snop  }
0x6: {  	_ = 	snop  }
0x7: {  	_ = 	snop  }
__scs_overlays_trampoline_lowered:
0x8: {  	[smem:$0x3FA6] =	sst s0  }
0x9: {  	[smem:$0x3FA7] =	sst s1  }
0xa: {  	[smem:$0x3FA8] =	sst s2  }
0xb: {  	[smem:$0x3FA9] =	sst s3  }
0xc: {  	[smem:$0x3FAA] =	sst s4  }
0xd: {  	[smem:$0x3FAB] =	sst s5  }
0xe: {  	[smem:$0x3FAC] =	sst s6  }
0xf: {  	[smem:$0x3FAD] =	sst s7  }
0x10: {  	[smem:$0x3FAE] =	sst s8  }
0x11: {  	[smem:$0x3FAF] =	sst s9;
	s0 =	simm.s32 @!p0 $0x0  }
0x12: {  	s1 =	sld [smem:$0x3F95];
	s0 =	simm.s32 @p0 $0x1  }
0x13: {  	[smem:$0x3FB0] =	sst s0;
	s0 =	simm.s32 @!p1 $0x0  }
0x14: {  	s2 =	sld [smem:$0x3F94];
	s0 =	simm.s32 @p1 $0x1  }
0x15: {  	[smem:$0x3FB1] =	sst s0;
	s0 =	simm.s32 @!p2 $0x0  }
0x16: {  	s3 =	sld [smem:$0x3FDB];
	s0 =	simm.s32 @p2 $0x1  }
0x17: {  	s4 =	simm.s32 $0x1BF5;
	[smem:$0x3FB3] =	sst s0  }
0x18: {  	s0 =	sld [smem:$0x3F96];
	_ =	swait.ge [sflag:s4], $0x0  }
0x19: {  	s7 =	sld [smem:$0x3F97]  }
0x1a: {  	s8 =	sadd.s32 $0xFFFFE003, lr  }
0x1b: {  	s9 =	sadd.s32 $0xFFFFFEF7, lr;
	s5 =	simm.s32 $0xFFFFFFFF;
	p2 =	slt.u32 s8, $0xFFFFF086  }
0x1c: {  	p1 =	slt.u32 s9, $0xF7A;
	s5 =	simm.s32 @!p2 $0x0  }
0x1d: {  	s5 =	simm.s32 @p1 $0x1;
	p0 =	seq.s32 s7, s2  }
0x1e: {  	s7 =	smul.u32 @!p0 $0xF7A, s2;
	p2 =	seq.s32 @!p0 s5, $0x0  }
0x1f: {  	s9 =	smul.u32 $0xF7A, s1;
	s8 =	simm.s32 @!p0 $0x1BF5;
	p2 =	por !p2, p0  }
0x20: {  	[sflag:s8] =	ssyncset.s32 @!p0 $0xFFFFF086;
	s6 =	sadd.s32 @!p0 s3, s7;
	s7 =	simm.s32 @!p0 $0x108  }
0x21: {  	s3 =	sadd.s32 s3, s9;
	s6 =	sadd.s32 @!p0 $0x88, s6;
	s7 =	simm.s32 @p2 $0x1082  }
0x22: {  	[simem:s7], [sflag:s8] =	dma.local @!p0 [hbm:s6], $0xF7A  }
0x23: {  	s9 =	sor.u32 $0xD0000000, s2;
	s6 =	simm.s32 $0x108;
	_ =	swait.ge @!p0 [sflag:s8], $0x0  }
0x24: {  	s3 =	sadd.s32 $0x88, s3;
	s6 =	simm.s32 @!p1 $0x1082;
	[sflag:s4] =	ssyncset.s32 $0xFFFFF086  }
0x25: {  	[simem:s6], [sflag:s4] =	dma.local [hbm:s3], $0xF7A  }
0x26: {  	[smem:$0x3F97] =	sst s1;
	(tag) =	ssettag s2;
	_ =	strace s9  }
0x27: {  	s1 =	sld [smem:$0x3FA7]  }
0x28: {  	s2 =	sld [smem:$0x3FA8]  }
0x29: {  	s4 =	sld [smem:$0x3FAA]  }
0x2a: {  	p0 =	seq.s32 s5, $0x0;
	s5 =	sld [smem:$0x3FAB]  }
0x2b: {  	s6 =	sld [smem:$0x3FAC]  }
0x2c: {  	s7 =	sld [smem:$0x3FAD]  }
0x2d: {  	s3 =	simm.s32 $0x108;
	s8 =	sld [smem:$0x3FAE]  }
0x2e: {  	s3 =	simm.s32 @!p0 $0x1082;
	s9 =	sld [smem:$0x3FAF]  }
0x2f: {  	lr =	sadd.s32 s0, s3;
	s0 =	sld [smem:$0x3FA6]  }
0x30: {  	s3 =	sld [smem:$0x3FA9]  }
0x31: {  	[smem:$0x3FB2] =	sst s10  }
0x32: {  	s10 =	sld [smem:$0x3FB0];
	_ =	sdelay $0x3  }
0x33: {  	p0 =	seq.s32 s10, $0x1;
	s10 =	sld [smem:$0x3FB2];
	_ =	sdelay $0x3  }
0x34: {  	[smem:$0x3FB2] =	sst s10  }
0x35: {  	s10 =	sld [smem:$0x3FB1];
	_ =	sdelay $0x3  }
0x36: {  	p1 =	seq.s32 s10, $0x1;
	s10 =	sld [smem:$0x3FB2];
	_ =	sdelay $0x3  }
0x37: {  	[smem:$0x3FB2] =	sst s10  }
0x38: {  	s10 =	sld [smem:$0x3FB3]  }
0x39: {  	_ = 	snop;
	(pc) =	sbr.ind lr, $3  }
0x3a: {  	_ = 	snop  }
0x3b: {  	_ = 	snop  }
0x3c: {  	p2 =	seq.s32 s10, $0x1;
	s10 =	sld [smem:$0x3FB2]  }
0x3d: {  	_ =	shalt  }
0x3e: {  	_ =	shalt  }
0x3f: {  	_ =	shalt  }
0x40: {  	_ =	shalt  }
0x41: {  	_ =	shalt  }
0x42: {  	_ =	shalt  }
0x43: {  	_ =	shalt  }
0x44: {  	_ =	shalt  }
0x45: {  	_ =	shalt  }
0x46: {  	_ =	shalt  }
0x47: {  	_ =	shalt  }
0x48: {  	_ =	shalt  }
0x49: {  	_ =	shalt  }
0x4a: {  	_ =	shalt  }
0x4b: {  	_ =	shalt  }
0x4c: {  	_ =	shalt  }
0x4d: {  	_ =	shalt  }
0x4e: {  	_ =	shalt  }
0x4f: {  	_ =	shalt  }
0x50: {  	_ =	shalt  }
0x51: {  	_ =	shalt  }
0x52: {  	_ =	shalt  }
0x53: {  	_ =	shalt  }
0x54: {  	_ =	shalt  }
0x55: {  	_ =	shalt  }
0x56: {  	_ =	shalt  }
0x57: {  	_ =	shalt  }
0x58: {  	_ =	shalt  }
0x59: {  	_ =	shalt  }
0x5a: {  	_ =	shalt  }
0x5b: {  	_ =	shalt  }
0x5c: {  	_ =	shalt  }
0x5d: {  	_ =	shalt  }
0x5e: {  	_ =	shalt  }
0x5f: {  	_ =	shalt  }
0x60: {  	_ =	shalt  }
0x61: {  	_ =	shalt  }
0x62: {  	_ =	shalt  }
0x63: {  	_ =	shalt  }
0x64: {  	_ =	shalt  }
0x65: {  	_ =	shalt  }
0x66: {  	_ =	shalt  }
0x67: {  	_ =	shalt  }
0x68: {  	_ =	shalt  }
0x69: {  	_ =	shalt  }
0x6a: {  	_ =	shalt  }
0x6b: {  	_ =	shalt  }
0x6c: {  	_ =	shalt  }
0x6d: {  	_ =	shalt  }
0x6e: {  	_ =	shalt  }
0x6f: {  	_ =	shalt  }
0x70: {  	_ =	shalt  }
0x71: {  	_ =	shalt  }
0x72: {  	_ =	shalt  }
0x73: {  	_ =	shalt  }
0x74: {  	_ =	shalt  }
0x75: {  	_ =	shalt  }
0x76: {  	_ =	shalt  }
0x77: {  	_ =	shalt  }
0x78: {  	_ =	shalt  }
0x79: {  	_ =	shalt  }
0x7a: {  	_ =	shalt  }
0x7b: {  	_ =	shalt  }
0x7c: {  	_ =	shalt  }
0x7d: {  	_ =	shalt  }
0x7e: {  	_ =	shalt  }
0x7f: {  	_ =	shalt  }
0x80: {  	_ =	shalt  }
0x81: {  	_ =	shalt  }
0x82: {  	_ =	shalt  }
0x83: {  	_ =	shalt  }
0x84: {  	_ =	shalt  }
0x85: {  	_ =	shalt  }
0x86: {  	_ =	shalt  }
0x87: {  	_ =	shalt  }
.Lfunc_end0:
.L_simem_size_0:
called_computation.4_lowered:
.L_overlay_start_0:
0x88: {  	s2 =	sld [smem:$0x3FD9]  }
0x89: {  	s3 =	sld [smem:$0x3FFE];
	_ =	sdelay $0x1  }
0x8a: {  	s1 =	srdreg.scid  }
0x8b: {  	s0 =	sand.u32 $0x1, s1  }
0x8c: {  	s14 =	sshll.u32 s0, $0xA;
	s2 =	sadd.s32 s3, s2  }
0x8d: {  	s2 =	sadd.s32 s2, s14  }
0x8e: {  	[smem:$0x3FBE] =	sst s2  }
0x8f: {  	_ = 	snop  }
0x90: {  	s2 =	sld [smem:$0x3FD0];
	_ =	sdelay $0x2  }
0x91: {  	s15 =	simm.s32 $0xB;
	s4 =	simm.s32 $0x10  }
0x92: {  	[smem:s4], [sflag:s15] =	dma.local [hbm:s2], $0x1  }
0x93: {  	_ =	swait.eq [sflag:s15], $0x1  }
0x94: {  	[sflag:s15] =	ssyncset.done $0x0  }
0x95: {  	[sflag:s15] =	ssyncadd.s32 $0xFFFFFFFF  }
0x96: {  	s16 =	sld [smem:$0x10];
	(tm) =	ssettm $0x1  }
0x97: {  	s17 =	sld [smem:$0x3FFB];
	_ =	sdelay $0x3  }
0x98: {  	_ =	strace s17  }
0x99: {  	s3 =	sld [smem:$0x3FFC];
	_ =	sdelay $0x3  }
0x9a: {  	_ =	strace s3  }
0x9b: {  	s3 =	sld [smem:$0x3FFD];
	_ =	sdelay $0x3  }
0x9c: {  	_ =	strace s3  }
0x9d: {  	_ =	strace $0x8FFFFFFF  }
0x9e: {  	s18 =	sld [smem:$0x3FDB];
	_ =	sdelay $0x1  }
0x9f: {  	s19 =	simm.s32 $_scs_section_size  }
0xa0: {  	s5 =	simm.s32 $_size__tile_overlayer_lowered;
	s6 =	simm.s32 $_tile_overlayer_lowered  }
0xa1: {  	s22 =	simm.s32 $0x1BFF;
	s21 =	sshll.u32 s6, $0x1;
	s3 =	sadd.s32 s19, s18  }
0xa2: {  	s7 =	simm.s32 $0x0;
	s20 =	sshll.u32 s5, $0x1;
	s5 =	sadd.s32 s21, s3  }
0xa3: {  	[timem:s7], [sflag:s22] =	dma.local [hbm:s5], s20  }
0xa4: {  	_ =	swait.ge [sflag:s22], s20  }
0xa5: {  	s4 =	ssub.s32 $0x0, s20;
	[sflag:s22] =	ssyncset.done $0x0  }
0xa6: {  	[sflag:s22] =	ssyncadd.s32 s4;
	_ =	sdelay $0x1  }
0xa7: {  	s23 =	simm.s32 $0x1B8B  }
0xa8: {  	_ =	swait.ge [sflag:s23], $0x1  }
0xa9: {  	[sflag:s23] =	ssyncset.done $0x0  }
0xaa: {  	s25 =	simm.s32 $0x1B8E;
	s24 =	sld [smem:$0x3FFE];
	[sflag:s23] =	ssyncadd.s32 $0xFFFFFFFF  }
0xab: {  	s26 =	simm.s32 $execute0_lowered;
	[smem:$0x3FD2] =	sst s25  }
0xac: {  	s5 =	sshll.u32 s26, $0x1;
	_ =	strace $0x80000052;
	[dreg:$0x1] =	wrdreg $0xFFFFFFFF  }
0xad: {  	s28 =	simm.s32 $_size_execute0_lowered;
	s3 =	sadd.s32 s3, s5;
	[dreg:$0x0] =	wrdreg $0x0  }
0xae: {  	s5 =	sshll.u32 s28, $0x1;
	[dreg:$0x2] =	wrdreg s3  }
0xaf: {  	[dreg:$0x3] =	wrdreg s5  }
0xb0: {  	[dreg:$0x4] =	wrdreg $0xC0  }
0xb1: {  	_ =	task [dreg:s7], $0x5FFFF  }
0xb2: {  	[dreg:$0x1] =	wrdreg $0xFFFFFFFF  }
0xb3: {  	[dreg:$0x0] =	wrdreg $0x60  }
0xb4: {  	[dreg:$0x2] =	wrdreg s24  }
0xb5: {  	[dreg:$0x3] =	wrdreg s16  }
0xb6: {  	[dreg:$0x4] =	wrdreg $0x91000  }
0xb7: {  	[dreg:$0x5] =	wrdreg $0x9  }
0xb8: {  	_ =	task.clear_ibuf [dreg:s7], $0x6FFFF;
	_ =	strace $0x90000052  }
0xb9: {  	s29 =	simm.s32 $0x9;
	_ =	strace $0x80000054  }
0xba: {  	_ =	swait.ge [sflag:s29], $0x1  }
0xbb: {  	[sflag:s29] =	ssyncadd.s32 $0xFFFFFFFF  }
0xbc: {  	_ =	strace $0x90000054  }
0xbd: {  	_ =	sfence  }
0xbe: {  	s30 =	sld [smem:$0x0];
	_ =	sdelay $0x2  }
0xbf: {  	s31 =	sshll.u32 s1, $0xD;
	s1 =	sshrl.u32 s1, $0x2  }
0xc0: {  	s3 =	sand.u32 $0x4000, s31;
	s1 =	sadd.s32 s1, s30  }
0xc1: {  	s0 =	sor.u32 s3, s0;
	s1 =	sshll.u32 s1, $0x11  }
0xc2: {  	s0 =	sor.u32 s1, s0  }
0xc3: {  	s0 =	sadd.s32 $0x8F2B, s0  }
0xc4: {  	[sflag:s0] =	ssyncadd.remote.s32 $0x1  }
0xc5: {  	_ =	sfence.sel $0xFFFF  }
0xc6: {  	[dreg:$0x0] =	wrdreg $0xFFFFFFFF;
	(pc) =	sbr.abs _section_cstart, $3  }
0xc7: {  	[dreg:$0x1] =	wrdreg $0xFFFFFFFF  }
0xc8: {  	_ =	task.clear_ibuf [dreg:s7], $0x2FFFF;
	_ =	strace $0x9FFFFFFF  }
0xc9: {  	(tm) =	ssettm $0x7FFFFFFF  }
tec
execute0_lowered:
.L_overlay_start_1:
0x0: {  	(tag) =	ssettag $0x1  }
0x1: {  	s0 =	rddreg [dreg:$0x0]  }
0x2: {  	s3 =	rddreg [dreg:$0x1]  }
0x3: {  	s1 =	rddreg [dreg:$0x2];
	s2 =	simm.s32 $0x0;
	s5 =	srdreg.scid  }
0x4: {  	s12 =	stileid.u32;
	s28 =	simm.s32 $0x2;
	s29 =	simm.s32 $0x0  }
0x5: {  	[smem:$0x7FF] =	sst s2;
	s4 =	sadd.s32 $0x67A00, s0;
	s11 =	sand.u32 $0x1, s5  }
0x6: {  	s5 =	sadd.s32 $0x8FA00, s0;
	s13 =	smul.u32 $0x280, s12;
	s6 =	sadd.s32 $0xDC00, s0  }
0x7: {  	s10 =	smul.u32 $0x50000, s12;
	s7 =	sadd.s32 $0x3E00, s0;
	_ =	strace $0x80000053  }
0x8: {  	s8 =	ssub.s32 $0x2, s11;
	s21 =	sshll.u32 s11, $0x4;
	s18 =	smul.u32 $0x2800, s11  }
0x9: {  	s9 =	sshrl.u32 s8, $0x1;
	s22 =	sshrl.u32 s10, $0x2;
	s14 =	sadd.s32 $0x80, s13  }
0xa: {  	s16 =	sadd.s32 $0x100, s13;
	s17 =	sadd.s32 $0x180, s13;
	s19 =	sadd.s32 $0x200, s13  }
0xb: {  	s0 =	ssub.s32 s8, s9;
	s8 =	sor.u32 s12, s21;
	s9 =	sadd.s32 s22, s1  }
0xc: {  	s23 =	sshll.u32 s14, $0x7;
	s24 =	sshll.u32 s16, $0x7;
	s15 =	sshll.u32 s17, $0x7  }
0xd: {  	s25 =	sshll.u32 s19, $0x7;
	s20 =	sadd.s32 s13, s18;
	s14 =	sadd.s32 s18, s14  }
0xe: {  	s16 =	sadd.s32 s18, s16;
	s17 =	sadd.s32 s18, s17;
	s18 =	sadd.s32 s18, s19  }
0xf: {  	s21 =	simm.s32 $0x3;
	s22 =	simm.s32 $0x5000;
	s8 =	smul.u32 $0x2710, s8  }
0x10: {  	s10 =	sadd.s32 s23, s1;
	s11 =	sadd.s32 s24, s1;
	s12 =	sadd.s32 s15, s1  }
0x11: {  	s13 =	sadd.s32 s25, s1;
	s26 =	sshll.u32 s20, $0x4;
	s30 =	sshll.u32 s14, $0x4  }
0x12: {  	s16 =	sshll.u32 s16, $0x4;
	s17 =	sshll.u32 s17, $0x4;
	s18 =	sshll.u32 s18, $0x4  }
0x13: {  	s19 =	smax.u32 s0, $0x1;
	s20 =	simm.s32 $0x5100;
	s23 =	simm.s32 $0x5080  }
0x14: {  	s24 =	simm.s32 $0x50;
	s25 =	simm.s32 $0x2800;
	s31 =	sadd.s32 s3, s26  }
0x15: {  	s15 =	sadd.s32 s3, s30;
	s16 =	sadd.s32 s3, s16;
	s17 =	sadd.s32 s3, s17  }
0x16: {  	v0 =	vimm.f32 $0.0e+00;
	s18 =	sadd.s32 s3, s18;
	s26 =	simm.s32 $0x1;
	[dreg:$0x4] =	wrdreg s31  }
.LBB2_1:
0x17: {  	s0 =	sand.u32 $0xFE00, s2  }
0x18: {  	s3 =	sand.u32 $0x70, s2;
	s30 =	sshrl.u32 s0, $0x2  }
0x19: {  	s0 =	simm.s32 $0x40;
	s30 =	sor.u32 s3, s30;
	s3 =	simm.s32 $0x0  }
.LBB2_2:
0x1a: {  	p0 =	sne.s32 s0, $0xFFC0  }
0x1b: {  	[tilespmem:s30+$0x5100] =	vst v0;
	s3 =	sadd.s32 $0x10, s3;
	s30 =	smov.u32 s0;
	s0 =	sadd.s32 $0x40, s0  }
.Ltmp0:
0x1c: {  	(pc) =	sbr.rel @p0 .LBB2_2-.Ltmp0, $4  }
0x1d: {  	_ = 	snop  }
0x1e: {  	s30 =	sand.u32 $0xFE00, s30  }
0x1f: {  	s31 =	sand.u32 $0x70, s3;
	s30 =	sshrl.u32 s30, $0x2  }
0x20: {  	s30 =	sor.u32 s31, s30  }
0x21: {  	[tilespmem:s30+$0x5100] =	vst v0  }
0x22: {  	[spmem:s9] =	stream.linear.scatter [tilespmem:s20], [sflag:$0x3], $0x4000, $0x38;
	[tilespmem:$0x1D100] =	vst v63  }
0x23: {  	_ =	swait.ge [sflag:s21], $0x4000  }
0x24: {  	[sflag:s21] =	ssyncset.done $0x0  }
0x25: {  	[sflag:s21] =	ssyncadd.s32 $0xFFFFC000  }
0x26: {  	[spmem:s10] =	stream.linear.scatter [tilespmem:s20], [sflag:$0x3], $0x4000, $0x38;
	[tilespmem:$0x1D100] =	vst v63  }
0x27: {  	_ =	swait.ge [sflag:s21], $0x4000  }
0x28: {  	[sflag:s21] =	ssyncset.done $0x0  }
0x29: {  	[sflag:s21] =	ssyncadd.s32 $0xFFFFC000  }
0x2a: {  	[spmem:s11] =	stream.linear.scatter [tilespmem:s20], [sflag:$0x3], $0x4000, $0x38;
	[tilespmem:$0x1D100] =	vst v63  }
0x2b: {  	_ =	swait.ge [sflag:s21], $0x4000  }
0x2c: {  	[sflag:s21] =	ssyncset.done $0x0  }
0x2d: {  	[sflag:s21] =	ssyncadd.s32 $0xFFFFC000  }
0x2e: {  	[spmem:s12] =	stream.linear.scatter [tilespmem:s20], [sflag:$0x3], $0x4000, $0x38;
	[tilespmem:$0x1D100] =	vst v63  }
0x2f: {  	_ =	swait.ge [sflag:s21], $0x4000  }
0x30: {  	[sflag:s21] =	ssyncset.done $0x0  }
0x31: {  	[sflag:s21] =	ssyncadd.s32 $0xFFFFC000  }
0x32: {  	[spmem:s13] =	stream.linear.scatter [tilespmem:s20], [sflag:$0x3], $0x4000, $0x38;
	[tilespmem:$0x1D100] =	vst v63  }
0x33: {  	_ =	swait.ge [sflag:s21], $0x4000  }
0x34: {  	[sflag:s21] =	ssyncset.done $0x0  }
0x35: {  	[sflag:s21] =	ssyncadd.s32 $0xFFFFC000  }
0x36: {  	s30 =	simm.s32 $0x0;
	s31 =	simm.s32 $0x0;
	[bflag:$0x0] =	sbarrier.arrive $0xFFFF  }
.LBB2_4:
0x37: {  	s0 =	smul.u32 $0x50, s31;
	_ =	sdelay $0x1  }
0x38: {  	s0 =	sadd.s32 s8, s0  }
0x39: {  	s0 =	sshrl.u32 s0, $0x3  }
0x3a: {  	s3 =	sadd.s32 s6, s0  }
0x3b: {  	[tilespmem:s22], [sflag:$0x3] =	stream.linear.gather [hbm4b:s3+s30], $0x50, $0x38;
	[tilespmem:$0x1D100] =	vst v63  }
0x3c: {  	_ =	swait.ge [sflag:s21], $0x50  }
0x3d: {  	[sflag:s21] =	ssyncset.done $0x0  }
0x3e: {  	s0 =	sadd.s32 s7, s0;
	[sflag:s21] =	ssyncadd.s32 $0xFFFFFFB0  }
0x3f: {  	[tilespmem:s23], [sflag:$0x3] =	stream.linear.gather [hbm4b:s0+s30], $0x50, $0x38;
	[tilespmem:$0x1D100] =	vst v63  }
0x40: {  	_ =	swait.ge [sflag:s21], $0x50  }
0x41: {  	[sflag:s21] =	ssyncset.done $0x0  }
0x42: {  	[sflag:s21] =	ssyncadd.s32 $0xFFFFFFB0  }
0x43: {  	[tilespmem:s30], [sflag:$0x1] =	stream.indirect.gather [hbm4b:s4+s24], $0x80, s22, s24, $0xb8;
	[tilespmem:$0x1D100] =	vst v63  }
0x44: {  	_ = 	snop  }
0x45: {  	[tilespmem:s25], [sflag:$0x2] =	stream.indirect.gather [hbm4b:s5+s24], $0x80, s23, s24, $0xb8;
	[tilespmem:$0x1D100] =	vst v63  }
0x46: {  	_ =	swait.ge [sflag:s26], $0x2800  }
0x47: {  	[sflag:s26] =	ssyncset.done $0x0  }
0x48: {  	[sflag:s26] =	ssyncadd.s32 $0xFFFFD800  }
0x49: {  	_ =	swait.ge [sflag:s28], $0x2800  }
0x4a: {  	[sflag:s28] =	ssyncset.done $0x0  }
0x4b: {  	s0 =	simm.s32 $0x0;
	[sflag:s28] =	ssyncadd.s32 $0xFFFFD800  }
0x4c: {  	v7 =	vld [tilespmem:s0+$0x2800]  }
0x4d: {  	v10 =	vld [tilespmem:s0+$0x2810]  }
0x4e: {  	v6 =	vld [tilespmem:s0+$0x2820]  }
0x4f: {  	v5 =	vld [tilespmem:s0+$0x2830]  }
0x50: {  	v4 =	vld [tilespmem:s0+$0x2840]  }
0x51: {  	v3 =	vld [tilespmem:s0+$0x2850]  }
0x52: {  	v2 =	vld [tilespmem:s0+$0x2860]  }
0x53: {  	v1 =	vld [tilespmem:s0+$0x2870]  }
0x54: {  	v12 =	vld [tilespmem:s0+$0x0]  }
0x55: {  	v14 =	vld [tilespmem:s0+$0x10]  }
0x56: {  	v13 =	vld [tilespmem:s0+$0x20]  }
0x57: {  	v11 =	vld [tilespmem:s0+$0x30]  }
0x58: {  	v9 =	vld [tilespmem:s0+$0x40]  }
0x59: {  	v8 =	vld [tilespmem:s0+$0x50];
	v12 =	vadd.f32 v7, v12  }
0x5a: {  	s3 =	simm.s32 $0x200;
	v10 =	vadd.f32 v10, v14;
	v7 =	vld [tilespmem:s0+$0x60]  }
.LBB2_5:
0x5b: {  	s14 =	sshra.s32 s3, $0x2;
	p0 =	sne.s32 s3, $0x9E00;
	v14 =	vmul.f32 $9.999999770e-03, v12;
	v13 =	vadd.f32 v6, v13;
	v15 =	vld [tilespmem:s0+$0x70]  }
0x5c: {  	v16 =	vld [tilespmem:s14+$0x2800];
	v17 =	vmul.f32 $9.999999770e-03, v10;
	v11 =	vadd.f32 v5, v11  }
0x5d: {  	v18 =	vld [tilespmem:s14+$0x2810];
	v5 =	vmax.f32 v12, v14;
	v12 =	vmul.f32 $9.999999770e-03, v13;
	v9 =	vadd.f32 v4, v9  }
0x5e: {  	v6 =	vld [tilespmem:s14+$0x2820];
	[tilespmem:s0+$0x0] =	vst v5;
	v4 =	vmax.f32 v10, v17;
	v10 =	vmul.f32 $9.999999770e-03, v11;
	v8 =	vadd.f32 v3, v8  }
0x5f: {  	v5 =	vld [tilespmem:s14+$0x2830];
	[tilespmem:s0+$0x10] =	vst v4;
	v3 =	vmax.f32 v13, v12;
	v12 =	vmul.f32 $9.999999770e-03, v9;
	v7 =	vadd.f32 v2, v7  }
0x60: {  	v4 =	vld [tilespmem:s14+$0x2840];
	[tilespmem:s0+$0x20] =	vst v3;
	v2 =	vmax.f32 v11, v10;
	v10 =	vmul.f32 $9.999999770e-03, v8;
	v11 =	vadd.f32 v1, v15  }
0x61: {  	v3 =	vld [tilespmem:s14+$0x2850];
	[tilespmem:s0+$0x30] =	vst v2;
	v1 =	vmax.f32 v9, v12;
	v9 =	vmul.f32 $9.999999770e-03, v7  }
0x62: {  	v2 =	vld [tilespmem:s14+$0x2860];
	[tilespmem:s0+$0x40] =	vst v1;
	v8 =	vmax.f32 v8, v10;
	v10 =	vmul.f32 $9.999999770e-03, v11  }
0x63: {  	v1 =	vld [tilespmem:s14+$0x2870];
	[tilespmem:s0+$0x50] =	vst v8;
	v7 =	vmax.f32 v7, v9  }
0x64: {  	v8 =	vld [tilespmem:s14+$0x0];
	[tilespmem:s0+$0x60] =	vst v7;
	v7 =	vmax.f32 v11, v10  }
0x65: {  	v10 =	vld [tilespmem:s14+$0x10];
	[tilespmem:s0+$0x70] =	vst v7;
	s0 =	smov.u32 s14  }
.Ltmp1:
0x66: {  	v13 =	vld [tilespmem:s0+$0x20];
	(pc) =	sbr.rel @p0 .LBB2_5-.Ltmp1, $4  }
0x67: {  	v11 =	vld [tilespmem:s0+$0x30]  }
0x68: {  	v9 =	vld [tilespmem:s0+$0x40]  }
0x69: {  	v12 =	vadd.f32 v16, v8;
	v8 =	vld [tilespmem:s0+$0x50]  }
0x6a: {  	s3 =	sadd.s32 $0x200, s3;
	v10 =	vadd.f32 v18, v10;
	v7 =	vld [tilespmem:s0+$0x60]  }
0x6b: {  	v14 =	vmul.f32 $9.999999770e-03, v12;
	v6 =	vadd.f32 v6, v13;
	v55 =	vld [tilespmem:s0+$0x70]  }
0x6c: {  	v15 =	vmul.f32 $9.999999770e-03, v10;
	v5 =	vadd.f32 v5, v11  }
0x6d: {  	v56 =	vmax.f32 v12, v14;
	v57 =	vmul.f32 $9.999999770e-03, v6;
	v4 =	vadd.f32 v4, v9  }
0x6e: {  	[tilespmem:s0+$0x0] =	vst v56;
	v58 =	vmax.f32 v10, v15;
	v59 =	vmul.f32 $9.999999770e-03, v5;
	v3 =	vadd.f32 v3, v8  }
0x6f: {  	[tilespmem:s0+$0x10] =	vst v58;
	v6 =	vmax.f32 v6, v57;
	v60 =	vmul.f32 $9.999999770e-03, v4;
	v2 =	vadd.f32 v2, v7  }
0x70: {  	[tilespmem:s0+$0x20] =	vst v6;
	v5 =	vmax.f32 v5, v59;
	v61 =	vmul.f32 $9.999999770e-03, v3;
	v1 =	vadd.f32 v1, v55  }
0x71: {  	[tilespmem:s0+$0x30] =	vst v5;
	v4 =	vmax.f32 v4, v60;
	v62 =	vmul.f32 $9.999999770e-03, v2  }
0x72: {  	[tilespmem:s0+$0x40] =	vst v4;
	v3 =	vmax.f32 v3, v61;
	v63 =	vmul.f32 $9.999999770e-03, v1  }
0x73: {  	s31 =	sadd.s32 $0x1, s31;
	[tilespmem:s0+$0x50] =	vst v3;
	v2 =	vmax.f32 v2, v62  }
0x74: {  	p0 =	sne.s32 s31, $0x7D;
	[tilespmem:s0+$0x60] =	vst v2;
	v1 =	vmax.f32 v1, v63  }
.Ltmp2:
0x75: {  	[tilespmem:s0+$0x70] =	vst v1;
	(pc) =	sbr.rel @p0 .LBB2_4-.Ltmp2, $4  }
0x76: {  	[spmem:s1] =	stream.indirect.scatter.add.f32 [tilespmem:s2], [sflag:$0x3], $0x80, s22, s24, $0xb8;
	[tilespmem:$0x1D100] =	vst v63  }
0x77: {  	_ =	swait.ge [sflag:s21], $0x2800  }
0x78: {  	[sflag:s21] =	ssyncset.done $0x0  }
0x79: {  	[sflag:s21] =	ssyncadd.s32 $0xFFFFD800  }
0x7a: {  	[bflag:$0x0] =	sbarrier.arrive $0xFFFF  }
0x7b: {  	[tilespmem:s20], [sflag:$0x3] =	stream.linear.gather [spmem:s9], $0x4000, $0x38;
	[tilespmem:$0x1D100] =	vst v63  }
0x7c: {  	_ =	swait.ge [sflag:s21], $0x4000  }
0x7d: {  	[sflag:s21] =	ssyncset.done $0x0  }
0x7e: {  	s0 =	rddreg [dreg:$0x4];
	[sflag:s21] =	ssyncadd.s32 $0xFFFFC000  }
0x7f: {  	[hbm4b:s0+s2] =	stream.linear.scatter [tilespmem:s20], [sflag:$0x3], $0x4000, $0x38;
	[tilespmem:$0x1D100] =	vst v63  }
0x80: {  	_ =	swait.ge [sflag:s21], $0x4000  }
0x81: {  	[sflag:s21] =	ssyncset.done $0x0  }
0x82: {  	[sflag:s21] =	ssyncadd.s32 $0xFFFFC000  }
0x83: {  	[tilespmem:s20], [sflag:$0x3] =	stream.linear.gather [spmem:s10], $0x4000, $0x38;
	[tilespmem:$0x1D100] =	vst v63  }
0x84: {  	_ =	swait.ge [sflag:s21], $0x4000  }
0x85: {  	[sflag:s21] =	ssyncset.done $0x0  }
0x86: {  	[sflag:s21] =	ssyncadd.s32 $0xFFFFC000  }
0x87: {  	[hbm4b:s15+s2] =	stream.linear.scatter [tilespmem:s20], [sflag:$0x3], $0x4000, $0x38;
	[tilespmem:$0x1D100] =	vst v63  }
0x88: {  	_ =	swait.ge [sflag:s21], $0x4000  }
0x89: {  	[sflag:s21] =	ssyncset.done $0x0  }
0x8a: {  	[sflag:s21] =	ssyncadd.s32 $0xFFFFC000  }
0x8b: {  	[tilespmem:s20], [sflag:$0x3] =	stream.linear.gather [spmem:s11], $0x4000, $0x38;
	[tilespmem:$0x1D100] =	vst v63  }
0x8c: {  	_ =	swait.ge [sflag:s21], $0x4000  }
0x8d: {  	[sflag:s21] =	ssyncset.done $0x0  }
0x8e: {  	[sflag:s21] =	ssyncadd.s32 $0xFFFFC000  }
0x8f: {  	[hbm4b:s16+s2] =	stream.linear.scatter [tilespmem:s20], [sflag:$0x3], $0x4000, $0x38;
	[tilespmem:$0x1D100] =	vst v63  }
0x90: {  	_ =	swait.ge [sflag:s21], $0x4000  }
0x91: {  	[sflag:s21] =	ssyncset.done $0x0  }
0x92: {  	[sflag:s21] =	ssyncadd.s32 $0xFFFFC000  }
0x93: {  	[tilespmem:s20], [sflag:$0x3] =	stream.linear.gather [spmem:s12], $0x4000, $0x38;
	[tilespmem:$0x1D100] =	vst v63  }
0x94: {  	_ =	swait.ge [sflag:s21], $0x4000  }
0x95: {  	[sflag:s21] =	ssyncset.done $0x0  }
0x96: {  	[sflag:s21] =	ssyncadd.s32 $0xFFFFC000  }
0x97: {  	[hbm4b:s17+s2] =	stream.linear.scatter [tilespmem:s20], [sflag:$0x3], $0x4000, $0x38;
	[tilespmem:$0x1D100] =	vst v63  }
0x98: {  	_ =	swait.ge [sflag:s21], $0x4000  }
0x99: {  	[sflag:s21] =	ssyncset.done $0x0  }
0x9a: {  	[sflag:s21] =	ssyncadd.s32 $0xFFFFC000  }
0x9b: {  	[tilespmem:s20], [sflag:$0x3] =	stream.linear.gather [spmem:s13], $0x4000, $0x38;
	[tilespmem:$0x1D100] =	vst v63  }
0x9c: {  	s29 =	sadd.s32 $0x1, s29;
	_ =	swait.ge [sflag:s21], $0x4000  }
0x9d: {  	p0 =	sne.s32 s29, s19;
	[sflag:s21] =	ssyncset.done $0x0  }
.Ltmp3:
0x9e: {  	[sflag:s21] =	ssyncadd.s32 $0xFFFFC000;
	(pc) =	sbr.rel @p0 .LBB2_1-.Ltmp3, $4  }
0x9f: {  	[hbm4b:s18+s2] =	stream.linear.scatter [tilespmem:s20], [sflag:$0x3], $0x4000, $0x38;
	[tilespmem:$0x1D100] =	vst v63  }
0xa0: {  	_ =	swait.ge [sflag:s21], $0x4000  }
0xa1: {  	[sflag:s21] =	ssyncset.done $0x0  }
0xa2: {  	[sflag:s21] =	ssyncadd.s32 $0xFFFFC000  }
0xa3: {  	_ =	sfence.sel $0x180000  }
0xa4: {  	[bflag:$0x0] =	sbarrier.arrive $0xFFFF  }
0xa5: {  	_ =	strace $0x90000053  }
0xa6: {  	s0 =	stileid.u32;
	[bflag:$0x2] =	sbarrier.arrive $0xFFFF  }
0xa7: {  	p0 =	sne.s32 s0, $0x0;
	s0 =	rddreg [dreg:$0x3]  }
0xa8: {  	s0 =	sadd.s32 @!p0 $0x100000, s0  }
0xa9: {  	[sflag:s0] =	ssyncadd.tile.s32 @!p0 $0x1;
	_ =	shalt  }
.Lfunc_end2:
_tile_overlayer_lowered:
.L_overlay_start_2:
0xaa: {  	(tag) =	ssettag $0x2  }
0xab: {  	s0 =	rddreg [dreg:$0x0];
	s2 =	stileid.u32  }
0xac: {  	s1 =	rddreg [dreg:$0x1];
	p0 =	sne.s32 s2, $0x0  }
0xad: {  	s3 =	rddreg [dreg:$0x2];
	[bflag:$0x3] =	sbarrier.arrive $0xFFFF;
	s2 =	simm.s32 @!p0 $0x1C03  }
0xae: {  	[timem:s3], [sflag:s2] =	dma.local @!p0 [hbm:s0], s1  }
0xaf: {  	s0 =	simm.s32 @!p0 $0x3  }
0xb0: {  	_ =	swait.ge @!p0 [sflag:s0], s1  }
0xb1: {  	s1 =	ssub.s32 @!p0 $0x0, s1;
	[sflag:s0] =	ssyncset.done @!p0 $0x0  }
0xb2: {  	[sflag:s0] =	ssyncadd.s32 @!p0 s1  }
0xb3: {  	[bflag:$0x3] =	sbarrier.arrive $0xFFFF  }
0xb4: {  	_ =	shalt  }

// kernel: kernel.27.cloned.1.call-start
scs
__scs_entry_jumppad:
0x0: {  	(pc) =	sbr.rel $0x88, $3  }
0x1: {  	(tag) =	ssettag $0x0;
	lr =	simm.s32 $0x1  }
0x2: {  	[smem:$0x3F97] =	sst lr;
	_ =	strace $0xD0000000  }
0x3: {  	_ = 	snop  }
0x4: {  	_ = 	snop  }
0x5: {  	_ = 	snop  }
0x6: {  	_ = 	snop  }
0x7: {  	_ = 	snop  }
__scs_overlays_trampoline_lowered:
0x8: {  	[smem:$0x3FA6] =	sst s0  }
0x9: {  	[smem:$0x3FA7] =	sst s1  }
0xa: {  	[smem:$0x3FA8] =	sst s2  }
0xb: {  	[smem:$0x3FA9] =	sst s3  }
0xc: {  	[smem:$0x3FAA] =	sst s4  }
0xd: {  	[smem:$0x3FAB] =	sst s5  }
0xe: {  	[smem:$0x3FAC] =	sst s6  }
0xf: {  	[smem:$0x3FAD] =	sst s7  }
0x10: {  	[smem:$0x3FAE] =	sst s8  }
0x11: {  	[smem:$0x3FAF] =	sst s9;
	s0 =	simm.s32 @!p0 $0x0  }
0x12: {  	s1 =	sld [smem:$0x3F95];
	s0 =	simm.s32 @p0 $0x1  }
0x13: {  	[smem:$0x3FB0] =	sst s0;
	s0 =	simm.s32 @!p1 $0x0  }
0x14: {  	s2 =	sld [smem:$0x3F94];
	s0 =	simm.s32 @p1 $0x1  }
0x15: {  	[smem:$0x3FB1] =	sst s0;
	s0 =	simm.s32 @!p2 $0x0  }
0x16: {  	s3 =	sld [smem:$0x3FDB];
	s0 =	simm.s32 @p2 $0x1  }
0x17: {  	s4 =	simm.s32 $0x1BF5;
	[smem:$0x3FB3] =	sst s0  }
0x18: {  	s0 =	sld [smem:$0x3F96];
	_ =	swait.ge [sflag:s4], $0x0  }
0x19: {  	s7 =	sld [smem:$0x3F97]  }
0x1a: {  	s8 =	sadd.s32 $0xFFFFE003, lr  }
0x1b: {  	s9 =	sadd.s32 $0xFFFFFEF7, lr;
	s5 =	simm.s32 $0xFFFFFFFF;
	p2 =	slt.u32 s8, $0xFFFFF086  }
0x1c: {  	p1 =	slt.u32 s9, $0xF7A;
	s5 =	simm.s32 @!p2 $0x0  }
0x1d: {  	s5 =	simm.s32 @p1 $0x1;
	p0 =	seq.s32 s7, s2  }
0x1e: {  	s7 =	smul.u32 @!p0 $0xF7A, s2;
	p2 =	seq.s32 @!p0 s5, $0x0  }
0x1f: {  	s9 =	smul.u32 $0xF7A, s1;
	s8 =	simm.s32 @!p0 $0x1BF5;
	p2 =	por !p2, p0  }
0x20: {  	[sflag:s8] =	ssyncset.s32 @!p0 $0xFFFFF086;
	s6 =	sadd.s32 @!p0 s3, s7;
	s7 =	simm.s32 @!p0 $0x108  }
0x21: {  	s3 =	sadd.s32 s3, s9;
	s6 =	sadd.s32 @!p0 $0x88, s6;
	s7 =	simm.s32 @p2 $0x1082  }
0x22: {  	[simem:s7], [sflag:s8] =	dma.local @!p0 [hbm:s6], $0xF7A  }
0x23: {  	s9 =	sor.u32 $0xD0000000, s2;
	s6 =	simm.s32 $0x108;
	_ =	swait.ge @!p0 [sflag:s8], $0x0  }
0x24: {  	s3 =	sadd.s32 $0x88, s3;
	s6 =	simm.s32 @!p1 $0x1082;
	[sflag:s4] =	ssyncset.s32 $0xFFFFF086  }
0x25: {  	[simem:s6], [sflag:s4] =	dma.local [hbm:s3], $0xF7A  }
0x26: {  	[smem:$0x3F97] =	sst s1;
	(tag) =	ssettag s2;
	_ =	strace s9  }
0x27: {  	s1 =	sld [smem:$0x3FA7]  }
0x28: {  	s2 =	sld [smem:$0x3FA8]  }
0x29: {  	s4 =	sld [smem:$0x3FAA]  }
0x2a: {  	p0 =	seq.s32 s5, $0x0;
	s5 =	sld [smem:$0x3FAB]  }
0x2b: {  	s6 =	sld [smem:$0x3FAC]  }
0x2c: {  	s7 =	sld [smem:$0x3FAD]  }
0x2d: {  	s3 =	simm.s32 $0x108;
	s8 =	sld [smem:$0x3FAE]  }
0x2e: {  	s3 =	simm.s32 @!p0 $0x1082;
	s9 =	sld [smem:$0x3FAF]  }
0x2f: {  	lr =	sadd.s32 s0, s3;
	s0 =	sld [smem:$0x3FA6]  }
0x30: {  	s3 =	sld [smem:$0x3FA9]  }
0x31: {  	[smem:$0x3FB2] =	sst s10  }
0x32: {  	s10 =	sld [smem:$0x3FB0];
	_ =	sdelay $0x3  }
0x33: {  	p0 =	seq.s32 s10, $0x1;
	s10 =	sld [smem:$0x3FB2];
	_ =	sdelay $0x3  }
0x34: {  	[smem:$0x3FB2] =	sst s10  }
0x35: {  	s10 =	sld [smem:$0x3FB1];
	_ =	sdelay $0x3  }
0x36: {  	p1 =	seq.s32 s10, $0x1;
	s10 =	sld [smem:$0x3FB2];
	_ =	sdelay $0x3  }
0x37: {  	[smem:$0x3FB2] =	sst s10  }
0x38: {  	s10 =	sld [smem:$0x3FB3]  }
0x39: {  	_ = 	snop;
	(pc) =	sbr.ind lr, $3  }
0x3a: {  	_ = 	snop  }
0x3b: {  	_ = 	snop  }
0x3c: {  	p2 =	seq.s32 s10, $0x1;
	s10 =	sld [smem:$0x3FB2]  }
0x3d: {  	_ =	shalt  }
0x3e: {  	_ =	shalt  }
0x3f: {  	_ =	shalt  }
0x40: {  	_ =	shalt  }
0x41: {  	_ =	shalt  }
0x42: {  	_ =	shalt  }
0x43: {  	_ =	shalt  }
0x44: {  	_ =	shalt  }
0x45: {  	_ =	shalt  }
0x46: {  	_ =	shalt  }
0x47: {  	_ =	shalt  }
0x48: {  	_ =	shalt  }
0x49: {  	_ =	shalt  }
0x4a: {  	_ =	shalt  }
0x4b: {  	_ =	shalt  }
0x4c: {  	_ =	shalt  }
0x4d: {  	_ =	shalt  }
0x4e: {  	_ =	shalt  }
0x4f: {  	_ =	shalt  }
0x50: {  	_ =	shalt  }
0x51: {  	_ =	shalt  }
0x52: {  	_ =	shalt  }
0x53: {  	_ =	shalt  }
0x54: {  	_ =	shalt  }
0x55: {  	_ =	shalt  }
0x56: {  	_ =	shalt  }
0x57: {  	_ =	shalt  }
0x58: {  	_ =	shalt  }
0x59: {  	_ =	shalt  }
0x5a: {  	_ =	shalt  }
0x5b: {  	_ =	shalt  }
0x5c: {  	_ =	shalt  }
0x5d: {  	_ =	shalt  }
0x5e: {  	_ =	shalt  }
0x5f: {  	_ =	shalt  }
0x60: {  	_ =	shalt  }
0x61: {  	_ =	shalt  }
0x62: {  	_ =	shalt  }
0x63: {  	_ =	shalt  }
0x64: {  	_ =	shalt  }
0x65: {  	_ =	shalt  }
0x66: {  	_ =	shalt  }
0x67: {  	_ =	shalt  }
0x68: {  	_ =	shalt  }
0x69: {  	_ =	shalt  }
0x6a: {  	_ =	shalt  }
0x6b: {  	_ =	shalt  }
0x6c: {  	_ =	shalt  }
0x6d: {  	_ =	shalt  }
0x6e: {  	_ =	shalt  }
0x6f: {  	_ =	shalt  }
0x70: {  	_ =	shalt  }
0x71: {  	_ =	shalt  }
0x72: {  	_ =	shalt  }
0x73: {  	_ =	shalt  }
0x74: {  	_ =	shalt  }
0x75: {  	_ =	shalt  }
0x76: {  	_ =	shalt  }
0x77: {  	_ =	shalt  }
0x78: {  	_ =	shalt  }
0x79: {  	_ =	shalt  }
0x7a: {  	_ =	shalt  }
0x7b: {  	_ =	shalt  }
0x7c: {  	_ =	shalt  }
0x7d: {  	_ =	shalt  }
0x7e: {  	_ =	shalt  }
0x7f: {  	_ =	shalt  }
0x80: {  	_ =	shalt  }
0x81: {  	_ =	shalt  }
0x82: {  	_ =	shalt  }
0x83: {  	_ =	shalt  }
0x84: {  	_ =	shalt  }
0x85: {  	_ =	shalt  }
0x86: {  	_ =	shalt  }
0x87: {  	_ =	shalt  }
.Lfunc_end0:
.L_simem_size_0:
called_computation.5_lowered:
.L_overlay_start_0:
0x88: {  	s2 =	sld [smem:$0x3FD9]  }
0x89: {  	s3 =	sld [smem:$0x3FFE];
	_ =	sdelay $0x1  }
0x8a: {  	s1 =	srdreg.scid  }
0x8b: {  	s0 =	sand.u32 $0x1, s1  }
0x8c: {  	s14 =	sshll.u32 s0, $0xA;
	s2 =	sadd.s32 s3, s2  }
0x8d: {  	s2 =	sadd.s32 s2, s14  }
0x8e: {  	[smem:$0x3FBE] =	sst s2  }
0x8f: {  	_ = 	snop  }
0x90: {  	s2 =	sld [smem:$0x3FD0];
	_ =	sdelay $0x2  }
0x91: {  	s15 =	simm.s32 $0xB;
	s4 =	simm.s32 $0x10  }
0x92: {  	[smem:s4], [sflag:s15] =	dma.local [hbm:s2], $0x1  }
0x93: {  	_ =	swait.eq [sflag:s15], $0x1  }
0x94: {  	[sflag:s15] =	ssyncset.done $0x0  }
0x95: {  	[sflag:s15] =	ssyncadd.s32 $0xFFFFFFFF  }
0x96: {  	s16 =	sld [smem:$0x10];
	(tm) =	ssettm $0x1  }
0x97: {  	s17 =	sld [smem:$0x3FFB];
	_ =	sdelay $0x3  }
0x98: {  	_ =	strace s17  }
0x99: {  	s3 =	sld [smem:$0x3FFC];
	_ =	sdelay $0x3  }
0x9a: {  	_ =	strace s3  }
0x9b: {  	s3 =	sld [smem:$0x3FFD];
	_ =	sdelay $0x3  }
0x9c: {  	_ =	strace s3  }
0x9d: {  	_ =	strace $0x8FFFFFFF  }
0x9e: {  	s18 =	sld [smem:$0x3FDB];
	_ =	sdelay $0x1  }
0x9f: {  	s19 =	simm.s32 $_scs_section_size  }
0xa0: {  	s5 =	simm.s32 $_size__tile_overlayer_lowered;
	s6 =	simm.s32 $_tile_overlayer_lowered  }
0xa1: {  	s22 =	simm.s32 $0x1BFF;
	s21 =	sshll.u32 s6, $0x1;
	s3 =	sadd.s32 s19, s18  }
0xa2: {  	s7 =	simm.s32 $0x0;
	s20 =	sshll.u32 s5, $0x1;
	s5 =	sadd.s32 s21, s3  }
0xa3: {  	[timem:s7], [sflag:s22] =	dma.local [hbm:s5], s20  }
0xa4: {  	_ =	swait.ge [sflag:s22], s20  }
0xa5: {  	s4 =	ssub.s32 $0x0, s20;
	[sflag:s22] =	ssyncset.done $0x0  }
0xa6: {  	[sflag:s22] =	ssyncadd.s32 s4;
	_ =	sdelay $0x1  }
0xa7: {  	s23 =	simm.s32 $0x1B8B  }
0xa8: {  	_ =	swait.ge [sflag:s23], $0x1  }
0xa9: {  	[sflag:s23] =	ssyncset.done $0x0  }
0xaa: {  	s25 =	simm.s32 $0x1B8E;
	s24 =	sld [smem:$0x3FFE];
	[sflag:s23] =	ssyncadd.s32 $0xFFFFFFFF  }
0xab: {  	s26 =	simm.s32 $execute0_lowered;
	[smem:$0x3FD2] =	sst s25  }
0xac: {  	s5 =	sshll.u32 s26, $0x1;
	_ =	strace $0x80000055;
	[dreg:$0x1] =	wrdreg $0xFFFFFFFF  }
0xad: {  	s28 =	simm.s32 $_size_execute0_lowered;
	s3 =	sadd.s32 s3, s5;
	[dreg:$0x0] =	wrdreg $0x0  }
0xae: {  	s5 =	sshll.u32 s28, $0x1;
	[dreg:$0x2] =	wrdreg s3  }
0xaf: {  	[dreg:$0x3] =	wrdreg s5  }
0xb0: {  	[dreg:$0x4] =	wrdreg $0xC0  }
0xb1: {  	_ =	task [dreg:s7], $0x5FFFF  }
0xb2: {  	[dreg:$0x1] =	wrdreg $0xFFFFFFFF  }
0xb3: {  	[dreg:$0x0] =	wrdreg $0x60  }
0xb4: {  	[dreg:$0x2] =	wrdreg s24  }
0xb5: {  	[dreg:$0x3] =	wrdreg s16  }
0xb6: {  	[dreg:$0x4] =	wrdreg $0x9  }
0xb7: {  	_ =	task.clear_ibuf [dreg:s7], $0x5FFFF;
	_ =	strace $0x90000055  }
0xb8: {  	s29 =	simm.s32 $0x9;
	_ =	strace $0x80000057  }
0xb9: {  	_ =	swait.ge [sflag:s29], $0x1  }
0xba: {  	[sflag:s29] =	ssyncadd.s32 $0xFFFFFFFF  }
0xbb: {  	_ =	strace $0x90000057  }
0xbc: {  	_ =	sfence  }
0xbd: {  	s30 =	sld [smem:$0x0];
	_ =	sdelay $0x2  }
0xbe: {  	s31 =	sshll.u32 s1, $0xD;
	s1 =	sshrl.u32 s1, $0x2  }
0xbf: {  	s3 =	sand.u32 $0x4000, s31;
	s1 =	sadd.s32 s1, s30  }
0xc0: {  	s0 =	sor.u32 s3, s0;
	s1 =	sshll.u32 s1, $0x11  }
0xc1: {  	s0 =	sor.u32 s1, s0  }
0xc2: {  	s0 =	sadd.s32 $0x8F2B, s0  }
0xc3: {  	[sflag:s0] =	ssyncadd.remote.s32 $0x1  }
0xc4: {  	_ =	sfence.sel $0xFFFF  }
0xc5: {  	[dreg:$0x0] =	wrdreg $0xFFFFFFFF;
	(pc) =	sbr.abs _section_cstart, $3  }
0xc6: {  	[dreg:$0x1] =	wrdreg $0xFFFFFFFF  }
0xc7: {  	_ =	task.clear_ibuf [dreg:s7], $0x2FFFF;
	_ =	strace $0x9FFFFFFF  }
0xc8: {  	(tm) =	ssettm $0x7FFFFFFF  }
0xc9: {  	_ =	shalt  }
tec
execute0_lowered:
.L_overlay_start_1:
0x0: {  	(tag) =	ssettag $0x1  }
0x1: {  	s8 =	rddreg [dreg:$0x0]  }
0x2: {  	s1 =	rddreg [dreg:$0x1]  }
0x3: {  	s0 =	rddreg [dreg:$0x2]  }
0x4: {  	s2 =	simm.s32 $0x0;
	s3 =	srdreg.scid;
	s13 =	simm.s32 $0xA080  }
0x5: {  	s14 =	simm.s32 $0x50;
	s15 =	simm.s32 $0x2800;
	s16 =	simm.s32 $0x5000  }
0x6: {  	s17 =	simm.s32 $0x7800;
	s18 =	simm.s32 $0x1;
	s19 =	simm.s32 $0x2  }
0x7: {  	s20 =	simm.s32 $0x3;
	s21 =	simm.s32 $0x4;
	s22 =	simm.s32 $0xA100  }
0x8: {  	s23 =	simm.s32 $0x0;
	[smem:$0x7FF] =	sst s2;
	s4 =	sadd.s32 $0x17A00, s8  }
0x9: {  	s7 =	sand.u32 $0x1, s3;
	s5 =	sadd.s32 $0x3FA00, s8;
	s3 =	stileid.u32  }
0xa: {  	s6 =	sadd.s32 $0xDC00, s8;
	s9 =	sshll.u32 s7, $0x4;
	s10 =	ssub.s32 $0x2, s7  }
0xb: {  	_ =	strace $0x80000056;
	s9 =	sor.u32 s3, s9;
	s12 =	sshrl.u32 s10, $0x1  }
0xc: {  	s7 =	sadd.s32 $0x3E00, s8;
	s11 =	sshll.u32 s9, $0x1;
	s10 =	ssub.s32 s10, s12  }
0xd: {  	s12 =	simm.s32 $0x5;
	s11 =	sadd.s32 s11, s8;
	s8 =	smul.u32 $0x2710, s9  }
0xe: {  	s10 =	smax.u32 s10, $0x1;
	s9 =	sadd.s32 $0x67A00, s11;
	s11 =	simm.s32 $0xA000  }
.LBB2_1:
0xf: {  	v10 =	vimm.f32 $0.0e+00;
	s24 =	simm.s32 $0x0  }
.LBB2_2:
0x10: {  	s25 =	smul.u32 $0x50, s24;
	_ =	sdelay $0x1  }
0x11: {  	s25 =	sadd.s32 s8, s25  }
0x12: {  	s26 =	sshrl.u32 s25, $0x3  }
0x13: {  	s29 =	simm.s32 $0x0;
	s28 =	sadd.s32 s6, s26  }
0x14: {  	[tilespmem:s11], [sflag:$0x5] =	stream.linear.gather [hbm4b:s28+s29], $0x50, $0x38;
	[tilespmem:$0xA180] =	vst v63  }
0x15: {  	_ =	swait.ge [sflag:s12], $0x50  }
0x16: {  	[sflag:s12] =	ssyncset.done $0x0  }
0x17: {  	s26 =	sadd.s32 s7, s26;
	[sflag:s12] =	ssyncadd.s32 $0xFFFFFFB0  }
0x18: {  	[tilespmem:s13], [sflag:$0x5] =	stream.linear.gather [hbm4b:s26+s29], $0x50, $0x38;
	[tilespmem:$0xA180] =	vst v63  }
0x19: {  	_ =	swait.ge [sflag:s12], $0x50  }
0x1a: {  	[sflag:s12] =	ssyncset.done $0x0  }
0x1b: {  	[sflag:s12] =	ssyncadd.s32 $0xFFFFFFB0  }
0x1c: {  	[tilespmem:s29], [sflag:$0x1] =	stream.indirect.gather [hbm4b:s4+s14], $0x80, s13, s14, $0xb8;
	[tilespmem:$0xA180] =	vst v63  }
0x1d: {  	_ = 	snop  }
0x1e: {  	[tilespmem:s15], [sflag:$0x2] =	stream.indirect.gather [hbm4b:s4+s14], $0x80, s11, s14, $0xb8;
	[tilespmem:$0xA180] =	vst v63  }
0x1f: {  	_ = 	snop  }
0x20: {  	[tilespmem:s16], [sflag:$0x3] =	stream.indirect.gather [hbm4b:s5+s14], $0x80, s13, s14, $0xb8;
	[tilespmem:$0xA180] =	vst v63  }
0x21: {  	_ = 	snop  }
0x22: {  	[tilespmem:s17], [sflag:$0x4] =	stream.indirect.gather [hbm4b:s5+s14], $0x80, s11, s14, $0xb8;
	[tilespmem:$0xA180] =	vst v63  }
0x23: {  	_ =	swait.ge [sflag:s18], $0x2800  }
0x24: {  	[sflag:s18] =	ssyncset.done $0x0  }
0x25: {  	[sflag:s18] =	ssyncadd.s32 $0xFFFFD800  }
0x26: {  	_ =	swait.ge [sflag:s19], $0x2800  }
0x27: {  	[sflag:s19] =	ssyncset.done $0x0  }
0x28: {  	[sflag:s19] =	ssyncadd.s32 $0xFFFFD800  }
0x29: {  	_ =	swait.ge [sflag:s20], $0x2800  }
0x2a: {  	[sflag:s20] =	ssyncset.done $0x0  }
0x2b: {  	[sflag:s20] =	ssyncadd.s32 $0xFFFFD800  }
0x2c: {  	_ =	swait.ge [sflag:s21], $0x2800  }
0x2d: {  	[sflag:s21] =	ssyncset.done $0x0  }
0x2e: {  	s26 =	simm.s32 $0x0;
	[sflag:s21] =	ssyncadd.s32 $0xFFFFD800  }
0x2f: {  	v9 =	vld [tilespmem:s26+$0x2800]  }
0x30: {  	v8 =	vld [tilespmem:s26+$0x2810]  }
0x31: {  	v6 =	vld [tilespmem:s26+$0x2820]  }
0x32: {  	v4 =	vld [tilespmem:s26+$0x2830]  }
0x33: {  	v3 =	vld [tilespmem:s26+$0x2840]  }
0x34: {  	v2 =	vld [tilespmem:s26+$0x2850]  }
0x35: {  	v1 =	vld [tilespmem:s26+$0x2860]  }
0x36: {  	v0 =	vld [tilespmem:s26+$0x2870]  }
0x37: {  	v5 =	vld [tilespmem:s26+$0x5070]  }
0x38: {  	v7 =	vld [tilespmem:s26+$0x7870]  }
0x39: {  	v11 =	vld [tilespmem:s26+$0x5060]  }
0x3a: {  	v12 =	vld [tilespmem:s26+$0x7860]  }
0x3b: {  	v13 =	vld [tilespmem:s26+$0x5050]  }
0x3c: {  	v14 =	vld [tilespmem:s26+$0x7850]  }
0x3d: {  	s28 =	simm.s32 $0x200;
	v15 =	vld [tilespmem:s26+$0x5000]  }
.LBB2_3:
0x3e: {  	p0 =	sne.s32 s28, $0x9E00;
	v16 =	vld [tilespmem:s26+$0x7800]  }
0x3f: {  	v17 =	vld [tilespmem:s26+$0x5010]  }
0x40: {  	v18 =	vld [tilespmem:s26+$0x7810]  }
0x41: {  	v19 =	vld [tilespmem:s26+$0x5020]  }
0x42: {  	v20 =	vld [tilespmem:s26+$0x7820]  }
0x43: {  	v15 =	vsub.f32 v15, v16;
	v16 =	vld [tilespmem:s26+$0x5030]  }
0x44: {  	v21 =	vld [tilespmem:s26+$0x7830]  }
0x45: {  	v15 =	vmul.f32 v15, v15;
	v17 =	vsub.f32 v17, v18;
	v18 =	vld [tilespmem:s26+$0x5040]  }
0x46: {  	v22 =	vld [tilespmem:s26+$0x7840]  }
0x47: {  	v23 =	vld [tilespmem:s26+$0x0];
	v10 =	vadd.f32 v15, v10;
	v15 =	vmul.f32 v17, v17;
	v17 =	vsub.f32 v19, v20  }
0x48: {  	v19 =	vld [tilespmem:s26+$0x10]  }
0x49: {  	v10 =	vadd.f32 v15, v10;
	v15 =	vld [tilespmem:s26+$0x20];
	v17 =	vmul.f32 v17, v17;
	v16 =	vsub.f32 v16, v21  }
0x4a: {  	v20 =	vld [tilespmem:s26+$0x30]  }
0x4b: {  	v10 =	vadd.f32 v17, v10;
	v16 =	vmul.f32 v16, v16;
	v17 =	vld [tilespmem:s26+$0x40];
	v18 =	vsub.f32 v18, v22  }
0x4c: {  	v13 =	vsub.f32 v13, v14;
	v9 =	vadd.f32 v9, v23;
	v21 =	vld [tilespmem:s26+$0x50]  }
0x4d: {  	v8 =	vadd.f32 v8, v19;
	v10 =	vadd.f32 v16, v10;
	v14 =	vmul.f32 v18, v18;
	v16 =	vld [tilespmem:s26+$0x60]  }
0x4e: {  	s29 =	sshra.s32 s28, $0x2;
	v11 =	vsub.f32 v11, v12;
	[tilespmem:s26+$0x0] =	vst v9;
	v6 =	vadd.f32 v6, v15;
	v12 =	vld [tilespmem:s26+$0x70]  }
0x4f: {  	v13 =	vmul.f32 v13, v13;
	v9 =	vld [tilespmem:s29+$0x2800];
	[tilespmem:s26+$0x10] =	vst v8;
	v4 =	vadd.f32 v4, v20;
	v10 =	vadd.f32 v14, v10  }
0x50: {  	v5 =	vsub.f32 v5, v7;
	v8 =	vld [tilespmem:s29+$0x2810];
	[tilespmem:s26+$0x20] =	vst v6;
	v3 =	vadd.f32 v3, v17  }
0x51: {  	v6 =	vld [tilespmem:s29+$0x2820];
	[tilespmem:s26+$0x30] =	vst v4;
	v2 =	vadd.f32 v2, v21;
	v7 =	vadd.f32 v13, v10;
	v10 =	vmul.f32 v11, v11  }
0x52: {  	v4 =	vld [tilespmem:s29+$0x2830];
	[tilespmem:s26+$0x40] =	vst v3;
	v1 =	vadd.f32 v1, v16  }
0x53: {  	v5 =	vmul.f32 v5, v5;
	v3 =	vld [tilespmem:s29+$0x2840];
	[tilespmem:s26+$0x50] =	vst v2;
	v7 =	vadd.f32 v10, v7;
	v0 =	vadd.f32 v0, v12  }
0x54: {  	v2 =	vld [tilespmem:s29+$0x2850];
	[tilespmem:s26+$0x60] =	vst v1  }
0x55: {  	v1 =	vld [tilespmem:s29+$0x2860];
	[tilespmem:s26+$0x70] =	vst v0;
	v10 =	vadd.f32 v5, v7;
	s26 =	smov.u32 s29  }
0x56: {  	v0 =	vld [tilespmem:s26+$0x2870]  }
0x57: {  	v5 =	vld [tilespmem:s26+$0x5070]  }
0x58: {  	v7 =	vld [tilespmem:s26+$0x7870]  }
.Ltmp0:
0x59: {  	v11 =	vld [tilespmem:s26+$0x5060];
	(pc) =	sbr.rel @p0 .LBB2_3-.Ltmp0, $4  }
0x5a: {  	v12 =	vld [tilespmem:s26+$0x7860]  }
0x5b: {  	v13 =	vld [tilespmem:s26+$0x5050]  }
0x5c: {  	v14 =	vld [tilespmem:s26+$0x7850]  }
0x5d: {  	s28 =	sadd.s32 $0x200, s28;
	v15 =	vld [tilespmem:s26+$0x5000]  }
0x5e: {  	v16 =	vld [tilespmem:s26+$0x7800]  }
0x5f: {  	v17 =	vld [tilespmem:s26+$0x5010]  }
0x60: {  	v18 =	vld [tilespmem:s26+$0x7810]  }
0x61: {  	v19 =	vld [tilespmem:s26+$0x5020]  }
0x62: {  	v20 =	vld [tilespmem:s26+$0x7820]  }
0x63: {  	v21 =	vld [tilespmem:s26+$0x5030]  }
0x64: {  	v22 =	vld [tilespmem:s26+$0x7830]  }
0x65: {  	v23 =	vld [tilespmem:s26+$0x5040]  }
0x66: {  	v24 =	vld [tilespmem:s26+$0x7840]  }
0x67: {  	v45 =	vld [tilespmem:s26+$0x0];
	v15 =	vsub.f32 v15, v16  }
0x68: {  	v25 =	vld [tilespmem:s26+$0x10]  }
0x69: {  	v46 =	vld [tilespmem:s26+$0x20];
	v17 =	vsub.f32 v17, v18;
	v15 =	vmul.f32 v15, v15  }
0x6a: {  	v26 =	vld [tilespmem:s26+$0x30]  }
0x6b: {  	v49 =	vld [tilespmem:s26+$0x40];
	v48 =	vsub.f32 v19, v20;
	v47 =	vmul.f32 v17, v17;
	v10 =	vadd.f32 v15, v10  }
0x6c: {  	v50 =	vld [tilespmem:s26+$0x50]  }
0x6d: {  	v9 =	vadd.f32 v9, v45;
	v51 =	vmul.f32 v48, v48;
	v10 =	vadd.f32 v47, v10  }
0x6e: {  	v52 =	vld [tilespmem:s26+$0x60];
	v53 =	vsub.f32 v21, v22;
	v8 =	vadd.f32 v8, v25  }
0x6f: {  	v6 =	vadd.f32 v6, v46;
	[tilespmem:s26+$0x0] =	vst v9;
	v9 =	vadd.f32 v51, v10;
	v10 =	vld [tilespmem:s26+$0x70]  }
0x70: {  	v55 =	vsub.f32 v23, v24;
	v4 =	vadd.f32 v4, v26;
	v54 =	vmul.f32 v53, v53;
	[tilespmem:s26+$0x10] =	vst v8  }
0x71: {  	v3 =	vadd.f32 v3, v49;
	v2 =	vadd.f32 v2, v50;
	[tilespmem:s26+$0x20] =	vst v6  }
0x72: {  	v8 =	vsub.f32 v13, v14;
	[tilespmem:s26+$0x30] =	vst v4;
	v56 =	vadd.f32 v54, v9;
	v9 =	vmul.f32 v55, v55  }
0x73: {  	v57 =	vsub.f32 v11, v12;
	v1 =	vadd.f32 v1, v52;
	[tilespmem:s26+$0x40] =	vst v3  }
0x74: {  	s24 =	sadd.s32 $0x1, s24;
	[tilespmem:s26+$0x50] =	vst v2;
	v59 =	vmul.f32 v8, v8;
	v58 =	vadd.f32 v9, v56;
	v0 =	vadd.f32 v0, v10  }
0x75: {  	s25 =	sshll.u32 s25, $0x4;
	p0 =	sne.s32 s24, $0x7D;
	[tilespmem:s26+$0x60] =	vst v1  }
.Ltmp1:
0x76: {  	v60 =	vsub.f32 v5, v7;
	s25 =	sadd.s32 s1, s25;
	v62 =	vmul.f32 v57, v57;
	v61 =	vadd.f32 v59, v58;
	[tilespmem:s26+$0x70] =	vst v0;
	(pc) =	sbr.rel @p0 .LBB2_2-.Ltmp1, $4  }
0x77: {  	[hbm4b:s25+s2] =	stream.linear.scatter [tilespmem:s2], [sflag:$0x5], $0x2800, $0x38;
	[tilespmem:$0xA180] =	vst v63  }
0x78: {  	v1 =	vmul.f32 v60, v60;
	v63 =	vadd.f32 v62, v61;
	_ =	swait.ge [sflag:s12], $0x2800  }
0x79: {  	[sflag:s12] =	ssyncset.done $0x0  }
0x7a: {  	v10 =	vadd.f32 v1, v63;
	[sflag:s12] =	ssyncadd.s32 $0xFFFFD800  }
0x7b: {  	s23 =	sadd.s32 $0x1, s23  }
0x7c: {  	p0 =	sne.s32 s23, s10  }
.Ltmp2:
0x7d: {  	[tilespmem:$0xA100] =	vst v10;
	(pc) =	sbr.rel @p0 .LBB2_1-.Ltmp2, $4  }
0x7e: {  	[hbm4b:s9+s2] =	stream.linear.scatter [tilespmem:s22], [sflag:$0x5], $0x10, $0x38;
	[tilespmem:$0xA180] =	vst v63  }
0x7f: {  	_ =	swait.ge [sflag:s12], $0x10  }
0x80: {  	[sflag:s12] =	ssyncset.done $0x0  }
0x81: {  	[sflag:s12] =	ssyncadd.s32 $0xFFFFFFF0  }
0x82: {  	_ =	sfence.sel $0x180000  }
0x83: {  	[bflag:$0x0] =	sbarrier.arrive $0xFFFF  }
0x84: {  	p0 =	sne.s32 s3, $0x0;
	_ =	strace $0x90000056  }
0x85: {  	s0 =	sadd.s32 @!p0 $0x100000, s0;
	[bflag:$0x2] =	sbarrier.arrive $0xFFFF  }
0x86: {  	[sflag:s0] =	ssyncadd.tile.s32 @!p0 $0x1;
	_ =	shalt  }
.Lfunc_end2:
_tile_overlayer_lowered:
.L_overlay_start_2:
0x87: {  	(tag) =	ssettag $0x2  }
0x88: {  	s0 =	rddreg [dreg:$0x0];
	s2 =	stileid.u32  }
0x89: {  	s1 =	rddreg [dreg:$0x1];
	p0 =	sne.s32 s2, $0x0  }
0x8a: {  	s3 =	rddreg [dreg:$0x2];
	[bflag:$0x3] =	sbarrier.arrive $0xFFFF;
	s2 =	simm.s32 @!p0 $0x1C05  }
0x8b: {  	[timem:s3], [sflag:s2] =	dma.local @!p0 [hbm:s0], s1  }
0x8c: {  	s0 =	simm.s32 @!p0 $0x5  }
0x8d: {  	_ =	swait.ge @!p0 [sflag:s0], s1  }
0x8e: {  	s1 =	ssub.s32 @!p0 $0x0, s1;
	[sflag:s0] =	ssyncset.done @!p0 $0x0  }
0x8f: {  	[sflag:s0] =	ssyncadd.s32 @!p0 s1  }
0x90: {  	[bflag:$0x3] =	sbarrier.arrive $0xFFFF  }
0x91: {  	_ =	shalt  }

</sc_bundles>
